<compile_context>
chip_gen: v7x
topology: tpu7x:2x2x1
jax: 0.10.2.dev20260603
libtpu: 0.0.44.dev20260713+nightly
codegen_flags: <defaults>
</compile_context>

<pallas_src>
import functools

import jax
import jax.numpy as jnp
from jax import lax
from jax.experimental import pallas as pl
from jax.experimental.pallas import tpu as pltpu
from jax.experimental.pallas import tpu_sc as plsc

MOM = 0.99
N, C, H, W = 4, 96, 224, 224
HW = H * W
PER_CH = N * HW
NC, NS, L = 2, 16, 16
NW = NC * NS
CPT = C // NW
RC = H // 4
CH = RC * W
CHW = CH // 4
NCHUNK = CPT * N * 4
RP = RC // 2
BINS_T = CPT * 256
MAGIC = 8388608.0
PF = plsc.PackFormat.INTERLEAVED

_GOFF = [((64 * q + 16 * k) // W, (64 * q + 16 * k) % W)
         for q in range(7) for k in range(4)]


def _chunk_id(i, c0):
    ch_l = i >> 4
    r = i & 15
    n = r >> 2
    ck = r & 3
    return n, c0 + ch_l, ck, ch_l


def _bin_off(i, c0):
    n, c, ck, _ = _chunk_id(i, c0)
    return (n * C + c) * (HW // 4) + ck * CHW


def _sc_body(x_hbm, ep_hbm, xste_hbm, px_hbm, bins_hbm,
             in0, in1, out0, out1, bu0, bu1, hist16, table, ep_v,
             si0, si1, so0, so1, sb0, sb1):
    wid = lax.axis_index("s") * NC + lax.axis_index("c")
    c0 = wid * CPT

    lane = lax.iota(jnp.int32, 16)
    lane768 = lane * BINS_T
    ones = jnp.full((16,), 1.0, jnp.float32)
    zeros = jnp.zeros((16,), jnp.float32)

    def zbody(g, _):
        hist16[pl.ds(g * 16, 16)] = zeros
    lax.fori_loop(0, 16 * BINS_T // 16, zbody, None)

    def img_slice(hbm, i):
        n, c, ck, _ = _chunk_id(i, c0)
        return hbm.at[n, c, pl.ds(ck * RC, RC), :]

    def start_in(src_hbm, i, buf, sem):
        pltpu.async_copy(img_slice(src_hbm, i), buf, sem)

    def wait_img(hbm_ref, buf, sem):
        pltpu.make_async_copy(hbm_ref.at[0, 0, pl.ds(0, RC), :], buf, sem).wait()

    def start_out(dst_hbm, i, buf, sem):
        pltpu.async_copy(buf, img_slice(dst_hbm, i), sem)

    def start_bin_in(i, buf, sem):
        pltpu.async_copy(bins_hbm.at[pl.ds(_bin_off(i, c0), CHW)], buf, sem)

    def wait_bin(buf, sem):
        pltpu.make_async_copy(bins_hbm.at[pl.ds(0, CHW)], buf, sem).wait()

    def start_bin_out(i, buf, sem):
        pltpu.async_copy(buf, bins_hbm.at[pl.ds(_bin_off(i, c0), CHW)], sem)

    def p1_compute(i, ibuf, obuf, bbuf):
        _, _, _, ch_l = _chunk_id(i, c0)
        base = lane768 + ch_l * 256

        def body(rr, _):
            r0 = rr * 2
            for q in range(7):
                bs = []
                for k in range(4):
                    dr, dc = _GOFF[q * 4 + k]
                    v = ibuf[r0 + dr, pl.ds(dc, 16)]
                    v = jnp.minimum(v, 255.0)
                    rv = (v + MAGIC) - MAGIC
                    obuf[r0 + dr, pl.ds(dc, 16)] = rv
                    b = rv.astype(jnp.int32)
                    plsc.addupdate_scatter(hist16, [b + base], ones)
                    bs.append(plsc.bitcast(b, jnp.uint32))
                h0 = plsc.pack(bs[0], bs[1], format=PF,
                               preferred_element_type=jnp.uint16)
                h1 = plsc.pack(bs[2], bs[3], format=PF,
                               preferred_element_type=jnp.uint16)
                packed = plsc.pack(h0, h1, format=PF,
                                   preferred_element_type=jnp.uint8)
                bbuf[pl.ds(rr * 112 + q * 16, 16)] = plsc.bitcast(
                    packed, jnp.int32)
            return None
        lax.fori_loop(0, RP, body, None)

    start_in(x_hbm, 0, in0, si0)
    start_in(x_hbm, 1, in1, si1)

    def p1_iter(j, _):
        ia = 2 * j
        ib = ia + 1
        wait_img(x_hbm, in0, si0)
        pl.when(j > 0)(lambda: wait_img(xste_hbm, out0, so0))
        pl.when(j > 0)(lambda: wait_bin(bu0, sb0))
        p1_compute(ia, in0, out0, bu0)
        pl.when(ia + 2 < NCHUNK)(lambda: start_in(x_hbm, ia + 2, in0, si0))
        start_out(xste_hbm, ia, out0, so0)
        start_bin_out(ia, bu0, sb0)

        wait_img(x_hbm, in1, si1)
        pl.when(j > 0)(lambda: wait_img(xste_hbm, out1, so1))
        pl.when(j > 0)(lambda: wait_bin(bu1, sb1))
        p1_compute(ib, in1, out1, bu1)
        pl.when(ib + 2 < NCHUNK)(lambda: start_in(x_hbm, ib + 2, in1, si1))
        start_out(xste_hbm, ib, out1, so1)
        start_bin_out(ib, bu1, sb1)
        return None

    lax.fori_loop(0, NCHUNK // 2, p1_iter, None)
    wait_img(xste_hbm, out0, so0)
    wait_img(xste_hbm, out1, so1)
    wait_bin(bu0, sb0)
    wait_bin(bu1, sb1)

    pltpu.sync_copy(ep_hbm, ep_v)

    def ema_body(g, _):
        acc = zeros
        for l in range(16):
            acc = acc + hist16[pl.ds(l * BINS_T + g * 16, 16)]
        ch_l = g // 16
        e = ep_v[c0 + ch_l, pl.ds((g % 16) * 16, 16)]
        table[pl.ds(g * 16, 16)] = e * MOM + acc * ((1.0 - MOM) / PER_CH)
        return None
    lax.fori_loop(0, BINS_T // 16, ema_body, None)

    def p2_compute(i, bbuf, obuf):
        _, _, _, ch_l = _chunk_id(i, c0)
        toff = ch_l * 256

        def body(rr, _):
            r0 = rr * 2
            for q in range(7):
                packed = plsc.bitcast(bbuf[pl.ds(rr * 112 + q * 16, 16)],
                                      jnp.uint8)
                h0, h1 = plsc.unpack(packed, format=PF,
                                     preferred_element_type=jnp.uint16)
                b0, b1 = plsc.unpack(h0, format=PF,
                                     preferred_element_type=jnp.uint32)
                b2, b3 = plsc.unpack(h1, format=PF,
                                     preferred_element_type=jnp.uint32)
                for k, b in enumerate((b0, b1, b2, b3)):
                    dr, dc = _GOFF[q * 4 + k]
                    idx = (plsc.bitcast(b, jnp.int32) & 255) + toff
                    obuf[r0 + dr, pl.ds(dc, 16)] = plsc.load_gather(table, [idx])
            return None
        lax.fori_loop(0, RP, body, None)

    start_bin_in(0, bu0, si0)
    start_bin_in(1, bu1, si1)

    def p2_iter(j, _):
        ia = 2 * j
        ib = ia + 1
        wait_bin(bu0, si0)
        pl.when(j > 0)(lambda: wait_img(px_hbm, out0, so0))
        p2_compute(ia, bu0, out0)
        pl.when(ia + 2 < NCHUNK)(lambda: start_bin_in(ia + 2, bu0, si0))
        start_out(px_hbm, ia, out0, so0)

        wait_bin(bu1, si1)
        pl.when(j > 0)(lambda: wait_img(px_hbm, out1, so1))
        p2_compute(ib, bu1, out1)
        pl.when(ib + 2 < NCHUNK)(lambda: start_bin_in(ib + 2, bu1, si1))
        start_out(px_hbm, ib, out1, so1)
        return None

    lax.fori_loop(0, NCHUNK // 2, p2_iter, None)
    wait_img(px_hbm, out0, so0)
    wait_img(px_hbm, out1, so1)


@jax.jit
def kernel(x, estimated_p):
    total = N * C * HW
    mesh = plsc.VectorSubcoreMesh(core_axis_name="c", subcore_axis_name="s")
    run = functools.partial(
        pl.kernel,
        out_type=[
            jax.ShapeDtypeStruct((N, C, H, W), jnp.float32),
            jax.ShapeDtypeStruct((N, C, H, W), jnp.float32),
            jax.ShapeDtypeStruct((total // 4,), jnp.int32),
        ],
        mesh=mesh,
        compiler_params=pltpu.CompilerParams(needs_layout_passes=False),
        scratch_types=[
            pltpu.VMEM((RC, W), jnp.float32),
            pltpu.VMEM((RC, W), jnp.float32),
            pltpu.VMEM((RC, W), jnp.float32),
            pltpu.VMEM((RC, W), jnp.float32),
            pltpu.VMEM((CHW,), jnp.int32),
            pltpu.VMEM((CHW,), jnp.int32),
            pltpu.VMEM((16 * BINS_T,), jnp.float32),
            pltpu.VMEM((BINS_T,), jnp.float32),
            pltpu.VMEM((C, 256), jnp.float32),
            pltpu.SemaphoreType.DMA,
            pltpu.SemaphoreType.DMA,
            pltpu.SemaphoreType.DMA,
            pltpu.SemaphoreType.DMA,
            pltpu.SemaphoreType.DMA,
            pltpu.SemaphoreType.DMA,
        ],
    )(_sc_body)
    xste, px, _ = run(x, estimated_p)
    return xste, px

# --- scband reference (transcript-rebuilt; emitter-appended) ---
"""Pipeline reference for scband-integer-quantization-58866821759056 (READ-ONLY COPY).

The authoritative reference and input builder live on the scoring server;
editing this copy changes nothing except your own understanding.
"""

import jax, jax.numpy as jnp
import numpy as np

MOMENTUM = 0.99

def setup_inputs(seed: int = 0) -> dict:
    key = jax.random.key(seed)
    k1, k2 = jax.random.split(key)
    x = jax.random.uniform(k1, (4, 96, 224, 224), dtype=jnp.float32, minval=0.0, maxval=255.0)
    estimated_p = jnp.ones((96, 256), dtype=jnp.float32) / 256.0
    return {"x": x, "estimated_p": estimated_p}

def reference(x, estimated_p):
    # training-mode forward of IntegerQuantization
    x = jnp.minimum(x, 255.0)
    xd = jax.lax.stop_gradient(x)
    # straight-through rounding: x + (round(xd) - xd)
    x_ste = x + (jnp.round(xd) - xd)
    # _update_stats on detached copy: clamp to [0,255], round, per-channel histogram
    xc = jnp.clip(jnp.round(xd), 0.0, 255.0).astype(jnp.int32)
    C = xc.shape[1]
    xp = jnp.transpose(xc, (1, 0, 2, 3)).reshape(C, -1)
    hist = jax.vmap(lambda v: jnp.bincount(v, length=256))(xp).astype(jnp.float32)
    pi = hist / xp.shape[1]
    # EMA buffer update (update happens before likelihood in torch forward)
    new_p = estimated_p * MOMENTUM + pi * (1.0 - MOMENTUM)
    # compute_likelihood: gather per-channel probability at rounded integer value
    xhat = jnp.round(jax.lax.stop_gradient(x_ste)).astype(jnp.int32)
    ch = jnp.arange(C).reshape(1, C, 1, 1)
    p_x = new_p[ch, xhat]
    return (x_ste, p_x)

if __name__ == "__main__":
    import jax
    _d = setup_inputs()
    print(jax.jit(kernel)(*tuple(_d.values())))

</pallas_src>

<mosaic_0001>
#map = affine_map<(d0, d1) -> (0, 0, 0, 0)>
#map1 = affine_map<(d0, d1) -> (0, 0)>
#map2 = affine_map<(d0, d1) -> (0)>
module attributes {stable_mosaic.version = 14 : i64} {
  func.func @_sc_body(%arg0: i32, %arg1: i32, %arg2: memref<4x96x224x224xf32, #tpu.memory_space<hbm>>, %arg3: memref<96x256xf32, #tpu.memory_space<hbm>>, %arg4: memref<4x96x224x224xf32, #tpu.memory_space<hbm>>, %arg5: memref<4x96x224x224xf32, #tpu.memory_space<hbm>>, %arg6: memref<4816896xi32, #tpu.memory_space<hbm>>, %arg7: memref<56x224xf32, #tpu.memory_space<vmem>>, %arg8: memref<56x224xf32, #tpu.memory_space<vmem>>, %arg9: memref<56x224xf32, #tpu.memory_space<vmem>>, %arg10: memref<56x224xf32, #tpu.memory_space<vmem>>, %arg11: memref<3136xi32, #tpu.memory_space<vmem>>, %arg12: memref<3136xi32, #tpu.memory_space<vmem>>, %arg13: memref<12288xf32, #tpu.memory_space<vmem>>, %arg14: memref<768xf32, #tpu.memory_space<vmem>>, %arg15: memref<96x256xf32, #tpu.memory_space<vmem>>, %arg16: memref<!tpu.dma_semaphore, #tpu.memory_space<semaphore_mem>>, %arg17: memref<!tpu.dma_semaphore, #tpu.memory_space<semaphore_mem>>, %arg18: memref<!tpu.dma_semaphore, #tpu.memory_space<semaphore_mem>>, %arg19: memref<!tpu.dma_semaphore, #tpu.memory_space<semaphore_mem>>, %arg20: memref<!tpu.dma_semaphore, #tpu.memory_space<semaphore_mem>>, %arg21: memref<!tpu.dma_semaphore, #tpu.memory_space<semaphore_mem>>) attributes {dimension_semantics = [#tpu.dimension_semantics<core_parallel>, #tpu.dimension_semantics<subcore_parallel>], iteration_bounds = array<i64: 2, 16>, scalar_prefetch = 0 : i64, scratch_operands = 15 : i64, tpu.core_type = #tpu.core_type<sc_vector_subcore>, window_params = [{transform_indices = #map}, {transform_indices = #map1}, {transform_indices = #map}, {transform_indices = #map}, {transform_indices = #map2}]} {
    %mul3A = arith.constant 2 : i32
    %mul3A_0 = arith.muli %arg1, %mul3A : i32
    %add3A = arith.addi %mul3A_0, %arg0 : i32
    %mul3A_1 = arith.constant 3 : i32
    %mul3A_2 = arith.muli %add3A, %mul3A_1 : i32
    %iota3A = tpu.iota {dimensions = array<i32: 0>} : vector<16xi32>
    %mul3A_3 = arith.constant 768 : i32
    %mul3A_4 = vector.broadcast %mul3A_3 : i32 to vector<16xi32>
    %mul3A_5 = arith.muli %iota3A, %mul3A_4 : vector<16xi32>
    %broadcast_in_dim3A = arith.constant 1.000000e+00 : f32
    %broadcast_in_dim3A_6 = vector.broadcast %broadcast_in_dim3A : f32 to vector<16xf32>
    %broadcast_in_dim3A_7 = arith.constant 0.000000e+00 : f32
    %broadcast_in_dim3A_8 = vector.broadcast %broadcast_in_dim3A_7 : f32 to vector<16xf32>
    %scan3A = arith.constant 0 : i32
    %scan3A_9 = arith.constant 768 : i32
    %scan3A_10 = arith.addi %scan3A, %scan3A_9 : i32
    %scan3A_11 = arith.constant 1 : i32
    scf.for %scan3A_116 = %scan3A to %scan3A_10 step %scan3A_11  : i32 {
      %mul3A_117 = arith.constant 16 : i32
      %mul3A_118 = arith.muli %scan3A_116, %mul3A_117 : i32
      %swap3A = arith.index_cast %mul3A_118 : i32 to index
      %swap3A_119 = tpu.vector_load %arg13[%swap3A] {strides = array<i32>} : memref<12288xf32, #tpu.memory_space<vmem>>, vector<16xf32>,
      tpu.vector_store %arg13[%swap3A], %broadcast_in_dim3A_8 {strides = array<i32>} : memref<12288xf32, #tpu.memory_space<vmem>>, vector<16xf32>,
    }
    %scan3A_12 = arith.constant 768 : i32
    %add3A_13 = arith.constant 0 : i32
    %add3A_14 = arith.addi %mul3A_2, %add3A_13 : i32
    %dma_start3A = arith.constant 0 : i32
    %dma_start3A_15 = arith.constant 0 : i32
    %dma_start3A_16 = arith.constant 0 : i32
    %dma_start3A_17 = tpu.memref_slice %arg2[%dma_start3A, %add3A_14, %dma_start3A_15, %dma_start3A_16] : memref<4x96x224x224xf32, #tpu.memory_space<hbm>> -> memref<1x1x56x224xf32, #tpu.memory_space<hbm>>
    %dma_start3A_18 = tpu.memref_squeeze %dma_start3A_17 : memref<1x1x56x224xf32, #tpu.memory_space<hbm>> -> memref<56x224xf32, #tpu.memory_space<hbm>>
    %dma_start3A_19 = arith.constant 0 : i32
    %dma_start3A_20 = arith.constant 0 : i32
    %dma_start3A_21 = tpu.memref_slice %arg2[%dma_start3A, %add3A_14, %dma_start3A_19, %dma_start3A_20] : memref<4x96x224x224xf32, #tpu.memory_space<hbm>> -> memref<1x1x56x224xf32, #tpu.memory_space<hbm>>
    %dma_start3A_22 = tpu.memref_squeeze %dma_start3A_21 : memref<1x1x56x224xf32, #tpu.memory_space<hbm>> -> memref<56x224xf32, #tpu.memory_space<hbm>>
    tpu.enqueue_dma source(%dma_start3A_22 : memref<56x224xf32, #tpu.memory_space<hbm>>) target(%arg7 : memref<56x224xf32, #tpu.memory_space<vmem>>) target_semaphore(%arg16 : memref<!tpu.dma_semaphore, #tpu.memory_space<semaphore_mem>>)
    %add3A_23 = arith.constant 0 : i32
    %add3A_24 = arith.addi %mul3A_2, %add3A_23 : i32
    %dma_start3A_25 = arith.constant 0 : i32
    %dma_start3A_26 = arith.constant 56 : i32
    %dma_start3A_27 = arith.constant 0 : i32
    %dma_start3A_28 = tpu.memref_slice %arg2[%dma_start3A_25, %add3A_24, %dma_start3A_26, %dma_start3A_27] : memref<4x96x224x224xf32, #tpu.memory_space<hbm>> -> memref<1x1x56x224xf32, #tpu.memory_space<hbm>>
    %dma_start3A_29 = tpu.memref_squeeze %dma_start3A_28 : memref<1x1x56x224xf32, #tpu.memory_space<hbm>> -> memref<56x224xf32, #tpu.memory_space<hbm>>
    %dma_start3A_30 = arith.constant 56 : i32
    %dma_start3A_31 = arith.constant 0 : i32
    %dma_start3A_32 = tpu.memref_slice %arg2[%dma_start3A_25, %add3A_24, %dma_start3A_30, %dma_start3A_31] : memref<4x96x224x224xf32, #tpu.memory_space<hbm>> -> memref<1x1x56x224xf32, #tpu.memory_space<hbm>>
    %dma_start3A_33 = tpu.memref_squeeze %dma_start3A_32 : memref<1x1x56x224xf32, #tpu.memory_space<hbm>> -> memref<56x224xf32, #tpu.memory_space<hbm>>
    tpu.enqueue_dma source(%dma_start3A_33 : memref<56x224xf32, #tpu.memory_space<hbm>>) target(%arg8 : memref<56x224xf32, #tpu.memory_space<vmem>>) target_semaphore(%arg17 : memref<!tpu.dma_semaphore, #tpu.memory_space<semaphore_mem>>)
    %scan3A_34 = arith.constant 0 : i32
    %scan3A_35 = arith.constant 24 : i32
    %scan3A_36 = arith.addi %scan3A_34, %scan3A_35 : i32
    %scan3A_37 = arith.constant 1 : i32
    scf.for %scan3A_116 = %scan3A_34 to %scan3A_36 step %scan3A_37  : i32 {
      %mul3A_117 = arith.constant 2 : i32
      %mul3A_118 = arith.muli %mul3A_117, %scan3A_116 : i32
      %add3A_119 = arith.constant 1 : i32
      %add3A_120 = arith.addi %mul3A_118, %add3A_119 : i32
      %dma_wait3A_121 = arith.constant 0 : i32
      %dma_wait3A_122 = arith.constant 0 : i32
      %dma_wait3A_123 = arith.constant 0 : i32
      %dma_wait3A_124 = arith.constant 0 : i32
      %dma_wait3A_125 = tpu.memref_slice %arg2[%dma_wait3A_121, %dma_wait3A_122, %dma_wait3A_123, %dma_wait3A_124] : memref<4x96x224x224xf32, #tpu.memory_space<hbm>> -> memref<1x1x56x224xf32, #tpu.memory_space<hbm>>
      %dma_wait3A_126 = tpu.memref_squeeze %dma_wait3A_125 : memref<1x1x56x224xf32, #tpu.memory_space<hbm>> -> memref<56x224xf32, #tpu.memory_space<hbm>>
      %dma_wait3A_127 = arith.constant 0 : i32
      %dma_wait3A_128 = arith.constant 0 : i32
      %dma_wait3A_129 = tpu.memref_slice %arg2[%dma_wait3A_121, %dma_wait3A_122, %dma_wait3A_127, %dma_wait3A_128] : memref<4x96x224x224xf32, #tpu.memory_space<hbm>> -> memref<1x1x56x224xf32, #tpu.memory_space<hbm>>
      %dma_wait3A_130 = tpu.memref_squeeze %dma_wait3A_129 : memref<1x1x56x224xf32, #tpu.memory_space<hbm>> -> memref<56x224xf32, #tpu.memory_space<hbm>>
      tpu.wait_dma2 semaphore(%arg16 : memref<!tpu.dma_semaphore, #tpu.memory_space<semaphore_mem>>) src(%dma_wait3A_130 : memref<56x224xf32, #tpu.memory_space<hbm>>) dst(%arg7 : memref<56x224xf32, #tpu.memory_space<vmem>>)
      %gt3A = arith.constant 0 : i32
      %gt3A_131 = arith.cmpi sgt, %scan3A_116, %gt3A : i32
      %convert_element_type3A = arith.extui %gt3A_131 : i1 to i32
      %cond3A = arith.constant 0 : i32
      %cond3A_132 = arith.cmpi ne, %convert_element_type3A, %cond3A : i32
      scf.if %cond3A_132 {
        %dma_wait3A_277 = arith.constant 0 : i32
        %dma_wait3A_278 = arith.constant 0 : i32
        %dma_wait3A_279 = arith.constant 0 : i32
        %dma_wait3A_280 = arith.constant 0 : i32
        %dma_wait3A_281 = tpu.memref_slice %arg4[%dma_wait3A_277, %dma_wait3A_278, %dma_wait3A_279, %dma_wait3A_280] : memref<4x96x224x224xf32, #tpu.memory_space<hbm>> -> memref<1x1x56x224xf32, #tpu.memory_space<hbm>>
        %dma_wait3A_282 = tpu.memref_squeeze %dma_wait3A_281 : memref<1x1x56x224xf32, #tpu.memory_space<hbm>> -> memref<56x224xf32, #tpu.memory_space<hbm>>
        %dma_wait3A_283 = arith.constant 0 : i32
        %dma_wait3A_284 = arith.constant 0 : i32
        %dma_wait3A_285 = tpu.memref_slice %arg4[%dma_wait3A_277, %dma_wait3A_278, %dma_wait3A_283, %dma_wait3A_284] : memref<4x96x224x224xf32, #tpu.memory_space<hbm>> -> memref<1x1x56x224xf32, #tpu.memory_space<hbm>>
        %dma_wait3A_286 = tpu.memref_squeeze %dma_wait3A_285 : memref<1x1x56x224xf32, #tpu.memory_space<hbm>> -> memref<56x224xf32, #tpu.memory_space<hbm>>
        tpu.wait_dma2 semaphore(%arg18 : memref<!tpu.dma_semaphore, #tpu.memory_space<semaphore_mem>>) src(%dma_wait3A_286 : memref<56x224xf32, #tpu.memory_space<hbm>>) dst(%arg9 : memref<56x224xf32, #tpu.memory_space<vmem>>)
      } else {
      }
      %gt3A_133 = arith.constant 0 : i32
      %gt3A_134 = arith.cmpi sgt, %scan3A_116, %gt3A_133 : i32
      %convert_element_type3A_135 = arith.extui %gt3A_134 : i1 to i32
      %cond3A_136 = arith.constant 0 : i32
      %cond3A_137 = arith.cmpi ne, %convert_element_type3A_135, %cond3A_136 : i32
      scf.if %cond3A_137 {
        %dma_wait3A_277 = arith.constant 0 : i32
        %dma_wait3A_278 = tpu.memref_slice %arg6[%dma_wait3A_277] : memref<4816896xi32, #tpu.memory_space<hbm>> -> memref<3136xi32, #tpu.memory_space<hbm>>
        %dma_wait3A_279 = arith.constant 0 : i32
        %dma_wait3A_280 = tpu.memref_slice %arg6[%dma_wait3A_279] : memref<4816896xi32, #tpu.memory_space<hbm>> -> memref<3136xi32, #tpu.memory_space<hbm>>
        tpu.wait_dma2 semaphore(%arg20 : memref<!tpu.dma_semaphore, #tpu.memory_space<semaphore_mem>>) src(%dma_wait3A_280 : memref<3136xi32, #tpu.memory_space<hbm>>) dst(%arg11 : memref<3136xi32, #tpu.memory_space<vmem>>)
      } else {
      }
      %shift_right_arithmetic3A = arith.constant 4 : i32
      %shift_right_arithmetic3A_138 = arith.shrsi %mul3A_118, %shift_right_arithmetic3A : i32
      %and3A = arith.constant 15 : i32
      %and3A_139 = arith.andi %mul3A_118, %and3A : i32
      %shift_right_arithmetic3A_140 = arith.constant 2 : i32
      %shift_right_arithmetic3A_141 = arith.shrsi %and3A_139, %shift_right_arithmetic3A_140 : i32
      %and3A_142 = arith.constant 3 : i32
      %and3A_143 = arith.andi %and3A_139, %and3A_142 : i32
      %add3A_144 = arith.addi %mul3A_2, %shift_right_arithmetic3A_138 : i32
      %mul3A_145 = arith.constant 256 : i32
      %mul3A_146 = arith.muli %shift_right_arithmetic3A_138, %mul3A_145 : i32
      %add3A_147 = vector.broadcast %mul3A_146 : i32 to vector<16xi32>
      %add3A_148 = arith.addi %mul3A_5, %add3A_147 : vector<16xi32>
      %scan3A_149 = arith.constant 0 : i32
      %scan3A_150 = arith.constant 28 : i32
      %scan3A_151 = arith.addi %scan3A_149, %scan3A_150 : i32
      %scan3A_152 = arith.constant 1 : i32
      scf.for %scan3A_277 = %scan3A_149 to %scan3A_151 step %scan3A_152  : i32 {
        %mul3A_278 = arith.constant 2 : i32
        %mul3A_279 = arith.muli %scan3A_277, %mul3A_278 : i32
        %add3A_280 = arith.constant 0 : i32
        %add3A_281 = arith.addi %mul3A_279, %add3A_280 : i32
        %get3A = arith.index_cast %add3A_281 : i32 to index
        %get3A_282 = arith.constant 0 : index
        %get3A_283 = tpu.vector_load %arg7[%get3A, %get3A_282] {strides = array<i32>} : memref<56x224xf32, #tpu.memory_space<vmem>>, vector<16xf32>,
        %min3A = arith.constant 2.550000e+02 : f32
        %min3A_284 = vector.broadcast %min3A : f32 to vector<16xf32>
        %min3A_285 = arith.minimumf %get3A_283, %min3A_284 : vector<16xf32>
        %add3A_286 = arith.constant 0x4B000000 : f32
        %add3A_287 = vector.broadcast %add3A_286 : f32 to vector<16xf32>
        %add3A_288 = arith.addf %min3A_285, %add3A_287 : vector<16xf32>
        %sub3A = arith.constant 0x4B000000 : f32
        %sub3A_289 = vector.broadcast %sub3A : f32 to vector<16xf32>
        %sub3A_290 = arith.subf %add3A_288, %sub3A_289 : vector<16xf32>
        %add3A_291 = arith.constant 0 : i32
        %add3A_292 = arith.addi %mul3A_279, %add3A_291 : i32
        %swap3A = arith.index_cast %add3A_292 : i32 to index
        %swap3A_293 = arith.constant 0 : index
        %swap3A_294 = tpu.vector_load %arg9[%swap3A, %swap3A_293] {strides = array<i32>} : memref<56x224xf32, #tpu.memory_space<vmem>>, vector<16xf32>,
        tpu.vector_store %arg9[%swap3A, %swap3A_293], %sub3A_290 {strides = array<i32>} : memref<56x224xf32, #tpu.memory_space<vmem>>, vector<16xf32>,
        %convert_element_type3A_295 = arith.fptosi %sub3A_290 : vector<16xf32> to vector<16xi32>
        %add3A_296 = arith.addi %convert_element_type3A_295, %add3A_148 : vector<16xi32>
        tpu.vector_store_idx %arg13[%add3A_296], %broadcast_in_dim3A_6 {add = true} : memref<12288xf32, #tpu.memory_space<vmem>>[vector<16xi32>], vector<16xf32>,
        %bitcast3A = vector.bitcast %convert_element_type3A_295 : vector<16xi32> to vector<16xi32>
        %add3A_297 = arith.constant 0 : i32
        %add3A_298 = arith.addi %mul3A_279, %add3A_297 : i32
        %get3A_299 = arith.index_cast %add3A_298 : i32 to index
        %get3A_300 = arith.constant 16 : index
        %get3A_301 = tpu.vector_load %arg7[%get3A_299, %get3A_300] {strides = array<i32>} : memref<56x224xf32, #tpu.memory_space<vmem>>, vector<16xf32>,
        %min3A_302 = arith.constant 2.550000e+02 : f32
        %min3A_303 = vector.broadcast %min3A_302 : f32 to vector<16xf32>
        %min3A_304 = arith.minimumf %get3A_301, %min3A_303 : vector<16xf32>
        %add3A_305 = arith.constant 0x4B000000 : f32
        %add3A_306 = vector.broadcast %add3A_305 : f32 to vector<16xf32>
        %add3A_307 = arith.addf %min3A_304, %add3A_306 : vector<16xf32>
        %sub3A_308 = arith.constant 0x4B000000 : f32
        %sub3A_309 = vector.broadcast %sub3A_308 : f32 to vector<16xf32>
        %sub3A_310 = arith.subf %add3A_307, %sub3A_309 : vector<16xf32>
        %add3A_311 = arith.constant 0 : i32
        %add3A_312 = arith.addi %mul3A_279, %add3A_311 : i32
        %swap3A_313 = arith.index_cast %add3A_312 : i32 to index
        %swap3A_314 = arith.constant 16 : index
        %swap3A_315 = tpu.vector_load %arg9[%swap3A_313, %swap3A_314] {strides = array<i32>} : memref<56x224xf32, #tpu.memory_space<vmem>>, vector<16xf32>,
        tpu.vector_store %arg9[%swap3A_313, %swap3A_314], %sub3A_310 {strides = array<i32>} : memref<56x224xf32, #tpu.memory_space<vmem>>, vector<16xf32>,
        %convert_element_type3A_316 = arith.fptosi %sub3A_310 : vector<16xf32> to vector<16xi32>
        %add3A_317 = arith.addi %convert_element_type3A_316, %add3A_148 : vector<16xi32>
        tpu.vector_store_idx %arg13[%add3A_317], %broadcast_in_dim3A_6 {add = true} : memref<12288xf32, #tpu.memory_space<vmem>>[vector<16xi32>], vector<16xf32>,
        %bitcast3A_318 = vector.bitcast %convert_element_type3A_316 : vector<16xi32> to vector<16xi32>
        %add3A_319 = arith.constant 0 : i32
        %add3A_320 = arith.addi %mul3A_279, %add3A_319 : i32
        %get3A_321 = arith.index_cast %add3A_320 : i32 to index
        %get3A_322 = arith.constant 32 : index
        %get3A_323 = tpu.vector_load %arg7[%get3A_321, %get3A_322] {strides = array<i32>} : memref<56x224xf32, #tpu.memory_space<vmem>>, vector<16xf32>,
        %min3A_324 = arith.constant 2.550000e+02 : f32
        %min3A_325 = vector.broadcast %min3A_324 : f32 to vector<16xf32>
        %min3A_326 = arith.minimumf %get3A_323, %min3A_325 : vector<16xf32>
        %add3A_327 = arith.constant 0x4B000000 : f32
        %add3A_328 = vector.broadcast %add3A_327 : f32 to vector<16xf32>
        %add3A_329 = arith.addf %min3A_326, %add3A_328 : vector<16xf32>
        %sub3A_330 = arith.constant 0x4B000000 : f32
        %sub3A_331 = vector.broadcast %sub3A_330 : f32 to vector<16xf32>
        %sub3A_332 = arith.subf %add3A_329, %sub3A_331 : vector<16xf32>
        %add3A_333 = arith.constant 0 : i32
        %add3A_334 = arith.addi %mul3A_279, %add3A_333 : i32
        %swap3A_335 = arith.index_cast %add3A_334 : i32 to index
        %swap3A_336 = arith.constant 32 : index
        %swap3A_337 = tpu.vector_load %arg9[%swap3A_335, %swap3A_336] {strides = array<i32>} : memref<56x224xf32, #tpu.memory_space<vmem>>, vector<16xf32>,
        tpu.vector_store %arg9[%swap3A_335, %swap3A_336], %sub3A_332 {strides = array<i32>} : memref<56x224xf32, #tpu.memory_space<vmem>>, vector<16xf32>,
        %convert_element_type3A_338 = arith.fptosi %sub3A_332 : vector<16xf32> to vector<16xi32>
        %add3A_339 = arith.addi %convert_element_type3A_338, %add3A_148 : vector<16xi32>
        tpu.vector_store_idx %arg13[%add3A_339], %broadcast_in_dim3A_6 {add = true} : memref<12288xf32, #tpu.memory_space<vmem>>[vector<16xi32>], vector<16xf32>,
        %bitcast3A_340 = vector.bitcast %convert_element_type3A_338 : vector<16xi32> to vector<16xi32>
        %add3A_341 = arith.constant 0 : i32
        %add3A_342 = arith.addi %mul3A_279, %add3A_341 : i32
        %get3A_343 = arith.index_cast %add3A_342 : i32 to index
        %get3A_344 = arith.constant 48 : index
        %get3A_345 = tpu.vector_load %arg7[%get3A_343, %get3A_344] {strides = array<i32>} : memref<56x224xf32, #tpu.memory_space<vmem>>, vector<16xf32>,
        %min3A_346 = arith.constant 2.550000e+02 : f32
        %min3A_347 = vector.broadcast %min3A_346 : f32 to vector<16xf32>
        %min3A_348 = arith.minimumf %get3A_345, %min3A_347 : vector<16xf32>
        %add3A_349 = arith.constant 0x4B000000 : f32
        %add3A_350 = vector.broadcast %add3A_349 : f32 to vector<16xf32>
        %add3A_351 = arith.addf %min3A_348, %add3A_350 : vector<16xf32>
        %sub3A_352 = arith.constant 0x4B000000 : f32
        %sub3A_353 = vector.broadcast %sub3A_352 : f32 to vector<16xf32>
        %sub3A_354 = arith.subf %add3A_351, %sub3A_353 : vector<16xf32>
        %add3A_355 = arith.constant 0 : i32
        %add3A_356 = arith.addi %mul3A_279, %add3A_355 : i32
        %swap3A_357 = arith.index_cast %add3A_356 : i32 to index
        %swap3A_358 = arith.constant 48 : index
        %swap3A_359 = tpu.vector_load %arg9[%swap3A_357, %swap3A_358] {strides = array<i32>} : memref<56x224xf32, #tpu.memory_space<vmem>>, vector<16xf32>,
        tpu.vector_store %arg9[%swap3A_357, %swap3A_358], %sub3A_354 {strides = array<i32>} : memref<56x224xf32, #tpu.memory_space<vmem>>, vector<16xf32>,
        %convert_element_type3A_360 = arith.fptosi %sub3A_354 : vector<16xf32> to vector<16xi32>
        %add3A_361 = arith.addi %convert_element_type3A_360, %add3A_148 : vector<16xi32>
        tpu.vector_store_idx %arg13[%add3A_361], %broadcast_in_dim3A_6 {add = true} : memref<12288xf32, #tpu.memory_space<vmem>>[vector<16xi32>], vector<16xf32>,
        %bitcast3A_362 = vector.bitcast %convert_element_type3A_360 : vector<16xi32> to vector<16xi32>
        %pack3A = tpu.pack_subelements %bitcast3A, %bitcast3A_318 {pack_format = #tpu.pack_format<interleaved>, positions = array<i32: 0, 1>} : vector<16xi32>, vector<16xi32> -> vector<32xi16>
        %pack3A_363 = tpu.pack_subelements %bitcast3A_340, %bitcast3A_362 {pack_format = #tpu.pack_format<interleaved>, positions = array<i32: 0, 1>} : vector<16xi32>, vector<16xi32> -> vector<32xi16>
        %pack3A_364 = tpu.pack_subelements %pack3A, %pack3A_363 {pack_format = #tpu.pack_format<interleaved>, positions = array<i32: 0, 1>} : vector<32xi16>, vector<32xi16> -> vector<64xi8>
        %bitcast3A_365 = vector.bitcast %pack3A_364 : vector<64xi8> to vector<16xi32>
        %mul3A_366 = arith.constant 112 : i32
        %mul3A_367 = arith.muli %scan3A_277, %mul3A_366 : i32
        %add3A_368 = arith.constant 0 : i32
        %add3A_369 = arith.addi %mul3A_367, %add3A_368 : i32
        %swap3A_370 = arith.index_cast %add3A_369 : i32 to index
        %swap3A_371 = tpu.vector_load %arg11[%swap3A_370] {strides = array<i32>} : memref<3136xi32, #tpu.memory_space<vmem>>, vector<16xi32>,
        tpu.vector_store %arg11[%swap3A_370], %bitcast3A_365 {strides = array<i32>} : memref<3136xi32, #tpu.memory_space<vmem>>, vector<16xi32>,
        %add3A_372 = arith.constant 0 : i32
        %add3A_373 = arith.addi %mul3A_279, %add3A_372 : i32
        %get3A_374 = arith.index_cast %add3A_373 : i32 to index
        %get3A_375 = arith.constant 64 : index
        %get3A_376 = tpu.vector_load %arg7[%get3A_374, %get3A_375] {strides = array<i32>} : memref<56x224xf32, #tpu.memory_space<vmem>>, vector<16xf32>,
        %min3A_377 = arith.constant 2.550000e+02 : f32
        %min3A_378 = vector.broadcast %min3A_377 : f32 to vector<16xf32>
        %min3A_379 = arith.minimumf %get3A_376, %min3A_378 : vector<16xf32>
        %add3A_380 = arith.constant 0x4B000000 : f32
        %add3A_381 = vector.broadcast %add3A_380 : f32 to vector<16xf32>
        %add3A_382 = arith.addf %min3A_379, %add3A_381 : vector<16xf32>
        %sub3A_383 = arith.constant 0x4B000000 : f32
        %sub3A_384 = vector.broadcast %sub3A_383 : f32 to vector<16xf32>
        %sub3A_385 = arith.subf %add3A_382, %sub3A_384 : vector<16xf32>
        %add3A_386 = arith.constant 0 : i32
        %add3A_387 = arith.addi %mul3A_279, %add3A_386 : i32
        %swap3A_388 = arith.index_cast %add3A_387 : i32 to index
        %swap3A_389 = arith.constant 64 : index
        %swap3A_390 = tpu.vector_load %arg9[%swap3A_388, %swap3A_389] {strides = array<i32>} : memref<56x224xf32, #tpu.memory_space<vmem>>, vector<16xf32>,
        tpu.vector_store %arg9[%swap3A_388, %swap3A_389], %sub3A_385 {strides = array<i32>} : memref<56x224xf32, #tpu.memory_space<vmem>>, vector<16xf32>,
        %convert_element_type3A_391 = arith.fptosi %sub3A_385 : vector<16xf32> to vector<16xi32>
        %add3A_392 = arith.addi %convert_element_type3A_391, %add3A_148 : vector<16xi32>
        tpu.vector_store_idx %arg13[%add3A_392], %broadcast_in_dim3A_6 {add = true} : memref<12288xf32, #tpu.memory_space<vmem>>[vector<16xi32>], vector<16xf32>,
        %bitcast3A_393 = vector.bitcast %convert_element_type3A_391 : vector<16xi32> to vector<16xi32>
        %add3A_394 = arith.constant 0 : i32
        %add3A_395 = arith.addi %mul3A_279, %add3A_394 : i32
        %get3A_396 = arith.index_cast %add3A_395 : i32 to index
        %get3A_397 = arith.constant 80 : index
        %get3A_398 = tpu.vector_load %arg7[%get3A_396, %get3A_397] {strides = array<i32>} : memref<56x224xf32, #tpu.memory_space<vmem>>, vector<16xf32>,
        %min3A_399 = arith.constant 2.550000e+02 : f32
        %min3A_400 = vector.broadcast %min3A_399 : f32 to vector<16xf32>
        %min3A_401 = arith.minimumf %get3A_398, %min3A_400 : vector<16xf32>
        %add3A_402 = arith.constant 0x4B000000 : f32
        %add3A_403 = vector.broadcast %add3A_402 : f32 to vector<16xf32>
        %add3A_404 = arith.addf %min3A_401, %add3A_403 : vector<16xf32>
        %sub3A_405 = arith.constant 0x4B000000 : f32
        %sub3A_406 = vector.broadcast %sub3A_405 : f32 to vector<16xf32>
        %sub3A_407 = arith.subf %add3A_404, %sub3A_406 : vector<16xf32>
        %add3A_408 = arith.constant 0 : i32
        %add3A_409 = arith.addi %mul3A_279, %add3A_408 : i32
        %swap3A_410 = arith.index_cast %add3A_409 : i32 to index
        %swap3A_411 = arith.constant 80 : index
        %swap3A_412 = tpu.vector_load %arg9[%swap3A_410, %swap3A_411] {strides = array<i32>} : memref<56x224xf32, #tpu.memory_space<vmem>>, vector<16xf32>,
        tpu.vector_store %arg9[%swap3A_410, %swap3A_411], %sub3A_407 {strides = array<i32>} : memref<56x224xf32, #tpu.memory_space<vmem>>, vector<16xf32>,
        %convert_element_type3A_413 = arith.fptosi %sub3A_407 : vector<16xf32> to vector<16xi32>
        %add3A_414 = arith.addi %convert_element_type3A_413, %add3A_148 : vector<16xi32>
        tpu.vector_store_idx %arg13[%add3A_414], %broadcast_in_dim3A_6 {add = true} : memref<12288xf32, #tpu.memory_space<vmem>>[vector<16xi32>], vector<16xf32>,
        %bitcast3A_415 = vector.bitcast %convert_element_type3A_413 : vector<16xi32> to vector<16xi32>
        %add3A_416 = arith.constant 0 : i32
        %add3A_417 = arith.addi %mul3A_279, %add3A_416 : i32
        %get3A_418 = arith.index_cast %add3A_417 : i32 to index
        %get3A_419 = arith.constant 96 : index
        %get3A_420 = tpu.vector_load %arg7[%get3A_418, %get3A_419] {strides = array<i32>} : memref<56x224xf32, #tpu.memory_space<vmem>>, vector<16xf32>,
        %min3A_421 = arith.constant 2.550000e+02 : f32
        %min3A_422 = vector.broadcast %min3A_421 : f32 to vector<16xf32>
        %min3A_423 = arith.minimumf %get3A_420, %min3A_422 : vector<16xf32>
        %add3A_424 = arith.constant 0x4B000000 : f32
        %add3A_425 = vector.broadcast %add3A_424 : f32 to vector<16xf32>
        %add3A_426 = arith.addf %min3A_423, %add3A_425 : vector<16xf32>
        %sub3A_427 = arith.constant 0x4B000000 : f32
        %sub3A_428 = vector.broadcast %sub3A_427 : f32 to vector<16xf32>
        %sub3A_429 = arith.subf %add3A_426, %sub3A_428 : vector<16xf32>
        %add3A_430 = arith.constant 0 : i32
        %add3A_431 = arith.addi %mul3A_279, %add3A_430 : i32
        %swap3A_432 = arith.index_cast %add3A_431 : i32 to index
        %swap3A_433 = arith.constant 96 : index
        %swap3A_434 = tpu.vector_load %arg9[%swap3A_432, %swap3A_433] {strides = array<i32>} : memref<56x224xf32, #tpu.memory_space<vmem>>, vector<16xf32>,
        tpu.vector_store %arg9[%swap3A_432, %swap3A_433], %sub3A_429 {strides = array<i32>} : memref<56x224xf32, #tpu.memory_space<vmem>>, vector<16xf32>,
        %convert_element_type3A_435 = arith.fptosi %sub3A_429 : vector<16xf32> to vector<16xi32>
        %add3A_436 = arith.addi %convert_element_type3A_435, %add3A_148 : vector<16xi32>
        tpu.vector_store_idx %arg13[%add3A_436], %broadcast_in_dim3A_6 {add = true} : memref<12288xf32, #tpu.memory_space<vmem>>[vector<16xi32>], vector<16xf32>,
        %bitcast3A_437 = vector.bitcast %convert_element_type3A_435 : vector<16xi32> to vector<16xi32>
        %add3A_438 = arith.constant 0 : i32
        %add3A_439 = arith.addi %mul3A_279, %add3A_438 : i32
        %get3A_440 = arith.index_cast %add3A_439 : i32 to index
        %get3A_441 = arith.constant 112 : index
        %get3A_442 = tpu.vector_load %arg7[%get3A_440, %get3A_441] {strides = array<i32>} : memref<56x224xf32, #tpu.memory_space<vmem>>, vector<16xf32>,
        %min3A_443 = arith.constant 2.550000e+02 : f32
        %min3A_444 = vector.broadcast %min3A_443 : f32 to vector<16xf32>
        %min3A_445 = arith.minimumf %get3A_442, %min3A_444 : vector<16xf32>
        %add3A_446 = arith.constant 0x4B000000 : f32
        %add3A_447 = vector.broadcast %add3A_446 : f32 to vector<16xf32>
        %add3A_448 = arith.addf %min3A_445, %add3A_447 : vector<16xf32>
        %sub3A_449 = arith.constant 0x4B000000 : f32
        %sub3A_450 = vector.broadcast %sub3A_449 : f32 to vector<16xf32>
        %sub3A_451 = arith.subf %add3A_448, %sub3A_450 : vector<16xf32>
        %add3A_452 = arith.constant 0 : i32
        %add3A_453 = arith.addi %mul3A_279, %add3A_452 : i32
        %swap3A_454 = arith.index_cast %add3A_453 : i32 to index
        %swap3A_455 = arith.constant 112 : index
        %swap3A_456 = tpu.vector_load %arg9[%swap3A_454, %swap3A_455] {strides = array<i32>} : memref<56x224xf32, #tpu.memory_space<vmem>>, vector<16xf32>,
        tpu.vector_store %arg9[%swap3A_454, %swap3A_455], %sub3A_451 {strides = array<i32>} : memref<56x224xf32, #tpu.memory_space<vmem>>, vector<16xf32>,
        %convert_element_type3A_457 = arith.fptosi %sub3A_451 : vector<16xf32> to vector<16xi32>
        %add3A_458 = arith.addi %convert_element_type3A_457, %add3A_148 : vector<16xi32>
        tpu.vector_store_idx %arg13[%add3A_458], %broadcast_in_dim3A_6 {add = true} : memref<12288xf32, #tpu.memory_space<vmem>>[vector<16xi32>], vector<16xf32>,
        %bitcast3A_459 = vector.bitcast %convert_element_type3A_457 : vector<16xi32> to vector<16xi32>
        %pack3A_460 = tpu.pack_subelements %bitcast3A_393, %bitcast3A_415 {pack_format = #tpu.pack_format<interleaved>, positions = array<i32: 0, 1>} : vector<16xi32>, vector<16xi32> -> vector<32xi16>
        %pack3A_461 = tpu.pack_subelements %bitcast3A_437, %bitcast3A_459 {pack_format = #tpu.pack_format<interleaved>, positions = array<i32: 0, 1>} : vector<16xi32>, vector<16xi32> -> vector<32xi16>
        %pack3A_462 = tpu.pack_subelements %pack3A_460, %pack3A_461 {pack_format = #tpu.pack_format<interleaved>, positions = array<i32: 0, 1>} : vector<32xi16>, vector<32xi16> -> vector<64xi8>
        %bitcast3A_463 = vector.bitcast %pack3A_462 : vector<64xi8> to vector<16xi32>
        %mul3A_464 = arith.constant 112 : i32
        %mul3A_465 = arith.muli %scan3A_277, %mul3A_464 : i32
        %add3A_466 = arith.constant 16 : i32
        %add3A_467 = arith.addi %mul3A_465, %add3A_466 : i32
        %swap3A_468 = arith.index_cast %add3A_467 : i32 to index
        %swap3A_469 = tpu.vector_load %arg11[%swap3A_468] {strides = array<i32>} : memref<3136xi32, #tpu.memory_space<vmem>>, vector<16xi32>,
        tpu.vector_store %arg11[%swap3A_468], %bitcast3A_463 {strides = array<i32>} : memref<3136xi32, #tpu.memory_space<vmem>>, vector<16xi32>,
        %add3A_470 = arith.constant 0 : i32
        %add3A_471 = arith.addi %mul3A_279, %add3A_470 : i32
        %get3A_472 = arith.index_cast %add3A_471 : i32 to index
        %get3A_473 = arith.constant 128 : index
        %get3A_474 = tpu.vector_load %arg7[%get3A_472, %get3A_473] {strides = array<i32>} : memref<56x224xf32, #tpu.memory_space<vmem>>, vector<16xf32>,
        %min3A_475 = arith.constant 2.550000e+02 : f32
        %min3A_476 = vector.broadcast %min3A_475 : f32 to vector<16xf32>
        %min3A_477 = arith.minimumf %get3A_474, %min3A_476 : vector<16xf32>
        %add3A_478 = arith.constant 0x4B000000 : f32
        %add3A_479 = vector.broadcast %add3A_478 : f32 to vector<16xf32>
        %add3A_480 = arith.addf %min3A_477, %add3A_479 : vector<16xf32>
        %sub3A_481 = arith.constant 0x4B000000 : f32
        %sub3A_482 = vector.broadcast %sub3A_481 : f32 to vector<16xf32>
        %sub3A_483 = arith.subf %add3A_480, %sub3A_482 : vector<16xf32>
        %add3A_484 = arith.constant 0 : i32
        %add3A_485 = arith.addi %mul3A_279, %add3A_484 : i32
        %swap3A_486 = arith.index_cast %add3A_485 : i32 to index
        %swap3A_487 = arith.constant 128 : index
        %swap3A_488 = tpu.vector_load %arg9[%swap3A_486, %swap3A_487] {strides = array<i32>} : memref<56x224xf32, #tpu.memory_space<vmem>>, vector<16xf32>,
        tpu.vector_store %arg9[%swap3A_486, %swap3A_487], %sub3A_483 {strides = array<i32>} : memref<56x224xf32, #tpu.memory_space<vmem>>, vector<16xf32>,
        %convert_element_type3A_489 = arith.fptosi %sub3A_483 : vector<16xf32> to vector<16xi32>
        %add3A_490 = arith.addi %convert_element_type3A_489, %add3A_148 : vector<16xi32>
        tpu.vector_store_idx %arg13[%add3A_490], %broadcast_in_dim3A_6 {add = true} : memref<12288xf32, #tpu.memory_space<vmem>>[vector<16xi32>], vector<16xf32>,
        %bitcast3A_491 = vector.bitcast %convert_element_type3A_489 : vector<16xi32> to vector<16xi32>
        %add3A_492 = arith.constant 0 : i32
        %add3A_493 = arith.addi %mul3A_279, %add3A_492 : i32
        %get3A_494 = arith.index_cast %add3A_493 : i32 to index
        %get3A_495 = arith.constant 144 : index
        %get3A_496 = tpu.vector_load %arg7[%get3A_494, %get3A_495] {strides = array<i32>} : memref<56x224xf32, #tpu.memory_space<vmem>>, vector<16xf32>,
        %min3A_497 = arith.constant 2.550000e+02 : f32
        %min3A_498 = vector.broadcast %min3A_497 : f32 to vector<16xf32>
        %min3A_499 = arith.minimumf %get3A_496, %min3A_498 : vector<16xf32>
        %add3A_500 = arith.constant 0x4B000000 : f32
        %add3A_501 = vector.broadcast %add3A_500 : f32 to vector<16xf32>
        %add3A_502 = arith.addf %min3A_499, %add3A_501 : vector<16xf32>
        %sub3A_503 = arith.constant 0x4B000000 : f32
        %sub3A_504 = vector.broadcast %sub3A_503 : f32 to vector<16xf32>
        %sub3A_505 = arith.subf %add3A_502, %sub3A_504 : vector<16xf32>
        %add3A_506 = arith.constant 0 : i32
        %add3A_507 = arith.addi %mul3A_279, %add3A_506 : i32
        %swap3A_508 = arith.index_cast %add3A_507 : i32 to index
        %swap3A_509 = arith.constant 144 : index
        %swap3A_510 = tpu.vector_load %arg9[%swap3A_508, %swap3A_509] {strides = array<i32>} : memref<56x224xf32, #tpu.memory_space<vmem>>, vector<16xf32>,
        tpu.vector_store %arg9[%swap3A_508, %swap3A_509], %sub3A_505 {strides = array<i32>} : memref<56x224xf32, #tpu.memory_space<vmem>>, vector<16xf32>,
        %convert_element_type3A_511 = arith.fptosi %sub3A_505 : vector<16xf32> to vector<16xi32>
        %add3A_512 = arith.addi %convert_element_type3A_511, %add3A_148 : vector<16xi32>
        tpu.vector_store_idx %arg13[%add3A_512], %broadcast_in_dim3A_6 {add = true} : memref<12288xf32, #tpu.memory_space<vmem>>[vector<16xi32>], vector<16xf32>,
        %bitcast3A_513 = vector.bitcast %convert_element_type3A_511 : vector<16xi32> to vector<16xi32>
        %add3A_514 = arith.constant 0 : i32
        %add3A_515 = arith.addi %mul3A_279, %add3A_514 : i32
        %get3A_516 = arith.index_cast %add3A_515 : i32 to index
        %get3A_517 = arith.constant 160 : index
        %get3A_518 = tpu.vector_load %arg7[%get3A_516, %get3A_517] {strides = array<i32>} : memref<56x224xf32, #tpu.memory_space<vmem>>, vector<16xf32>,
        %min3A_519 = arith.constant 2.550000e+02 : f32
        %min3A_520 = vector.broadcast %min3A_519 : f32 to vector<16xf32>
        %min3A_521 = arith.minimumf %get3A_518, %min3A_520 : vector<16xf32>
        %add3A_522 = arith.constant 0x4B000000 : f32
        %add3A_523 = vector.broadcast %add3A_522 : f32 to vector<16xf32>
        %add3A_524 = arith.addf %min3A_521, %add3A_523 : vector<16xf32>
        %sub3A_525 = arith.constant 0x4B000000 : f32
        %sub3A_526 = vector.broadcast %sub3A_525 : f32 to vector<16xf32>
        %sub3A_527 = arith.subf %add3A_524, %sub3A_526 : vector<16xf32>
        %add3A_528 = arith.constant 0 : i32
        %add3A_529 = arith.addi %mul3A_279, %add3A_528 : i32
        %swap3A_530 = arith.index_cast %add3A_529 : i32 to index
        %swap3A_531 = arith.constant 160 : index
        %swap3A_532 = tpu.vector_load %arg9[%swap3A_530, %swap3A_531] {strides = array<i32>} : memref<56x224xf32, #tpu.memory_space<vmem>>, vector<16xf32>,
        tpu.vector_store %arg9[%swap3A_530, %swap3A_531], %sub3A_527 {strides = array<i32>} : memref<56x224xf32, #tpu.memory_space<vmem>>, vector<16xf32>,
        %convert_element_type3A_533 = arith.fptosi %sub3A_527 : vector<16xf32> to vector<16xi32>
        %add3A_534 = arith.addi %convert_element_type3A_533, %add3A_148 : vector<16xi32>
        tpu.vector_store_idx %arg13[%add3A_534], %broadcast_in_dim3A_6 {add = true} : memref<12288xf32, #tpu.memory_space<vmem>>[vector<16xi32>], vector<16xf32>,
        %bitcast3A_535 = vector.bitcast %convert_element_type3A_533 : vector<16xi32> to vector<16xi32>
        %add3A_536 = arith.constant 0 : i32
        %add3A_537 = arith.addi %mul3A_279, %add3A_536 : i32
        %get3A_538 = arith.index_cast %add3A_537 : i32 to index
        %get3A_539 = arith.constant 176 : index
        %get3A_540 = tpu.vector_load %arg7[%get3A_538, %get3A_539] {strides = array<i32>} : memref<56x224xf32, #tpu.memory_space<vmem>>, vector<16xf32>,
        %min3A_541 = arith.constant 2.550000e+02 : f32
        %min3A_542 = vector.broadcast %min3A_541 : f32 to vector<16xf32>
        %min3A_543 = arith.minimumf %get3A_540, %min3A_542 : vector<16xf32>
        %add3A_544 = arith.constant 0x4B000000 : f32
        %add3A_545 = vector.broadcast %add3A_544 : f32 to vector<16xf32>
        %add3A_546 = arith.addf %min3A_543, %add3A_545 : vector<16xf32>
        %sub3A_547 = arith.constant 0x4B000000 : f32
        %sub3A_548 = vector.broadcast %sub3A_547 : f32 to vector<16xf32>
        %sub3A_549 = arith.subf %add3A_546, %sub3A_548 : vector<16xf32>
        %add3A_550 = arith.constant 0 : i32
        %add3A_551 = arith.addi %mul3A_279, %add3A_550 : i32
        %swap3A_552 = arith.index_cast %add3A_551 : i32 to index
        %swap3A_553 = arith.constant 176 : index
        %swap3A_554 = tpu.vector_load %arg9[%swap3A_552, %swap3A_553] {strides = array<i32>} : memref<56x224xf32, #tpu.memory_space<vmem>>, vector<16xf32>,
        tpu.vector_store %arg9[%swap3A_552, %swap3A_553], %sub3A_549 {strides = array<i32>} : memref<56x224xf32, #tpu.memory_space<vmem>>, vector<16xf32>,
        %convert_element_type3A_555 = arith.fptosi %sub3A_549 : vector<16xf32> to vector<16xi32>
        %add3A_556 = arith.addi %convert_element_type3A_555, %add3A_148 : vector<16xi32>
        tpu.vector_store_idx %arg13[%add3A_556], %broadcast_in_dim3A_6 {add = true} : memref<12288xf32, #tpu.memory_space<vmem>>[vector<16xi32>], vector<16xf32>,
        %bitcast3A_557 = vector.bitcast %convert_element_type3A_555 : vector<16xi32> to vector<16xi32>
        %pack3A_558 = tpu.pack_subelements %bitcast3A_491, %bitcast3A_513 {pack_format = #tpu.pack_format<interleaved>, positions = array<i32: 0, 1>} : vector<16xi32>, vector<16xi32> -> vector<32xi16>
        %pack3A_559 = tpu.pack_subelements %bitcast3A_535, %bitcast3A_557 {pack_format = #tpu.pack_format<interleaved>, positions = array<i32: 0, 1>} : vector<16xi32>, vector<16xi32> -> vector<32xi16>
        %pack3A_560 = tpu.pack_subelements %pack3A_558, %pack3A_559 {pack_format = #tpu.pack_format<interleaved>, positions = array<i32: 0, 1>} : vector<32xi16>, vector<32xi16> -> vector<64xi8>
        %bitcast3A_561 = vector.bitcast %pack3A_560 : vector<64xi8> to vector<16xi32>
        %mul3A_562 = arith.constant 112 : i32
        %mul3A_563 = arith.muli %scan3A_277, %mul3A_562 : i32
        %add3A_564 = arith.constant 32 : i32
        %add3A_565 = arith.addi %mul3A_563, %add3A_564 : i32
        %swap3A_566 = arith.index_cast %add3A_565 : i32 to index
        %swap3A_567 = tpu.vector_load %arg11[%swap3A_566] {strides = array<i32>} : memref<3136xi32, #tpu.memory_space<vmem>>, vector<16xi32>,
        tpu.vector_store %arg11[%swap3A_566], %bitcast3A_561 {strides = array<i32>} : memref<3136xi32, #tpu.memory_space<vmem>>, vector<16xi32>,
        %add3A_568 = arith.constant 0 : i32
        %add3A_569 = arith.addi %mul3A_279, %add3A_568 : i32
        %get3A_570 = arith.index_cast %add3A_569 : i32 to index
        %get3A_571 = arith.constant 192 : index
        %get3A_572 = tpu.vector_load %arg7[%get3A_570, %get3A_571] {strides = array<i32>} : memref<56x224xf32, #tpu.memory_space<vmem>>, vector<16xf32>,
        %min3A_573 = arith.constant 2.550000e+02 : f32
        %min3A_574 = vector.broadcast %min3A_573 : f32 to vector<16xf32>
        %min3A_575 = arith.minimumf %get3A_572, %min3A_574 : vector<16xf32>
        %add3A_576 = arith.constant 0x4B000000 : f32
        %add3A_577 = vector.broadcast %add3A_576 : f32 to vector<16xf32>
        %add3A_578 = arith.addf %min3A_575, %add3A_577 : vector<16xf32>
        %sub3A_579 = arith.constant 0x4B000000 : f32
        %sub3A_580 = vector.broadcast %sub3A_579 : f32 to vector<16xf32>
        %sub3A_581 = arith.subf %add3A_578, %sub3A_580 : vector<16xf32>
        %add3A_582 = arith.constant 0 : i32
        %add3A_583 = arith.addi %mul3A_279, %add3A_582 : i32
        %swap3A_584 = arith.index_cast %add3A_583 : i32 to index
        %swap3A_585 = arith.constant 192 : index
        %swap3A_586 = tpu.vector_load %arg9[%swap3A_584, %swap3A_585] {strides = array<i32>} : memref<56x224xf32, #tpu.memory_space<vmem>>, vector<16xf32>,
        tpu.vector_store %arg9[%swap3A_584, %swap3A_585], %sub3A_581 {strides = array<i32>} : memref<56x224xf32, #tpu.memory_space<vmem>>, vector<16xf32>,
        %convert_element_type3A_587 = arith.fptosi %sub3A_581 : vector<16xf32> to vector<16xi32>
        %add3A_588 = arith.addi %convert_element_type3A_587, %add3A_148 : vector<16xi32>
        tpu.vector_store_idx %arg13[%add3A_588], %broadcast_in_dim3A_6 {add = true} : memref<12288xf32, #tpu.memory_space<vmem>>[vector<16xi32>], vector<16xf32>,
        %bitcast3A_589 = vector.bitcast %convert_element_type3A_587 : vector<16xi32> to vector<16xi32>
        %add3A_590 = arith.constant 0 : i32
        %add3A_591 = arith.addi %mul3A_279, %add3A_590 : i32
        %get3A_592 = arith.index_cast %add3A_591 : i32 to index
        %get3A_593 = arith.constant 208 : index
        %get3A_594 = tpu.vector_load %arg7[%get3A_592, %get3A_593] {strides = array<i32>} : memref<56x224xf32, #tpu.memory_space<vmem>>, vector<16xf32>,
        %min3A_595 = arith.constant 2.550000e+02 : f32
        %min3A_596 = vector.broadcast %min3A_595 : f32 to vector<16xf32>
        %min3A_597 = arith.minimumf %get3A_594, %min3A_596 : vector<16xf32>
        %add3A_598 = arith.constant 0x4B000000 : f32
        %add3A_599 = vector.broadcast %add3A_598 : f32 to vector<16xf32>
        %add3A_600 = arith.addf %min3A_597, %add3A_599 : vector<16xf32>
        %sub3A_601 = arith.constant 0x4B000000 : f32
        %sub3A_602 = vector.broadcast %sub3A_601 : f32 to vector<16xf32>
        %sub3A_603 = arith.subf %add3A_600, %sub3A_602 : vector<16xf32>
        %add3A_604 = arith.constant 0 : i32
        %add3A_605 = arith.addi %mul3A_279, %add3A_604 : i32
        %swap3A_606 = arith.index_cast %add3A_605 : i32 to index
        %swap3A_607 = arith.constant 208 : index
        %swap3A_608 = tpu.vector_load %arg9[%swap3A_606, %swap3A_607] {strides = array<i32>} : memref<56x224xf32, #tpu.memory_space<vmem>>, vector<16xf32>,
        tpu.vector_store %arg9[%swap3A_606, %swap3A_607], %sub3A_603 {strides = array<i32>} : memref<56x224xf32, #tpu.memory_space<vmem>>, vector<16xf32>,
        %convert_element_type3A_609 = arith.fptosi %sub3A_603 : vector<16xf32> to vector<16xi32>
        %add3A_610 = arith.addi %convert_element_type3A_609, %add3A_148 : vector<16xi32>
        tpu.vector_store_idx %arg13[%add3A_610], %broadcast_in_dim3A_6 {add = true} : memref<12288xf32, #tpu.memory_space<vmem>>[vector<16xi32>], vector<16xf32>,
        %bitcast3A_611 = vector.bitcast %convert_element_type3A_609 : vector<16xi32> to vector<16xi32>
        %add3A_612 = arith.constant 1 : i32
        %add3A_613 = arith.addi %mul3A_279, %add3A_612 : i32
        %get3A_614 = arith.index_cast %add3A_613 : i32 to index
        %get3A_615 = arith.constant 0 : index
        %get3A_616 = tpu.vector_load %arg7[%get3A_614, %get3A_615] {strides = array<i32>} : memref<56x224xf32, #tpu.memory_space<vmem>>, vector<16xf32>,
        %min3A_617 = arith.constant 2.550000e+02 : f32
        %min3A_618 = vector.broadcast %min3A_617 : f32 to vector<16xf32>
        %min3A_619 = arith.minimumf %get3A_616, %min3A_618 : vector<16xf32>
        %add3A_620 = arith.constant 0x4B000000 : f32
        %add3A_621 = vector.broadcast %add3A_620 : f32 to vector<16xf32>
        %add3A_622 = arith.addf %min3A_619, %add3A_621 : vector<16xf32>
        %sub3A_623 = arith.constant 0x4B000000 : f32
        %sub3A_624 = vector.broadcast %sub3A_623 : f32 to vector<16xf32>
        %sub3A_625 = arith.subf %add3A_622, %sub3A_624 : vector<16xf32>
        %add3A_626 = arith.constant 1 : i32
        %add3A_627 = arith.addi %mul3A_279, %add3A_626 : i32
        %swap3A_628 = arith.index_cast %add3A_627 : i32 to index
        %swap3A_629 = arith.constant 0 : index
        %swap3A_630 = tpu.vector_load %arg9[%swap3A_628, %swap3A_629] {strides = array<i32>} : memref<56x224xf32, #tpu.memory_space<vmem>>, vector<16xf32>,
        tpu.vector_store %arg9[%swap3A_628, %swap3A_629], %sub3A_625 {strides = array<i32>} : memref<56x224xf32, #tpu.memory_space<vmem>>, vector<16xf32>,
        %convert_element_type3A_631 = arith.fptosi %sub3A_625 : vector<16xf32> to vector<16xi32>
        %add3A_632 = arith.addi %convert_element_type3A_631, %add3A_148 : vector<16xi32>
        tpu.vector_store_idx %arg13[%add3A_632], %broadcast_in_dim3A_6 {add = true} : memref<12288xf32, #tpu.memory_space<vmem>>[vector<16xi32>], vector<16xf32>,
        %bitcast3A_633 = vector.bitcast %convert_element_type3A_631 : vector<16xi32> to vector<16xi32>
        %add3A_634 = arith.constant 1 : i32
        %add3A_635 = arith.addi %mul3A_279, %add3A_634 : i32
        %get3A_636 = arith.index_cast %add3A_635 : i32 to index
        %get3A_637 = arith.constant 16 : index
        %get3A_638 = tpu.vector_load %arg7[%get3A_636, %get3A_637] {strides = array<i32>} : memref<56x224xf32, #tpu.memory_space<vmem>>, vector<16xf32>,
        %min3A_639 = arith.constant 2.550000e+02 : f32
        %min3A_640 = vector.broadcast %min3A_639 : f32 to vector<16xf32>
        %min3A_641 = arith.minimumf %get3A_638, %min3A_640 : vector<16xf32>
        %add3A_642 = arith.constant 0x4B000000 : f32
        %add3A_643 = vector.broadcast %add3A_642 : f32 to vector<16xf32>
        %add3A_644 = arith.addf %min3A_641, %add3A_643 : vector<16xf32>
        %sub3A_645 = arith.constant 0x4B000000 : f32
        %sub3A_646 = vector.broadcast %sub3A_645 : f32 to vector<16xf32>
        %sub3A_647 = arith.subf %add3A_644, %sub3A_646 : vector<16xf32>
        %add3A_648 = arith.constant 1 : i32
        %add3A_649 = arith.addi %mul3A_279, %add3A_648 : i32
        %swap3A_650 = arith.index_cast %add3A_649 : i32 to index
        %swap3A_651 = arith.constant 16 : index
        %swap3A_652 = tpu.vector_load %arg9[%swap3A_650, %swap3A_651] {strides = array<i32>} : memref<56x224xf32, #tpu.memory_space<vmem>>, vector<16xf32>,
        tpu.vector_store %arg9[%swap3A_650, %swap3A_651], %sub3A_647 {strides = array<i32>} : memref<56x224xf32, #tpu.memory_space<vmem>>, vector<16xf32>,
        %convert_element_type3A_653 = arith.fptosi %sub3A_647 : vector<16xf32> to vector<16xi32>
        %add3A_654 = arith.addi %convert_element_type3A_653, %add3A_148 : vector<16xi32>
        tpu.vector_store_idx %arg13[%add3A_654], %broadcast_in_dim3A_6 {add = true} : memref<12288xf32, #tpu.memory_space<vmem>>[vector<16xi32>], vector<16xf32>,
        %bitcast3A_655 = vector.bitcast %convert_element_type3A_653 : vector<16xi32> to vector<16xi32>
        %pack3A_656 = tpu.pack_subelements %bitcast3A_589, %bitcast3A_611 {pack_format = #tpu.pack_format<interleaved>, positions = array<i32: 0, 1>} : vector<16xi32>, vector<16xi32> -> vector<32xi16>
        %pack3A_657 = tpu.pack_subelements %bitcast3A_633, %bitcast3A_655 {pack_format = #tpu.pack_format<interleaved>, positions = array<i32: 0, 1>} : vector<16xi32>, vector<16xi32> -> vector<32xi16>
        %pack3A_658 = tpu.pack_subelements %pack3A_656, %pack3A_657 {pack_format = #tpu.pack_format<interleaved>, positions = array<i32: 0, 1>} : vector<32xi16>, vector<32xi16> -> vector<64xi8>
        %bitcast3A_659 = vector.bitcast %pack3A_658 : vector<64xi8> to vector<16xi32>
        %mul3A_660 = arith.constant 112 : i32
        %mul3A_661 = arith.muli %scan3A_277, %mul3A_660 : i32
        %add3A_662 = arith.constant 48 : i32
        %add3A_663 = arith.addi %mul3A_661, %add3A_662 : i32
        %swap3A_664 = arith.index_cast %add3A_663 : i32 to index
        %swap3A_665 = tpu.vector_load %arg11[%swap3A_664] {strides = array<i32>} : memref<3136xi32, #tpu.memory_space<vmem>>, vector<16xi32>,
        tpu.vector_store %arg11[%swap3A_664], %bitcast3A_659 {strides = array<i32>} : memref<3136xi32, #tpu.memory_space<vmem>>, vector<16xi32>,
        %add3A_666 = arith.constant 1 : i32
        %add3A_667 = arith.addi %mul3A_279, %add3A_666 : i32
        %get3A_668 = arith.index_cast %add3A_667 : i32 to index
        %get3A_669 = arith.constant 32 : index
        %get3A_670 = tpu.vector_load %arg7[%get3A_668, %get3A_669] {strides = array<i32>} : memref<56x224xf32, #tpu.memory_space<vmem>>, vector<16xf32>,
        %min3A_671 = arith.constant 2.550000e+02 : f32
        %min3A_672 = vector.broadcast %min3A_671 : f32 to vector<16xf32>
        %min3A_673 = arith.minimumf %get3A_670, %min3A_672 : vector<16xf32>
        %add3A_674 = arith.constant 0x4B000000 : f32
        %add3A_675 = vector.broadcast %add3A_674 : f32 to vector<16xf32>
        %add3A_676 = arith.addf %min3A_673, %add3A_675 : vector<16xf32>
        %sub3A_677 = arith.constant 0x4B000000 : f32
        %sub3A_678 = vector.broadcast %sub3A_677 : f32 to vector<16xf32>
        %sub3A_679 = arith.subf %add3A_676, %sub3A_678 : vector<16xf32>
        %add3A_680 = arith.constant 1 : i32
        %add3A_681 = arith.addi %mul3A_279, %add3A_680 : i32
        %swap3A_682 = arith.index_cast %add3A_681 : i32 to index
        %swap3A_683 = arith.constant 32 : index
        %swap3A_684 = tpu.vector_load %arg9[%swap3A_682, %swap3A_683] {strides = array<i32>} : memref<56x224xf32, #tpu.memory_space<vmem>>, vector<16xf32>,
        tpu.vector_store %arg9[%swap3A_682, %swap3A_683], %sub3A_679 {strides = array<i32>} : memref<56x224xf32, #tpu.memory_space<vmem>>, vector<16xf32>,
        %convert_element_type3A_685 = arith.fptosi %sub3A_679 : vector<16xf32> to vector<16xi32>
        %add3A_686 = arith.addi %convert_element_type3A_685, %add3A_148 : vector<16xi32>
        tpu.vector_store_idx %arg13[%add3A_686], %broadcast_in_dim3A_6 {add = true} : memref<12288xf32, #tpu.memory_space<vmem>>[vector<16xi32>], vector<16xf32>,
        %bitcast3A_687 = vector.bitcast %convert_element_type3A_685 : vector<16xi32> to vector<16xi32>
        %add3A_688 = arith.constant 1 : i32
        %add3A_689 = arith.addi %mul3A_279, %add3A_688 : i32
        %get3A_690 = arith.index_cast %add3A_689 : i32 to index
        %get3A_691 = arith.constant 48 : index
        %get3A_692 = tpu.vector_load %arg7[%get3A_690, %get3A_691] {strides = array<i32>} : memref<56x224xf32, #tpu.memory_space<vmem>>, vector<16xf32>,
        %min3A_693 = arith.constant 2.550000e+02 : f32
        %min3A_694 = vector.broadcast %min3A_693 : f32 to vector<16xf32>
        %min3A_695 = arith.minimumf %get3A_692, %min3A_694 : vector<16xf32>
        %add3A_696 = arith.constant 0x4B000000 : f32
        %add3A_697 = vector.broadcast %add3A_696 : f32 to vector<16xf32>
        %add3A_698 = arith.addf %min3A_695, %add3A_697 : vector<16xf32>
        %sub3A_699 = arith.constant 0x4B000000 : f32
        %sub3A_700 = vector.broadcast %sub3A_699 : f32 to vector<16xf32>
        %sub3A_701 = arith.subf %add3A_698, %sub3A_700 : vector<16xf32>
        %add3A_702 = arith.constant 1 : i32
        %add3A_703 = arith.addi %mul3A_279, %add3A_702 : i32
        %swap3A_704 = arith.index_cast %add3A_703 : i32 to index
        %swap3A_705 = arith.constant 48 : index
        %swap3A_706 = tpu.vector_load %arg9[%swap3A_704, %swap3A_705] {strides = array<i32>} : memref<56x224xf32, #tpu.memory_space<vmem>>, vector<16xf32>,
        tpu.vector_store %arg9[%swap3A_704, %swap3A_705], %sub3A_701 {strides = array<i32>} : memref<56x224xf32, #tpu.memory_space<vmem>>, vector<16xf32>,
        %convert_element_type3A_707 = arith.fptosi %sub3A_701 : vector<16xf32> to vector<16xi32>
        %add3A_708 = arith.addi %convert_element_type3A_707, %add3A_148 : vector<16xi32>
        tpu.vector_store_idx %arg13[%add3A_708], %broadcast_in_dim3A_6 {add = true} : memref<12288xf32, #tpu.memory_space<vmem>>[vector<16xi32>], vector<16xf32>,
        %bitcast3A_709 = vector.bitcast %convert_element_type3A_707 : vector<16xi32> to vector<16xi32>
        %add3A_710 = arith.constant 1 : i32
        %add3A_711 = arith.addi %mul3A_279, %add3A_710 : i32
        %get3A_712 = arith.index_cast %add3A_711 : i32 to index
        %get3A_713 = arith.constant 64 : index
        %get3A_714 = tpu.vector_load %arg7[%get3A_712, %get3A_713] {strides = array<i32>} : memref<56x224xf32, #tpu.memory_space<vmem>>, vector<16xf32>,
        %min3A_715 = arith.constant 2.550000e+02 : f32
        %min3A_716 = vector.broadcast %min3A_715 : f32 to vector<16xf32>
        %min3A_717 = arith.minimumf %get3A_714, %min3A_716 : vector<16xf32>
        %add3A_718 = arith.constant 0x4B000000 : f32
        %add3A_719 = vector.broadcast %add3A_718 : f32 to vector<16xf32>
        %add3A_720 = arith.addf %min3A_717, %add3A_719 : vector<16xf32>
        %sub3A_721 = arith.constant 0x4B000000 : f32
        %sub3A_722 = vector.broadcast %sub3A_721 : f32 to vector<16xf32>
        %sub3A_723 = arith.subf %add3A_720, %sub3A_722 : vector<16xf32>
        %add3A_724 = arith.constant 1 : i32
        %add3A_725 = arith.addi %mul3A_279, %add3A_724 : i32
        %swap3A_726 = arith.index_cast %add3A_725 : i32 to index
        %swap3A_727 = arith.constant 64 : index
        %swap3A_728 = tpu.vector_load %arg9[%swap3A_726, %swap3A_727] {strides = array<i32>} : memref<56x224xf32, #tpu.memory_space<vmem>>, vector<16xf32>,
        tpu.vector_store %arg9[%swap3A_726, %swap3A_727], %sub3A_723 {strides = array<i32>} : memref<56x224xf32, #tpu.memory_space<vmem>>, vector<16xf32>,
        %convert_element_type3A_729 = arith.fptosi %sub3A_723 : vector<16xf32> to vector<16xi32>
        %add3A_730 = arith.addi %convert_element_type3A_729, %add3A_148 : vector<16xi32>
        tpu.vector_store_idx %arg13[%add3A_730], %broadcast_in_dim3A_6 {add = true} : memref<12288xf32, #tpu.memory_space<vmem>>[vector<16xi32>], vector<16xf32>,
        %bitcast3A_731 = vector.bitcast %convert_element_type3A_729 : vector<16xi32> to vector<16xi32>
        %add3A_732 = arith.constant 1 : i32
        %add3A_733 = arith.addi %mul3A_279, %add3A_732 : i32
        %get3A_734 = arith.index_cast %add3A_733 : i32 to index
        %get3A_735 = arith.constant 80 : index
        %get3A_736 = tpu.vector_load %arg7[%get3A_734, %get3A_735] {strides = array<i32>} : memref<56x224xf32, #tpu.memory_space<vmem>>, vector<16xf32>,
        %min3A_737 = arith.constant 2.550000e+02 : f32
        %min3A_738 = vector.broadcast %min3A_737 : f32 to vector<16xf32>
        %min3A_739 = arith.minimumf %get3A_736, %min3A_738 : vector<16xf32>
        %add3A_740 = arith.constant 0x4B000000 : f32
        %add3A_741 = vector.broadcast %add3A_740 : f32 to vector<16xf32>
        %add3A_742 = arith.addf %min3A_739, %add3A_741 : vector<16xf32>
        %sub3A_743 = arith.constant 0x4B000000 : f32
        %sub3A_744 = vector.broadcast %sub3A_743 : f32 to vector<16xf32>
        %sub3A_745 = arith.subf %add3A_742, %sub3A_744 : vector<16xf32>
        %add3A_746 = arith.constant 1 : i32
        %add3A_747 = arith.addi %mul3A_279, %add3A_746 : i32
        %swap3A_748 = arith.index_cast %add3A_747 : i32 to index
        %swap3A_749 = arith.constant 80 : index
        %swap3A_750 = tpu.vector_load %arg9[%swap3A_748, %swap3A_749] {strides = array<i32>} : memref<56x224xf32, #tpu.memory_space<vmem>>, vector<16xf32>,
        tpu.vector_store %arg9[%swap3A_748, %swap3A_749], %sub3A_745 {strides = array<i32>} : memref<56x224xf32, #tpu.memory_space<vmem>>, vector<16xf32>,
        %convert_element_type3A_751 = arith.fptosi %sub3A_745 : vector<16xf32> to vector<16xi32>
        %add3A_752 = arith.addi %convert_element_type3A_751, %add3A_148 : vector<16xi32>
        tpu.vector_store_idx %arg13[%add3A_752], %broadcast_in_dim3A_6 {add = true} : memref<12288xf32, #tpu.memory_space<vmem>>[vector<16xi32>], vector<16xf32>,
        %bitcast3A_753 = vector.bitcast %convert_element_type3A_751 : vector<16xi32> to vector<16xi32>
        %pack3A_754 = tpu.pack_subelements %bitcast3A_687, %bitcast3A_709 {pack_format = #tpu.pack_format<interleaved>, positions = array<i32: 0, 1>} : vector<16xi32>, vector<16xi32> -> vector<32xi16>
        %pack3A_755 = tpu.pack_subelements %bitcast3A_731, %bitcast3A_753 {pack_format = #tpu.pack_format<interleaved>, positions = array<i32: 0, 1>} : vector<16xi32>, vector<16xi32> -> vector<32xi16>
        %pack3A_756 = tpu.pack_subelements %pack3A_754, %pack3A_755 {pack_format = #tpu.pack_format<interleaved>, positions = array<i32: 0, 1>} : vector<32xi16>, vector<32xi16> -> vector<64xi8>
        %bitcast3A_757 = vector.bitcast %pack3A_756 : vector<64xi8> to vector<16xi32>
        %mul3A_758 = arith.constant 112 : i32
        %mul3A_759 = arith.muli %scan3A_277, %mul3A_758 : i32
        %add3A_760 = arith.constant 64 : i32
        %add3A_761 = arith.addi %mul3A_759, %add3A_760 : i32
        %swap3A_762 = arith.index_cast %add3A_761 : i32 to index
        %swap3A_763 = tpu.vector_load %arg11[%swap3A_762] {strides = array<i32>} : memref<3136xi32, #tpu.memory_space<vmem>>, vector<16xi32>,
        tpu.vector_store %arg11[%swap3A_762], %bitcast3A_757 {strides = array<i32>} : memref<3136xi32, #tpu.memory_space<vmem>>, vector<16xi32>,
        %add3A_764 = arith.constant 1 : i32
        %add3A_765 = arith.addi %mul3A_279, %add3A_764 : i32
        %get3A_766 = arith.index_cast %add3A_765 : i32 to index
        %get3A_767 = arith.constant 96 : index
        %get3A_768 = tpu.vector_load %arg7[%get3A_766, %get3A_767] {strides = array<i32>} : memref<56x224xf32, #tpu.memory_space<vmem>>, vector<16xf32>,
        %min3A_769 = arith.constant 2.550000e+02 : f32
        %min3A_770 = vector.broadcast %min3A_769 : f32 to vector<16xf32>
        %min3A_771 = arith.minimumf %get3A_768, %min3A_770 : vector<16xf32>
        %add3A_772 = arith.constant 0x4B000000 : f32
        %add3A_773 = vector.broadcast %add3A_772 : f32 to vector<16xf32>
        %add3A_774 = arith.addf %min3A_771, %add3A_773 : vector<16xf32>
        %sub3A_775 = arith.constant 0x4B000000 : f32
        %sub3A_776 = vector.broadcast %sub3A_775 : f32 to vector<16xf32>
        %sub3A_777 = arith.subf %add3A_774, %sub3A_776 : vector<16xf32>
        %add3A_778 = arith.constant 1 : i32
        %add3A_779 = arith.addi %mul3A_279, %add3A_778 : i32
        %swap3A_780 = arith.index_cast %add3A_779 : i32 to index
        %swap3A_781 = arith.constant 96 : index
        %swap3A_782 = tpu.vector_load %arg9[%swap3A_780, %swap3A_781] {strides = array<i32>} : memref<56x224xf32, #tpu.memory_space<vmem>>, vector<16xf32>,
        tpu.vector_store %arg9[%swap3A_780, %swap3A_781], %sub3A_777 {strides = array<i32>} : memref<56x224xf32, #tpu.memory_space<vmem>>, vector<16xf32>,
        %convert_element_type3A_783 = arith.fptosi %sub3A_777 : vector<16xf32> to vector<16xi32>
        %add3A_784 = arith.addi %convert_element_type3A_783, %add3A_148 : vector<16xi32>
        tpu.vector_store_idx %arg13[%add3A_784], %broadcast_in_dim3A_6 {add = true} : memref<12288xf32, #tpu.memory_space<vmem>>[vector<16xi32>], vector<16xf32>,
        %bitcast3A_785 = vector.bitcast %convert_element_type3A_783 : vector<16xi32> to vector<16xi32>
        %add3A_786 = arith.constant 1 : i32
        %add3A_787 = arith.addi %mul3A_279, %add3A_786 : i32
        %get3A_788 = arith.index_cast %add3A_787 : i32 to index
        %get3A_789 = arith.constant 112 : index
        %get3A_790 = tpu.vector_load %arg7[%get3A_788, %get3A_789] {strides = array<i32>} : memref<56x224xf32, #tpu.memory_space<vmem>>, vector<16xf32>,
        %min3A_791 = arith.constant 2.550000e+02 : f32
        %min3A_792 = vector.broadcast %min3A_791 : f32 to vector<16xf32>
        %min3A_793 = arith.minimumf %get3A_790, %min3A_792 : vector<16xf32>
        %add3A_794 = arith.constant 0x4B000000 : f32
        %add3A_795 = vector.broadcast %add3A_794 : f32 to vector<16xf32>
        %add3A_796 = arith.addf %min3A_793, %add3A_795 : vector<16xf32>
        %sub3A_797 = arith.constant 0x4B000000 : f32
        %sub3A_798 = vector.broadcast %sub3A_797 : f32 to vector<16xf32>
        %sub3A_799 = arith.subf %add3A_796, %sub3A_798 : vector<16xf32>
        %add3A_800 = arith.constant 1 : i32
        %add3A_801 = arith.addi %mul3A_279, %add3A_800 : i32
        %swap3A_802 = arith.index_cast %add3A_801 : i32 to index
        %swap3A_803 = arith.constant 112 : index
        %swap3A_804 = tpu.vector_load %arg9[%swap3A_802, %swap3A_803] {strides = array<i32>} : memref<56x224xf32, #tpu.memory_space<vmem>>, vector<16xf32>,
        tpu.vector_store %arg9[%swap3A_802, %swap3A_803], %sub3A_799 {strides = array<i32>} : memref<56x224xf32, #tpu.memory_space<vmem>>, vector<16xf32>,
        %convert_element_type3A_805 = arith.fptosi %sub3A_799 : vector<16xf32> to vector<16xi32>
        %add3A_806 = arith.addi %convert_element_type3A_805, %add3A_148 : vector<16xi32>
        tpu.vector_store_idx %arg13[%add3A_806], %broadcast_in_dim3A_6 {add = true} : memref<12288xf32, #tpu.memory_space<vmem>>[vector<16xi32>], vector<16xf32>,
        %bitcast3A_807 = vector.bitcast %convert_element_type3A_805 : vector<16xi32> to vector<16xi32>
        %add3A_808 = arith.constant 1 : i32
        %add3A_809 = arith.addi %mul3A_279, %add3A_808 : i32
        %get3A_810 = arith.index_cast %add3A_809 : i32 to index
        %get3A_811 = arith.constant 128 : index
        %get3A_812 = tpu.vector_load %arg7[%get3A_810, %get3A_811] {strides = array<i32>} : memref<56x224xf32, #tpu.memory_space<vmem>>, vector<16xf32>,
        %min3A_813 = arith.constant 2.550000e+02 : f32
        %min3A_814 = vector.broadcast %min3A_813 : f32 to vector<16xf32>
        %min3A_815 = arith.minimumf %get3A_812, %min3A_814 : vector<16xf32>
        %add3A_816 = arith.constant 0x4B000000 : f32
        %add3A_817 = vector.broadcast %add3A_816 : f32 to vector<16xf32>
        %add3A_818 = arith.addf %min3A_815, %add3A_817 : vector<16xf32>
        %sub3A_819 = arith.constant 0x4B000000 : f32
        %sub3A_820 = vector.broadcast %sub3A_819 : f32 to vector<16xf32>
        %sub3A_821 = arith.subf %add3A_818, %sub3A_820 : vector<16xf32>
        %add3A_822 = arith.constant 1 : i32
        %add3A_823 = arith.addi %mul3A_279, %add3A_822 : i32
        %swap3A_824 = arith.index_cast %add3A_823 : i32 to index
        %swap3A_825 = arith.constant 128 : index
        %swap3A_826 = tpu.vector_load %arg9[%swap3A_824, %swap3A_825] {strides = array<i32>} : memref<56x224xf32, #tpu.memory_space<vmem>>, vector<16xf32>,
        tpu.vector_store %arg9[%swap3A_824, %swap3A_825], %sub3A_821 {strides = array<i32>} : memref<56x224xf32, #tpu.memory_space<vmem>>, vector<16xf32>,
        %convert_element_type3A_827 = arith.fptosi %sub3A_821 : vector<16xf32> to vector<16xi32>
        %add3A_828 = arith.addi %convert_element_type3A_827, %add3A_148 : vector<16xi32>
        tpu.vector_store_idx %arg13[%add3A_828], %broadcast_in_dim3A_6 {add = true} : memref<12288xf32, #tpu.memory_space<vmem>>[vector<16xi32>], vector<16xf32>,
        %bitcast3A_829 = vector.bitcast %convert_element_type3A_827 : vector<16xi32> to vector<16xi32>
        %add3A_830 = arith.constant 1 : i32
        %add3A_831 = arith.addi %mul3A_279, %add3A_830 : i32
        %get3A_832 = arith.index_cast %add3A_831 : i32 to index
        %get3A_833 = arith.constant 144 : index
        %get3A_834 = tpu.vector_load %arg7[%get3A_832, %get3A_833] {strides = array<i32>} : memref<56x224xf32, #tpu.memory_space<vmem>>, vector<16xf32>,
        %min3A_835 = arith.constant 2.550000e+02 : f32
        %min3A_836 = vector.broadcast %min3A_835 : f32 to vector<16xf32>
        %min3A_837 = arith.minimumf %get3A_834, %min3A_836 : vector<16xf32>
        %add3A_838 = arith.constant 0x4B000000 : f32
        %add3A_839 = vector.broadcast %add3A_838 : f32 to vector<16xf32>
        %add3A_840 = arith.addf %min3A_837, %add3A_839 : vector<16xf32>
        %sub3A_841 = arith.constant 0x4B000000 : f32
        %sub3A_842 = vector.broadcast %sub3A_841 : f32 to vector<16xf32>
        %sub3A_843 = arith.subf %add3A_840, %sub3A_842 : vector<16xf32>
        %add3A_844 = arith.constant 1 : i32
        %add3A_845 = arith.addi %mul3A_279, %add3A_844 : i32
        %swap3A_846 = arith.index_cast %add3A_845 : i32 to index
        %swap3A_847 = arith.constant 144 : index
        %swap3A_848 = tpu.vector_load %arg9[%swap3A_846, %swap3A_847] {strides = array<i32>} : memref<56x224xf32, #tpu.memory_space<vmem>>, vector<16xf32>,
        tpu.vector_store %arg9[%swap3A_846, %swap3A_847], %sub3A_843 {strides = array<i32>} : memref<56x224xf32, #tpu.memory_space<vmem>>, vector<16xf32>,
        %convert_element_type3A_849 = arith.fptosi %sub3A_843 : vector<16xf32> to vector<16xi32>
        %add3A_850 = arith.addi %convert_element_type3A_849, %add3A_148 : vector<16xi32>
        tpu.vector_store_idx %arg13[%add3A_850], %broadcast_in_dim3A_6 {add = true} : memref<12288xf32, #tpu.memory_space<vmem>>[vector<16xi32>], vector<16xf32>,
        %bitcast3A_851 = vector.bitcast %convert_element_type3A_849 : vector<16xi32> to vector<16xi32>
        %pack3A_852 = tpu.pack_subelements %bitcast3A_785, %bitcast3A_807 {pack_format = #tpu.pack_format<interleaved>, positions = array<i32: 0, 1>} : vector<16xi32>, vector<16xi32> -> vector<32xi16>
        %pack3A_853 = tpu.pack_subelements %bitcast3A_829, %bitcast3A_851 {pack_format = #tpu.pack_format<interleaved>, positions = array<i32: 0, 1>} : vector<16xi32>, vector<16xi32> -> vector<32xi16>
        %pack3A_854 = tpu.pack_subelements %pack3A_852, %pack3A_853 {pack_format = #tpu.pack_format<interleaved>, positions = array<i32: 0, 1>} : vector<32xi16>, vector<32xi16> -> vector<64xi8>
        %bitcast3A_855 = vector.bitcast %pack3A_854 : vector<64xi8> to vector<16xi32>
        %mul3A_856 = arith.constant 112 : i32
        %mul3A_857 = arith.muli %scan3A_277, %mul3A_856 : i32
        %add3A_858 = arith.constant 80 : i32
        %add3A_859 = arith.addi %mul3A_857, %add3A_858 : i32
        %swap3A_860 = arith.index_cast %add3A_859 : i32 to index
        %swap3A_861 = tpu.vector_load %arg11[%swap3A_860] {strides = array<i32>} : memref<3136xi32, #tpu.memory_space<vmem>>, vector<16xi32>,
        tpu.vector_store %arg11[%swap3A_860], %bitcast3A_855 {strides = array<i32>} : memref<3136xi32, #tpu.memory_space<vmem>>, vector<16xi32>,
        %add3A_862 = arith.constant 1 : i32
        %add3A_863 = arith.addi %mul3A_279, %add3A_862 : i32
        %get3A_864 = arith.index_cast %add3A_863 : i32 to index
        %get3A_865 = arith.constant 160 : index
        %get3A_866 = tpu.vector_load %arg7[%get3A_864, %get3A_865] {strides = array<i32>} : memref<56x224xf32, #tpu.memory_space<vmem>>, vector<16xf32>,
        %min3A_867 = arith.constant 2.550000e+02 : f32
        %min3A_868 = vector.broadcast %min3A_867 : f32 to vector<16xf32>
        %min3A_869 = arith.minimumf %get3A_866, %min3A_868 : vector<16xf32>
        %add3A_870 = arith.constant 0x4B000000 : f32
        %add3A_871 = vector.broadcast %add3A_870 : f32 to vector<16xf32>
        %add3A_872 = arith.addf %min3A_869, %add3A_871 : vector<16xf32>
        %sub3A_873 = arith.constant 0x4B000000 : f32
        %sub3A_874 = vector.broadcast %sub3A_873 : f32 to vector<16xf32>
        %sub3A_875 = arith.subf %add3A_872, %sub3A_874 : vector<16xf32>
        %add3A_876 = arith.constant 1 : i32
        %add3A_877 = arith.addi %mul3A_279, %add3A_876 : i32
        %swap3A_878 = arith.index_cast %add3A_877 : i32 to index
        %swap3A_879 = arith.constant 160 : index
        %swap3A_880 = tpu.vector_load %arg9[%swap3A_878, %swap3A_879] {strides = array<i32>} : memref<56x224xf32, #tpu.memory_space<vmem>>, vector<16xf32>,
        tpu.vector_store %arg9[%swap3A_878, %swap3A_879], %sub3A_875 {strides = array<i32>} : memref<56x224xf32, #tpu.memory_space<vmem>>, vector<16xf32>,
        %convert_element_type3A_881 = arith.fptosi %sub3A_875 : vector<16xf32> to vector<16xi32>
        %add3A_882 = arith.addi %convert_element_type3A_881, %add3A_148 : vector<16xi32>
        tpu.vector_store_idx %arg13[%add3A_882], %broadcast_in_dim3A_6 {add = true} : memref<12288xf32, #tpu.memory_space<vmem>>[vector<16xi32>], vector<16xf32>,
        %bitcast3A_883 = vector.bitcast %convert_element_type3A_881 : vector<16xi32> to vector<16xi32>
        %add3A_884 = arith.constant 1 : i32
        %add3A_885 = arith.addi %mul3A_279, %add3A_884 : i32
        %get3A_886 = arith.index_cast %add3A_885 : i32 to index
        %get3A_887 = arith.constant 176 : index
        %get3A_888 = tpu.vector_load %arg7[%get3A_886, %get3A_887] {strides = array<i32>} : memref<56x224xf32, #tpu.memory_space<vmem>>, vector<16xf32>,
        %min3A_889 = arith.constant 2.550000e+02 : f32
        %min3A_890 = vector.broadcast %min3A_889 : f32 to vector<16xf32>
        %min3A_891 = arith.minimumf %get3A_888, %min3A_890 : vector<16xf32>
        %add3A_892 = arith.constant 0x4B000000 : f32
        %add3A_893 = vector.broadcast %add3A_892 : f32 to vector<16xf32>
        %add3A_894 = arith.addf %min3A_891, %add3A_893 : vector<16xf32>
        %sub3A_895 = arith.constant 0x4B000000 : f32
        %sub3A_896 = vector.broadcast %sub3A_895 : f32 to vector<16xf32>
        %sub3A_897 = arith.subf %add3A_894, %sub3A_896 : vector<16xf32>
        %add3A_898 = arith.constant 1 : i32
        %add3A_899 = arith.addi %mul3A_279, %add3A_898 : i32
        %swap3A_900 = arith.index_cast %add3A_899 : i32 to index
        %swap3A_901 = arith.constant 176 : index
        %swap3A_902 = tpu.vector_load %arg9[%swap3A_900, %swap3A_901] {strides = array<i32>} : memref<56x224xf32, #tpu.memory_space<vmem>>, vector<16xf32>,
        tpu.vector_store %arg9[%swap3A_900, %swap3A_901], %sub3A_897 {strides = array<i32>} : memref<56x224xf32, #tpu.memory_space<vmem>>, vector<16xf32>,
        %convert_element_type3A_903 = arith.fptosi %sub3A_897 : vector<16xf32> to vector<16xi32>
        %add3A_904 = arith.addi %convert_element_type3A_903, %add3A_148 : vector<16xi32>
        tpu.vector_store_idx %arg13[%add3A_904], %broadcast_in_dim3A_6 {add = true} : memref<12288xf32, #tpu.memory_space<vmem>>[vector<16xi32>], vector<16xf32>,
        %bitcast3A_905 = vector.bitcast %convert_element_type3A_903 : vector<16xi32> to vector<16xi32>
        %add3A_906 = arith.constant 1 : i32
        %add3A_907 = arith.addi %mul3A_279, %add3A_906 : i32
        %get3A_908 = arith.index_cast %add3A_907 : i32 to index
        %get3A_909 = arith.constant 192 : index
        %get3A_910 = tpu.vector_load %arg7[%get3A_908, %get3A_909] {strides = array<i32>} : memref<56x224xf32, #tpu.memory_space<vmem>>, vector<16xf32>,
        %min3A_911 = arith.constant 2.550000e+02 : f32
        %min3A_912 = vector.broadcast %min3A_911 : f32 to vector<16xf32>
        %min3A_913 = arith.minimumf %get3A_910, %min3A_912 : vector<16xf32>
        %add3A_914 = arith.constant 0x4B000000 : f32
        %add3A_915 = vector.broadcast %add3A_914 : f32 to vector<16xf32>
        %add3A_916 = arith.addf %min3A_913, %add3A_915 : vector<16xf32>
        %sub3A_917 = arith.constant 0x4B000000 : f32
        %sub3A_918 = vector.broadcast %sub3A_917 : f32 to vector<16xf32>
        %sub3A_919 = arith.subf %add3A_916, %sub3A_918 : vector<16xf32>
        %add3A_920 = arith.constant 1 : i32
        %add3A_921 = arith.addi %mul3A_279, %add3A_920 : i32
        %swap3A_922 = arith.index_cast %add3A_921 : i32 to index
        %swap3A_923 = arith.constant 192 : index
        %swap3A_924 = tpu.vector_load %arg9[%swap3A_922, %swap3A_923] {strides = array<i32>} : memref<56x224xf32, #tpu.memory_space<vmem>>, vector<16xf32>,
        tpu.vector_store %arg9[%swap3A_922, %swap3A_923], %sub3A_919 {strides = array<i32>} : memref<56x224xf32, #tpu.memory_space<vmem>>, vector<16xf32>,
        %convert_element_type3A_925 = arith.fptosi %sub3A_919 : vector<16xf32> to vector<16xi32>
        %add3A_926 = arith.addi %convert_element_type3A_925, %add3A_148 : vector<16xi32>
        tpu.vector_store_idx %arg13[%add3A_926], %broadcast_in_dim3A_6 {add = true} : memref<12288xf32, #tpu.memory_space<vmem>>[vector<16xi32>], vector<16xf32>,
        %bitcast3A_927 = vector.bitcast %convert_element_type3A_925 : vector<16xi32> to vector<16xi32>
        %add3A_928 = arith.constant 1 : i32
        %add3A_929 = arith.addi %mul3A_279, %add3A_928 : i32
        %get3A_930 = arith.index_cast %add3A_929 : i32 to index
        %get3A_931 = arith.constant 208 : index
        %get3A_932 = tpu.vector_load %arg7[%get3A_930, %get3A_931] {strides = array<i32>} : memref<56x224xf32, #tpu.memory_space<vmem>>, vector<16xf32>,
        %min3A_933 = arith.constant 2.550000e+02 : f32
        %min3A_934 = vector.broadcast %min3A_933 : f32 to vector<16xf32>
        %min3A_935 = arith.minimumf %get3A_932, %min3A_934 : vector<16xf32>
        %add3A_936 = arith.constant 0x4B000000 : f32
        %add3A_937 = vector.broadcast %add3A_936 : f32 to vector<16xf32>
        %add3A_938 = arith.addf %min3A_935, %add3A_937 : vector<16xf32>
        %sub3A_939 = arith.constant 0x4B000000 : f32
        %sub3A_940 = vector.broadcast %sub3A_939 : f32 to vector<16xf32>
        %sub3A_941 = arith.subf %add3A_938, %sub3A_940 : vector<16xf32>
        %add3A_942 = arith.constant 1 : i32
        %add3A_943 = arith.addi %mul3A_279, %add3A_942 : i32
        %swap3A_944 = arith.index_cast %add3A_943 : i32 to index
        %swap3A_945 = arith.constant 208 : index
        %swap3A_946 = tpu.vector_load %arg9[%swap3A_944, %swap3A_945] {strides = array<i32>} : memref<56x224xf32, #tpu.memory_space<vmem>>, vector<16xf32>,
        tpu.vector_store %arg9[%swap3A_944, %swap3A_945], %sub3A_941 {strides = array<i32>} : memref<56x224xf32, #tpu.memory_space<vmem>>, vector<16xf32>,
        %convert_element_type3A_947 = arith.fptosi %sub3A_941 : vector<16xf32> to vector<16xi32>
        %add3A_948 = arith.addi %convert_element_type3A_947, %add3A_148 : vector<16xi32>
        tpu.vector_store_idx %arg13[%add3A_948], %broadcast_in_dim3A_6 {add = true} : memref<12288xf32, #tpu.memory_space<vmem>>[vector<16xi32>], vector<16xf32>,
        %bitcast3A_949 = vector.bitcast %convert_element_type3A_947 : vector<16xi32> to vector<16xi32>
        %pack3A_950 = tpu.pack_subelements %bitcast3A_883, %bitcast3A_905 {pack_format = #tpu.pack_format<interleaved>, positions = array<i32: 0, 1>} : vector<16xi32>, vector<16xi32> -> vector<32xi16>
        %pack3A_951 = tpu.pack_subelements %bitcast3A_927, %bitcast3A_949 {pack_format = #tpu.pack_format<interleaved>, positions = array<i32: 0, 1>} : vector<16xi32>, vector<16xi32> -> vector<32xi16>
        %pack3A_952 = tpu.pack_subelements %pack3A_950, %pack3A_951 {pack_format = #tpu.pack_format<interleaved>, positions = array<i32: 0, 1>} : vector<32xi16>, vector<32xi16> -> vector<64xi8>
        %bitcast3A_953 = vector.bitcast %pack3A_952 : vector<64xi8> to vector<16xi32>
        %mul3A_954 = arith.constant 112 : i32
        %mul3A_955 = arith.muli %scan3A_277, %mul3A_954 : i32
        %add3A_956 = arith.constant 96 : i32
        %add3A_957 = arith.addi %mul3A_955, %add3A_956 : i32
        %swap3A_958 = arith.index_cast %add3A_957 : i32 to index
        %swap3A_959 = tpu.vector_load %arg11[%swap3A_958] {strides = array<i32>} : memref<3136xi32, #tpu.memory_space<vmem>>, vector<16xi32>,
        tpu.vector_store %arg11[%swap3A_958], %bitcast3A_953 {strides = array<i32>} : memref<3136xi32, #tpu.memory_space<vmem>>, vector<16xi32>,
      }
      %scan3A_153 = arith.constant 28 : i32
      %add3A_154 = arith.constant 2 : i32
      %add3A_155 = arith.addi %mul3A_118, %add3A_154 : i32
      %lt3A = arith.constant 48 : i32
      %lt3A_156 = arith.cmpi slt, %add3A_155, %lt3A : i32
      %convert_element_type3A_157 = arith.extui %lt3A_156 : i1 to i32
      %cond3A_158 = arith.constant 0 : i32
      %cond3A_159 = arith.cmpi ne, %convert_element_type3A_157, %cond3A_158 : i32
      scf.if %cond3A_159 {
        %add3A_277 = arith.constant 2 : i32
        %add3A_278 = arith.addi %mul3A_118, %add3A_277 : i32
        %shift_right_arithmetic3A_279 = arith.constant 4 : i32
        %shift_right_arithmetic3A_280 = arith.shrsi %add3A_278, %shift_right_arithmetic3A_279 : i32
        %and3A_281 = arith.constant 15 : i32
        %and3A_282 = arith.andi %add3A_278, %and3A_281 : i32
        %shift_right_arithmetic3A_283 = arith.constant 2 : i32
        %shift_right_arithmetic3A_284 = arith.shrsi %and3A_282, %shift_right_arithmetic3A_283 : i32
        %and3A_285 = arith.constant 3 : i32
        %and3A_286 = arith.andi %and3A_282, %and3A_285 : i32
        %add3A_287 = arith.addi %mul3A_2, %shift_right_arithmetic3A_280 : i32
        %mul3A_288 = arith.constant 56 : i32
        %mul3A_289 = arith.muli %and3A_286, %mul3A_288 : i32
        %dma_start3A_290 = arith.constant 0 : i32
        %dma_start3A_291 = tpu.memref_slice %arg2[%shift_right_arithmetic3A_284, %add3A_287, %mul3A_289, %dma_start3A_290] : memref<4x96x224x224xf32, #tpu.memory_space<hbm>> -> memref<1x1x56x224xf32, #tpu.memory_space<hbm>>
        %dma_start3A_292 = tpu.memref_squeeze %dma_start3A_291 : memref<1x1x56x224xf32, #tpu.memory_space<hbm>> -> memref<56x224xf32, #tpu.memory_space<hbm>>
        %dma_start3A_293 = arith.constant 0 : i32
        %dma_start3A_294 = tpu.memref_slice %arg2[%shift_right_arithmetic3A_284, %add3A_287, %mul3A_289, %dma_start3A_293] : memref<4x96x224x224xf32, #tpu.memory_space<hbm>> -> memref<1x1x56x224xf32, #tpu.memory_space<hbm>>
        %dma_start3A_295 = tpu.memref_squeeze %dma_start3A_294 : memref<1x1x56x224xf32, #tpu.memory_space<hbm>> -> memref<56x224xf32, #tpu.memory_space<hbm>>
        tpu.enqueue_dma source(%dma_start3A_295 : memref<56x224xf32, #tpu.memory_space<hbm>>) target(%arg7 : memref<56x224xf32, #tpu.memory_space<vmem>>) target_semaphore(%arg16 : memref<!tpu.dma_semaphore, #tpu.memory_space<semaphore_mem>>)
      } else {
      }
      %shift_right_arithmetic3A_160 = arith.constant 4 : i32
      %shift_right_arithmetic3A_161 = arith.shrsi %mul3A_118, %shift_right_arithmetic3A_160 : i32
      %and3A_162 = arith.constant 15 : i32
      %and3A_163 = arith.andi %mul3A_118, %and3A_162 : i32
      %shift_right_arithmetic3A_164 = arith.constant 2 : i32
      %shift_right_arithmetic3A_165 = arith.shrsi %and3A_163, %shift_right_arithmetic3A_164 : i32
      %and3A_166 = arith.constant 3 : i32
      %and3A_167 = arith.andi %and3A_163, %and3A_166 : i32
      %add3A_168 = arith.addi %mul3A_2, %shift_right_arithmetic3A_161 : i32
      %mul3A_169 = arith.constant 56 : i32
      %mul3A_170 = arith.muli %and3A_167, %mul3A_169 : i32
      %dma_start3A_171 = arith.constant 0 : i32
      %dma_start3A_172 = tpu.memref_slice %arg4[%shift_right_arithmetic3A_165, %add3A_168, %mul3A_170, %dma_start3A_171] : memref<4x96x224x224xf32, #tpu.memory_space<hbm>> -> memref<1x1x56x224xf32, #tpu.memory_space<hbm>>
      %dma_start3A_173 = tpu.memref_squeeze %dma_start3A_172 : memref<1x1x56x224xf32, #tpu.memory_space<hbm>> -> memref<56x224xf32, #tpu.memory_space<hbm>>
      %dma_start3A_174 = arith.constant 0 : i32
      %dma_start3A_175 = tpu.memref_slice %arg4[%shift_right_arithmetic3A_165, %add3A_168, %mul3A_170, %dma_start3A_174] : memref<4x96x224x224xf32, #tpu.memory_space<hbm>> -> memref<1x1x56x224xf32, #tpu.memory_space<hbm>>
      %dma_start3A_176 = tpu.memref_squeeze %dma_start3A_175 : memref<1x1x56x224xf32, #tpu.memory_space<hbm>> -> memref<56x224xf32, #tpu.memory_space<hbm>>
      tpu.enqueue_dma source(%arg9 : memref<56x224xf32, #tpu.memory_space<vmem>>) target(%dma_start3A_176 : memref<56x224xf32, #tpu.memory_space<hbm>>) target_semaphore(%arg18 : memref<!tpu.dma_semaphore, #tpu.memory_space<semaphore_mem>>)
      %shift_right_arithmetic3A_177 = arith.constant 4 : i32
      %shift_right_arithmetic3A_178 = arith.shrsi %mul3A_118, %shift_right_arithmetic3A_177 : i32
      %and3A_179 = arith.constant 15 : i32
      %and3A_180 = arith.andi %mul3A_118, %and3A_179 : i32
      %shift_right_arithmetic3A_181 = arith.constant 2 : i32
      %shift_right_arithmetic3A_182 = arith.shrsi %and3A_180, %shift_right_arithmetic3A_181 : i32
      %and3A_183 = arith.constant 3 : i32
      %and3A_184 = arith.andi %and3A_180, %and3A_183 : i32
      %add3A_185 = arith.addi %mul3A_2, %shift_right_arithmetic3A_178 : i32
      %mul3A_186 = arith.constant 96 : i32
      %mul3A_187 = arith.muli %shift_right_arithmetic3A_182, %mul3A_186 : i32
      %add3A_188 = arith.addi %mul3A_187, %add3A_185 : i32
      %mul3A_189 = arith.constant 12544 : i32
      %mul3A_190 = arith.muli %add3A_188, %mul3A_189 : i32
      %mul3A_191 = arith.constant 3136 : i32
      %mul3A_192 = arith.muli %and3A_184, %mul3A_191 : i32
      %add3A_193 = arith.addi %mul3A_190, %mul3A_192 : i32
      %dma_start3A_194 = tpu.memref_slice %arg6[%add3A_193] : memref<4816896xi32, #tpu.memory_space<hbm>> -> memref<3136xi32, #tpu.memory_space<hbm>>
      %dma_start3A_195 = tpu.memref_slice %arg6[%add3A_193] : memref<4816896xi32, #tpu.memory_space<hbm>> -> memref<3136xi32, #tpu.memory_space<hbm>>
      tpu.enqueue_dma source(%arg11 : memref<3136xi32, #tpu.memory_space<vmem>>) target(%dma_start3A_195 : memref<3136xi32, #tpu.memory_space<hbm>>) target_semaphore(%arg20 : memref<!tpu.dma_semaphore, #tpu.memory_space<semaphore_mem>>)
      %dma_wait3A_196 = arith.constant 0 : i32
      %dma_wait3A_197 = arith.constant 0 : i32
      %dma_wait3A_198 = arith.constant 0 : i32
      %dma_wait3A_199 = arith.constant 0 : i32
      %dma_wait3A_200 = tpu.memref_slice %arg2[%dma_wait3A_196, %dma_wait3A_197, %dma_wait3A_198, %dma_wait3A_199] : memref<4x96x224x224xf32, #tpu.memory_space<hbm>> -> memref<1x1x56x224xf32, #tpu.memory_space<hbm>>
      %dma_wait3A_201 = tpu.memref_squeeze %dma_wait3A_200 : memref<1x1x56x224xf32, #tpu.memory_space<hbm>> -> memref<56x224xf32, #tpu.memory_space<hbm>>
      %dma_wait3A_202 = arith.constant 0 : i32
      %dma_wait3A_203 = arith.constant 0 : i32
      %dma_wait3A_204 = tpu.memref_slice %arg2[%dma_wait3A_196, %dma_wait3A_197, %dma_wait3A_202, %dma_wait3A_203] : memref<4x96x224x224xf32, #tpu.memory_space<hbm>> -> memref<1x1x56x224xf32, #tpu.memory_space<hbm>>
      %dma_wait3A_205 = tpu.memref_squeeze %dma_wait3A_204 : memref<1x1x56x224xf32, #tpu.memory_space<hbm>> -> memref<56x224xf32, #tpu.memory_space<hbm>>
      tpu.wait_dma2 semaphore(%arg17 : memref<!tpu.dma_semaphore, #tpu.memory_space<semaphore_mem>>) src(%dma_wait3A_205 : memref<56x224xf32, #tpu.memory_space<hbm>>) dst(%arg8 : memref<56x224xf32, #tpu.memory_space<vmem>>)
      %gt3A_206 = arith.constant 0 : i32
      %gt3A_207 = arith.cmpi sgt, %scan3A_116, %gt3A_206 : i32
      %convert_element_type3A_208 = arith.extui %gt3A_207 : i1 to i32
      %cond3A_209 = arith.constant 0 : i32
      %cond3A_210 = arith.cmpi ne, %convert_element_type3A_208, %cond3A_209 : i32
      scf.if %cond3A_210 {
        %dma_wait3A_277 = arith.constant 0 : i32
        %dma_wait3A_278 = arith.constant 0 : i32
        %dma_wait3A_279 = arith.constant 0 : i32
        %dma_wait3A_280 = arith.constant 0 : i32
        %dma_wait3A_281 = tpu.memref_slice %arg4[%dma_wait3A_277, %dma_wait3A_278, %dma_wait3A_279, %dma_wait3A_280] : memref<4x96x224x224xf32, #tpu.memory_space<hbm>> -> memref<1x1x56x224xf32, #tpu.memory_space<hbm>>
        %dma_wait3A_282 = tpu.memref_squeeze %dma_wait3A_281 : memref<1x1x56x224xf32, #tpu.memory_space<hbm>> -> memref<56x224xf32, #tpu.memory_space<hbm>>
        %dma_wait3A_283 = arith.constant 0 : i32
        %dma_wait3A_284 = arith.constant 0 : i32
        %dma_wait3A_285 = tpu.memref_slice %arg4[%dma_wait3A_277, %dma_wait3A_278, %dma_wait3A_283, %dma_wait3A_284] : memref<4x96x224x224xf32, #tpu.memory_space<hbm>> -> memref<1x1x56x224xf32, #tpu.memory_space<hbm>>
        %dma_wait3A_286 = tpu.memref_squeeze %dma_wait3A_285 : memref<1x1x56x224xf32, #tpu.memory_space<hbm>> -> memref<56x224xf32, #tpu.memory_space<hbm>>
        tpu.wait_dma2 semaphore(%arg19 : memref<!tpu.dma_semaphore, #tpu.memory_space<semaphore_mem>>) src(%dma_wait3A_286 : memref<56x224xf32, #tpu.memory_space<hbm>>) dst(%arg10 : memref<56x224xf32, #tpu.memory_space<vmem>>)
      } else {
      }
      %gt3A_211 = arith.constant 0 : i32
      %gt3A_212 = arith.cmpi sgt, %scan3A_116, %gt3A_211 : i32
      %convert_element_type3A_213 = arith.extui %gt3A_212 : i1 to i32
      %cond3A_214 = arith.constant 0 : i32
      %cond3A_215 = arith.cmpi ne, %convert_element_type3A_213, %cond3A_214 : i32
      scf.if %cond3A_215 {
        %dma_wait3A_277 = arith.constant 0 : i32
        %dma_wait3A_278 = tpu.memref_slice %arg6[%dma_wait3A_277] : memref<4816896xi32, #tpu.memory_space<hbm>> -> memref<3136xi32, #tpu.memory_space<hbm>>
        %dma_wait3A_279 = arith.constant 0 : i32
        %dma_wait3A_280 = tpu.memref_slice %arg6[%dma_wait3A_279] : memref<4816896xi32, #tpu.memory_space<hbm>> -> memref<3136xi32, #tpu.memory_space<hbm>>
        tpu.wait_dma2 semaphore(%arg21 : memref<!tpu.dma_semaphore, #tpu.memory_space<semaphore_mem>>) src(%dma_wait3A_280 : memref<3136xi32, #tpu.memory_space<hbm>>) dst(%arg12 : memref<3136xi32, #tpu.memory_space<vmem>>)
      } else {
      }
      %shift_right_arithmetic3A_216 = arith.constant 4 : i32
      %shift_right_arithmetic3A_217 = arith.shrsi %add3A_120, %shift_right_arithmetic3A_216 : i32
      %and3A_218 = arith.constant 15 : i32
      %and3A_219 = arith.andi %add3A_120, %and3A_218 : i32
      %shift_right_arithmetic3A_220 = arith.constant 2 : i32
      %shift_right_arithmetic3A_221 = arith.shrsi %and3A_219, %shift_right_arithmetic3A_220 : i32
      %and3A_222 = arith.constant 3 : i32
      %and3A_223 = arith.andi %and3A_219, %and3A_222 : i32
      %add3A_224 = arith.addi %mul3A_2, %shift_right_arithmetic3A_217 : i32
      %mul3A_225 = arith.constant 256 : i32
      %mul3A_226 = arith.muli %shift_right_arithmetic3A_217, %mul3A_225 : i32
      %add3A_227 = vector.broadcast %mul3A_226 : i32 to vector<16xi32>
      %add3A_228 = arith.addi %mul3A_5, %add3A_227 : vector<16xi32>
      %scan3A_229 = arith.constant 0 : i32
      %scan3A_230 = arith.constant 28 : i32
      %scan3A_231 = arith.addi %scan3A_229, %scan3A_230 : i32
      %scan3A_232 = arith.constant 1 : i32
      scf.for %scan3A_277 = %scan3A_229 to %scan3A_231 step %scan3A_232  : i32 {
        %mul3A_278 = arith.constant 2 : i32
        %mul3A_279 = arith.muli %scan3A_277, %mul3A_278 : i32
        %add3A_280 = arith.constant 0 : i32
        %add3A_281 = arith.addi %mul3A_279, %add3A_280 : i32
        %get3A = arith.index_cast %add3A_281 : i32 to index
        %get3A_282 = arith.constant 0 : index
        %get3A_283 = tpu.vector_load %arg8[%get3A, %get3A_282] {strides = array<i32>} : memref<56x224xf32, #tpu.memory_space<vmem>>, vector<16xf32>,
        %min3A = arith.constant 2.550000e+02 : f32
        %min3A_284 = vector.broadcast %min3A : f32 to vector<16xf32>
        %min3A_285 = arith.minimumf %get3A_283, %min3A_284 : vector<16xf32>
        %add3A_286 = arith.constant 0x4B000000 : f32
        %add3A_287 = vector.broadcast %add3A_286 : f32 to vector<16xf32>
        %add3A_288 = arith.addf %min3A_285, %add3A_287 : vector<16xf32>
        %sub3A = arith.constant 0x4B000000 : f32
        %sub3A_289 = vector.broadcast %sub3A : f32 to vector<16xf32>
        %sub3A_290 = arith.subf %add3A_288, %sub3A_289 : vector<16xf32>
        %add3A_291 = arith.constant 0 : i32
        %add3A_292 = arith.addi %mul3A_279, %add3A_291 : i32
        %swap3A = arith.index_cast %add3A_292 : i32 to index
        %swap3A_293 = arith.constant 0 : index
        %swap3A_294 = tpu.vector_load %arg10[%swap3A, %swap3A_293] {strides = array<i32>} : memref<56x224xf32, #tpu.memory_space<vmem>>, vector<16xf32>,
        tpu.vector_store %arg10[%swap3A, %swap3A_293], %sub3A_290 {strides = array<i32>} : memref<56x224xf32, #tpu.memory_space<vmem>>, vector<16xf32>,
        %convert_element_type3A_295 = arith.fptosi %sub3A_290 : vector<16xf32> to vector<16xi32>
        %add3A_296 = arith.addi %convert_element_type3A_295, %add3A_228 : vector<16xi32>
        tpu.vector_store_idx %arg13[%add3A_296], %broadcast_in_dim3A_6 {add = true} : memref<12288xf32, #tpu.memory_space<vmem>>[vector<16xi32>], vector<16xf32>,
        %bitcast3A = vector.bitcast %convert_element_type3A_295 : vector<16xi32> to vector<16xi32>
        %add3A_297 = arith.constant 0 : i32
        %add3A_298 = arith.addi %mul3A_279, %add3A_297 : i32
        %get3A_299 = arith.index_cast %add3A_298 : i32 to index
        %get3A_300 = arith.constant 16 : index
        %get3A_301 = tpu.vector_load %arg8[%get3A_299, %get3A_300] {strides = array<i32>} : memref<56x224xf32, #tpu.memory_space<vmem>>, vector<16xf32>,
        %min3A_302 = arith.constant 2.550000e+02 : f32
        %min3A_303 = vector.broadcast %min3A_302 : f32 to vector<16xf32>
        %min3A_304 = arith.minimumf %get3A_301, %min3A_303 : vector<16xf32>
        %add3A_305 = arith.constant 0x4B000000 : f32
        %add3A_306 = vector.broadcast %add3A_305 : f32 to vector<16xf32>
        %add3A_307 = arith.addf %min3A_304, %add3A_306 : vector<16xf32>
        %sub3A_308 = arith.constant 0x4B000000 : f32
        %sub3A_309 = vector.broadcast %sub3A_308 : f32 to vector<16xf32>
        %sub3A_310 = arith.subf %add3A_307, %sub3A_309 : vector<16xf32>
        %add3A_311 = arith.constant 0 : i32
        %add3A_312 = arith.addi %mul3A_279, %add3A_311 : i32
        %swap3A_313 = arith.index_cast %add3A_312 : i32 to index
        %swap3A_314 = arith.constant 16 : index
        %swap3A_315 = tpu.vector_load %arg10[%swap3A_313, %swap3A_314] {strides = array<i32>} : memref<56x224xf32, #tpu.memory_space<vmem>>, vector<16xf32>,
        tpu.vector_store %arg10[%swap3A_313, %swap3A_314], %sub3A_310 {strides = array<i32>} : memref<56x224xf32, #tpu.memory_space<vmem>>, vector<16xf32>,
        %convert_element_type3A_316 = arith.fptosi %sub3A_310 : vector<16xf32> to vector<16xi32>
        %add3A_317 = arith.addi %convert_element_type3A_316, %add3A_228 : vector<16xi32>
        tpu.vector_store_idx %arg13[%add3A_317], %broadcast_in_dim3A_6 {add = true} : memref<12288xf32, #tpu.memory_space<vmem>>[vector<16xi32>], vector<16xf32>,
        %bitcast3A_318 = vector.bitcast %convert_element_type3A_316 : vector<16xi32> to vector<16xi32>
        %add3A_319 = arith.constant 0 : i32
        %add3A_320 = arith.addi %mul3A_279, %add3A_319 : i32
        %get3A_321 = arith.index_cast %add3A_320 : i32 to index
        %get3A_322 = arith.constant 32 : index
        %get3A_323 = tpu.vector_load %arg8[%get3A_321, %get3A_322] {strides = array<i32>} : memref<56x224xf32, #tpu.memory_space<vmem>>, vector<16xf32>,
        %min3A_324 = arith.constant 2.550000e+02 : f32
        %min3A_325 = vector.broadcast %min3A_324 : f32 to vector<16xf32>
        %min3A_326 = arith.minimumf %get3A_323, %min3A_325 : vector<16xf32>
        %add3A_327 = arith.constant 0x4B000000 : f32
        %add3A_328 = vector.broadcast %add3A_327 : f32 to vector<16xf32>
        %add3A_329 = arith.addf %min3A_326, %add3A_328 : vector<16xf32>
        %sub3A_330 = arith.constant 0x4B000000 : f32
        %sub3A_331 = vector.broadcast %sub3A_330 : f32 to vector<16xf32>
        %sub3A_332 = arith.subf %add3A_329, %sub3A_331 : vector<16xf32>
        %add3A_333 = arith.constant 0 : i32
        %add3A_334 = arith.addi %mul3A_279, %add3A_333 : i32
        %swap3A_335 = arith.index_cast %add3A_334 : i32 to index
        %swap3A_336 = arith.constant 32 : index
        %swap3A_337 = tpu.vector_load %arg10[%swap3A_335, %swap3A_336] {strides = array<i32>} : memref<56x224xf32, #tpu.memory_space<vmem>>, vector<16xf32>,
        tpu.vector_store %arg10[%swap3A_335, %swap3A_336], %sub3A_332 {strides = array<i32>} : memref<56x224xf32, #tpu.memory_space<vmem>>, vector<16xf32>,
        %convert_element_type3A_338 = arith.fptosi %sub3A_332 : vector<16xf32> to vector<16xi32>
        %add3A_339 = arith.addi %convert_element_type3A_338, %add3A_228 : vector<16xi32>
        tpu.vector_store_idx %arg13[%add3A_339], %broadcast_in_dim3A_6 {add = true} : memref<12288xf32, #tpu.memory_space<vmem>>[vector<16xi32>], vector<16xf32>,
        %bitcast3A_340 = vector.bitcast %convert_element_type3A_338 : vector<16xi32> to vector<16xi32>
        %add3A_341 = arith.constant 0 : i32
        %add3A_342 = arith.addi %mul3A_279, %add3A_341 : i32
        %get3A_343 = arith.index_cast %add3A_342 : i32 to index
        %get3A_344 = arith.constant 48 : index
        %get3A_345 = tpu.vector_load %arg8[%get3A_343, %get3A_344] {strides = array<i32>} : memref<56x224xf32, #tpu.memory_space<vmem>>, vector<16xf32>,
        %min3A_346 = arith.constant 2.550000e+02 : f32
        %min3A_347 = vector.broadcast %min3A_346 : f32 to vector<16xf32>
        %min3A_348 = arith.minimumf %get3A_345, %min3A_347 : vector<16xf32>
        %add3A_349 = arith.constant 0x4B000000 : f32
        %add3A_350 = vector.broadcast %add3A_349 : f32 to vector<16xf32>
        %add3A_351 = arith.addf %min3A_348, %add3A_350 : vector<16xf32>
        %sub3A_352 = arith.constant 0x4B000000 : f32
        %sub3A_353 = vector.broadcast %sub3A_352 : f32 to vector<16xf32>
        %sub3A_354 = arith.subf %add3A_351, %sub3A_353 : vector<16xf32>
        %add3A_355 = arith.constant 0 : i32
        %add3A_356 = arith.addi %mul3A_279, %add3A_355 : i32
        %swap3A_357 = arith.index_cast %add3A_356 : i32 to index
        %swap3A_358 = arith.constant 48 : index
        %swap3A_359 = tpu.vector_load %arg10[%swap3A_357, %swap3A_358] {strides = array<i32>} : memref<56x224xf32, #tpu.memory_space<vmem>>, vector<16xf32>,
        tpu.vector_store %arg10[%swap3A_357, %swap3A_358], %sub3A_354 {strides = array<i32>} : memref<56x224xf32, #tpu.memory_space<vmem>>, vector<16xf32>,
        %convert_element_type3A_360 = arith.fptosi %sub3A_354 : vector<16xf32> to vector<16xi32>
        %add3A_361 = arith.addi %convert_element_type3A_360, %add3A_228 : vector<16xi32>
        tpu.vector_store_idx %arg13[%add3A_361], %broadcast_in_dim3A_6 {add = true} : memref<12288xf32, #tpu.memory_space<vmem>>[vector<16xi32>], vector<16xf32>,
        %bitcast3A_362 = vector.bitcast %convert_element_type3A_360 : vector<16xi32> to vector<16xi32>
        %pack3A = tpu.pack_subelements %bitcast3A, %bitcast3A_318 {pack_format = #tpu.pack_format<interleaved>, positions = array<i32: 0, 1>} : vector<16xi32>, vector<16xi32> -> vector<32xi16>
        %pack3A_363 = tpu.pack_subelements %bitcast3A_340, %bitcast3A_362 {pack_format = #tpu.pack_format<interleaved>, positions = array<i32: 0, 1>} : vector<16xi32>, vector<16xi32> -> vector<32xi16>
        %pack3A_364 = tpu.pack_subelements %pack3A, %pack3A_363 {pack_format = #tpu.pack_format<interleaved>, positions = array<i32: 0, 1>} : vector<32xi16>, vector<32xi16> -> vector<64xi8>
        %bitcast3A_365 = vector.bitcast %pack3A_364 : vector<64xi8> to vector<16xi32>
        %mul3A_366 = arith.constant 112 : i32
        %mul3A_367 = arith.muli %scan3A_277, %mul3A_366 : i32
        %add3A_368 = arith.constant 0 : i32
        %add3A_369 = arith.addi %mul3A_367, %add3A_368 : i32
        %swap3A_370 = arith.index_cast %add3A_369 : i32 to index
        %swap3A_371 = tpu.vector_load %arg12[%swap3A_370] {strides = array<i32>} : memref<3136xi32, #tpu.memory_space<vmem>>, vector<16xi32>,
        tpu.vector_store %arg12[%swap3A_370], %bitcast3A_365 {strides = array<i32>} : memref<3136xi32, #tpu.memory_space<vmem>>, vector<16xi32>,
        %add3A_372 = arith.constant 0 : i32
        %add3A_373 = arith.addi %mul3A_279, %add3A_372 : i32
        %get3A_374 = arith.index_cast %add3A_373 : i32 to index
        %get3A_375 = arith.constant 64 : index
        %get3A_376 = tpu.vector_load %arg8[%get3A_374, %get3A_375] {strides = array<i32>} : memref<56x224xf32, #tpu.memory_space<vmem>>, vector<16xf32>,
        %min3A_377 = arith.constant 2.550000e+02 : f32
        %min3A_378 = vector.broadcast %min3A_377 : f32 to vector<16xf32>
        %min3A_379 = arith.minimumf %get3A_376, %min3A_378 : vector<16xf32>
        %add3A_380 = arith.constant 0x4B000000 : f32
        %add3A_381 = vector.broadcast %add3A_380 : f32 to vector<16xf32>
        %add3A_382 = arith.addf %min3A_379, %add3A_381 : vector<16xf32>
        %sub3A_383 = arith.constant 0x4B000000 : f32
        %sub3A_384 = vector.broadcast %sub3A_383 : f32 to vector<16xf32>
        %sub3A_385 = arith.subf %add3A_382, %sub3A_384 : vector<16xf32>
        %add3A_386 = arith.constant 0 : i32
        %add3A_387 = arith.addi %mul3A_279, %add3A_386 : i32
        %swap3A_388 = arith.index_cast %add3A_387 : i32 to index
        %swap3A_389 = arith.constant 64 : index
        %swap3A_390 = tpu.vector_load %arg10[%swap3A_388, %swap3A_389] {strides = array<i32>} : memref<56x224xf32, #tpu.memory_space<vmem>>, vector<16xf32>,
        tpu.vector_store %arg10[%swap3A_388, %swap3A_389], %sub3A_385 {strides = array<i32>} : memref<56x224xf32, #tpu.memory_space<vmem>>, vector<16xf32>,
        %convert_element_type3A_391 = arith.fptosi %sub3A_385 : vector<16xf32> to vector<16xi32>
        %add3A_392 = arith.addi %convert_element_type3A_391, %add3A_228 : vector<16xi32>
        tpu.vector_store_idx %arg13[%add3A_392], %broadcast_in_dim3A_6 {add = true} : memref<12288xf32, #tpu.memory_space<vmem>>[vector<16xi32>], vector<16xf32>,
        %bitcast3A_393 = vector.bitcast %convert_element_type3A_391 : vector<16xi32> to vector<16xi32>
        %add3A_394 = arith.constant 0 : i32
        %add3A_395 = arith.addi %mul3A_279, %add3A_394 : i32
        %get3A_396 = arith.index_cast %add3A_395 : i32 to index
        %get3A_397 = arith.constant 80 : index
        %get3A_398 = tpu.vector_load %arg8[%get3A_396, %get3A_397] {strides = array<i32>} : memref<56x224xf32, #tpu.memory_space<vmem>>, vector<16xf32>,
        %min3A_399 = arith.constant 2.550000e+02 : f32
        %min3A_400 = vector.broadcast %min3A_399 : f32 to vector<16xf32>
        %min3A_401 = arith.minimumf %get3A_398, %min3A_400 : vector<16xf32>
        %add3A_402 = arith.constant 0x4B000000 : f32
        %add3A_403 = vector.broadcast %add3A_402 : f32 to vector<16xf32>
        %add3A_404 = arith.addf %min3A_401, %add3A_403 : vector<16xf32>
        %sub3A_405 = arith.constant 0x4B000000 : f32
        %sub3A_406 = vector.broadcast %sub3A_405 : f32 to vector<16xf32>
        %sub3A_407 = arith.subf %add3A_404, %sub3A_406 : vector<16xf32>
        %add3A_408 = arith.constant 0 : i32
        %add3A_409 = arith.addi %mul3A_279, %add3A_408 : i32
        %swap3A_410 = arith.index_cast %add3A_409 : i32 to index
        %swap3A_411 = arith.constant 80 : index
        %swap3A_412 = tpu.vector_load %arg10[%swap3A_410, %swap3A_411] {strides = array<i32>} : memref<56x224xf32, #tpu.memory_space<vmem>>, vector<16xf32>,
        tpu.vector_store %arg10[%swap3A_410, %swap3A_411], %sub3A_407 {strides = array<i32>} : memref<56x224xf32, #tpu.memory_space<vmem>>, vector<16xf32>,
        %convert_element_type3A_413 = arith.fptosi %sub3A_407 : vector<16xf32> to vector<16xi32>
        %add3A_414 = arith.addi %convert_element_type3A_413, %add3A_228 : vector<16xi32>
        tpu.vector_store_idx %arg13[%add3A_414], %broadcast_in_dim3A_6 {add = true} : memref<12288xf32, #tpu.memory_space<vmem>>[vector<16xi32>], vector<16xf32>,
        %bitcast3A_415 = vector.bitcast %convert_element_type3A_413 : vector<16xi32> to vector<16xi32>
        %add3A_416 = arith.constant 0 : i32
        %add3A_417 = arith.addi %mul3A_279, %add3A_416 : i32
        %get3A_418 = arith.index_cast %add3A_417 : i32 to index
        %get3A_419 = arith.constant 96 : index
        %get3A_420 = tpu.vector_load %arg8[%get3A_418, %get3A_419] {strides = array<i32>} : memref<56x224xf32, #tpu.memory_space<vmem>>, vector<16xf32>,
        %min3A_421 = arith.constant 2.550000e+02 : f32
        %min3A_422 = vector.broadcast %min3A_421 : f32 to vector<16xf32>
        %min3A_423 = arith.minimumf %get3A_420, %min3A_422 : vector<16xf32>
        %add3A_424 = arith.constant 0x4B000000 : f32
        %add3A_425 = vector.broadcast %add3A_424 : f32 to vector<16xf32>
        %add3A_426 = arith.addf %min3A_423, %add3A_425 : vector<16xf32>
        %sub3A_427 = arith.constant 0x4B000000 : f32
        %sub3A_428 = vector.broadcast %sub3A_427 : f32 to vector<16xf32>
        %sub3A_429 = arith.subf %add3A_426, %sub3A_428 : vector<16xf32>
        %add3A_430 = arith.constant 0 : i32
        %add3A_431 = arith.addi %mul3A_279, %add3A_430 : i32
        %swap3A_432 = arith.index_cast %add3A_431 : i32 to index
        %swap3A_433 = arith.constant 96 : index
        %swap3A_434 = tpu.vector_load %arg10[%swap3A_432, %swap3A_433] {strides = array<i32>} : memref<56x224xf32, #tpu.memory_space<vmem>>, vector<16xf32>,
        tpu.vector_store %arg10[%swap3A_432, %swap3A_433], %sub3A_429 {strides = array<i32>} : memref<56x224xf32, #tpu.memory_space<vmem>>, vector<16xf32>,
        %convert_element_type3A_435 = arith.fptosi %sub3A_429 : vector<16xf32> to vector<16xi32>
        %add3A_436 = arith.addi %convert_element_type3A_435, %add3A_228 : vector<16xi32>
        tpu.vector_store_idx %arg13[%add3A_436], %broadcast_in_dim3A_6 {add = true} : memref<12288xf32, #tpu.memory_space<vmem>>[vector<16xi32>], vector<16xf32>,
        %bitcast3A_437 = vector.bitcast %convert_element_type3A_435 : vector<16xi32> to vector<16xi32>
        %add3A_438 = arith.constant 0 : i32
        %add3A_439 = arith.addi %mul3A_279, %add3A_438 : i32
        %get3A_440 = arith.index_cast %add3A_439 : i32 to index
        %get3A_441 = arith.constant 112 : index
        %get3A_442 = tpu.vector_load %arg8[%get3A_440, %get3A_441] {strides = array<i32>} : memref<56x224xf32, #tpu.memory_space<vmem>>, vector<16xf32>,
        %min3A_443 = arith.constant 2.550000e+02 : f32
        %min3A_444 = vector.broadcast %min3A_443 : f32 to vector<16xf32>
        %min3A_445 = arith.minimumf %get3A_442, %min3A_444 : vector<16xf32>
        %add3A_446 = arith.constant 0x4B000000 : f32
        %add3A_447 = vector.broadcast %add3A_446 : f32 to vector<16xf32>
        %add3A_448 = arith.addf %min3A_445, %add3A_447 : vector<16xf32>
        %sub3A_449 = arith.constant 0x4B000000 : f32
        %sub3A_450 = vector.broadcast %sub3A_449 : f32 to vector<16xf32>
        %sub3A_451 = arith.subf %add3A_448, %sub3A_450 : vector<16xf32>
        %add3A_452 = arith.constant 0 : i32
        %add3A_453 = arith.addi %mul3A_279, %add3A_452 : i32
        %swap3A_454 = arith.index_cast %add3A_453 : i32 to index
        %swap3A_455 = arith.constant 112 : index
        %swap3A_456 = tpu.vector_load %arg10[%swap3A_454, %swap3A_455] {strides = array<i32>} : memref<56x224xf32, #tpu.memory_space<vmem>>, vector<16xf32>,
        tpu.vector_store %arg10[%swap3A_454, %swap3A_455], %sub3A_451 {strides = array<i32>} : memref<56x224xf32, #tpu.memory_space<vmem>>, vector<16xf32>,
        %convert_element_type3A_457 = arith.fptosi %sub3A_451 : vector<16xf32> to vector<16xi32>
        %add3A_458 = arith.addi %convert_element_type3A_457, %add3A_228 : vector<16xi32>
        tpu.vector_store_idx %arg13[%add3A_458], %broadcast_in_dim3A_6 {add = true} : memref<12288xf32, #tpu.memory_space<vmem>>[vector<16xi32>], vector<16xf32>,
        %bitcast3A_459 = vector.bitcast %convert_element_type3A_457 : vector<16xi32> to vector<16xi32>
        %pack3A_460 = tpu.pack_subelements %bitcast3A_393, %bitcast3A_415 {pack_format = #tpu.pack_format<interleaved>, positions = array<i32: 0, 1>} : vector<16xi32>, vector<16xi32> -> vector<32xi16>
        %pack3A_461 = tpu.pack_subelements %bitcast3A_437, %bitcast3A_459 {pack_format = #tpu.pack_format<interleaved>, positions = array<i32: 0, 1>} : vector<16xi32>, vector<16xi32> -> vector<32xi16>
        %pack3A_462 = tpu.pack_subelements %pack3A_460, %pack3A_461 {pack_format = #tpu.pack_format<interleaved>, positions = array<i32: 0, 1>} : vector<32xi16>, vector<32xi16> -> vector<64xi8>
        %bitcast3A_463 = vector.bitcast %pack3A_462 : vector<64xi8> to vector<16xi32>
        %mul3A_464 = arith.constant 112 : i32
        %mul3A_465 = arith.muli %scan3A_277, %mul3A_464 : i32
        %add3A_466 = arith.constant 16 : i32
        %add3A_467 = arith.addi %mul3A_465, %add3A_466 : i32
        %swap3A_468 = arith.index_cast %add3A_467 : i32 to index
        %swap3A_469 = tpu.vector_load %arg12[%swap3A_468] {strides = array<i32>} : memref<3136xi32, #tpu.memory_space<vmem>>, vector<16xi32>,
        tpu.vector_store %arg12[%swap3A_468], %bitcast3A_463 {strides = array<i32>} : memref<3136xi32, #tpu.memory_space<vmem>>, vector<16xi32>,
        %add3A_470 = arith.constant 0 : i32
        %add3A_471 = arith.addi %mul3A_279, %add3A_470 : i32
        %get3A_472 = arith.index_cast %add3A_471 : i32 to index
        %get3A_473 = arith.constant 128 : index
        %get3A_474 = tpu.vector_load %arg8[%get3A_472, %get3A_473] {strides = array<i32>} : memref<56x224xf32, #tpu.memory_space<vmem>>, vector<16xf32>,
        %min3A_475 = arith.constant 2.550000e+02 : f32
        %min3A_476 = vector.broadcast %min3A_475 : f32 to vector<16xf32>
        %min3A_477 = arith.minimumf %get3A_474, %min3A_476 : vector<16xf32>
        %add3A_478 = arith.constant 0x4B000000 : f32
        %add3A_479 = vector.broadcast %add3A_478 : f32 to vector<16xf32>
        %add3A_480 = arith.addf %min3A_477, %add3A_479 : vector<16xf32>
        %sub3A_481 = arith.constant 0x4B000000 : f32
        %sub3A_482 = vector.broadcast %sub3A_481 : f32 to vector<16xf32>
        %sub3A_483 = arith.subf %add3A_480, %sub3A_482 : vector<16xf32>
        %add3A_484 = arith.constant 0 : i32
        %add3A_485 = arith.addi %mul3A_279, %add3A_484 : i32
        %swap3A_486 = arith.index_cast %add3A_485 : i32 to index
        %swap3A_487 = arith.constant 128 : index
        %swap3A_488 = tpu.vector_load %arg10[%swap3A_486, %swap3A_487] {strides = array<i32>} : memref<56x224xf32, #tpu.memory_space<vmem>>, vector<16xf32>,
        tpu.vector_store %arg10[%swap3A_486, %swap3A_487], %sub3A_483 {strides = array<i32>} : memref<56x224xf32, #tpu.memory_space<vmem>>, vector<16xf32>,
        %convert_element_type3A_489 = arith.fptosi %sub3A_483 : vector<16xf32> to vector<16xi32>
        %add3A_490 = arith.addi %convert_element_type3A_489, %add3A_228 : vector<16xi32>
        tpu.vector_store_idx %arg13[%add3A_490], %broadcast_in_dim3A_6 {add = true} : memref<12288xf32, #tpu.memory_space<vmem>>[vector<16xi32>], vector<16xf32>,
        %bitcast3A_491 = vector.bitcast %convert_element_type3A_489 : vector<16xi32> to vector<16xi32>
        %add3A_492 = arith.constant 0 : i32
        %add3A_493 = arith.addi %mul3A_279, %add3A_492 : i32
        %get3A_494 = arith.index_cast %add3A_493 : i32 to index
        %get3A_495 = arith.constant 144 : index
        %get3A_496 = tpu.vector_load %arg8[%get3A_494, %get3A_495] {strides = array<i32>} : memref<56x224xf32, #tpu.memory_space<vmem>>, vector<16xf32>,
        %min3A_497 = arith.constant 2.550000e+02 : f32
        %min3A_498 = vector.broadcast %min3A_497 : f32 to vector<16xf32>
        %min3A_499 = arith.minimumf %get3A_496, %min3A_498 : vector<16xf32>
        %add3A_500 = arith.constant 0x4B000000 : f32
        %add3A_501 = vector.broadcast %add3A_500 : f32 to vector<16xf32>
        %add3A_502 = arith.addf %min3A_499, %add3A_501 : vector<16xf32>
        %sub3A_503 = arith.constant 0x4B000000 : f32
        %sub3A_504 = vector.broadcast %sub3A_503 : f32 to vector<16xf32>
        %sub3A_505 = arith.subf %add3A_502, %sub3A_504 : vector<16xf32>
        %add3A_506 = arith.constant 0 : i32
        %add3A_507 = arith.addi %mul3A_279, %add3A_506 : i32
        %swap3A_508 = arith.index_cast %add3A_507 : i32 to index
        %swap3A_509 = arith.constant 144 : index
        %swap3A_510 = tpu.vector_load %arg10[%swap3A_508, %swap3A_509] {strides = array<i32>} : memref<56x224xf32, #tpu.memory_space<vmem>>, vector<16xf32>,
        tpu.vector_store %arg10[%swap3A_508, %swap3A_509], %sub3A_505 {strides = array<i32>} : memref<56x224xf32, #tpu.memory_space<vmem>>, vector<16xf32>,
        %convert_element_type3A_511 = arith.fptosi %sub3A_505 : vector<16xf32> to vector<16xi32>
        %add3A_512 = arith.addi %convert_element_type3A_511, %add3A_228 : vector<16xi32>
        tpu.vector_store_idx %arg13[%add3A_512], %broadcast_in_dim3A_6 {add = true} : memref<12288xf32, #tpu.memory_space<vmem>>[vector<16xi32>], vector<16xf32>,
        %bitcast3A_513 = vector.bitcast %convert_element_type3A_511 : vector<16xi32> to vector<16xi32>
        %add3A_514 = arith.constant 0 : i32
        %add3A_515 = arith.addi %mul3A_279, %add3A_514 : i32
        %get3A_516 = arith.index_cast %add3A_515 : i32 to index
        %get3A_517 = arith.constant 160 : index
        %get3A_518 = tpu.vector_load %arg8[%get3A_516, %get3A_517] {strides = array<i32>} : memref<56x224xf32, #tpu.memory_space<vmem>>, vector<16xf32>,
        %min3A_519 = arith.constant 2.550000e+02 : f32
        %min3A_520 = vector.broadcast %min3A_519 : f32 to vector<16xf32>
        %min3A_521 = arith.minimumf %get3A_518, %min3A_520 : vector<16xf32>
        %add3A_522 = arith.constant 0x4B000000 : f32
        %add3A_523 = vector.broadcast %add3A_522 : f32 to vector<16xf32>
        %add3A_524 = arith.addf %min3A_521, %add3A_523 : vector<16xf32>
        %sub3A_525 = arith.constant 0x4B000000 : f32
        %sub3A_526 = vector.broadcast %sub3A_525 : f32 to vector<16xf32>
        %sub3A_527 = arith.subf %add3A_524, %sub3A_526 : vector<16xf32>
        %add3A_528 = arith.constant 0 : i32
        %add3A_529 = arith.addi %mul3A_279, %add3A_528 : i32
        %swap3A_530 = arith.index_cast %add3A_529 : i32 to index
        %swap3A_531 = arith.constant 160 : index
        %swap3A_532 = tpu.vector_load %arg10[%swap3A_530, %swap3A_531] {strides = array<i32>} : memref<56x224xf32, #tpu.memory_space<vmem>>, vector<16xf32>,
        tpu.vector_store %arg10[%swap3A_530, %swap3A_531], %sub3A_527 {strides = array<i32>} : memref<56x224xf32, #tpu.memory_space<vmem>>, vector<16xf32>,
        %convert_element_type3A_533 = arith.fptosi %sub3A_527 : vector<16xf32> to vector<16xi32>
        %add3A_534 = arith.addi %convert_element_type3A_533, %add3A_228 : vector<16xi32>
        tpu.vector_store_idx %arg13[%add3A_534], %broadcast_in_dim3A_6 {add = true} : memref<12288xf32, #tpu.memory_space<vmem>>[vector<16xi32>], vector<16xf32>,
        %bitcast3A_535 = vector.bitcast %convert_element_type3A_533 : vector<16xi32> to vector<16xi32>
        %add3A_536 = arith.constant 0 : i32
        %add3A_537 = arith.addi %mul3A_279, %add3A_536 : i32
        %get3A_538 = arith.index_cast %add3A_537 : i32 to index
        %get3A_539 = arith.constant 176 : index
        %get3A_540 = tpu.vector_load %arg8[%get3A_538, %get3A_539] {strides = array<i32>} : memref<56x224xf32, #tpu.memory_space<vmem>>, vector<16xf32>,
        %min3A_541 = arith.constant 2.550000e+02 : f32
        %min3A_542 = vector.broadcast %min3A_541 : f32 to vector<16xf32>
        %min3A_543 = arith.minimumf %get3A_540, %min3A_542 : vector<16xf32>
        %add3A_544 = arith.constant 0x4B000000 : f32
        %add3A_545 = vector.broadcast %add3A_544 : f32 to vector<16xf32>
        %add3A_546 = arith.addf %min3A_543, %add3A_545 : vector<16xf32>
        %sub3A_547 = arith.constant 0x4B000000 : f32
        %sub3A_548 = vector.broadcast %sub3A_547 : f32 to vector<16xf32>
        %sub3A_549 = arith.subf %add3A_546, %sub3A_548 : vector<16xf32>
        %add3A_550 = arith.constant 0 : i32
        %add3A_551 = arith.addi %mul3A_279, %add3A_550 : i32
        %swap3A_552 = arith.index_cast %add3A_551 : i32 to index
        %swap3A_553 = arith.constant 176 : index
        %swap3A_554 = tpu.vector_load %arg10[%swap3A_552, %swap3A_553] {strides = array<i32>} : memref<56x224xf32, #tpu.memory_space<vmem>>, vector<16xf32>,
        tpu.vector_store %arg10[%swap3A_552, %swap3A_553], %sub3A_549 {strides = array<i32>} : memref<56x224xf32, #tpu.memory_space<vmem>>, vector<16xf32>,
        %convert_element_type3A_555 = arith.fptosi %sub3A_549 : vector<16xf32> to vector<16xi32>
        %add3A_556 = arith.addi %convert_element_type3A_555, %add3A_228 : vector<16xi32>
        tpu.vector_store_idx %arg13[%add3A_556], %broadcast_in_dim3A_6 {add = true} : memref<12288xf32, #tpu.memory_space<vmem>>[vector<16xi32>], vector<16xf32>,
        %bitcast3A_557 = vector.bitcast %convert_element_type3A_555 : vector<16xi32> to vector<16xi32>
        %pack3A_558 = tpu.pack_subelements %bitcast3A_491, %bitcast3A_513 {pack_format = #tpu.pack_format<interleaved>, positions = array<i32: 0, 1>} : vector<16xi32>, vector<16xi32> -> vector<32xi16>
        %pack3A_559 = tpu.pack_subelements %bitcast3A_535, %bitcast3A_557 {pack_format = #tpu.pack_format<interleaved>, positions = array<i32: 0, 1>} : vector<16xi32>, vector<16xi32> -> vector<32xi16>
        %pack3A_560 = tpu.pack_subelements %pack3A_558, %pack3A_559 {pack_format = #tpu.pack_format<interleaved>, positions = array<i32: 0, 1>} : vector<32xi16>, vector<32xi16> -> vector<64xi8>
        %bitcast3A_561 = vector.bitcast %pack3A_560 : vector<64xi8> to vector<16xi32>
        %mul3A_562 = arith.constant 112 : i32
        %mul3A_563 = arith.muli %scan3A_277, %mul3A_562 : i32
        %add3A_564 = arith.constant 32 : i32
        %add3A_565 = arith.addi %mul3A_563, %add3A_564 : i32
        %swap3A_566 = arith.index_cast %add3A_565 : i32 to index
        %swap3A_567 = tpu.vector_load %arg12[%swap3A_566] {strides = array<i32>} : memref<3136xi32, #tpu.memory_space<vmem>>, vector<16xi32>,
        tpu.vector_store %arg12[%swap3A_566], %bitcast3A_561 {strides = array<i32>} : memref<3136xi32, #tpu.memory_space<vmem>>, vector<16xi32>,
        %add3A_568 = arith.constant 0 : i32
        %add3A_569 = arith.addi %mul3A_279, %add3A_568 : i32
        %get3A_570 = arith.index_cast %add3A_569 : i32 to index
        %get3A_571 = arith.constant 192 : index
        %get3A_572 = tpu.vector_load %arg8[%get3A_570, %get3A_571] {strides = array<i32>} : memref<56x224xf32, #tpu.memory_space<vmem>>, vector<16xf32>,
        %min3A_573 = arith.constant 2.550000e+02 : f32
        %min3A_574 = vector.broadcast %min3A_573 : f32 to vector<16xf32>
        %min3A_575 = arith.minimumf %get3A_572, %min3A_574 : vector<16xf32>
        %add3A_576 = arith.constant 0x4B000000 : f32
        %add3A_577 = vector.broadcast %add3A_576 : f32 to vector<16xf32>
        %add3A_578 = arith.addf %min3A_575, %add3A_577 : vector<16xf32>
        %sub3A_579 = arith.constant 0x4B000000 : f32
        %sub3A_580 = vector.broadcast %sub3A_579 : f32 to vector<16xf32>
        %sub3A_581 = arith.subf %add3A_578, %sub3A_580 : vector<16xf32>
        %add3A_582 = arith.constant 0 : i32
        %add3A_583 = arith.addi %mul3A_279, %add3A_582 : i32
        %swap3A_584 = arith.index_cast %add3A_583 : i32 to index
        %swap3A_585 = arith.constant 192 : index
        %swap3A_586 = tpu.vector_load %arg10[%swap3A_584, %swap3A_585] {strides = array<i32>} : memref<56x224xf32, #tpu.memory_space<vmem>>, vector<16xf32>,
        tpu.vector_store %arg10[%swap3A_584, %swap3A_585], %sub3A_581 {strides = array<i32>} : memref<56x224xf32, #tpu.memory_space<vmem>>, vector<16xf32>,
        %convert_element_type3A_587 = arith.fptosi %sub3A_581 : vector<16xf32> to vector<16xi32>
        %add3A_588 = arith.addi %convert_element_type3A_587, %add3A_228 : vector<16xi32>
        tpu.vector_store_idx %arg13[%add3A_588], %broadcast_in_dim3A_6 {add = true} : memref<12288xf32, #tpu.memory_space<vmem>>[vector<16xi32>], vector<16xf32>,
        %bitcast3A_589 = vector.bitcast %convert_element_type3A_587 : vector<16xi32> to vector<16xi32>
        %add3A_590 = arith.constant 0 : i32
        %add3A_591 = arith.addi %mul3A_279, %add3A_590 : i32
        %get3A_592 = arith.index_cast %add3A_591 : i32 to index
        %get3A_593 = arith.constant 208 : index
        %get3A_594 = tpu.vector_load %arg8[%get3A_592, %get3A_593] {strides = array<i32>} : memref<56x224xf32, #tpu.memory_space<vmem>>, vector<16xf32>,
        %min3A_595 = arith.constant 2.550000e+02 : f32
        %min3A_596 = vector.broadcast %min3A_595 : f32 to vector<16xf32>
        %min3A_597 = arith.minimumf %get3A_594, %min3A_596 : vector<16xf32>
        %add3A_598 = arith.constant 0x4B000000 : f32
        %add3A_599 = vector.broadcast %add3A_598 : f32 to vector<16xf32>
        %add3A_600 = arith.addf %min3A_597, %add3A_599 : vector<16xf32>
        %sub3A_601 = arith.constant 0x4B000000 : f32
        %sub3A_602 = vector.broadcast %sub3A_601 : f32 to vector<16xf32>
        %sub3A_603 = arith.subf %add3A_600, %sub3A_602 : vector<16xf32>
        %add3A_604 = arith.constant 0 : i32
        %add3A_605 = arith.addi %mul3A_279, %add3A_604 : i32
        %swap3A_606 = arith.index_cast %add3A_605 : i32 to index
        %swap3A_607 = arith.constant 208 : index
        %swap3A_608 = tpu.vector_load %arg10[%swap3A_606, %swap3A_607] {strides = array<i32>} : memref<56x224xf32, #tpu.memory_space<vmem>>, vector<16xf32>,
        tpu.vector_store %arg10[%swap3A_606, %swap3A_607], %sub3A_603 {strides = array<i32>} : memref<56x224xf32, #tpu.memory_space<vmem>>, vector<16xf32>,
        %convert_element_type3A_609 = arith.fptosi %sub3A_603 : vector<16xf32> to vector<16xi32>
        %add3A_610 = arith.addi %convert_element_type3A_609, %add3A_228 : vector<16xi32>
        tpu.vector_store_idx %arg13[%add3A_610], %broadcast_in_dim3A_6 {add = true} : memref<12288xf32, #tpu.memory_space<vmem>>[vector<16xi32>], vector<16xf32>,
        %bitcast3A_611 = vector.bitcast %convert_element_type3A_609 : vector<16xi32> to vector<16xi32>
        %add3A_612 = arith.constant 1 : i32
        %add3A_613 = arith.addi %mul3A_279, %add3A_612 : i32
        %get3A_614 = arith.index_cast %add3A_613 : i32 to index
        %get3A_615 = arith.constant 0 : index
        %get3A_616 = tpu.vector_load %arg8[%get3A_614, %get3A_615] {strides = array<i32>} : memref<56x224xf32, #tpu.memory_space<vmem>>, vector<16xf32>,
        %min3A_617 = arith.constant 2.550000e+02 : f32
        %min3A_618 = vector.broadcast %min3A_617 : f32 to vector<16xf32>
        %min3A_619 = arith.minimumf %get3A_616, %min3A_618 : vector<16xf32>
        %add3A_620 = arith.constant 0x4B000000 : f32
        %add3A_621 = vector.broadcast %add3A_620 : f32 to vector<16xf32>
        %add3A_622 = arith.addf %min3A_619, %add3A_621 : vector<16xf32>
        %sub3A_623 = arith.constant 0x4B000000 : f32
        %sub3A_624 = vector.broadcast %sub3A_623 : f32 to vector<16xf32>
        %sub3A_625 = arith.subf %add3A_622, %sub3A_624 : vector<16xf32>
        %add3A_626 = arith.constant 1 : i32
        %add3A_627 = arith.addi %mul3A_279, %add3A_626 : i32
        %swap3A_628 = arith.index_cast %add3A_627 : i32 to index
        %swap3A_629 = arith.constant 0 : index
        %swap3A_630 = tpu.vector_load %arg10[%swap3A_628, %swap3A_629] {strides = array<i32>} : memref<56x224xf32, #tpu.memory_space<vmem>>, vector<16xf32>,
        tpu.vector_store %arg10[%swap3A_628, %swap3A_629], %sub3A_625 {strides = array<i32>} : memref<56x224xf32, #tpu.memory_space<vmem>>, vector<16xf32>,
        %convert_element_type3A_631 = arith.fptosi %sub3A_625 : vector<16xf32> to vector<16xi32>
        %add3A_632 = arith.addi %convert_element_type3A_631, %add3A_228 : vector<16xi32>
        tpu.vector_store_idx %arg13[%add3A_632], %broadcast_in_dim3A_6 {add = true} : memref<12288xf32, #tpu.memory_space<vmem>>[vector<16xi32>], vector<16xf32>,
        %bitcast3A_633 = vector.bitcast %convert_element_type3A_631 : vector<16xi32> to vector<16xi32>
        %add3A_634 = arith.constant 1 : i32
        %add3A_635 = arith.addi %mul3A_279, %add3A_634 : i32
        %get3A_636 = arith.index_cast %add3A_635 : i32 to index
        %get3A_637 = arith.constant 16 : index
        %get3A_638 = tpu.vector_load %arg8[%get3A_636, %get3A_637] {strides = array<i32>} : memref<56x224xf32, #tpu.memory_space<vmem>>, vector<16xf32>,
        %min3A_639 = arith.constant 2.550000e+02 : f32
        %min3A_640 = vector.broadcast %min3A_639 : f32 to vector<16xf32>
        %min3A_641 = arith.minimumf %get3A_638, %min3A_640 : vector<16xf32>
        %add3A_642 = arith.constant 0x4B000000 : f32
        %add3A_643 = vector.broadcast %add3A_642 : f32 to vector<16xf32>
        %add3A_644 = arith.addf %min3A_641, %add3A_643 : vector<16xf32>
        %sub3A_645 = arith.constant 0x4B000000 : f32
        %sub3A_646 = vector.broadcast %sub3A_645 : f32 to vector<16xf32>
        %sub3A_647 = arith.subf %add3A_644, %sub3A_646 : vector<16xf32>
        %add3A_648 = arith.constant 1 : i32
        %add3A_649 = arith.addi %mul3A_279, %add3A_648 : i32
        %swap3A_650 = arith.index_cast %add3A_649 : i32 to index
        %swap3A_651 = arith.constant 16 : index
        %swap3A_652 = tpu.vector_load %arg10[%swap3A_650, %swap3A_651] {strides = array<i32>} : memref<56x224xf32, #tpu.memory_space<vmem>>, vector<16xf32>,
        tpu.vector_store %arg10[%swap3A_650, %swap3A_651], %sub3A_647 {strides = array<i32>} : memref<56x224xf32, #tpu.memory_space<vmem>>, vector<16xf32>,
        %convert_element_type3A_653 = arith.fptosi %sub3A_647 : vector<16xf32> to vector<16xi32>
        %add3A_654 = arith.addi %convert_element_type3A_653, %add3A_228 : vector<16xi32>
        tpu.vector_store_idx %arg13[%add3A_654], %broadcast_in_dim3A_6 {add = true} : memref<12288xf32, #tpu.memory_space<vmem>>[vector<16xi32>], vector<16xf32>,
        %bitcast3A_655 = vector.bitcast %convert_element_type3A_653 : vector<16xi32> to vector<16xi32>
        %pack3A_656 = tpu.pack_subelements %bitcast3A_589, %bitcast3A_611 {pack_format = #tpu.pack_format<interleaved>, positions = array<i32: 0, 1>} : vector<16xi32>, vector<16xi32> -> vector<32xi16>
        %pack3A_657 = tpu.pack_subelements %bitcast3A_633, %bitcast3A_655 {pack_format = #tpu.pack_format<interleaved>, positions = array<i32: 0, 1>} : vector<16xi32>, vector<16xi32> -> vector<32xi16>
        %pack3A_658 = tpu.pack_subelements %pack3A_656, %pack3A_657 {pack_format = #tpu.pack_format<interleaved>, positions = array<i32: 0, 1>} : vector<32xi16>, vector<32xi16> -> vector<64xi8>
        %bitcast3A_659 = vector.bitcast %pack3A_658 : vector<64xi8> to vector<16xi32>
        %mul3A_660 = arith.constant 112 : i32
        %mul3A_661 = arith.muli %scan3A_277, %mul3A_660 : i32
        %add3A_662 = arith.constant 48 : i32
        %add3A_663 = arith.addi %mul3A_661, %add3A_662 : i32
        %swap3A_664 = arith.index_cast %add3A_663 : i32 to index
        %swap3A_665 = tpu.vector_load %arg12[%swap3A_664] {strides = array<i32>} : memref<3136xi32, #tpu.memory_space<vmem>>, vector<16xi32>,
        tpu.vector_store %arg12[%swap3A_664], %bitcast3A_659 {strides = array<i32>} : memref<3136xi32, #tpu.memory_space<vmem>>, vector<16xi32>,
        %add3A_666 = arith.constant 1 : i32
        %add3A_667 = arith.addi %mul3A_279, %add3A_666 : i32
        %get3A_668 = arith.index_cast %add3A_667 : i32 to index
        %get3A_669 = arith.constant 32 : index
        %get3A_670 = tpu.vector_load %arg8[%get3A_668, %get3A_669] {strides = array<i32>} : memref<56x224xf32, #tpu.memory_space<vmem>>, vector<16xf32>,
        %min3A_671 = arith.constant 2.550000e+02 : f32
        %min3A_672 = vector.broadcast %min3A_671 : f32 to vector<16xf32>
        %min3A_673 = arith.minimumf %get3A_670, %min3A_672 : vector<16xf32>
        %add3A_674 = arith.constant 0x4B000000 : f32
        %add3A_675 = vector.broadcast %add3A_674 : f32 to vector<16xf32>
        %add3A_676 = arith.addf %min3A_673, %add3A_675 : vector<16xf32>
        %sub3A_677 = arith.constant 0x4B000000 : f32
        %sub3A_678 = vector.broadcast %sub3A_677 : f32 to vector<16xf32>
        %sub3A_679 = arith.subf %add3A_676, %sub3A_678 : vector<16xf32>
        %add3A_680 = arith.constant 1 : i32
        %add3A_681 = arith.addi %mul3A_279, %add3A_680 : i32
        %swap3A_682 = arith.index_cast %add3A_681 : i32 to index
        %swap3A_683 = arith.constant 32 : index
        %swap3A_684 = tpu.vector_load %arg10[%swap3A_682, %swap3A_683] {strides = array<i32>} : memref<56x224xf32, #tpu.memory_space<vmem>>, vector<16xf32>,
        tpu.vector_store %arg10[%swap3A_682, %swap3A_683], %sub3A_679 {strides = array<i32>} : memref<56x224xf32, #tpu.memory_space<vmem>>, vector<16xf32>,
        %convert_element_type3A_685 = arith.fptosi %sub3A_679 : vector<16xf32> to vector<16xi32>
        %add3A_686 = arith.addi %convert_element_type3A_685, %add3A_228 : vector<16xi32>
        tpu.vector_store_idx %arg13[%add3A_686], %broadcast_in_dim3A_6 {add = true} : memref<12288xf32, #tpu.memory_space<vmem>>[vector<16xi32>], vector<16xf32>,
        %bitcast3A_687 = vector.bitcast %convert_element_type3A_685 : vector<16xi32> to vector<16xi32>
        %add3A_688 = arith.constant 1 : i32
        %add3A_689 = arith.addi %mul3A_279, %add3A_688 : i32
        %get3A_690 = arith.index_cast %add3A_689 : i32 to index
        %get3A_691 = arith.constant 48 : index
        %get3A_692 = tpu.vector_load %arg8[%get3A_690, %get3A_691] {strides = array<i32>} : memref<56x224xf32, #tpu.memory_space<vmem>>, vector<16xf32>,
        %min3A_693 = arith.constant 2.550000e+02 : f32
        %min3A_694 = vector.broadcast %min3A_693 : f32 to vector<16xf32>
        %min3A_695 = arith.minimumf %get3A_692, %min3A_694 : vector<16xf32>
        %add3A_696 = arith.constant 0x4B000000 : f32
        %add3A_697 = vector.broadcast %add3A_696 : f32 to vector<16xf32>
        %add3A_698 = arith.addf %min3A_695, %add3A_697 : vector<16xf32>
        %sub3A_699 = arith.constant 0x4B000000 : f32
        %sub3A_700 = vector.broadcast %sub3A_699 : f32 to vector<16xf32>
        %sub3A_701 = arith.subf %add3A_698, %sub3A_700 : vector<16xf32>
        %add3A_702 = arith.constant 1 : i32
        %add3A_703 = arith.addi %mul3A_279, %add3A_702 : i32
        %swap3A_704 = arith.index_cast %add3A_703 : i32 to index
        %swap3A_705 = arith.constant 48 : index
        %swap3A_706 = tpu.vector_load %arg10[%swap3A_704, %swap3A_705] {strides = array<i32>} : memref<56x224xf32, #tpu.memory_space<vmem>>, vector<16xf32>,
        tpu.vector_store %arg10[%swap3A_704, %swap3A_705], %sub3A_701 {strides = array<i32>} : memref<56x224xf32, #tpu.memory_space<vmem>>, vector<16xf32>,
        %convert_element_type3A_707 = arith.fptosi %sub3A_701 : vector<16xf32> to vector<16xi32>
        %add3A_708 = arith.addi %convert_element_type3A_707, %add3A_228 : vector<16xi32>
        tpu.vector_store_idx %arg13[%add3A_708], %broadcast_in_dim3A_6 {add = true} : memref<12288xf32, #tpu.memory_space<vmem>>[vector<16xi32>], vector<16xf32>,
        %bitcast3A_709 = vector.bitcast %convert_element_type3A_707 : vector<16xi32> to vector<16xi32>
        %add3A_710 = arith.constant 1 : i32
        %add3A_711 = arith.addi %mul3A_279, %add3A_710 : i32
        %get3A_712 = arith.index_cast %add3A_711 : i32 to index
        %get3A_713 = arith.constant 64 : index
        %get3A_714 = tpu.vector_load %arg8[%get3A_712, %get3A_713] {strides = array<i32>} : memref<56x224xf32, #tpu.memory_space<vmem>>, vector<16xf32>,
        %min3A_715 = arith.constant 2.550000e+02 : f32
        %min3A_716 = vector.broadcast %min3A_715 : f32 to vector<16xf32>
        %min3A_717 = arith.minimumf %get3A_714, %min3A_716 : vector<16xf32>
        %add3A_718 = arith.constant 0x4B000000 : f32
        %add3A_719 = vector.broadcast %add3A_718 : f32 to vector<16xf32>
        %add3A_720 = arith.addf %min3A_717, %add3A_719 : vector<16xf32>
        %sub3A_721 = arith.constant 0x4B000000 : f32
        %sub3A_722 = vector.broadcast %sub3A_721 : f32 to vector<16xf32>
        %sub3A_723 = arith.subf %add3A_720, %sub3A_722 : vector<16xf32>
        %add3A_724 = arith.constant 1 : i32
        %add3A_725 = arith.addi %mul3A_279, %add3A_724 : i32
        %swap3A_726 = arith.index_cast %add3A_725 : i32 to index
        %swap3A_727 = arith.constant 64 : index
        %swap3A_728 = tpu.vector_load %arg10[%swap3A_726, %swap3A_727] {strides = array<i32>} : memref<56x224xf32, #tpu.memory_space<vmem>>, vector<16xf32>,
        tpu.vector_store %arg10[%swap3A_726, %swap3A_727], %sub3A_723 {strides = array<i32>} : memref<56x224xf32, #tpu.memory_space<vmem>>, vector<16xf32>,
        %convert_element_type3A_729 = arith.fptosi %sub3A_723 : vector<16xf32> to vector<16xi32>
        %add3A_730 = arith.addi %convert_element_type3A_729, %add3A_228 : vector<16xi32>
        tpu.vector_store_idx %arg13[%add3A_730], %broadcast_in_dim3A_6 {add = true} : memref<12288xf32, #tpu.memory_space<vmem>>[vector<16xi32>], vector<16xf32>,
        %bitcast3A_731 = vector.bitcast %convert_element_type3A_729 : vector<16xi32> to vector<16xi32>
        %add3A_732 = arith.constant 1 : i32
        %add3A_733 = arith.addi %mul3A_279, %add3A_732 : i32
        %get3A_734 = arith.index_cast %add3A_733 : i32 to index
        %get3A_735 = arith.constant 80 : index
        %get3A_736 = tpu.vector_load %arg8[%get3A_734, %get3A_735] {strides = array<i32>} : memref<56x224xf32, #tpu.memory_space<vmem>>, vector<16xf32>,
        %min3A_737 = arith.constant 2.550000e+02 : f32
        %min3A_738 = vector.broadcast %min3A_737 : f32 to vector<16xf32>
        %min3A_739 = arith.minimumf %get3A_736, %min3A_738 : vector<16xf32>
        %add3A_740 = arith.constant 0x4B000000 : f32
        %add3A_741 = vector.broadcast %add3A_740 : f32 to vector<16xf32>
        %add3A_742 = arith.addf %min3A_739, %add3A_741 : vector<16xf32>
        %sub3A_743 = arith.constant 0x4B000000 : f32
        %sub3A_744 = vector.broadcast %sub3A_743 : f32 to vector<16xf32>
        %sub3A_745 = arith.subf %add3A_742, %sub3A_744 : vector<16xf32>
        %add3A_746 = arith.constant 1 : i32
        %add3A_747 = arith.addi %mul3A_279, %add3A_746 : i32
        %swap3A_748 = arith.index_cast %add3A_747 : i32 to index
        %swap3A_749 = arith.constant 80 : index
        %swap3A_750 = tpu.vector_load %arg10[%swap3A_748, %swap3A_749] {strides = array<i32>} : memref<56x224xf32, #tpu.memory_space<vmem>>, vector<16xf32>,
        tpu.vector_store %arg10[%swap3A_748, %swap3A_749], %sub3A_745 {strides = array<i32>} : memref<56x224xf32, #tpu.memory_space<vmem>>, vector<16xf32>,
        %convert_element_type3A_751 = arith.fptosi %sub3A_745 : vector<16xf32> to vector<16xi32>
        %add3A_752 = arith.addi %convert_element_type3A_751, %add3A_228 : vector<16xi32>
        tpu.vector_store_idx %arg13[%add3A_752], %broadcast_in_dim3A_6 {add = true} : memref<12288xf32, #tpu.memory_space<vmem>>[vector<16xi32>], vector<16xf32>,
        %bitcast3A_753 = vector.bitcast %convert_element_type3A_751 : vector<16xi32> to vector<16xi32>
        %pack3A_754 = tpu.pack_subelements %bitcast3A_687, %bitcast3A_709 {pack_format = #tpu.pack_format<interleaved>, positions = array<i32: 0, 1>} : vector<16xi32>, vector<16xi32> -> vector<32xi16>
        %pack3A_755 = tpu.pack_subelements %bitcast3A_731, %bitcast3A_753 {pack_format = #tpu.pack_format<interleaved>, positions = array<i32: 0, 1>} : vector<16xi32>, vector<16xi32> -> vector<32xi16>
        %pack3A_756 = tpu.pack_subelements %pack3A_754, %pack3A_755 {pack_format = #tpu.pack_format<interleaved>, positions = array<i32: 0, 1>} : vector<32xi16>, vector<32xi16> -> vector<64xi8>
        %bitcast3A_757 = vector.bitcast %pack3A_756 : vector<64xi8> to vector<16xi32>
        %mul3A_758 = arith.constant 112 : i32
        %mul3A_759 = arith.muli %scan3A_277, %mul3A_758 : i32
        %add3A_760 = arith.constant 64 : i32
        %add3A_761 = arith.addi %mul3A_759, %add3A_760 : i32
        %swap3A_762 = arith.index_cast %add3A_761 : i32 to index
        %swap3A_763 = tpu.vector_load %arg12[%swap3A_762] {strides = array<i32>} : memref<3136xi32, #tpu.memory_space<vmem>>, vector<16xi32>,
        tpu.vector_store %arg12[%swap3A_762], %bitcast3A_757 {strides = array<i32>} : memref<3136xi32, #tpu.memory_space<vmem>>, vector<16xi32>,
        %add3A_764 = arith.constant 1 : i32
        %add3A_765 = arith.addi %mul3A_279, %add3A_764 : i32
        %get3A_766 = arith.index_cast %add3A_765 : i32 to index
        %get3A_767 = arith.constant 96 : index
        %get3A_768 = tpu.vector_load %arg8[%get3A_766, %get3A_767] {strides = array<i32>} : memref<56x224xf32, #tpu.memory_space<vmem>>, vector<16xf32>,
        %min3A_769 = arith.constant 2.550000e+02 : f32
        %min3A_770 = vector.broadcast %min3A_769 : f32 to vector<16xf32>
        %min3A_771 = arith.minimumf %get3A_768, %min3A_770 : vector<16xf32>
        %add3A_772 = arith.constant 0x4B000000 : f32
        %add3A_773 = vector.broadcast %add3A_772 : f32 to vector<16xf32>
        %add3A_774 = arith.addf %min3A_771, %add3A_773 : vector<16xf32>
        %sub3A_775 = arith.constant 0x4B000000 : f32
        %sub3A_776 = vector.broadcast %sub3A_775 : f32 to vector<16xf32>
        %sub3A_777 = arith.subf %add3A_774, %sub3A_776 : vector<16xf32>
        %add3A_778 = arith.constant 1 : i32
        %add3A_779 = arith.addi %mul3A_279, %add3A_778 : i32
        %swap3A_780 = arith.index_cast %add3A_779 : i32 to index
        %swap3A_781 = arith.constant 96 : index
        %swap3A_782 = tpu.vector_load %arg10[%swap3A_780, %swap3A_781] {strides = array<i32>} : memref<56x224xf32, #tpu.memory_space<vmem>>, vector<16xf32>,
        tpu.vector_store %arg10[%swap3A_780, %swap3A_781], %sub3A_777 {strides = array<i32>} : memref<56x224xf32, #tpu.memory_space<vmem>>, vector<16xf32>,
        %convert_element_type3A_783 = arith.fptosi %sub3A_777 : vector<16xf32> to vector<16xi32>
        %add3A_784 = arith.addi %convert_element_type3A_783, %add3A_228 : vector<16xi32>
        tpu.vector_store_idx %arg13[%add3A_784], %broadcast_in_dim3A_6 {add = true} : memref<12288xf32, #tpu.memory_space<vmem>>[vector<16xi32>], vector<16xf32>,
        %bitcast3A_785 = vector.bitcast %convert_element_type3A_783 : vector<16xi32> to vector<16xi32>
        %add3A_786 = arith.constant 1 : i32
        %add3A_787 = arith.addi %mul3A_279, %add3A_786 : i32
        %get3A_788 = arith.index_cast %add3A_787 : i32 to index
        %get3A_789 = arith.constant 112 : index
        %get3A_790 = tpu.vector_load %arg8[%get3A_788, %get3A_789] {strides = array<i32>} : memref<56x224xf32, #tpu.memory_space<vmem>>, vector<16xf32>,
        %min3A_791 = arith.constant 2.550000e+02 : f32
        %min3A_792 = vector.broadcast %min3A_791 : f32 to vector<16xf32>
        %min3A_793 = arith.minimumf %get3A_790, %min3A_792 : vector<16xf32>
        %add3A_794 = arith.constant 0x4B000000 : f32
        %add3A_795 = vector.broadcast %add3A_794 : f32 to vector<16xf32>
        %add3A_796 = arith.addf %min3A_793, %add3A_795 : vector<16xf32>
        %sub3A_797 = arith.constant 0x4B000000 : f32
        %sub3A_798 = vector.broadcast %sub3A_797 : f32 to vector<16xf32>
        %sub3A_799 = arith.subf %add3A_796, %sub3A_798 : vector<16xf32>
        %add3A_800 = arith.constant 1 : i32
        %add3A_801 = arith.addi %mul3A_279, %add3A_800 : i32
        %swap3A_802 = arith.index_cast %add3A_801 : i32 to index
        %swap3A_803 = arith.constant 112 : index
        %swap3A_804 = tpu.vector_load %arg10[%swap3A_802, %swap3A_803] {strides = array<i32>} : memref<56x224xf32, #tpu.memory_space<vmem>>, vector<16xf32>,
        tpu.vector_store %arg10[%swap3A_802, %swap3A_803], %sub3A_799 {strides = array<i32>} : memref<56x224xf32, #tpu.memory_space<vmem>>, vector<16xf32>,
        %convert_element_type3A_805 = arith.fptosi %sub3A_799 : vector<16xf32> to vector<16xi32>
        %add3A_806 = arith.addi %convert_element_type3A_805, %add3A_228 : vector<16xi32>
        tpu.vector_store_idx %arg13[%add3A_806], %broadcast_in_dim3A_6 {add = true} : memref<12288xf32, #tpu.memory_space<vmem>>[vector<16xi32>], vector<16xf32>,
        %bitcast3A_807 = vector.bitcast %convert_element_type3A_805 : vector<16xi32> to vector<16xi32>
        %add3A_808 = arith.constant 1 : i32
        %add3A_809 = arith.addi %mul3A_279, %add3A_808 : i32
        %get3A_810 = arith.index_cast %add3A_809 : i32 to index
        %get3A_811 = arith.constant 128 : index
        %get3A_812 = tpu.vector_load %arg8[%get3A_810, %get3A_811] {strides = array<i32>} : memref<56x224xf32, #tpu.memory_space<vmem>>, vector<16xf32>,
        %min3A_813 = arith.constant 2.550000e+02 : f32
        %min3A_814 = vector.broadcast %min3A_813 : f32 to vector<16xf32>
        %min3A_815 = arith.minimumf %get3A_812, %min3A_814 : vector<16xf32>
        %add3A_816 = arith.constant 0x4B000000 : f32
        %add3A_817 = vector.broadcast %add3A_816 : f32 to vector<16xf32>
        %add3A_818 = arith.addf %min3A_815, %add3A_817 : vector<16xf32>
        %sub3A_819 = arith.constant 0x4B000000 : f32
        %sub3A_820 = vector.broadcast %sub3A_819 : f32 to vector<16xf32>
        %sub3A_821 = arith.subf %add3A_818, %sub3A_820 : vector<16xf32>
        %add3A_822 = arith.constant 1 : i32
        %add3A_823 = arith.addi %mul3A_279, %add3A_822 : i32
        %swap3A_824 = arith.index_cast %add3A_823 : i32 to index
        %swap3A_825 = arith.constant 128 : index
        %swap3A_826 = tpu.vector_load %arg10[%swap3A_824, %swap3A_825] {strides = array<i32>} : memref<56x224xf32, #tpu.memory_space<vmem>>, vector<16xf32>,
        tpu.vector_store %arg10[%swap3A_824, %swap3A_825], %sub3A_821 {strides = array<i32>} : memref<56x224xf32, #tpu.memory_space<vmem>>, vector<16xf32>,
        %convert_element_type3A_827 = arith.fptosi %sub3A_821 : vector<16xf32> to vector<16xi32>
        %add3A_828 = arith.addi %convert_element_type3A_827, %add3A_228 : vector<16xi32>
        tpu.vector_store_idx %arg13[%add3A_828], %broadcast_in_dim3A_6 {add = true} : memref<12288xf32, #tpu.memory_space<vmem>>[vector<16xi32>], vector<16xf32>,
        %bitcast3A_829 = vector.bitcast %convert_element_type3A_827 : vector<16xi32> to vector<16xi32>
        %add3A_830 = arith.constant 1 : i32
        %add3A_831 = arith.addi %mul3A_279, %add3A_830 : i32
        %get3A_832 = arith.index_cast %add3A_831 : i32 to index
        %get3A_833 = arith.constant 144 : index
        %get3A_834 = tpu.vector_load %arg8[%get3A_832, %get3A_833] {strides = array<i32>} : memref<56x224xf32, #tpu.memory_space<vmem>>, vector<16xf32>,
        %min3A_835 = arith.constant 2.550000e+02 : f32
        %min3A_836 = vector.broadcast %min3A_835 : f32 to vector<16xf32>
        %min3A_837 = arith.minimumf %get3A_834, %min3A_836 : vector<16xf32>
        %add3A_838 = arith.constant 0x4B000000 : f32
        %add3A_839 = vector.broadcast %add3A_838 : f32 to vector<16xf32>
        %add3A_840 = arith.addf %min3A_837, %add3A_839 : vector<16xf32>
        %sub3A_841 = arith.constant 0x4B000000 : f32
        %sub3A_842 = vector.broadcast %sub3A_841 : f32 to vector<16xf32>
        %sub3A_843 = arith.subf %add3A_840, %sub3A_842 : vector<16xf32>
        %add3A_844 = arith.constant 1 : i32
        %add3A_845 = arith.addi %mul3A_279, %add3A_844 : i32
        %swap3A_846 = arith.index_cast %add3A_845 : i32 to index
        %swap3A_847 = arith.constant 144 : index
        %swap3A_848 = tpu.vector_load %arg10[%swap3A_846, %swap3A_847] {strides = array<i32>} : memref<56x224xf32, #tpu.memory_space<vmem>>, vector<16xf32>,
        tpu.vector_store %arg10[%swap3A_846, %swap3A_847], %sub3A_843 {strides = array<i32>} : memref<56x224xf32, #tpu.memory_space<vmem>>, vector<16xf32>,
        %convert_element_type3A_849 = arith.fptosi %sub3A_843 : vector<16xf32> to vector<16xi32>
        %add3A_850 = arith.addi %convert_element_type3A_849, %add3A_228 : vector<16xi32>
        tpu.vector_store_idx %arg13[%add3A_850], %broadcast_in_dim3A_6 {add = true} : memref<12288xf32, #tpu.memory_space<vmem>>[vector<16xi32>], vector<16xf32>,
        %bitcast3A_851 = vector.bitcast %convert_element_type3A_849 : vector<16xi32> to vector<16xi32>
        %pack3A_852 = tpu.pack_subelements %bitcast3A_785, %bitcast3A_807 {pack_format = #tpu.pack_format<interleaved>, positions = array<i32: 0, 1>} : vector<16xi32>, vector<16xi32> -> vector<32xi16>
        %pack3A_853 = tpu.pack_subelements %bitcast3A_829, %bitcast3A_851 {pack_format = #tpu.pack_format<interleaved>, positions = array<i32: 0, 1>} : vector<16xi32>, vector<16xi32> -> vector<32xi16>
        %pack3A_854 = tpu.pack_subelements %pack3A_852, %pack3A_853 {pack_format = #tpu.pack_format<interleaved>, positions = array<i32: 0, 1>} : vector<32xi16>, vector<32xi16> -> vector<64xi8>
        %bitcast3A_855 = vector.bitcast %pack3A_854 : vector<64xi8> to vector<16xi32>
        %mul3A_856 = arith.constant 112 : i32
        %mul3A_857 = arith.muli %scan3A_277, %mul3A_856 : i32
        %add3A_858 = arith.constant 80 : i32
        %add3A_859 = arith.addi %mul3A_857, %add3A_858 : i32
        %swap3A_860 = arith.index_cast %add3A_859 : i32 to index
        %swap3A_861 = tpu.vector_load %arg12[%swap3A_860] {strides = array<i32>} : memref<3136xi32, #tpu.memory_space<vmem>>, vector<16xi32>,
        tpu.vector_store %arg12[%swap3A_860], %bitcast3A_855 {strides = array<i32>} : memref<3136xi32, #tpu.memory_space<vmem>>, vector<16xi32>,
        %add3A_862 = arith.constant 1 : i32
        %add3A_863 = arith.addi %mul3A_279, %add3A_862 : i32
        %get3A_864 = arith.index_cast %add3A_863 : i32 to index
        %get3A_865 = arith.constant 160 : index
        %get3A_866 = tpu.vector_load %arg8[%get3A_864, %get3A_865] {strides = array<i32>} : memref<56x224xf32, #tpu.memory_space<vmem>>, vector<16xf32>,
        %min3A_867 = arith.constant 2.550000e+02 : f32
        %min3A_868 = vector.broadcast %min3A_867 : f32 to vector<16xf32>
        %min3A_869 = arith.minimumf %get3A_866, %min3A_868 : vector<16xf32>
        %add3A_870 = arith.constant 0x4B000000 : f32
        %add3A_871 = vector.broadcast %add3A_870 : f32 to vector<16xf32>
        %add3A_872 = arith.addf %min3A_869, %add3A_871 : vector<16xf32>
        %sub3A_873 = arith.constant 0x4B000000 : f32
        %sub3A_874 = vector.broadcast %sub3A_873 : f32 to vector<16xf32>
        %sub3A_875 = arith.subf %add3A_872, %sub3A_874 : vector<16xf32>
        %add3A_876 = arith.constant 1 : i32
        %add3A_877 = arith.addi %mul3A_279, %add3A_876 : i32
        %swap3A_878 = arith.index_cast %add3A_877 : i32 to index
        %swap3A_879 = arith.constant 160 : index
        %swap3A_880 = tpu.vector_load %arg10[%swap3A_878, %swap3A_879] {strides = array<i32>} : memref<56x224xf32, #tpu.memory_space<vmem>>, vector<16xf32>,
        tpu.vector_store %arg10[%swap3A_878, %swap3A_879], %sub3A_875 {strides = array<i32>} : memref<56x224xf32, #tpu.memory_space<vmem>>, vector<16xf32>,
        %convert_element_type3A_881 = arith.fptosi %sub3A_875 : vector<16xf32> to vector<16xi32>
        %add3A_882 = arith.addi %convert_element_type3A_881, %add3A_228 : vector<16xi32>
        tpu.vector_store_idx %arg13[%add3A_882], %broadcast_in_dim3A_6 {add = true} : memref<12288xf32, #tpu.memory_space<vmem>>[vector<16xi32>], vector<16xf32>,
        %bitcast3A_883 = vector.bitcast %convert_element_type3A_881 : vector<16xi32> to vector<16xi32>
        %add3A_884 = arith.constant 1 : i32
        %add3A_885 = arith.addi %mul3A_279, %add3A_884 : i32
        %get3A_886 = arith.index_cast %add3A_885 : i32 to index
        %get3A_887 = arith.constant 176 : index
        %get3A_888 = tpu.vector_load %arg8[%get3A_886, %get3A_887] {strides = array<i32>} : memref<56x224xf32, #tpu.memory_space<vmem>>, vector<16xf32>,
        %min3A_889 = arith.constant 2.550000e+02 : f32
        %min3A_890 = vector.broadcast %min3A_889 : f32 to vector<16xf32>
        %min3A_891 = arith.minimumf %get3A_888, %min3A_890 : vector<16xf32>
        %add3A_892 = arith.constant 0x4B000000 : f32
        %add3A_893 = vector.broadcast %add3A_892 : f32 to vector<16xf32>
        %add3A_894 = arith.addf %min3A_891, %add3A_893 : vector<16xf32>
        %sub3A_895 = arith.constant 0x4B000000 : f32
        %sub3A_896 = vector.broadcast %sub3A_895 : f32 to vector<16xf32>
        %sub3A_897 = arith.subf %add3A_894, %sub3A_896 : vector<16xf32>
        %add3A_898 = arith.constant 1 : i32
        %add3A_899 = arith.addi %mul3A_279, %add3A_898 : i32
        %swap3A_900 = arith.index_cast %add3A_899 : i32 to index
        %swap3A_901 = arith.constant 176 : index
        %swap3A_902 = tpu.vector_load %arg10[%swap3A_900, %swap3A_901] {strides = array<i32>} : memref<56x224xf32, #tpu.memory_space<vmem>>, vector<16xf32>,
        tpu.vector_store %arg10[%swap3A_900, %swap3A_901], %sub3A_897 {strides = array<i32>} : memref<56x224xf32, #tpu.memory_space<vmem>>, vector<16xf32>,
        %convert_element_type3A_903 = arith.fptosi %sub3A_897 : vector<16xf32> to vector<16xi32>
        %add3A_904 = arith.addi %convert_element_type3A_903, %add3A_228 : vector<16xi32>
        tpu.vector_store_idx %arg13[%add3A_904], %broadcast_in_dim3A_6 {add = true} : memref<12288xf32, #tpu.memory_space<vmem>>[vector<16xi32>], vector<16xf32>,
        %bitcast3A_905 = vector.bitcast %convert_element_type3A_903 : vector<16xi32> to vector<16xi32>
        %add3A_906 = arith.constant 1 : i32
        %add3A_907 = arith.addi %mul3A_279, %add3A_906 : i32
        %get3A_908 = arith.index_cast %add3A_907 : i32 to index
        %get3A_909 = arith.constant 192 : index
        %get3A_910 = tpu.vector_load %arg8[%get3A_908, %get3A_909] {strides = array<i32>} : memref<56x224xf32, #tpu.memory_space<vmem>>, vector<16xf32>,
        %min3A_911 = arith.constant 2.550000e+02 : f32
        %min3A_912 = vector.broadcast %min3A_911 : f32 to vector<16xf32>
        %min3A_913 = arith.minimumf %get3A_910, %min3A_912 : vector<16xf32>
        %add3A_914 = arith.constant 0x4B000000 : f32
        %add3A_915 = vector.broadcast %add3A_914 : f32 to vector<16xf32>
        %add3A_916 = arith.addf %min3A_913, %add3A_915 : vector<16xf32>
        %sub3A_917 = arith.constant 0x4B000000 : f32
        %sub3A_918 = vector.broadcast %sub3A_917 : f32 to vector<16xf32>
        %sub3A_919 = arith.subf %add3A_916, %sub3A_918 : vector<16xf32>
        %add3A_920 = arith.constant 1 : i32
        %add3A_921 = arith.addi %mul3A_279, %add3A_920 : i32
        %swap3A_922 = arith.index_cast %add3A_921 : i32 to index
        %swap3A_923 = arith.constant 192 : index
        %swap3A_924 = tpu.vector_load %arg10[%swap3A_922, %swap3A_923] {strides = array<i32>} : memref<56x224xf32, #tpu.memory_space<vmem>>, vector<16xf32>,
        tpu.vector_store %arg10[%swap3A_922, %swap3A_923], %sub3A_919 {strides = array<i32>} : memref<56x224xf32, #tpu.memory_space<vmem>>, vector<16xf32>,
        %convert_element_type3A_925 = arith.fptosi %sub3A_919 : vector<16xf32> to vector<16xi32>
        %add3A_926 = arith.addi %convert_element_type3A_925, %add3A_228 : vector<16xi32>
        tpu.vector_store_idx %arg13[%add3A_926], %broadcast_in_dim3A_6 {add = true} : memref<12288xf32, #tpu.memory_space<vmem>>[vector<16xi32>], vector<16xf32>,
        %bitcast3A_927 = vector.bitcast %convert_element_type3A_925 : vector<16xi32> to vector<16xi32>
        %add3A_928 = arith.constant 1 : i32
        %add3A_929 = arith.addi %mul3A_279, %add3A_928 : i32
        %get3A_930 = arith.index_cast %add3A_929 : i32 to index
        %get3A_931 = arith.constant 208 : index
        %get3A_932 = tpu.vector_load %arg8[%get3A_930, %get3A_931] {strides = array<i32>} : memref<56x224xf32, #tpu.memory_space<vmem>>, vector<16xf32>,
        %min3A_933 = arith.constant 2.550000e+02 : f32
        %min3A_934 = vector.broadcast %min3A_933 : f32 to vector<16xf32>
        %min3A_935 = arith.minimumf %get3A_932, %min3A_934 : vector<16xf32>
        %add3A_936 = arith.constant 0x4B000000 : f32
        %add3A_937 = vector.broadcast %add3A_936 : f32 to vector<16xf32>
        %add3A_938 = arith.addf %min3A_935, %add3A_937 : vector<16xf32>
        %sub3A_939 = arith.constant 0x4B000000 : f32
        %sub3A_940 = vector.broadcast %sub3A_939 : f32 to vector<16xf32>
        %sub3A_941 = arith.subf %add3A_938, %sub3A_940 : vector<16xf32>
        %add3A_942 = arith.constant 1 : i32
        %add3A_943 = arith.addi %mul3A_279, %add3A_942 : i32
        %swap3A_944 = arith.index_cast %add3A_943 : i32 to index
        %swap3A_945 = arith.constant 208 : index
        %swap3A_946 = tpu.vector_load %arg10[%swap3A_944, %swap3A_945] {strides = array<i32>} : memref<56x224xf32, #tpu.memory_space<vmem>>, vector<16xf32>,
        tpu.vector_store %arg10[%swap3A_944, %swap3A_945], %sub3A_941 {strides = array<i32>} : memref<56x224xf32, #tpu.memory_space<vmem>>, vector<16xf32>,
        %convert_element_type3A_947 = arith.fptosi %sub3A_941 : vector<16xf32> to vector<16xi32>
        %add3A_948 = arith.addi %convert_element_type3A_947, %add3A_228 : vector<16xi32>
        tpu.vector_store_idx %arg13[%add3A_948], %broadcast_in_dim3A_6 {add = true} : memref<12288xf32, #tpu.memory_space<vmem>>[vector<16xi32>], vector<16xf32>,
        %bitcast3A_949 = vector.bitcast %convert_element_type3A_947 : vector<16xi32> to vector<16xi32>
        %pack3A_950 = tpu.pack_subelements %bitcast3A_883, %bitcast3A_905 {pack_format = #tpu.pack_format<interleaved>, positions = array<i32: 0, 1>} : vector<16xi32>, vector<16xi32> -> vector<32xi16>
        %pack3A_951 = tpu.pack_subelements %bitcast3A_927, %bitcast3A_949 {pack_format = #tpu.pack_format<interleaved>, positions = array<i32: 0, 1>} : vector<16xi32>, vector<16xi32> -> vector<32xi16>
        %pack3A_952 = tpu.pack_subelements %pack3A_950, %pack3A_951 {pack_format = #tpu.pack_format<interleaved>, positions = array<i32: 0, 1>} : vector<32xi16>, vector<32xi16> -> vector<64xi8>
        %bitcast3A_953 = vector.bitcast %pack3A_952 : vector<64xi8> to vector<16xi32>
        %mul3A_954 = arith.constant 112 : i32
        %mul3A_955 = arith.muli %scan3A_277, %mul3A_954 : i32
        %add3A_956 = arith.constant 96 : i32
        %add3A_957 = arith.addi %mul3A_955, %add3A_956 : i32
        %swap3A_958 = arith.index_cast %add3A_957 : i32 to index
        %swap3A_959 = tpu.vector_load %arg12[%swap3A_958] {strides = array<i32>} : memref<3136xi32, #tpu.memory_space<vmem>>, vector<16xi32>,
        tpu.vector_store %arg12[%swap3A_958], %bitcast3A_953 {strides = array<i32>} : memref<3136xi32, #tpu.memory_space<vmem>>, vector<16xi32>,
      }
      %scan3A_233 = arith.constant 28 : i32
      %add3A_234 = arith.constant 2 : i32
      %add3A_235 = arith.addi %add3A_120, %add3A_234 : i32
      %lt3A_236 = arith.constant 48 : i32
      %lt3A_237 = arith.cmpi slt, %add3A_235, %lt3A_236 : i32
      %convert_element_type3A_238 = arith.extui %lt3A_237 : i1 to i32
      %cond3A_239 = arith.constant 0 : i32
      %cond3A_240 = arith.cmpi ne, %convert_element_type3A_238, %cond3A_239 : i32
      scf.if %cond3A_240 {
        %add3A_277 = arith.constant 2 : i32
        %add3A_278 = arith.addi %add3A_120, %add3A_277 : i32
        %shift_right_arithmetic3A_279 = arith.constant 4 : i32
        %shift_right_arithmetic3A_280 = arith.shrsi %add3A_278, %shift_right_arithmetic3A_279 : i32
        %and3A_281 = arith.constant 15 : i32
        %and3A_282 = arith.andi %add3A_278, %and3A_281 : i32
        %shift_right_arithmetic3A_283 = arith.constant 2 : i32
        %shift_right_arithmetic3A_284 = arith.shrsi %and3A_282, %shift_right_arithmetic3A_283 : i32
        %and3A_285 = arith.constant 3 : i32
        %and3A_286 = arith.andi %and3A_282, %and3A_285 : i32
        %add3A_287 = arith.addi %mul3A_2, %shift_right_arithmetic3A_280 : i32
        %mul3A_288 = arith.constant 56 : i32
        %mul3A_289 = arith.muli %and3A_286, %mul3A_288 : i32
        %dma_start3A_290 = arith.constant 0 : i32
        %dma_start3A_291 = tpu.memref_slice %arg2[%shift_right_arithmetic3A_284, %add3A_287, %mul3A_289, %dma_start3A_290] : memref<4x96x224x224xf32, #tpu.memory_space<hbm>> -> memref<1x1x56x224xf32, #tpu.memory_space<hbm>>
        %dma_start3A_292 = tpu.memref_squeeze %dma_start3A_291 : memref<1x1x56x224xf32, #tpu.memory_space<hbm>> -> memref<56x224xf32, #tpu.memory_space<hbm>>
        %dma_start3A_293 = arith.constant 0 : i32
        %dma_start3A_294 = tpu.memref_slice %arg2[%shift_right_arithmetic3A_284, %add3A_287, %mul3A_289, %dma_start3A_293] : memref<4x96x224x224xf32, #tpu.memory_space<hbm>> -> memref<1x1x56x224xf32, #tpu.memory_space<hbm>>
        %dma_start3A_295 = tpu.memref_squeeze %dma_start3A_294 : memref<1x1x56x224xf32, #tpu.memory_space<hbm>> -> memref<56x224xf32, #tpu.memory_space<hbm>>
        tpu.enqueue_dma source(%dma_start3A_295 : memref<56x224xf32, #tpu.memory_space<hbm>>) target(%arg8 : memref<56x224xf32, #tpu.memory_space<vmem>>) target_semaphore(%arg17 : memref<!tpu.dma_semaphore, #tpu.memory_space<semaphore_mem>>)
      } else {
      }
      %shift_right_arithmetic3A_241 = arith.constant 4 : i32
      %shift_right_arithmetic3A_242 = arith.shrsi %add3A_120, %shift_right_arithmetic3A_241 : i32
      %and3A_243 = arith.constant 15 : i32
      %and3A_244 = arith.andi %add3A_120, %and3A_243 : i32
      %shift_right_arithmetic3A_245 = arith.constant 2 : i32
      %shift_right_arithmetic3A_246 = arith.shrsi %and3A_244, %shift_right_arithmetic3A_245 : i32
      %and3A_247 = arith.constant 3 : i32
      %and3A_248 = arith.andi %and3A_244, %and3A_247 : i32
      %add3A_249 = arith.addi %mul3A_2, %shift_right_arithmetic3A_242 : i32
      %mul3A_250 = arith.constant 56 : i32
      %mul3A_251 = arith.muli %and3A_248, %mul3A_250 : i32
      %dma_start3A_252 = arith.constant 0 : i32
      %dma_start3A_253 = tpu.memref_slice %arg4[%shift_right_arithmetic3A_246, %add3A_249, %mul3A_251, %dma_start3A_252] : memref<4x96x224x224xf32, #tpu.memory_space<hbm>> -> memref<1x1x56x224xf32, #tpu.memory_space<hbm>>
      %dma_start3A_254 = tpu.memref_squeeze %dma_start3A_253 : memref<1x1x56x224xf32, #tpu.memory_space<hbm>> -> memref<56x224xf32, #tpu.memory_space<hbm>>
      %dma_start3A_255 = arith.constant 0 : i32
      %dma_start3A_256 = tpu.memref_slice %arg4[%shift_right_arithmetic3A_246, %add3A_249, %mul3A_251, %dma_start3A_255] : memref<4x96x224x224xf32, #tpu.memory_space<hbm>> -> memref<1x1x56x224xf32, #tpu.memory_space<hbm>>
      %dma_start3A_257 = tpu.memref_squeeze %dma_start3A_256 : memref<1x1x56x224xf32, #tpu.memory_space<hbm>> -> memref<56x224xf32, #tpu.memory_space<hbm>>
      tpu.enqueue_dma source(%arg10 : memref<56x224xf32, #tpu.memory_space<vmem>>) target(%dma_start3A_257 : memref<56x224xf32, #tpu.memory_space<hbm>>) target_semaphore(%arg19 : memref<!tpu.dma_semaphore, #tpu.memory_space<semaphore_mem>>)
      %shift_right_arithmetic3A_258 = arith.constant 4 : i32
      %shift_right_arithmetic3A_259 = arith.shrsi %add3A_120, %shift_right_arithmetic3A_258 : i32
      %and3A_260 = arith.constant 15 : i32
      %and3A_261 = arith.andi %add3A_120, %and3A_260 : i32
      %shift_right_arithmetic3A_262 = arith.constant 2 : i32
      %shift_right_arithmetic3A_263 = arith.shrsi %and3A_261, %shift_right_arithmetic3A_262 : i32
      %and3A_264 = arith.constant 3 : i32
      %and3A_265 = arith.andi %and3A_261, %and3A_264 : i32
      %add3A_266 = arith.addi %mul3A_2, %shift_right_arithmetic3A_259 : i32
      %mul3A_267 = arith.constant 96 : i32
      %mul3A_268 = arith.muli %shift_right_arithmetic3A_263, %mul3A_267 : i32
      %add3A_269 = arith.addi %mul3A_268, %add3A_266 : i32
      %mul3A_270 = arith.constant 12544 : i32
      %mul3A_271 = arith.muli %add3A_269, %mul3A_270 : i32
      %mul3A_272 = arith.constant 3136 : i32
      %mul3A_273 = arith.muli %and3A_265, %mul3A_272 : i32
      %add3A_274 = arith.addi %mul3A_271, %mul3A_273 : i32
      %dma_start3A_275 = tpu.memref_slice %arg6[%add3A_274] : memref<4816896xi32, #tpu.memory_space<hbm>> -> memref<3136xi32, #tpu.memory_space<hbm>>
      %dma_start3A_276 = tpu.memref_slice %arg6[%add3A_274] : memref<4816896xi32, #tpu.memory_space<hbm>> -> memref<3136xi32, #tpu.memory_space<hbm>>
      tpu.enqueue_dma source(%arg12 : memref<3136xi32, #tpu.memory_space<vmem>>) target(%dma_start3A_276 : memref<3136xi32, #tpu.memory_space<hbm>>) target_semaphore(%arg21 : memref<!tpu.dma_semaphore, #tpu.memory_space<semaphore_mem>>)
    }
    %scan3A_38 = arith.constant 24 : i32
    %dma_wait3A = arith.constant 0 : i32
    %dma_wait3A_39 = arith.constant 0 : i32
    %dma_wait3A_40 = arith.constant 0 : i32
    %dma_wait3A_41 = arith.constant 0 : i32
    %dma_wait3A_42 = tpu.memref_slice %arg4[%dma_wait3A, %dma_wait3A_39, %dma_wait3A_40, %dma_wait3A_41] : memref<4x96x224x224xf32, #tpu.memory_space<hbm>> -> memref<1x1x56x224xf32, #tpu.memory_space<hbm>>
    %dma_wait3A_43 = tpu.memref_squeeze %dma_wait3A_42 : memref<1x1x56x224xf32, #tpu.memory_space<hbm>> -> memref<56x224xf32, #tpu.memory_space<hbm>>
    %dma_wait3A_44 = arith.constant 0 : i32
    %dma_wait3A_45 = arith.constant 0 : i32
    %dma_wait3A_46 = tpu.memref_slice %arg4[%dma_wait3A, %dma_wait3A_39, %dma_wait3A_44, %dma_wait3A_45] : memref<4x96x224x224xf32, #tpu.memory_space<hbm>> -> memref<1x1x56x224xf32, #tpu.memory_space<hbm>>
    %dma_wait3A_47 = tpu.memref_squeeze %dma_wait3A_46 : memref<1x1x56x224xf32, #tpu.memory_space<hbm>> -> memref<56x224xf32, #tpu.memory_space<hbm>>
    tpu.wait_dma2 semaphore(%arg18 : memref<!tpu.dma_semaphore, #tpu.memory_space<semaphore_mem>>) src(%dma_wait3A_47 : memref<56x224xf32, #tpu.memory_space<hbm>>) dst(%arg9 : memref<56x224xf32, #tpu.memory_space<vmem>>)
    %dma_wait3A_48 = arith.constant 0 : i32
    %dma_wait3A_49 = arith.constant 0 : i32
    %dma_wait3A_50 = arith.constant 0 : i32
    %dma_wait3A_51 = arith.constant 0 : i32
    %dma_wait3A_52 = tpu.memref_slice %arg4[%dma_wait3A_48, %dma_wait3A_49, %dma_wait3A_50, %dma_wait3A_51] : memref<4x96x224x224xf32, #tpu.memory_space<hbm>> -> memref<1x1x56x224xf32, #tpu.memory_space<hbm>>
    %dma_wait3A_53 = tpu.memref_squeeze %dma_wait3A_52 : memref<1x1x56x224xf32, #tpu.memory_space<hbm>> -> memref<56x224xf32, #tpu.memory_space<hbm>>
    %dma_wait3A_54 = arith.constant 0 : i32
    %dma_wait3A_55 = arith.constant 0 : i32
    %dma_wait3A_56 = tpu.memref_slice %arg4[%dma_wait3A_48, %dma_wait3A_49, %dma_wait3A_54, %dma_wait3A_55] : memref<4x96x224x224xf32, #tpu.memory_space<hbm>> -> memref<1x1x56x224xf32, #tpu.memory_space<hbm>>
    %dma_wait3A_57 = tpu.memref_squeeze %dma_wait3A_56 : memref<1x1x56x224xf32, #tpu.memory_space<hbm>> -> memref<56x224xf32, #tpu.memory_space<hbm>>
    tpu.wait_dma2 semaphore(%arg19 : memref<!tpu.dma_semaphore, #tpu.memory_space<semaphore_mem>>) src(%dma_wait3A_57 : memref<56x224xf32, #tpu.memory_space<hbm>>) dst(%arg10 : memref<56x224xf32, #tpu.memory_space<vmem>>)
    %dma_wait3A_58 = arith.constant 0 : i32
    %dma_wait3A_59 = tpu.memref_slice %arg6[%dma_wait3A_58] : memref<4816896xi32, #tpu.memory_space<hbm>> -> memref<3136xi32, #tpu.memory_space<hbm>>
    %dma_wait3A_60 = arith.constant 0 : i32
    %dma_wait3A_61 = tpu.memref_slice %arg6[%dma_wait3A_60] : memref<4816896xi32, #tpu.memory_space<hbm>> -> memref<3136xi32, #tpu.memory_space<hbm>>
    tpu.wait_dma2 semaphore(%arg20 : memref<!tpu.dma_semaphore, #tpu.memory_space<semaphore_mem>>) src(%dma_wait3A_61 : memref<3136xi32, #tpu.memory_space<hbm>>) dst(%arg11 : memref<3136xi32, #tpu.memory_space<vmem>>)
    %dma_wait3A_62 = arith.constant 0 : i32
    %dma_wait3A_63 = tpu.memref_slice %arg6[%dma_wait3A_62] : memref<4816896xi32, #tpu.memory_space<hbm>> -> memref<3136xi32, #tpu.memory_space<hbm>>
    %dma_wait3A_64 = arith.constant 0 : i32
    %dma_wait3A_65 = tpu.memref_slice %arg6[%dma_wait3A_64] : memref<4816896xi32, #tpu.memory_space<hbm>> -> memref<3136xi32, #tpu.memory_space<hbm>>
    tpu.wait_dma2 semaphore(%arg21 : memref<!tpu.dma_semaphore, #tpu.memory_space<semaphore_mem>>) src(%dma_wait3A_65 : memref<3136xi32, #tpu.memory_space<hbm>>) dst(%arg12 : memref<3136xi32, #tpu.memory_space<vmem>>)
    "tpu.region"() ({
      %run_scoped3A = tpu.sem_alloc : memref<!tpu.dma_semaphore, #tpu.memory_space<semaphore_mem>>
      tpu.enqueue_dma source(%arg3 : memref<96x256xf32, #tpu.memory_space<hbm>>) target(%arg15 : memref<96x256xf32, #tpu.memory_space<vmem>>) target_semaphore(%run_scoped3A : memref<!tpu.dma_semaphore, #tpu.memory_space<semaphore_mem>>)
      tpu.wait_dma2 semaphore(%run_scoped3A : memref<!tpu.dma_semaphore, #tpu.memory_space<semaphore_mem>>) src(%arg3 : memref<96x256xf32, #tpu.memory_space<hbm>>) dst(%arg15 : memref<96x256xf32, #tpu.memory_space<vmem>>)
      tpu.yield
    }) : () -> ()
    %scan3A_66 = arith.constant 0 : i32
    %scan3A_67 = arith.constant 48 : i32
    %scan3A_68 = arith.addi %scan3A_66, %scan3A_67 : i32
    %scan3A_69 = arith.constant 1 : i32
    scf.for %scan3A_116 = %scan3A_66 to %scan3A_68 step %scan3A_69  : i32 {
      %mul3A_117 = arith.constant 16 : i32
      %mul3A_118 = arith.muli %scan3A_116, %mul3A_117 : i32
      %add3A_119 = arith.constant 0 : i32
      %add3A_120 = arith.addi %add3A_119, %mul3A_118 : i32
      %get3A = arith.index_cast %add3A_120 : i32 to index
      %get3A_121 = tpu.vector_load %arg13[%get3A] {strides = array<i32>} : memref<12288xf32, #tpu.memory_space<vmem>>, vector<16xf32>,
      %add3A_122 = arith.addf %broadcast_in_dim3A_8, %get3A_121 : vector<16xf32>
      %mul3A_123 = arith.constant 16 : i32
      %mul3A_124 = arith.muli %scan3A_116, %mul3A_123 : i32
      %add3A_125 = arith.constant 768 : i32
      %add3A_126 = arith.addi %add3A_125, %mul3A_124 : i32
      %get3A_127 = arith.index_cast %add3A_126 : i32 to index
      %get3A_128 = tpu.vector_load %arg13[%get3A_127] {strides = array<i32>} : memref<12288xf32, #tpu.memory_space<vmem>>, vector<16xf32>,
      %add3A_129 = arith.addf %add3A_122, %get3A_128 : vector<16xf32>
      %mul3A_130 = arith.constant 16 : i32
      %mul3A_131 = arith.muli %scan3A_116, %mul3A_130 : i32
      %add3A_132 = arith.constant 1536 : i32
      %add3A_133 = arith.addi %add3A_132, %mul3A_131 : i32
      %get3A_134 = arith.index_cast %add3A_133 : i32 to index
      %get3A_135 = tpu.vector_load %arg13[%get3A_134] {strides = array<i32>} : memref<12288xf32, #tpu.memory_space<vmem>>, vector<16xf32>,
      %add3A_136 = arith.addf %add3A_129, %get3A_135 : vector<16xf32>
      %mul3A_137 = arith.constant 16 : i32
      %mul3A_138 = arith.muli %scan3A_116, %mul3A_137 : i32
      %add3A_139 = arith.constant 2304 : i32
      %add3A_140 = arith.addi %add3A_139, %mul3A_138 : i32
      %get3A_141 = arith.index_cast %add3A_140 : i32 to index
      %get3A_142 = tpu.vector_load %arg13[%get3A_141] {strides = array<i32>} : memref<12288xf32, #tpu.memory_space<vmem>>, vector<16xf32>,
      %add3A_143 = arith.addf %add3A_136, %get3A_142 : vector<16xf32>
      %mul3A_144 = arith.constant 16 : i32
      %mul3A_145 = arith.muli %scan3A_116, %mul3A_144 : i32
      %add3A_146 = arith.constant 3072 : i32
      %add3A_147 = arith.addi %add3A_146, %mul3A_145 : i32
      %get3A_148 = arith.index_cast %add3A_147 : i32 to index
      %get3A_149 = tpu.vector_load %arg13[%get3A_148] {strides = array<i32>} : memref<12288xf32, #tpu.memory_space<vmem>>, vector<16xf32>,
      %add3A_150 = arith.addf %add3A_143, %get3A_149 : vector<16xf32>
      %mul3A_151 = arith.constant 16 : i32
      %mul3A_152 = arith.muli %scan3A_116, %mul3A_151 : i32
      %add3A_153 = arith.constant 3840 : i32
      %add3A_154 = arith.addi %add3A_153, %mul3A_152 : i32
      %get3A_155 = arith.index_cast %add3A_154 : i32 to index
      %get3A_156 = tpu.vector_load %arg13[%get3A_155] {strides = array<i32>} : memref<12288xf32, #tpu.memory_space<vmem>>, vector<16xf32>,
      %add3A_157 = arith.addf %add3A_150, %get3A_156 : vector<16xf32>
      %mul3A_158 = arith.constant 16 : i32
      %mul3A_159 = arith.muli %scan3A_116, %mul3A_158 : i32
      %add3A_160 = arith.constant 4608 : i32
      %add3A_161 = arith.addi %add3A_160, %mul3A_159 : i32
      %get3A_162 = arith.index_cast %add3A_161 : i32 to index
      %get3A_163 = tpu.vector_load %arg13[%get3A_162] {strides = array<i32>} : memref<12288xf32, #tpu.memory_space<vmem>>, vector<16xf32>,
      %add3A_164 = arith.addf %add3A_157, %get3A_163 : vector<16xf32>
      %mul3A_165 = arith.constant 16 : i32
      %mul3A_166 = arith.muli %scan3A_116, %mul3A_165 : i32
      %add3A_167 = arith.constant 5376 : i32
      %add3A_168 = arith.addi %add3A_167, %mul3A_166 : i32
      %get3A_169 = arith.index_cast %add3A_168 : i32 to index
      %get3A_170 = tpu.vector_load %arg13[%get3A_169] {strides = array<i32>} : memref<12288xf32, #tpu.memory_space<vmem>>, vector<16xf32>,
      %add3A_171 = arith.addf %add3A_164, %get3A_170 : vector<16xf32>
      %mul3A_172 = arith.constant 16 : i32
      %mul3A_173 = arith.muli %scan3A_116, %mul3A_172 : i32
      %add3A_174 = arith.constant 6144 : i32
      %add3A_175 = arith.addi %add3A_174, %mul3A_173 : i32
      %get3A_176 = arith.index_cast %add3A_175 : i32 to index
      %get3A_177 = tpu.vector_load %arg13[%get3A_176] {strides = array<i32>} : memref<12288xf32, #tpu.memory_space<vmem>>, vector<16xf32>,
      %add3A_178 = arith.addf %add3A_171, %get3A_177 : vector<16xf32>
      %mul3A_179 = arith.constant 16 : i32
      %mul3A_180 = arith.muli %scan3A_116, %mul3A_179 : i32
      %add3A_181 = arith.constant 6912 : i32
      %add3A_182 = arith.addi %add3A_181, %mul3A_180 : i32
      %get3A_183 = arith.index_cast %add3A_182 : i32 to index
      %get3A_184 = tpu.vector_load %arg13[%get3A_183] {strides = array<i32>} : memref<12288xf32, #tpu.memory_space<vmem>>, vector<16xf32>,
      %add3A_185 = arith.addf %add3A_178, %get3A_184 : vector<16xf32>
      %mul3A_186 = arith.constant 16 : i32
      %mul3A_187 = arith.muli %scan3A_116, %mul3A_186 : i32
      %add3A_188 = arith.constant 7680 : i32
      %add3A_189 = arith.addi %add3A_188, %mul3A_187 : i32
      %get3A_190 = arith.index_cast %add3A_189 : i32 to index
      %get3A_191 = tpu.vector_load %arg13[%get3A_190] {strides = array<i32>} : memref<12288xf32, #tpu.memory_space<vmem>>, vector<16xf32>,
      %add3A_192 = arith.addf %add3A_185, %get3A_191 : vector<16xf32>
      %mul3A_193 = arith.constant 16 : i32
      %mul3A_194 = arith.muli %scan3A_116, %mul3A_193 : i32
      %add3A_195 = arith.constant 8448 : i32
      %add3A_196 = arith.addi %add3A_195, %mul3A_194 : i32
      %get3A_197 = arith.index_cast %add3A_196 : i32 to index
      %get3A_198 = tpu.vector_load %arg13[%get3A_197] {strides = array<i32>} : memref<12288xf32, #tpu.memory_space<vmem>>, vector<16xf32>,
      %add3A_199 = arith.addf %add3A_192, %get3A_198 : vector<16xf32>
      %mul3A_200 = arith.constant 16 : i32
      %mul3A_201 = arith.muli %scan3A_116, %mul3A_200 : i32
      %add3A_202 = arith.constant 9216 : i32
      %add3A_203 = arith.addi %add3A_202, %mul3A_201 : i32
      %get3A_204 = arith.index_cast %add3A_203 : i32 to index
      %get3A_205 = tpu.vector_load %arg13[%get3A_204] {strides = array<i32>} : memref<12288xf32, #tpu.memory_space<vmem>>, vector<16xf32>,
      %add3A_206 = arith.addf %add3A_199, %get3A_205 : vector<16xf32>
      %mul3A_207 = arith.constant 16 : i32
      %mul3A_208 = arith.muli %scan3A_116, %mul3A_207 : i32
      %add3A_209 = arith.constant 9984 : i32
      %add3A_210 = arith.addi %add3A_209, %mul3A_208 : i32
      %get3A_211 = arith.index_cast %add3A_210 : i32 to index
      %get3A_212 = tpu.vector_load %arg13[%get3A_211] {strides = array<i32>} : memref<12288xf32, #tpu.memory_space<vmem>>, vector<16xf32>,
      %add3A_213 = arith.addf %add3A_206, %get3A_212 : vector<16xf32>
      %mul3A_214 = arith.constant 16 : i32
      %mul3A_215 = arith.muli %scan3A_116, %mul3A_214 : i32
      %add3A_216 = arith.constant 10752 : i32
      %add3A_217 = arith.addi %add3A_216, %mul3A_215 : i32
      %get3A_218 = arith.index_cast %add3A_217 : i32 to index
      %get3A_219 = tpu.vector_load %arg13[%get3A_218] {strides = array<i32>} : memref<12288xf32, #tpu.memory_space<vmem>>, vector<16xf32>,
      %add3A_220 = arith.addf %add3A_213, %get3A_219 : vector<16xf32>
      %mul3A_221 = arith.constant 16 : i32
      %mul3A_222 = arith.muli %scan3A_116, %mul3A_221 : i32
      %add3A_223 = arith.constant 11520 : i32
      %add3A_224 = arith.addi %add3A_223, %mul3A_222 : i32
      %get3A_225 = arith.index_cast %add3A_224 : i32 to index
      %get3A_226 = tpu.vector_load %arg13[%get3A_225] {strides = array<i32>} : memref<12288xf32, #tpu.memory_space<vmem>>, vector<16xf32>,
      %add3A_227 = arith.addf %add3A_220, %get3A_226 : vector<16xf32>
      %jit3A = arith.constant 16 : i32
      %div3A = arith.divsi %scan3A_116, %jit3A : i32
      %sign3A = arith.constant 0 : i32
      %sign3A_228 = arith.cmpi sgt, %scan3A_116, %sign3A : i32
      %sign3A_229 = arith.extui %sign3A_228 : i1 to i32
      %sign3A_230 = arith.constant 0 : i32
      %sign3A_231 = arith.cmpi slt, %scan3A_116, %sign3A_230 : i32
      %sign3A_232 = arith.extui %sign3A_231 : i1 to i32
      %sign3A_233 = arith.subi %sign3A_229, %sign3A_232 : i32
      %sign3A_234 = arith.constant 0 : i32
      %sign3A_235 = arith.cmpi sgt, %jit3A, %sign3A_234 : i32
      %sign3A_236 = arith.extui %sign3A_235 : i1 to i32
      %sign3A_237 = arith.constant 0 : i32
      %sign3A_238 = arith.cmpi slt, %jit3A, %sign3A_237 : i32
      %sign3A_239 = arith.extui %sign3A_238 : i1 to i32
      %sign3A_240 = arith.subi %sign3A_236, %sign3A_239 : i32
      %ne3A = arith.cmpi ne, %sign3A_233, %sign3A_240 : i32
      %rem3A = arith.remsi %scan3A_116, %jit3A : i32
      %ne3A_241 = arith.constant 0 : i32
      %ne3A_242 = arith.cmpi ne, %rem3A, %ne3A_241 : i32
      %and3A = arith.andi %ne3A, %ne3A_242 : i1
      %sub3A = arith.constant 1 : i32
      %sub3A_243 = arith.subi %div3A, %sub3A : i32
      %select_n3A = arith.select %and3A, %sub3A_243, %div3A : i32
      %add3A_244 = arith.addi %mul3A_2, %select_n3A : i32
      %jit3A_245 = arith.constant 16 : i32
      %eq3A = arith.constant 0 : i32
      %eq3A_246 = arith.cmpi eq, %jit3A_245, %eq3A : i32
      %jit3A_247 = arith.constant 1 : i32
      %select_n3A_248 = arith.select %eq3A_246, %jit3A_247, %jit3A_245 : i32
      %rem3A_249 = arith.remsi %scan3A_116, %select_n3A_248 : i32
      %ne3A_250 = arith.constant 0 : i32
      %ne3A_251 = arith.cmpi ne, %rem3A_249, %ne3A_250 : i32
      %lt3A = arith.constant 0 : i32
      %lt3A_252 = arith.cmpi slt, %rem3A_249, %lt3A : i32
      %lt3A_253 = arith.constant 0 : i32
      %lt3A_254 = arith.cmpi slt, %select_n3A_248, %lt3A_253 : i32
      %ne3A_255 = arith.xori %lt3A_252, %lt3A_254 : i1
      %and3A_256 = arith.andi %ne3A_255, %ne3A_251 : i1
      %add3A_257 = arith.addi %rem3A_249, %select_n3A_248 : i32
      %select_n3A_258 = arith.select %and3A_256, %add3A_257, %rem3A_249 : i32
      %mul3A_259 = arith.constant 16 : i32
      %mul3A_260 = arith.muli %select_n3A_258, %mul3A_259 : i32
      %get3A_261 = arith.index_cast %add3A_244 : i32 to index
      %get3A_262 = arith.index_cast %mul3A_260 : i32 to index
      %get3A_263 = tpu.vector_load %arg15[%get3A_261, %get3A_262] {strides = array<i32>} : memref<96x256xf32, #tpu.memory_space<vmem>>, vector<16xf32>,
      %mul3A_264 = arith.constant 9.900000e-01 : f32
      %mul3A_265 = vector.broadcast %mul3A_264 : f32 to vector<16xf32>
      %mul3A_266 = arith.mulf %get3A_263, %mul3A_265 : vector<16xf32>
      %mul3A_267 = arith.constant 4.98246173E-8 : f32
      %mul3A_268 = vector.broadcast %mul3A_267 : f32 to vector<16xf32>
      %mul3A_269 = arith.mulf %add3A_227, %mul3A_268 : vector<16xf32>
      %add3A_270 = arith.addf %mul3A_266, %mul3A_269 : vector<16xf32>
      %mul3A_271 = arith.constant 16 : i32
      %mul3A_272 = arith.muli %scan3A_116, %mul3A_271 : i32
      %swap3A = arith.index_cast %mul3A_272 : i32 to index
      %swap3A_273 = tpu.vector_load %arg14[%swap3A] {strides = array<i32>} : memref<768xf32, #tpu.memory_space<vmem>>, vector<16xf32>,
      tpu.vector_store %arg14[%swap3A], %add3A_270 {strides = array<i32>} : memref<768xf32, #tpu.memory_space<vmem>>, vector<16xf32>,
    }
    %scan3A_70 = arith.constant 48 : i32
    %add3A_71 = arith.constant 0 : i32
    %add3A_72 = arith.addi %mul3A_2, %add3A_71 : i32
    %add3A_73 = arith.constant 0 : i32
    %add3A_74 = arith.addi %add3A_73, %add3A_72 : i32
    %mul3A_75 = arith.constant 12544 : i32
    %mul3A_76 = arith.muli %add3A_74, %mul3A_75 : i32
    %add3A_77 = arith.constant 0 : i32
    %add3A_78 = arith.addi %mul3A_76, %add3A_77 : i32
    %dma_start3A_79 = tpu.memref_slice %arg6[%add3A_78] : memref<4816896xi32, #tpu.memory_space<hbm>> -> memref<3136xi32, #tpu.memory_space<hbm>>
    %dma_start3A_80 = tpu.memref_slice %arg6[%add3A_78] : memref<4816896xi32, #tpu.memory_space<hbm>> -> memref<3136xi32, #tpu.memory_space<hbm>>
    tpu.enqueue_dma source(%dma_start3A_80 : memref<3136xi32, #tpu.memory_space<hbm>>) target(%arg11 : memref<3136xi32, #tpu.memory_space<vmem>>) target_semaphore(%arg16 : memref<!tpu.dma_semaphore, #tpu.memory_space<semaphore_mem>>)
    %add3A_81 = arith.constant 0 : i32
    %add3A_82 = arith.addi %mul3A_2, %add3A_81 : i32
    %add3A_83 = arith.constant 0 : i32
    %add3A_84 = arith.addi %add3A_83, %add3A_82 : i32
    %mul3A_85 = arith.constant 12544 : i32
    %mul3A_86 = arith.muli %add3A_84, %mul3A_85 : i32
    %add3A_87 = arith.constant 3136 : i32
    %add3A_88 = arith.addi %mul3A_86, %add3A_87 : i32
    %dma_start3A_89 = tpu.memref_slice %arg6[%add3A_88] : memref<4816896xi32, #tpu.memory_space<hbm>> -> memref<3136xi32, #tpu.memory_space<hbm>>
    %dma_start3A_90 = tpu.memref_slice %arg6[%add3A_88] : memref<4816896xi32, #tpu.memory_space<hbm>> -> memref<3136xi32, #tpu.memory_space<hbm>>
    tpu.enqueue_dma source(%dma_start3A_90 : memref<3136xi32, #tpu.memory_space<hbm>>) target(%arg12 : memref<3136xi32, #tpu.memory_space<vmem>>) target_semaphore(%arg17 : memref<!tpu.dma_semaphore, #tpu.memory_space<semaphore_mem>>)
    %scan3A_91 = arith.constant 0 : i32
    %scan3A_92 = arith.constant 24 : i32
    %scan3A_93 = arith.addi %scan3A_91, %scan3A_92 : i32
    %scan3A_94 = arith.constant 1 : i32
    scf.for %scan3A_116 = %scan3A_91 to %scan3A_93 step %scan3A_94  : i32 {
      %mul3A_117 = arith.constant 2 : i32
      %mul3A_118 = arith.muli %mul3A_117, %scan3A_116 : i32
      %add3A_119 = arith.constant 1 : i32
      %add3A_120 = arith.addi %mul3A_118, %add3A_119 : i32
      %dma_wait3A_121 = arith.constant 0 : i32
      %dma_wait3A_122 = tpu.memref_slice %arg6[%dma_wait3A_121] : memref<4816896xi32, #tpu.memory_space<hbm>> -> memref<3136xi32, #tpu.memory_space<hbm>>
      %dma_wait3A_123 = arith.constant 0 : i32
      %dma_wait3A_124 = tpu.memref_slice %arg6[%dma_wait3A_123] : memref<4816896xi32, #tpu.memory_space<hbm>> -> memref<3136xi32, #tpu.memory_space<hbm>>
      tpu.wait_dma2 semaphore(%arg16 : memref<!tpu.dma_semaphore, #tpu.memory_space<semaphore_mem>>) src(%dma_wait3A_124 : memref<3136xi32, #tpu.memory_space<hbm>>) dst(%arg11 : memref<3136xi32, #tpu.memory_space<vmem>>)
      %gt3A = arith.constant 0 : i32
      %gt3A_125 = arith.cmpi sgt, %scan3A_116, %gt3A : i32
      %convert_element_type3A = arith.extui %gt3A_125 : i1 to i32
      %cond3A = arith.constant 0 : i32
      %cond3A_126 = arith.cmpi ne, %convert_element_type3A, %cond3A : i32
      scf.if %cond3A_126 {
        %dma_wait3A_213 = arith.constant 0 : i32
        %dma_wait3A_214 = arith.constant 0 : i32
        %dma_wait3A_215 = arith.constant 0 : i32
        %dma_wait3A_216 = arith.constant 0 : i32
        %dma_wait3A_217 = tpu.memref_slice %arg5[%dma_wait3A_213, %dma_wait3A_214, %dma_wait3A_215, %dma_wait3A_216] : memref<4x96x224x224xf32, #tpu.memory_space<hbm>> -> memref<1x1x56x224xf32, #tpu.memory_space<hbm>>
        %dma_wait3A_218 = tpu.memref_squeeze %dma_wait3A_217 : memref<1x1x56x224xf32, #tpu.memory_space<hbm>> -> memref<56x224xf32, #tpu.memory_space<hbm>>
        %dma_wait3A_219 = arith.constant 0 : i32
        %dma_wait3A_220 = arith.constant 0 : i32
        %dma_wait3A_221 = tpu.memref_slice %arg5[%dma_wait3A_213, %dma_wait3A_214, %dma_wait3A_219, %dma_wait3A_220] : memref<4x96x224x224xf32, #tpu.memory_space<hbm>> -> memref<1x1x56x224xf32, #tpu.memory_space<hbm>>
        %dma_wait3A_222 = tpu.memref_squeeze %dma_wait3A_221 : memref<1x1x56x224xf32, #tpu.memory_space<hbm>> -> memref<56x224xf32, #tpu.memory_space<hbm>>
        tpu.wait_dma2 semaphore(%arg18 : memref<!tpu.dma_semaphore, #tpu.memory_space<semaphore_mem>>) src(%dma_wait3A_222 : memref<56x224xf32, #tpu.memory_space<hbm>>) dst(%arg9 : memref<56x224xf32, #tpu.memory_space<vmem>>)
      } else {
      }
      %shift_right_arithmetic3A = arith.constant 4 : i32
      %shift_right_arithmetic3A_127 = arith.shrsi %mul3A_118, %shift_right_arithmetic3A : i32
      %and3A = arith.constant 15 : i32
      %and3A_128 = arith.andi %mul3A_118, %and3A : i32
      %shift_right_arithmetic3A_129 = arith.constant 2 : i32
      %shift_right_arithmetic3A_130 = arith.shrsi %and3A_128, %shift_right_arithmetic3A_129 : i32
      %and3A_131 = arith.constant 3 : i32
      %and3A_132 = arith.andi %and3A_128, %and3A_131 : i32
      %add3A_133 = arith.addi %mul3A_2, %shift_right_arithmetic3A_127 : i32
      %mul3A_134 = arith.constant 256 : i32
      %mul3A_135 = arith.muli %shift_right_arithmetic3A_127, %mul3A_134 : i32
      %scan3A_136 = arith.constant 0 : i32
      %scan3A_137 = arith.constant 28 : i32
      %scan3A_138 = arith.addi %scan3A_136, %scan3A_137 : i32
      %scan3A_139 = arith.constant 1 : i32
      scf.for %scan3A_213 = %scan3A_136 to %scan3A_138 step %scan3A_139  : i32 {
        %mul3A_214 = arith.constant 2 : i32
        %mul3A_215 = arith.muli %scan3A_213, %mul3A_214 : i32
        %mul3A_216 = arith.constant 112 : i32
        %mul3A_217 = arith.muli %scan3A_213, %mul3A_216 : i32
        %add3A_218 = arith.constant 0 : i32
        %add3A_219 = arith.addi %mul3A_217, %add3A_218 : i32
        %get3A = arith.index_cast %add3A_219 : i32 to index
        %get3A_220 = tpu.vector_load %arg11[%get3A] {strides = array<i32>} : memref<3136xi32, #tpu.memory_space<vmem>>, vector<16xi32>,
        %bitcast3A = vector.bitcast %get3A_220 : vector<16xi32> to vector<64xi8>
        %unpack3A = tpu.unpack_subelements %bitcast3A, 0 {pack_format = #tpu.pack_format<interleaved>} : vector<64xi8> -> vector<32xi16>
        %unpack3A_221 = tpu.unpack_subelements %bitcast3A, 1 {pack_format = #tpu.pack_format<interleaved>} : vector<64xi8> -> vector<32xi16>
        %unpack3A_222 = tpu.unpack_subelements %unpack3A, 0 {pack_format = #tpu.pack_format<interleaved>} : vector<32xi16> -> vector<16xi32>
        %unpack3A_223 = tpu.unpack_subelements %unpack3A, 1 {pack_format = #tpu.pack_format<interleaved>} : vector<32xi16> -> vector<16xi32>
        %unpack3A_224 = tpu.unpack_subelements %unpack3A_221, 0 {pack_format = #tpu.pack_format<interleaved>} : vector<32xi16> -> vector<16xi32>
        %unpack3A_225 = tpu.unpack_subelements %unpack3A_221, 1 {pack_format = #tpu.pack_format<interleaved>} : vector<32xi16> -> vector<16xi32>
        %bitcast3A_226 = vector.bitcast %unpack3A_222 : vector<16xi32> to vector<16xi32>
        %and3A_227 = arith.constant 255 : i32
        %and3A_228 = vector.broadcast %and3A_227 : i32 to vector<16xi32>
        %and3A_229 = arith.andi %bitcast3A_226, %and3A_228 : vector<16xi32>
        %add3A_230 = vector.broadcast %mul3A_135 : i32 to vector<16xi32>
        %add3A_231 = arith.addi %and3A_229, %add3A_230 : vector<16xi32>
        %gather3A = tpu.vector_load_idx %arg14[%add3A_231] : memref<768xf32, #tpu.memory_space<vmem>>[vector<16xi32>], vector<16xf32>,
        %add3A_232 = arith.constant 0 : i32
        %add3A_233 = arith.addi %mul3A_215, %add3A_232 : i32
        %swap3A = arith.index_cast %add3A_233 : i32 to index
        %swap3A_234 = arith.constant 0 : index
        %swap3A_235 = tpu.vector_load %arg9[%swap3A, %swap3A_234] {strides = array<i32>} : memref<56x224xf32, #tpu.memory_space<vmem>>, vector<16xf32>,
        tpu.vector_store %arg9[%swap3A, %swap3A_234], %gather3A {strides = array<i32>} : memref<56x224xf32, #tpu.memory_space<vmem>>, vector<16xf32>,
        %bitcast3A_236 = vector.bitcast %unpack3A_223 : vector<16xi32> to vector<16xi32>
        %and3A_237 = arith.constant 255 : i32
        %and3A_238 = vector.broadcast %and3A_237 : i32 to vector<16xi32>
        %and3A_239 = arith.andi %bitcast3A_236, %and3A_238 : vector<16xi32>
        %add3A_240 = vector.broadcast %mul3A_135 : i32 to vector<16xi32>
        %add3A_241 = arith.addi %and3A_239, %add3A_240 : vector<16xi32>
        %gather3A_242 = tpu.vector_load_idx %arg14[%add3A_241] : memref<768xf32, #tpu.memory_space<vmem>>[vector<16xi32>], vector<16xf32>,
        %add3A_243 = arith.constant 0 : i32
        %add3A_244 = arith.addi %mul3A_215, %add3A_243 : i32
        %swap3A_245 = arith.index_cast %add3A_244 : i32 to index
        %swap3A_246 = arith.constant 16 : index
        %swap3A_247 = tpu.vector_load %arg9[%swap3A_245, %swap3A_246] {strides = array<i32>} : memref<56x224xf32, #tpu.memory_space<vmem>>, vector<16xf32>,
        tpu.vector_store %arg9[%swap3A_245, %swap3A_246], %gather3A_242 {strides = array<i32>} : memref<56x224xf32, #tpu.memory_space<vmem>>, vector<16xf32>,
        %bitcast3A_248 = vector.bitcast %unpack3A_224 : vector<16xi32> to vector<16xi32>
        %and3A_249 = arith.constant 255 : i32
        %and3A_250 = vector.broadcast %and3A_249 : i32 to vector<16xi32>
        %and3A_251 = arith.andi %bitcast3A_248, %and3A_250 : vector<16xi32>
        %add3A_252 = vector.broadcast %mul3A_135 : i32 to vector<16xi32>
        %add3A_253 = arith.addi %and3A_251, %add3A_252 : vector<16xi32>
        %gather3A_254 = tpu.vector_load_idx %arg14[%add3A_253] : memref<768xf32, #tpu.memory_space<vmem>>[vector<16xi32>], vector<16xf32>,
        %add3A_255 = arith.constant 0 : i32
        %add3A_256 = arith.addi %mul3A_215, %add3A_255 : i32
        %swap3A_257 = arith.index_cast %add3A_256 : i32 to index
        %swap3A_258 = arith.constant 32 : index
        %swap3A_259 = tpu.vector_load %arg9[%swap3A_257, %swap3A_258] {strides = array<i32>} : memref<56x224xf32, #tpu.memory_space<vmem>>, vector<16xf32>,
        tpu.vector_store %arg9[%swap3A_257, %swap3A_258], %gather3A_254 {strides = array<i32>} : memref<56x224xf32, #tpu.memory_space<vmem>>, vector<16xf32>,
        %bitcast3A_260 = vector.bitcast %unpack3A_225 : vector<16xi32> to vector<16xi32>
        %and3A_261 = arith.constant 255 : i32
        %and3A_262 = vector.broadcast %and3A_261 : i32 to vector<16xi32>
        %and3A_263 = arith.andi %bitcast3A_260, %and3A_262 : vector<16xi32>
        %add3A_264 = vector.broadcast %mul3A_135 : i32 to vector<16xi32>
        %add3A_265 = arith.addi %and3A_263, %add3A_264 : vector<16xi32>
        %gather3A_266 = tpu.vector_load_idx %arg14[%add3A_265] : memref<768xf32, #tpu.memory_space<vmem>>[vector<16xi32>], vector<16xf32>,
        %add3A_267 = arith.constant 0 : i32
        %add3A_268 = arith.addi %mul3A_215, %add3A_267 : i32
        %swap3A_269 = arith.index_cast %add3A_268 : i32 to index
        %swap3A_270 = arith.constant 48 : index
        %swap3A_271 = tpu.vector_load %arg9[%swap3A_269, %swap3A_270] {strides = array<i32>} : memref<56x224xf32, #tpu.memory_space<vmem>>, vector<16xf32>,
        tpu.vector_store %arg9[%swap3A_269, %swap3A_270], %gather3A_266 {strides = array<i32>} : memref<56x224xf32, #tpu.memory_space<vmem>>, vector<16xf32>,
        %mul3A_272 = arith.constant 112 : i32
        %mul3A_273 = arith.muli %scan3A_213, %mul3A_272 : i32
        %add3A_274 = arith.constant 16 : i32
        %add3A_275 = arith.addi %mul3A_273, %add3A_274 : i32
        %get3A_276 = arith.index_cast %add3A_275 : i32 to index
        %get3A_277 = tpu.vector_load %arg11[%get3A_276] {strides = array<i32>} : memref<3136xi32, #tpu.memory_space<vmem>>, vector<16xi32>,
        %bitcast3A_278 = vector.bitcast %get3A_277 : vector<16xi32> to vector<64xi8>
        %unpack3A_279 = tpu.unpack_subelements %bitcast3A_278, 0 {pack_format = #tpu.pack_format<interleaved>} : vector<64xi8> -> vector<32xi16>
        %unpack3A_280 = tpu.unpack_subelements %bitcast3A_278, 1 {pack_format = #tpu.pack_format<interleaved>} : vector<64xi8> -> vector<32xi16>
        %unpack3A_281 = tpu.unpack_subelements %unpack3A_279, 0 {pack_format = #tpu.pack_format<interleaved>} : vector<32xi16> -> vector<16xi32>
        %unpack3A_282 = tpu.unpack_subelements %unpack3A_279, 1 {pack_format = #tpu.pack_format<interleaved>} : vector<32xi16> -> vector<16xi32>
        %unpack3A_283 = tpu.unpack_subelements %unpack3A_280, 0 {pack_format = #tpu.pack_format<interleaved>} : vector<32xi16> -> vector<16xi32>
        %unpack3A_284 = tpu.unpack_subelements %unpack3A_280, 1 {pack_format = #tpu.pack_format<interleaved>} : vector<32xi16> -> vector<16xi32>
        %bitcast3A_285 = vector.bitcast %unpack3A_281 : vector<16xi32> to vector<16xi32>
        %and3A_286 = arith.constant 255 : i32
        %and3A_287 = vector.broadcast %and3A_286 : i32 to vector<16xi32>
        %and3A_288 = arith.andi %bitcast3A_285, %and3A_287 : vector<16xi32>
        %add3A_289 = vector.broadcast %mul3A_135 : i32 to vector<16xi32>
        %add3A_290 = arith.addi %and3A_288, %add3A_289 : vector<16xi32>
        %gather3A_291 = tpu.vector_load_idx %arg14[%add3A_290] : memref<768xf32, #tpu.memory_space<vmem>>[vector<16xi32>], vector<16xf32>,
        %add3A_292 = arith.constant 0 : i32
        %add3A_293 = arith.addi %mul3A_215, %add3A_292 : i32
        %swap3A_294 = arith.index_cast %add3A_293 : i32 to index
        %swap3A_295 = arith.constant 64 : index
        %swap3A_296 = tpu.vector_load %arg9[%swap3A_294, %swap3A_295] {strides = array<i32>} : memref<56x224xf32, #tpu.memory_space<vmem>>, vector<16xf32>,
        tpu.vector_store %arg9[%swap3A_294, %swap3A_295], %gather3A_291 {strides = array<i32>} : memref<56x224xf32, #tpu.memory_space<vmem>>, vector<16xf32>,
        %bitcast3A_297 = vector.bitcast %unpack3A_282 : vector<16xi32> to vector<16xi32>
        %and3A_298 = arith.constant 255 : i32
        %and3A_299 = vector.broadcast %and3A_298 : i32 to vector<16xi32>
        %and3A_300 = arith.andi %bitcast3A_297, %and3A_299 : vector<16xi32>
        %add3A_301 = vector.broadcast %mul3A_135 : i32 to vector<16xi32>
        %add3A_302 = arith.addi %and3A_300, %add3A_301 : vector<16xi32>
        %gather3A_303 = tpu.vector_load_idx %arg14[%add3A_302] : memref<768xf32, #tpu.memory_space<vmem>>[vector<16xi32>], vector<16xf32>,
        %add3A_304 = arith.constant 0 : i32
        %add3A_305 = arith.addi %mul3A_215, %add3A_304 : i32
        %swap3A_306 = arith.index_cast %add3A_305 : i32 to index
        %swap3A_307 = arith.constant 80 : index
        %swap3A_308 = tpu.vector_load %arg9[%swap3A_306, %swap3A_307] {strides = array<i32>} : memref<56x224xf32, #tpu.memory_space<vmem>>, vector<16xf32>,
        tpu.vector_store %arg9[%swap3A_306, %swap3A_307], %gather3A_303 {strides = array<i32>} : memref<56x224xf32, #tpu.memory_space<vmem>>, vector<16xf32>,
        %bitcast3A_309 = vector.bitcast %unpack3A_283 : vector<16xi32> to vector<16xi32>
        %and3A_310 = arith.constant 255 : i32
        %and3A_311 = vector.broadcast %and3A_310 : i32 to vector<16xi32>
        %and3A_312 = arith.andi %bitcast3A_309, %and3A_311 : vector<16xi32>
        %add3A_313 = vector.broadcast %mul3A_135 : i32 to vector<16xi32>
        %add3A_314 = arith.addi %and3A_312, %add3A_313 : vector<16xi32>
        %gather3A_315 = tpu.vector_load_idx %arg14[%add3A_314] : memref<768xf32, #tpu.memory_space<vmem>>[vector<16xi32>], vector<16xf32>,
        %add3A_316 = arith.constant 0 : i32
        %add3A_317 = arith.addi %mul3A_215, %add3A_316 : i32
        %swap3A_318 = arith.index_cast %add3A_317 : i32 to index
        %swap3A_319 = arith.constant 96 : index
        %swap3A_320 = tpu.vector_load %arg9[%swap3A_318, %swap3A_319] {strides = array<i32>} : memref<56x224xf32, #tpu.memory_space<vmem>>, vector<16xf32>,
        tpu.vector_store %arg9[%swap3A_318, %swap3A_319], %gather3A_315 {strides = array<i32>} : memref<56x224xf32, #tpu.memory_space<vmem>>, vector<16xf32>,
        %bitcast3A_321 = vector.bitcast %unpack3A_284 : vector<16xi32> to vector<16xi32>
        %and3A_322 = arith.constant 255 : i32
        %and3A_323 = vector.broadcast %and3A_322 : i32 to vector<16xi32>
        %and3A_324 = arith.andi %bitcast3A_321, %and3A_323 : vector<16xi32>
        %add3A_325 = vector.broadcast %mul3A_135 : i32 to vector<16xi32>
        %add3A_326 = arith.addi %and3A_324, %add3A_325 : vector<16xi32>
        %gather3A_327 = tpu.vector_load_idx %arg14[%add3A_326] : memref<768xf32, #tpu.memory_space<vmem>>[vector<16xi32>], vector<16xf32>,
        %add3A_328 = arith.constant 0 : i32
        %add3A_329 = arith.addi %mul3A_215, %add3A_328 : i32
        %swap3A_330 = arith.index_cast %add3A_329 : i32 to index
        %swap3A_331 = arith.constant 112 : index
        %swap3A_332 = tpu.vector_load %arg9[%swap3A_330, %swap3A_331] {strides = array<i32>} : memref<56x224xf32, #tpu.memory_space<vmem>>, vector<16xf32>,
        tpu.vector_store %arg9[%swap3A_330, %swap3A_331], %gather3A_327 {strides = array<i32>} : memref<56x224xf32, #tpu.memory_space<vmem>>, vector<16xf32>,
        %mul3A_333 = arith.constant 112 : i32
        %mul3A_334 = arith.muli %scan3A_213, %mul3A_333 : i32
        %add3A_335 = arith.constant 32 : i32
        %add3A_336 = arith.addi %mul3A_334, %add3A_335 : i32
        %get3A_337 = arith.index_cast %add3A_336 : i32 to index
        %get3A_338 = tpu.vector_load %arg11[%get3A_337] {strides = array<i32>} : memref<3136xi32, #tpu.memory_space<vmem>>, vector<16xi32>,
        %bitcast3A_339 = vector.bitcast %get3A_338 : vector<16xi32> to vector<64xi8>
        %unpack3A_340 = tpu.unpack_subelements %bitcast3A_339, 0 {pack_format = #tpu.pack_format<interleaved>} : vector<64xi8> -> vector<32xi16>
        %unpack3A_341 = tpu.unpack_subelements %bitcast3A_339, 1 {pack_format = #tpu.pack_format<interleaved>} : vector<64xi8> -> vector<32xi16>
        %unpack3A_342 = tpu.unpack_subelements %unpack3A_340, 0 {pack_format = #tpu.pack_format<interleaved>} : vector<32xi16> -> vector<16xi32>
        %unpack3A_343 = tpu.unpack_subelements %unpack3A_340, 1 {pack_format = #tpu.pack_format<interleaved>} : vector<32xi16> -> vector<16xi32>
        %unpack3A_344 = tpu.unpack_subelements %unpack3A_341, 0 {pack_format = #tpu.pack_format<interleaved>} : vector<32xi16> -> vector<16xi32>
        %unpack3A_345 = tpu.unpack_subelements %unpack3A_341, 1 {pack_format = #tpu.pack_format<interleaved>} : vector<32xi16> -> vector<16xi32>
        %bitcast3A_346 = vector.bitcast %unpack3A_342 : vector<16xi32> to vector<16xi32>
        %and3A_347 = arith.constant 255 : i32
        %and3A_348 = vector.broadcast %and3A_347 : i32 to vector<16xi32>
        %and3A_349 = arith.andi %bitcast3A_346, %and3A_348 : vector<16xi32>
        %add3A_350 = vector.broadcast %mul3A_135 : i32 to vector<16xi32>
        %add3A_351 = arith.addi %and3A_349, %add3A_350 : vector<16xi32>
        %gather3A_352 = tpu.vector_load_idx %arg14[%add3A_351] : memref<768xf32, #tpu.memory_space<vmem>>[vector<16xi32>], vector<16xf32>,
        %add3A_353 = arith.constant 0 : i32
        %add3A_354 = arith.addi %mul3A_215, %add3A_353 : i32
        %swap3A_355 = arith.index_cast %add3A_354 : i32 to index
        %swap3A_356 = arith.constant 128 : index
        %swap3A_357 = tpu.vector_load %arg9[%swap3A_355, %swap3A_356] {strides = array<i32>} : memref<56x224xf32, #tpu.memory_space<vmem>>, vector<16xf32>,
        tpu.vector_store %arg9[%swap3A_355, %swap3A_356], %gather3A_352 {strides = array<i32>} : memref<56x224xf32, #tpu.memory_space<vmem>>, vector<16xf32>,
        %bitcast3A_358 = vector.bitcast %unpack3A_343 : vector<16xi32> to vector<16xi32>
        %and3A_359 = arith.constant 255 : i32
        %and3A_360 = vector.broadcast %and3A_359 : i32 to vector<16xi32>
        %and3A_361 = arith.andi %bitcast3A_358, %and3A_360 : vector<16xi32>
        %add3A_362 = vector.broadcast %mul3A_135 : i32 to vector<16xi32>
        %add3A_363 = arith.addi %and3A_361, %add3A_362 : vector<16xi32>
        %gather3A_364 = tpu.vector_load_idx %arg14[%add3A_363] : memref<768xf32, #tpu.memory_space<vmem>>[vector<16xi32>], vector<16xf32>,
        %add3A_365 = arith.constant 0 : i32
        %add3A_366 = arith.addi %mul3A_215, %add3A_365 : i32
        %swap3A_367 = arith.index_cast %add3A_366 : i32 to index
        %swap3A_368 = arith.constant 144 : index
        %swap3A_369 = tpu.vector_load %arg9[%swap3A_367, %swap3A_368] {strides = array<i32>} : memref<56x224xf32, #tpu.memory_space<vmem>>, vector<16xf32>,
        tpu.vector_store %arg9[%swap3A_367, %swap3A_368], %gather3A_364 {strides = array<i32>} : memref<56x224xf32, #tpu.memory_space<vmem>>, vector<16xf32>,
        %bitcast3A_370 = vector.bitcast %unpack3A_344 : vector<16xi32> to vector<16xi32>
        %and3A_371 = arith.constant 255 : i32
        %and3A_372 = vector.broadcast %and3A_371 : i32 to vector<16xi32>
        %and3A_373 = arith.andi %bitcast3A_370, %and3A_372 : vector<16xi32>
        %add3A_374 = vector.broadcast %mul3A_135 : i32 to vector<16xi32>
        %add3A_375 = arith.addi %and3A_373, %add3A_374 : vector<16xi32>
        %gather3A_376 = tpu.vector_load_idx %arg14[%add3A_375] : memref<768xf32, #tpu.memory_space<vmem>>[vector<16xi32>], vector<16xf32>,
        %add3A_377 = arith.constant 0 : i32
        %add3A_378 = arith.addi %mul3A_215, %add3A_377 : i32
        %swap3A_379 = arith.index_cast %add3A_378 : i32 to index
        %swap3A_380 = arith.constant 160 : index
        %swap3A_381 = tpu.vector_load %arg9[%swap3A_379, %swap3A_380] {strides = array<i32>} : memref<56x224xf32, #tpu.memory_space<vmem>>, vector<16xf32>,
        tpu.vector_store %arg9[%swap3A_379, %swap3A_380], %gather3A_376 {strides = array<i32>} : memref<56x224xf32, #tpu.memory_space<vmem>>, vector<16xf32>,
        %bitcast3A_382 = vector.bitcast %unpack3A_345 : vector<16xi32> to vector<16xi32>
        %and3A_383 = arith.constant 255 : i32
        %and3A_384 = vector.broadcast %and3A_383 : i32 to vector<16xi32>
        %and3A_385 = arith.andi %bitcast3A_382, %and3A_384 : vector<16xi32>
        %add3A_386 = vector.broadcast %mul3A_135 : i32 to vector<16xi32>
        %add3A_387 = arith.addi %and3A_385, %add3A_386 : vector<16xi32>
        %gather3A_388 = tpu.vector_load_idx %arg14[%add3A_387] : memref<768xf32, #tpu.memory_space<vmem>>[vector<16xi32>], vector<16xf32>,
        %add3A_389 = arith.constant 0 : i32
        %add3A_390 = arith.addi %mul3A_215, %add3A_389 : i32
        %swap3A_391 = arith.index_cast %add3A_390 : i32 to index
        %swap3A_392 = arith.constant 176 : index
        %swap3A_393 = tpu.vector_load %arg9[%swap3A_391, %swap3A_392] {strides = array<i32>} : memref<56x224xf32, #tpu.memory_space<vmem>>, vector<16xf32>,
        tpu.vector_store %arg9[%swap3A_391, %swap3A_392], %gather3A_388 {strides = array<i32>} : memref<56x224xf32, #tpu.memory_space<vmem>>, vector<16xf32>,
        %mul3A_394 = arith.constant 112 : i32
        %mul3A_395 = arith.muli %scan3A_213, %mul3A_394 : i32
        %add3A_396 = arith.constant 48 : i32
        %add3A_397 = arith.addi %mul3A_395, %add3A_396 : i32
        %get3A_398 = arith.index_cast %add3A_397 : i32 to index
        %get3A_399 = tpu.vector_load %arg11[%get3A_398] {strides = array<i32>} : memref<3136xi32, #tpu.memory_space<vmem>>, vector<16xi32>,
        %bitcast3A_400 = vector.bitcast %get3A_399 : vector<16xi32> to vector<64xi8>
        %unpack3A_401 = tpu.unpack_subelements %bitcast3A_400, 0 {pack_format = #tpu.pack_format<interleaved>} : vector<64xi8> -> vector<32xi16>
        %unpack3A_402 = tpu.unpack_subelements %bitcast3A_400, 1 {pack_format = #tpu.pack_format<interleaved>} : vector<64xi8> -> vector<32xi16>
        %unpack3A_403 = tpu.unpack_subelements %unpack3A_401, 0 {pack_format = #tpu.pack_format<interleaved>} : vector<32xi16> -> vector<16xi32>
        %unpack3A_404 = tpu.unpack_subelements %unpack3A_401, 1 {pack_format = #tpu.pack_format<interleaved>} : vector<32xi16> -> vector<16xi32>
        %unpack3A_405 = tpu.unpack_subelements %unpack3A_402, 0 {pack_format = #tpu.pack_format<interleaved>} : vector<32xi16> -> vector<16xi32>
        %unpack3A_406 = tpu.unpack_subelements %unpack3A_402, 1 {pack_format = #tpu.pack_format<interleaved>} : vector<32xi16> -> vector<16xi32>
        %bitcast3A_407 = vector.bitcast %unpack3A_403 : vector<16xi32> to vector<16xi32>
        %and3A_408 = arith.constant 255 : i32
        %and3A_409 = vector.broadcast %and3A_408 : i32 to vector<16xi32>
        %and3A_410 = arith.andi %bitcast3A_407, %and3A_409 : vector<16xi32>
        %add3A_411 = vector.broadcast %mul3A_135 : i32 to vector<16xi32>
        %add3A_412 = arith.addi %and3A_410, %add3A_411 : vector<16xi32>
        %gather3A_413 = tpu.vector_load_idx %arg14[%add3A_412] : memref<768xf32, #tpu.memory_space<vmem>>[vector<16xi32>], vector<16xf32>,
        %add3A_414 = arith.constant 0 : i32
        %add3A_415 = arith.addi %mul3A_215, %add3A_414 : i32
        %swap3A_416 = arith.index_cast %add3A_415 : i32 to index
        %swap3A_417 = arith.constant 192 : index
        %swap3A_418 = tpu.vector_load %arg9[%swap3A_416, %swap3A_417] {strides = array<i32>} : memref<56x224xf32, #tpu.memory_space<vmem>>, vector<16xf32>,
        tpu.vector_store %arg9[%swap3A_416, %swap3A_417], %gather3A_413 {strides = array<i32>} : memref<56x224xf32, #tpu.memory_space<vmem>>, vector<16xf32>,
        %bitcast3A_419 = vector.bitcast %unpack3A_404 : vector<16xi32> to vector<16xi32>
        %and3A_420 = arith.constant 255 : i32
        %and3A_421 = vector.broadcast %and3A_420 : i32 to vector<16xi32>
        %and3A_422 = arith.andi %bitcast3A_419, %and3A_421 : vector<16xi32>
        %add3A_423 = vector.broadcast %mul3A_135 : i32 to vector<16xi32>
        %add3A_424 = arith.addi %and3A_422, %add3A_423 : vector<16xi32>
        %gather3A_425 = tpu.vector_load_idx %arg14[%add3A_424] : memref<768xf32, #tpu.memory_space<vmem>>[vector<16xi32>], vector<16xf32>,
        %add3A_426 = arith.constant 0 : i32
        %add3A_427 = arith.addi %mul3A_215, %add3A_426 : i32
        %swap3A_428 = arith.index_cast %add3A_427 : i32 to index
        %swap3A_429 = arith.constant 208 : index
        %swap3A_430 = tpu.vector_load %arg9[%swap3A_428, %swap3A_429] {strides = array<i32>} : memref<56x224xf32, #tpu.memory_space<vmem>>, vector<16xf32>,
        tpu.vector_store %arg9[%swap3A_428, %swap3A_429], %gather3A_425 {strides = array<i32>} : memref<56x224xf32, #tpu.memory_space<vmem>>, vector<16xf32>,
        %bitcast3A_431 = vector.bitcast %unpack3A_405 : vector<16xi32> to vector<16xi32>
        %and3A_432 = arith.constant 255 : i32
        %and3A_433 = vector.broadcast %and3A_432 : i32 to vector<16xi32>
        %and3A_434 = arith.andi %bitcast3A_431, %and3A_433 : vector<16xi32>
        %add3A_435 = vector.broadcast %mul3A_135 : i32 to vector<16xi32>
        %add3A_436 = arith.addi %and3A_434, %add3A_435 : vector<16xi32>
        %gather3A_437 = tpu.vector_load_idx %arg14[%add3A_436] : memref<768xf32, #tpu.memory_space<vmem>>[vector<16xi32>], vector<16xf32>,
        %add3A_438 = arith.constant 1 : i32
        %add3A_439 = arith.addi %mul3A_215, %add3A_438 : i32
        %swap3A_440 = arith.index_cast %add3A_439 : i32 to index
        %swap3A_441 = arith.constant 0 : index
        %swap3A_442 = tpu.vector_load %arg9[%swap3A_440, %swap3A_441] {strides = array<i32>} : memref<56x224xf32, #tpu.memory_space<vmem>>, vector<16xf32>,
        tpu.vector_store %arg9[%swap3A_440, %swap3A_441], %gather3A_437 {strides = array<i32>} : memref<56x224xf32, #tpu.memory_space<vmem>>, vector<16xf32>,
        %bitcast3A_443 = vector.bitcast %unpack3A_406 : vector<16xi32> to vector<16xi32>
        %and3A_444 = arith.constant 255 : i32
        %and3A_445 = vector.broadcast %and3A_444 : i32 to vector<16xi32>
        %and3A_446 = arith.andi %bitcast3A_443, %and3A_445 : vector<16xi32>
        %add3A_447 = vector.broadcast %mul3A_135 : i32 to vector<16xi32>
        %add3A_448 = arith.addi %and3A_446, %add3A_447 : vector<16xi32>
        %gather3A_449 = tpu.vector_load_idx %arg14[%add3A_448] : memref<768xf32, #tpu.memory_space<vmem>>[vector<16xi32>], vector<16xf32>,
        %add3A_450 = arith.constant 1 : i32
        %add3A_451 = arith.addi %mul3A_215, %add3A_450 : i32
        %swap3A_452 = arith.index_cast %add3A_451 : i32 to index
        %swap3A_453 = arith.constant 16 : index
        %swap3A_454 = tpu.vector_load %arg9[%swap3A_452, %swap3A_453] {strides = array<i32>} : memref<56x224xf32, #tpu.memory_space<vmem>>, vector<16xf32>,
        tpu.vector_store %arg9[%swap3A_452, %swap3A_453], %gather3A_449 {strides = array<i32>} : memref<56x224xf32, #tpu.memory_space<vmem>>, vector<16xf32>,
        %mul3A_455 = arith.constant 112 : i32
        %mul3A_456 = arith.muli %scan3A_213, %mul3A_455 : i32
        %add3A_457 = arith.constant 64 : i32
        %add3A_458 = arith.addi %mul3A_456, %add3A_457 : i32
        %get3A_459 = arith.index_cast %add3A_458 : i32 to index
        %get3A_460 = tpu.vector_load %arg11[%get3A_459] {strides = array<i32>} : memref<3136xi32, #tpu.memory_space<vmem>>, vector<16xi32>,
        %bitcast3A_461 = vector.bitcast %get3A_460 : vector<16xi32> to vector<64xi8>
        %unpack3A_462 = tpu.unpack_subelements %bitcast3A_461, 0 {pack_format = #tpu.pack_format<interleaved>} : vector<64xi8> -> vector<32xi16>
        %unpack3A_463 = tpu.unpack_subelements %bitcast3A_461, 1 {pack_format = #tpu.pack_format<interleaved>} : vector<64xi8> -> vector<32xi16>
        %unpack3A_464 = tpu.unpack_subelements %unpack3A_462, 0 {pack_format = #tpu.pack_format<interleaved>} : vector<32xi16> -> vector<16xi32>
        %unpack3A_465 = tpu.unpack_subelements %unpack3A_462, 1 {pack_format = #tpu.pack_format<interleaved>} : vector<32xi16> -> vector<16xi32>
        %unpack3A_466 = tpu.unpack_subelements %unpack3A_463, 0 {pack_format = #tpu.pack_format<interleaved>} : vector<32xi16> -> vector<16xi32>
        %unpack3A_467 = tpu.unpack_subelements %unpack3A_463, 1 {pack_format = #tpu.pack_format<interleaved>} : vector<32xi16> -> vector<16xi32>
        %bitcast3A_468 = vector.bitcast %unpack3A_464 : vector<16xi32> to vector<16xi32>
        %and3A_469 = arith.constant 255 : i32
        %and3A_470 = vector.broadcast %and3A_469 : i32 to vector<16xi32>
        %and3A_471 = arith.andi %bitcast3A_468, %and3A_470 : vector<16xi32>
        %add3A_472 = vector.broadcast %mul3A_135 : i32 to vector<16xi32>
        %add3A_473 = arith.addi %and3A_471, %add3A_472 : vector<16xi32>
        %gather3A_474 = tpu.vector_load_idx %arg14[%add3A_473] : memref<768xf32, #tpu.memory_space<vmem>>[vector<16xi32>], vector<16xf32>,
        %add3A_475 = arith.constant 1 : i32
        %add3A_476 = arith.addi %mul3A_215, %add3A_475 : i32
        %swap3A_477 = arith.index_cast %add3A_476 : i32 to index
        %swap3A_478 = arith.constant 32 : index
        %swap3A_479 = tpu.vector_load %arg9[%swap3A_477, %swap3A_478] {strides = array<i32>} : memref<56x224xf32, #tpu.memory_space<vmem>>, vector<16xf32>,
        tpu.vector_store %arg9[%swap3A_477, %swap3A_478], %gather3A_474 {strides = array<i32>} : memref<56x224xf32, #tpu.memory_space<vmem>>, vector<16xf32>,
        %bitcast3A_480 = vector.bitcast %unpack3A_465 : vector<16xi32> to vector<16xi32>
        %and3A_481 = arith.constant 255 : i32
        %and3A_482 = vector.broadcast %and3A_481 : i32 to vector<16xi32>
        %and3A_483 = arith.andi %bitcast3A_480, %and3A_482 : vector<16xi32>
        %add3A_484 = vector.broadcast %mul3A_135 : i32 to vector<16xi32>
        %add3A_485 = arith.addi %and3A_483, %add3A_484 : vector<16xi32>
        %gather3A_486 = tpu.vector_load_idx %arg14[%add3A_485] : memref<768xf32, #tpu.memory_space<vmem>>[vector<16xi32>], vector<16xf32>,
        %add3A_487 = arith.constant 1 : i32
        %add3A_488 = arith.addi %mul3A_215, %add3A_487 : i32
        %swap3A_489 = arith.index_cast %add3A_488 : i32 to index
        %swap3A_490 = arith.constant 48 : index
        %swap3A_491 = tpu.vector_load %arg9[%swap3A_489, %swap3A_490] {strides = array<i32>} : memref<56x224xf32, #tpu.memory_space<vmem>>, vector<16xf32>,
        tpu.vector_store %arg9[%swap3A_489, %swap3A_490], %gather3A_486 {strides = array<i32>} : memref<56x224xf32, #tpu.memory_space<vmem>>, vector<16xf32>,
        %bitcast3A_492 = vector.bitcast %unpack3A_466 : vector<16xi32> to vector<16xi32>
        %and3A_493 = arith.constant 255 : i32
        %and3A_494 = vector.broadcast %and3A_493 : i32 to vector<16xi32>
        %and3A_495 = arith.andi %bitcast3A_492, %and3A_494 : vector<16xi32>
        %add3A_496 = vector.broadcast %mul3A_135 : i32 to vector<16xi32>
        %add3A_497 = arith.addi %and3A_495, %add3A_496 : vector<16xi32>
        %gather3A_498 = tpu.vector_load_idx %arg14[%add3A_497] : memref<768xf32, #tpu.memory_space<vmem>>[vector<16xi32>], vector<16xf32>,
        %add3A_499 = arith.constant 1 : i32
        %add3A_500 = arith.addi %mul3A_215, %add3A_499 : i32
        %swap3A_501 = arith.index_cast %add3A_500 : i32 to index
        %swap3A_502 = arith.constant 64 : index
        %swap3A_503 = tpu.vector_load %arg9[%swap3A_501, %swap3A_502] {strides = array<i32>} : memref<56x224xf32, #tpu.memory_space<vmem>>, vector<16xf32>,
        tpu.vector_store %arg9[%swap3A_501, %swap3A_502], %gather3A_498 {strides = array<i32>} : memref<56x224xf32, #tpu.memory_space<vmem>>, vector<16xf32>,
        %bitcast3A_504 = vector.bitcast %unpack3A_467 : vector<16xi32> to vector<16xi32>
        %and3A_505 = arith.constant 255 : i32
        %and3A_506 = vector.broadcast %and3A_505 : i32 to vector<16xi32>
        %and3A_507 = arith.andi %bitcast3A_504, %and3A_506 : vector<16xi32>
        %add3A_508 = vector.broadcast %mul3A_135 : i32 to vector<16xi32>
        %add3A_509 = arith.addi %and3A_507, %add3A_508 : vector<16xi32>
        %gather3A_510 = tpu.vector_load_idx %arg14[%add3A_509] : memref<768xf32, #tpu.memory_space<vmem>>[vector<16xi32>], vector<16xf32>,
        %add3A_511 = arith.constant 1 : i32
        %add3A_512 = arith.addi %mul3A_215, %add3A_511 : i32
        %swap3A_513 = arith.index_cast %add3A_512 : i32 to index
        %swap3A_514 = arith.constant 80 : index
        %swap3A_515 = tpu.vector_load %arg9[%swap3A_513, %swap3A_514] {strides = array<i32>} : memref<56x224xf32, #tpu.memory_space<vmem>>, vector<16xf32>,
        tpu.vector_store %arg9[%swap3A_513, %swap3A_514], %gather3A_510 {strides = array<i32>} : memref<56x224xf32, #tpu.memory_space<vmem>>, vector<16xf32>,
        %mul3A_516 = arith.constant 112 : i32
        %mul3A_517 = arith.muli %scan3A_213, %mul3A_516 : i32
        %add3A_518 = arith.constant 80 : i32
        %add3A_519 = arith.addi %mul3A_517, %add3A_518 : i32
        %get3A_520 = arith.index_cast %add3A_519 : i32 to index
        %get3A_521 = tpu.vector_load %arg11[%get3A_520] {strides = array<i32>} : memref<3136xi32, #tpu.memory_space<vmem>>, vector<16xi32>,
        %bitcast3A_522 = vector.bitcast %get3A_521 : vector<16xi32> to vector<64xi8>
        %unpack3A_523 = tpu.unpack_subelements %bitcast3A_522, 0 {pack_format = #tpu.pack_format<interleaved>} : vector<64xi8> -> vector<32xi16>
        %unpack3A_524 = tpu.unpack_subelements %bitcast3A_522, 1 {pack_format = #tpu.pack_format<interleaved>} : vector<64xi8> -> vector<32xi16>
        %unpack3A_525 = tpu.unpack_subelements %unpack3A_523, 0 {pack_format = #tpu.pack_format<interleaved>} : vector<32xi16> -> vector<16xi32>
        %unpack3A_526 = tpu.unpack_subelements %unpack3A_523, 1 {pack_format = #tpu.pack_format<interleaved>} : vector<32xi16> -> vector<16xi32>
        %unpack3A_527 = tpu.unpack_subelements %unpack3A_524, 0 {pack_format = #tpu.pack_format<interleaved>} : vector<32xi16> -> vector<16xi32>
        %unpack3A_528 = tpu.unpack_subelements %unpack3A_524, 1 {pack_format = #tpu.pack_format<interleaved>} : vector<32xi16> -> vector<16xi32>
        %bitcast3A_529 = vector.bitcast %unpack3A_525 : vector<16xi32> to vector<16xi32>
        %and3A_530 = arith.constant 255 : i32
        %and3A_531 = vector.broadcast %and3A_530 : i32 to vector<16xi32>
        %and3A_532 = arith.andi %bitcast3A_529, %and3A_531 : vector<16xi32>
        %add3A_533 = vector.broadcast %mul3A_135 : i32 to vector<16xi32>
        %add3A_534 = arith.addi %and3A_532, %add3A_533 : vector<16xi32>
        %gather3A_535 = tpu.vector_load_idx %arg14[%add3A_534] : memref<768xf32, #tpu.memory_space<vmem>>[vector<16xi32>], vector<16xf32>,
        %add3A_536 = arith.constant 1 : i32
        %add3A_537 = arith.addi %mul3A_215, %add3A_536 : i32
        %swap3A_538 = arith.index_cast %add3A_537 : i32 to index
        %swap3A_539 = arith.constant 96 : index
        %swap3A_540 = tpu.vector_load %arg9[%swap3A_538, %swap3A_539] {strides = array<i32>} : memref<56x224xf32, #tpu.memory_space<vmem>>, vector<16xf32>,
        tpu.vector_store %arg9[%swap3A_538, %swap3A_539], %gather3A_535 {strides = array<i32>} : memref<56x224xf32, #tpu.memory_space<vmem>>, vector<16xf32>,
        %bitcast3A_541 = vector.bitcast %unpack3A_526 : vector<16xi32> to vector<16xi32>
        %and3A_542 = arith.constant 255 : i32
        %and3A_543 = vector.broadcast %and3A_542 : i32 to vector<16xi32>
        %and3A_544 = arith.andi %bitcast3A_541, %and3A_543 : vector<16xi32>
        %add3A_545 = vector.broadcast %mul3A_135 : i32 to vector<16xi32>
        %add3A_546 = arith.addi %and3A_544, %add3A_545 : vector<16xi32>
        %gather3A_547 = tpu.vector_load_idx %arg14[%add3A_546] : memref<768xf32, #tpu.memory_space<vmem>>[vector<16xi32>], vector<16xf32>,
        %add3A_548 = arith.constant 1 : i32
        %add3A_549 = arith.addi %mul3A_215, %add3A_548 : i32
        %swap3A_550 = arith.index_cast %add3A_549 : i32 to index
        %swap3A_551 = arith.constant 112 : index
        %swap3A_552 = tpu.vector_load %arg9[%swap3A_550, %swap3A_551] {strides = array<i32>} : memref<56x224xf32, #tpu.memory_space<vmem>>, vector<16xf32>,
        tpu.vector_store %arg9[%swap3A_550, %swap3A_551], %gather3A_547 {strides = array<i32>} : memref<56x224xf32, #tpu.memory_space<vmem>>, vector<16xf32>,
        %bitcast3A_553 = vector.bitcast %unpack3A_527 : vector<16xi32> to vector<16xi32>
        %and3A_554 = arith.constant 255 : i32
        %and3A_555 = vector.broadcast %and3A_554 : i32 to vector<16xi32>
        %and3A_556 = arith.andi %bitcast3A_553, %and3A_555 : vector<16xi32>
        %add3A_557 = vector.broadcast %mul3A_135 : i32 to vector<16xi32>
        %add3A_558 = arith.addi %and3A_556, %add3A_557 : vector<16xi32>
        %gather3A_559 = tpu.vector_load_idx %arg14[%add3A_558] : memref<768xf32, #tpu.memory_space<vmem>>[vector<16xi32>], vector<16xf32>,
        %add3A_560 = arith.constant 1 : i32
        %add3A_561 = arith.addi %mul3A_215, %add3A_560 : i32
        %swap3A_562 = arith.index_cast %add3A_561 : i32 to index
        %swap3A_563 = arith.constant 128 : index
        %swap3A_564 = tpu.vector_load %arg9[%swap3A_562, %swap3A_563] {strides = array<i32>} : memref<56x224xf32, #tpu.memory_space<vmem>>, vector<16xf32>,
        tpu.vector_store %arg9[%swap3A_562, %swap3A_563], %gather3A_559 {strides = array<i32>} : memref<56x224xf32, #tpu.memory_space<vmem>>, vector<16xf32>,
        %bitcast3A_565 = vector.bitcast %unpack3A_528 : vector<16xi32> to vector<16xi32>
        %and3A_566 = arith.constant 255 : i32
        %and3A_567 = vector.broadcast %and3A_566 : i32 to vector<16xi32>
        %and3A_568 = arith.andi %bitcast3A_565, %and3A_567 : vector<16xi32>
        %add3A_569 = vector.broadcast %mul3A_135 : i32 to vector<16xi32>
        %add3A_570 = arith.addi %and3A_568, %add3A_569 : vector<16xi32>
        %gather3A_571 = tpu.vector_load_idx %arg14[%add3A_570] : memref<768xf32, #tpu.memory_space<vmem>>[vector<16xi32>], vector<16xf32>,
        %add3A_572 = arith.constant 1 : i32
        %add3A_573 = arith.addi %mul3A_215, %add3A_572 : i32
        %swap3A_574 = arith.index_cast %add3A_573 : i32 to index
        %swap3A_575 = arith.constant 144 : index
        %swap3A_576 = tpu.vector_load %arg9[%swap3A_574, %swap3A_575] {strides = array<i32>} : memref<56x224xf32, #tpu.memory_space<vmem>>, vector<16xf32>,
        tpu.vector_store %arg9[%swap3A_574, %swap3A_575], %gather3A_571 {strides = array<i32>} : memref<56x224xf32, #tpu.memory_space<vmem>>, vector<16xf32>,
        %mul3A_577 = arith.constant 112 : i32
        %mul3A_578 = arith.muli %scan3A_213, %mul3A_577 : i32
        %add3A_579 = arith.constant 96 : i32
        %add3A_580 = arith.addi %mul3A_578, %add3A_579 : i32
        %get3A_581 = arith.index_cast %add3A_580 : i32 to index
        %get3A_582 = tpu.vector_load %arg11[%get3A_581] {strides = array<i32>} : memref<3136xi32, #tpu.memory_space<vmem>>, vector<16xi32>,
        %bitcast3A_583 = vector.bitcast %get3A_582 : vector<16xi32> to vector<64xi8>
        %unpack3A_584 = tpu.unpack_subelements %bitcast3A_583, 0 {pack_format = #tpu.pack_format<interleaved>} : vector<64xi8> -> vector<32xi16>
        %unpack3A_585 = tpu.unpack_subelements %bitcast3A_583, 1 {pack_format = #tpu.pack_format<interleaved>} : vector<64xi8> -> vector<32xi16>
        %unpack3A_586 = tpu.unpack_subelements %unpack3A_584, 0 {pack_format = #tpu.pack_format<interleaved>} : vector<32xi16> -> vector<16xi32>
        %unpack3A_587 = tpu.unpack_subelements %unpack3A_584, 1 {pack_format = #tpu.pack_format<interleaved>} : vector<32xi16> -> vector<16xi32>
        %unpack3A_588 = tpu.unpack_subelements %unpack3A_585, 0 {pack_format = #tpu.pack_format<interleaved>} : vector<32xi16> -> vector<16xi32>
        %unpack3A_589 = tpu.unpack_subelements %unpack3A_585, 1 {pack_format = #tpu.pack_format<interleaved>} : vector<32xi16> -> vector<16xi32>
        %bitcast3A_590 = vector.bitcast %unpack3A_586 : vector<16xi32> to vector<16xi32>
        %and3A_591 = arith.constant 255 : i32
        %and3A_592 = vector.broadcast %and3A_591 : i32 to vector<16xi32>
        %and3A_593 = arith.andi %bitcast3A_590, %and3A_592 : vector<16xi32>
        %add3A_594 = vector.broadcast %mul3A_135 : i32 to vector<16xi32>
        %add3A_595 = arith.addi %and3A_593, %add3A_594 : vector<16xi32>
        %gather3A_596 = tpu.vector_load_idx %arg14[%add3A_595] : memref<768xf32, #tpu.memory_space<vmem>>[vector<16xi32>], vector<16xf32>,
        %add3A_597 = arith.constant 1 : i32
        %add3A_598 = arith.addi %mul3A_215, %add3A_597 : i32
        %swap3A_599 = arith.index_cast %add3A_598 : i32 to index
        %swap3A_600 = arith.constant 160 : index
        %swap3A_601 = tpu.vector_load %arg9[%swap3A_599, %swap3A_600] {strides = array<i32>} : memref<56x224xf32, #tpu.memory_space<vmem>>, vector<16xf32>,
        tpu.vector_store %arg9[%swap3A_599, %swap3A_600], %gather3A_596 {strides = array<i32>} : memref<56x224xf32, #tpu.memory_space<vmem>>, vector<16xf32>,
        %bitcast3A_602 = vector.bitcast %unpack3A_587 : vector<16xi32> to vector<16xi32>
        %and3A_603 = arith.constant 255 : i32
        %and3A_604 = vector.broadcast %and3A_603 : i32 to vector<16xi32>
        %and3A_605 = arith.andi %bitcast3A_602, %and3A_604 : vector<16xi32>
        %add3A_606 = vector.broadcast %mul3A_135 : i32 to vector<16xi32>
        %add3A_607 = arith.addi %and3A_605, %add3A_606 : vector<16xi32>
        %gather3A_608 = tpu.vector_load_idx %arg14[%add3A_607] : memref<768xf32, #tpu.memory_space<vmem>>[vector<16xi32>], vector<16xf32>,
        %add3A_609 = arith.constant 1 : i32
        %add3A_610 = arith.addi %mul3A_215, %add3A_609 : i32
        %swap3A_611 = arith.index_cast %add3A_610 : i32 to index
        %swap3A_612 = arith.constant 176 : index
        %swap3A_613 = tpu.vector_load %arg9[%swap3A_611, %swap3A_612] {strides = array<i32>} : memref<56x224xf32, #tpu.memory_space<vmem>>, vector<16xf32>,
        tpu.vector_store %arg9[%swap3A_611, %swap3A_612], %gather3A_608 {strides = array<i32>} : memref<56x224xf32, #tpu.memory_space<vmem>>, vector<16xf32>,
        %bitcast3A_614 = vector.bitcast %unpack3A_588 : vector<16xi32> to vector<16xi32>
        %and3A_615 = arith.constant 255 : i32
        %and3A_616 = vector.broadcast %and3A_615 : i32 to vector<16xi32>
        %and3A_617 = arith.andi %bitcast3A_614, %and3A_616 : vector<16xi32>
        %add3A_618 = vector.broadcast %mul3A_135 : i32 to vector<16xi32>
        %add3A_619 = arith.addi %and3A_617, %add3A_618 : vector<16xi32>
        %gather3A_620 = tpu.vector_load_idx %arg14[%add3A_619] : memref<768xf32, #tpu.memory_space<vmem>>[vector<16xi32>], vector<16xf32>,
        %add3A_621 = arith.constant 1 : i32
        %add3A_622 = arith.addi %mul3A_215, %add3A_621 : i32
        %swap3A_623 = arith.index_cast %add3A_622 : i32 to index
        %swap3A_624 = arith.constant 192 : index
        %swap3A_625 = tpu.vector_load %arg9[%swap3A_623, %swap3A_624] {strides = array<i32>} : memref<56x224xf32, #tpu.memory_space<vmem>>, vector<16xf32>,
        tpu.vector_store %arg9[%swap3A_623, %swap3A_624], %gather3A_620 {strides = array<i32>} : memref<56x224xf32, #tpu.memory_space<vmem>>, vector<16xf32>,
        %bitcast3A_626 = vector.bitcast %unpack3A_589 : vector<16xi32> to vector<16xi32>
        %and3A_627 = arith.constant 255 : i32
        %and3A_628 = vector.broadcast %and3A_627 : i32 to vector<16xi32>
        %and3A_629 = arith.andi %bitcast3A_626, %and3A_628 : vector<16xi32>
        %add3A_630 = vector.broadcast %mul3A_135 : i32 to vector<16xi32>
        %add3A_631 = arith.addi %and3A_629, %add3A_630 : vector<16xi32>
        %gather3A_632 = tpu.vector_load_idx %arg14[%add3A_631] : memref<768xf32, #tpu.memory_space<vmem>>[vector<16xi32>], vector<16xf32>,
        %add3A_633 = arith.constant 1 : i32
        %add3A_634 = arith.addi %mul3A_215, %add3A_633 : i32
        %swap3A_635 = arith.index_cast %add3A_634 : i32 to index
        %swap3A_636 = arith.constant 208 : index
        %swap3A_637 = tpu.vector_load %arg9[%swap3A_635, %swap3A_636] {strides = array<i32>} : memref<56x224xf32, #tpu.memory_space<vmem>>, vector<16xf32>,
        tpu.vector_store %arg9[%swap3A_635, %swap3A_636], %gather3A_632 {strides = array<i32>} : memref<56x224xf32, #tpu.memory_space<vmem>>, vector<16xf32>,
      }
      %scan3A_140 = arith.constant 28 : i32
      %add3A_141 = arith.constant 2 : i32
      %add3A_142 = arith.addi %mul3A_118, %add3A_141 : i32
      %lt3A = arith.constant 48 : i32
      %lt3A_143 = arith.cmpi slt, %add3A_142, %lt3A : i32
      %convert_element_type3A_144 = arith.extui %lt3A_143 : i1 to i32
      %cond3A_145 = arith.constant 0 : i32
      %cond3A_146 = arith.cmpi ne, %convert_element_type3A_144, %cond3A_145 : i32
      scf.if %cond3A_146 {
        %add3A_213 = arith.constant 2 : i32
        %add3A_214 = arith.addi %mul3A_118, %add3A_213 : i32
        %shift_right_arithmetic3A_215 = arith.constant 4 : i32
        %shift_right_arithmetic3A_216 = arith.shrsi %add3A_214, %shift_right_arithmetic3A_215 : i32
        %and3A_217 = arith.constant 15 : i32
        %and3A_218 = arith.andi %add3A_214, %and3A_217 : i32
        %shift_right_arithmetic3A_219 = arith.constant 2 : i32
        %shift_right_arithmetic3A_220 = arith.shrsi %and3A_218, %shift_right_arithmetic3A_219 : i32
        %and3A_221 = arith.constant 3 : i32
        %and3A_222 = arith.andi %and3A_218, %and3A_221 : i32
        %add3A_223 = arith.addi %mul3A_2, %shift_right_arithmetic3A_216 : i32
        %mul3A_224 = arith.constant 96 : i32
        %mul3A_225 = arith.muli %shift_right_arithmetic3A_220, %mul3A_224 : i32
        %add3A_226 = arith.addi %mul3A_225, %add3A_223 : i32
        %mul3A_227 = arith.constant 12544 : i32
        %mul3A_228 = arith.muli %add3A_226, %mul3A_227 : i32
        %mul3A_229 = arith.constant 3136 : i32
        %mul3A_230 = arith.muli %and3A_222, %mul3A_229 : i32
        %add3A_231 = arith.addi %mul3A_228, %mul3A_230 : i32
        %dma_start3A_232 = tpu.memref_slice %arg6[%add3A_231] : memref<4816896xi32, #tpu.memory_space<hbm>> -> memref<3136xi32, #tpu.memory_space<hbm>>
        %dma_start3A_233 = tpu.memref_slice %arg6[%add3A_231] : memref<4816896xi32, #tpu.memory_space<hbm>> -> memref<3136xi32, #tpu.memory_space<hbm>>
        tpu.enqueue_dma source(%dma_start3A_233 : memref<3136xi32, #tpu.memory_space<hbm>>) target(%arg11 : memref<3136xi32, #tpu.memory_space<vmem>>) target_semaphore(%arg16 : memref<!tpu.dma_semaphore, #tpu.memory_space<semaphore_mem>>)
      } else {
      }
      %shift_right_arithmetic3A_147 = arith.constant 4 : i32
      %shift_right_arithmetic3A_148 = arith.shrsi %mul3A_118, %shift_right_arithmetic3A_147 : i32
      %and3A_149 = arith.constant 15 : i32
      %and3A_150 = arith.andi %mul3A_118, %and3A_149 : i32
      %shift_right_arithmetic3A_151 = arith.constant 2 : i32
      %shift_right_arithmetic3A_152 = arith.shrsi %and3A_150, %shift_right_arithmetic3A_151 : i32
      %and3A_153 = arith.constant 3 : i32
      %and3A_154 = arith.andi %and3A_150, %and3A_153 : i32
      %add3A_155 = arith.addi %mul3A_2, %shift_right_arithmetic3A_148 : i32
      %mul3A_156 = arith.constant 56 : i32
      %mul3A_157 = arith.muli %and3A_154, %mul3A_156 : i32
      %dma_start3A_158 = arith.constant 0 : i32
      %dma_start3A_159 = tpu.memref_slice %arg5[%shift_right_arithmetic3A_152, %add3A_155, %mul3A_157, %dma_start3A_158] : memref<4x96x224x224xf32, #tpu.memory_space<hbm>> -> memref<1x1x56x224xf32, #tpu.memory_space<hbm>>
      %dma_start3A_160 = tpu.memref_squeeze %dma_start3A_159 : memref<1x1x56x224xf32, #tpu.memory_space<hbm>> -> memref<56x224xf32, #tpu.memory_space<hbm>>
      %dma_start3A_161 = arith.constant 0 : i32
      %dma_start3A_162 = tpu.memref_slice %arg5[%shift_right_arithmetic3A_152, %add3A_155, %mul3A_157, %dma_start3A_161] : memref<4x96x224x224xf32, #tpu.memory_space<hbm>> -> memref<1x1x56x224xf32, #tpu.memory_space<hbm>>
      %dma_start3A_163 = tpu.memref_squeeze %dma_start3A_162 : memref<1x1x56x224xf32, #tpu.memory_space<hbm>> -> memref<56x224xf32, #tpu.memory_space<hbm>>
      tpu.enqueue_dma source(%arg9 : memref<56x224xf32, #tpu.memory_space<vmem>>) target(%dma_start3A_163 : memref<56x224xf32, #tpu.memory_space<hbm>>) target_semaphore(%arg18 : memref<!tpu.dma_semaphore, #tpu.memory_space<semaphore_mem>>)
      %dma_wait3A_164 = arith.constant 0 : i32
      %dma_wait3A_165 = tpu.memref_slice %arg6[%dma_wait3A_164] : memref<4816896xi32, #tpu.memory_space<hbm>> -> memref<3136xi32, #tpu.memory_space<hbm>>
      %dma_wait3A_166 = arith.constant 0 : i32
      %dma_wait3A_167 = tpu.memref_slice %arg6[%dma_wait3A_166] : memref<4816896xi32, #tpu.memory_space<hbm>> -> memref<3136xi32, #tpu.memory_space<hbm>>
      tpu.wait_dma2 semaphore(%arg17 : memref<!tpu.dma_semaphore, #tpu.memory_space<semaphore_mem>>) src(%dma_wait3A_167 : memref<3136xi32, #tpu.memory_space<hbm>>) dst(%arg12 : memref<3136xi32, #tpu.memory_space<vmem>>)
      %gt3A_168 = arith.constant 0 : i32
      %gt3A_169 = arith.cmpi sgt, %scan3A_116, %gt3A_168 : i32
      %convert_element_type3A_170 = arith.extui %gt3A_169 : i1 to i32
      %cond3A_171 = arith.constant 0 : i32
      %cond3A_172 = arith.cmpi ne, %convert_element_type3A_170, %cond3A_171 : i32
      scf.if %cond3A_172 {
        %dma_wait3A_213 = arith.constant 0 : i32
        %dma_wait3A_214 = arith.constant 0 : i32
        %dma_wait3A_215 = arith.constant 0 : i32
        %dma_wait3A_216 = arith.constant 0 : i32
        %dma_wait3A_217 = tpu.memref_slice %arg5[%dma_wait3A_213, %dma_wait3A_214, %dma_wait3A_215, %dma_wait3A_216] : memref<4x96x224x224xf32, #tpu.memory_space<hbm>> -> memref<1x1x56x224xf32, #tpu.memory_space<hbm>>
        %dma_wait3A_218 = tpu.memref_squeeze %dma_wait3A_217 : memref<1x1x56x224xf32, #tpu.memory_space<hbm>> -> memref<56x224xf32, #tpu.memory_space<hbm>>
        %dma_wait3A_219 = arith.constant 0 : i32
        %dma_wait3A_220 = arith.constant 0 : i32
        %dma_wait3A_221 = tpu.memref_slice %arg5[%dma_wait3A_213, %dma_wait3A_214, %dma_wait3A_219, %dma_wait3A_220] : memref<4x96x224x224xf32, #tpu.memory_space<hbm>> -> memref<1x1x56x224xf32, #tpu.memory_space<hbm>>
        %dma_wait3A_222 = tpu.memref_squeeze %dma_wait3A_221 : memref<1x1x56x224xf32, #tpu.memory_space<hbm>> -> memref<56x224xf32, #tpu.memory_space<hbm>>
        tpu.wait_dma2 semaphore(%arg19 : memref<!tpu.dma_semaphore, #tpu.memory_space<semaphore_mem>>) src(%dma_wait3A_222 : memref<56x224xf32, #tpu.memory_space<hbm>>) dst(%arg10 : memref<56x224xf32, #tpu.memory_space<vmem>>)
      } else {
      }
      %shift_right_arithmetic3A_173 = arith.constant 4 : i32
      %shift_right_arithmetic3A_174 = arith.shrsi %add3A_120, %shift_right_arithmetic3A_173 : i32
      %and3A_175 = arith.constant 15 : i32
      %and3A_176 = arith.andi %add3A_120, %and3A_175 : i32
      %shift_right_arithmetic3A_177 = arith.constant 2 : i32
      %shift_right_arithmetic3A_178 = arith.shrsi %and3A_176, %shift_right_arithmetic3A_177 : i32
      %and3A_179 = arith.constant 3 : i32
      %and3A_180 = arith.andi %and3A_176, %and3A_179 : i32
      %add3A_181 = arith.addi %mul3A_2, %shift_right_arithmetic3A_174 : i32
      %mul3A_182 = arith.constant 256 : i32
      %mul3A_183 = arith.muli %shift_right_arithmetic3A_174, %mul3A_182 : i32
      %scan3A_184 = arith.constant 0 : i32
      %scan3A_185 = arith.constant 28 : i32
      %scan3A_186 = arith.addi %scan3A_184, %scan3A_185 : i32
      %scan3A_187 = arith.constant 1 : i32
      scf.for %scan3A_213 = %scan3A_184 to %scan3A_186 step %scan3A_187  : i32 {
        %mul3A_214 = arith.constant 2 : i32
        %mul3A_215 = arith.muli %scan3A_213, %mul3A_214 : i32
        %mul3A_216 = arith.constant 112 : i32
        %mul3A_217 = arith.muli %scan3A_213, %mul3A_216 : i32
        %add3A_218 = arith.constant 0 : i32
        %add3A_219 = arith.addi %mul3A_217, %add3A_218 : i32
        %get3A = arith.index_cast %add3A_219 : i32 to index
        %get3A_220 = tpu.vector_load %arg12[%get3A] {strides = array<i32>} : memref<3136xi32, #tpu.memory_space<vmem>>, vector<16xi32>,
        %bitcast3A = vector.bitcast %get3A_220 : vector<16xi32> to vector<64xi8>
        %unpack3A = tpu.unpack_subelements %bitcast3A, 0 {pack_format = #tpu.pack_format<interleaved>} : vector<64xi8> -> vector<32xi16>
        %unpack3A_221 = tpu.unpack_subelements %bitcast3A, 1 {pack_format = #tpu.pack_format<interleaved>} : vector<64xi8> -> vector<32xi16>
        %unpack3A_222 = tpu.unpack_subelements %unpack3A, 0 {pack_format = #tpu.pack_format<interleaved>} : vector<32xi16> -> vector<16xi32>
        %unpack3A_223 = tpu.unpack_subelements %unpack3A, 1 {pack_format = #tpu.pack_format<interleaved>} : vector<32xi16> -> vector<16xi32>
        %unpack3A_224 = tpu.unpack_subelements %unpack3A_221, 0 {pack_format = #tpu.pack_format<interleaved>} : vector<32xi16> -> vector<16xi32>
        %unpack3A_225 = tpu.unpack_subelements %unpack3A_221, 1 {pack_format = #tpu.pack_format<interleaved>} : vector<32xi16> -> vector<16xi32>
        %bitcast3A_226 = vector.bitcast %unpack3A_222 : vector<16xi32> to vector<16xi32>
        %and3A_227 = arith.constant 255 : i32
        %and3A_228 = vector.broadcast %and3A_227 : i32 to vector<16xi32>
        %and3A_229 = arith.andi %bitcast3A_226, %and3A_228 : vector<16xi32>
        %add3A_230 = vector.broadcast %mul3A_183 : i32 to vector<16xi32>
        %add3A_231 = arith.addi %and3A_229, %add3A_230 : vector<16xi32>
        %gather3A = tpu.vector_load_idx %arg14[%add3A_231] : memref<768xf32, #tpu.memory_space<vmem>>[vector<16xi32>], vector<16xf32>,
        %add3A_232 = arith.constant 0 : i32
        %add3A_233 = arith.addi %mul3A_215, %add3A_232 : i32
        %swap3A = arith.index_cast %add3A_233 : i32 to index
        %swap3A_234 = arith.constant 0 : index
        %swap3A_235 = tpu.vector_load %arg10[%swap3A, %swap3A_234] {strides = array<i32>} : memref<56x224xf32, #tpu.memory_space<vmem>>, vector<16xf32>,
        tpu.vector_store %arg10[%swap3A, %swap3A_234], %gather3A {strides = array<i32>} : memref<56x224xf32, #tpu.memory_space<vmem>>, vector<16xf32>,
        %bitcast3A_236 = vector.bitcast %unpack3A_223 : vector<16xi32> to vector<16xi32>
        %and3A_237 = arith.constant 255 : i32
        %and3A_238 = vector.broadcast %and3A_237 : i32 to vector<16xi32>
        %and3A_239 = arith.andi %bitcast3A_236, %and3A_238 : vector<16xi32>
        %add3A_240 = vector.broadcast %mul3A_183 : i32 to vector<16xi32>
        %add3A_241 = arith.addi %and3A_239, %add3A_240 : vector<16xi32>
        %gather3A_242 = tpu.vector_load_idx %arg14[%add3A_241] : memref<768xf32, #tpu.memory_space<vmem>>[vector<16xi32>], vector<16xf32>,
        %add3A_243 = arith.constant 0 : i32
        %add3A_244 = arith.addi %mul3A_215, %add3A_243 : i32
        %swap3A_245 = arith.index_cast %add3A_244 : i32 to index
        %swap3A_246 = arith.constant 16 : index
        %swap3A_247 = tpu.vector_load %arg10[%swap3A_245, %swap3A_246] {strides = array<i32>} : memref<56x224xf32, #tpu.memory_space<vmem>>, vector<16xf32>,
        tpu.vector_store %arg10[%swap3A_245, %swap3A_246], %gather3A_242 {strides = array<i32>} : memref<56x224xf32, #tpu.memory_space<vmem>>, vector<16xf32>,
        %bitcast3A_248 = vector.bitcast %unpack3A_224 : vector<16xi32> to vector<16xi32>
        %and3A_249 = arith.constant 255 : i32
        %and3A_250 = vector.broadcast %and3A_249 : i32 to vector<16xi32>
        %and3A_251 = arith.andi %bitcast3A_248, %and3A_250 : vector<16xi32>
        %add3A_252 = vector.broadcast %mul3A_183 : i32 to vector<16xi32>
        %add3A_253 = arith.addi %and3A_251, %add3A_252 : vector<16xi32>
        %gather3A_254 = tpu.vector_load_idx %arg14[%add3A_253] : memref<768xf32, #tpu.memory_space<vmem>>[vector<16xi32>], vector<16xf32>,
        %add3A_255 = arith.constant 0 : i32
        %add3A_256 = arith.addi %mul3A_215, %add3A_255 : i32
        %swap3A_257 = arith.index_cast %add3A_256 : i32 to index
        %swap3A_258 = arith.constant 32 : index
        %swap3A_259 = tpu.vector_load %arg10[%swap3A_257, %swap3A_258] {strides = array<i32>} : memref<56x224xf32, #tpu.memory_space<vmem>>, vector<16xf32>,
        tpu.vector_store %arg10[%swap3A_257, %swap3A_258], %gather3A_254 {strides = array<i32>} : memref<56x224xf32, #tpu.memory_space<vmem>>, vector<16xf32>,
        %bitcast3A_260 = vector.bitcast %unpack3A_225 : vector<16xi32> to vector<16xi32>
        %and3A_261 = arith.constant 255 : i32
        %and3A_262 = vector.broadcast %and3A_261 : i32 to vector<16xi32>
        %and3A_263 = arith.andi %bitcast3A_260, %and3A_262 : vector<16xi32>
        %add3A_264 = vector.broadcast %mul3A_183 : i32 to vector<16xi32>
        %add3A_265 = arith.addi %and3A_263, %add3A_264 : vector<16xi32>
        %gather3A_266 = tpu.vector_load_idx %arg14[%add3A_265] : memref<768xf32, #tpu.memory_space<vmem>>[vector<16xi32>], vector<16xf32>,
        %add3A_267 = arith.constant 0 : i32
        %add3A_268 = arith.addi %mul3A_215, %add3A_267 : i32
        %swap3A_269 = arith.index_cast %add3A_268 : i32 to index
        %swap3A_270 = arith.constant 48 : index
        %swap3A_271 = tpu.vector_load %arg10[%swap3A_269, %swap3A_270] {strides = array<i32>} : memref<56x224xf32, #tpu.memory_space<vmem>>, vector<16xf32>,
        tpu.vector_store %arg10[%swap3A_269, %swap3A_270], %gather3A_266 {strides = array<i32>} : memref<56x224xf32, #tpu.memory_space<vmem>>, vector<16xf32>,
        %mul3A_272 = arith.constant 112 : i32
        %mul3A_273 = arith.muli %scan3A_213, %mul3A_272 : i32
        %add3A_274 = arith.constant 16 : i32
        %add3A_275 = arith.addi %mul3A_273, %add3A_274 : i32
        %get3A_276 = arith.index_cast %add3A_275 : i32 to index
        %get3A_277 = tpu.vector_load %arg12[%get3A_276] {strides = array<i32>} : memref<3136xi32, #tpu.memory_space<vmem>>, vector<16xi32>,
        %bitcast3A_278 = vector.bitcast %get3A_277 : vector<16xi32> to vector<64xi8>
        %unpack3A_279 = tpu.unpack_subelements %bitcast3A_278, 0 {pack_format = #tpu.pack_format<interleaved>} : vector<64xi8> -> vector<32xi16>
        %unpack3A_280 = tpu.unpack_subelements %bitcast3A_278, 1 {pack_format = #tpu.pack_format<interleaved>} : vector<64xi8> -> vector<32xi16>
        %unpack3A_281 = tpu.unpack_subelements %unpack3A_279, 0 {pack_format = #tpu.pack_format<interleaved>} : vector<32xi16> -> vector<16xi32>
        %unpack3A_282 = tpu.unpack_subelements %unpack3A_279, 1 {pack_format = #tpu.pack_format<interleaved>} : vector<32xi16> -> vector<16xi32>
        %unpack3A_283 = tpu.unpack_subelements %unpack3A_280, 0 {pack_format = #tpu.pack_format<interleaved>} : vector<32xi16> -> vector<16xi32>
        %unpack3A_284 = tpu.unpack_subelements %unpack3A_280, 1 {pack_format = #tpu.pack_format<interleaved>} : vector<32xi16> -> vector<16xi32>
        %bitcast3A_285 = vector.bitcast %unpack3A_281 : vector<16xi32> to vector<16xi32>
        %and3A_286 = arith.constant 255 : i32
        %and3A_287 = vector.broadcast %and3A_286 : i32 to vector<16xi32>
        %and3A_288 = arith.andi %bitcast3A_285, %and3A_287 : vector<16xi32>
        %add3A_289 = vector.broadcast %mul3A_183 : i32 to vector<16xi32>
        %add3A_290 = arith.addi %and3A_288, %add3A_289 : vector<16xi32>
        %gather3A_291 = tpu.vector_load_idx %arg14[%add3A_290] : memref<768xf32, #tpu.memory_space<vmem>>[vector<16xi32>], vector<16xf32>,
        %add3A_292 = arith.constant 0 : i32
        %add3A_293 = arith.addi %mul3A_215, %add3A_292 : i32
        %swap3A_294 = arith.index_cast %add3A_293 : i32 to index
        %swap3A_295 = arith.constant 64 : index
        %swap3A_296 = tpu.vector_load %arg10[%swap3A_294, %swap3A_295] {strides = array<i32>} : memref<56x224xf32, #tpu.memory_space<vmem>>, vector<16xf32>,
        tpu.vector_store %arg10[%swap3A_294, %swap3A_295], %gather3A_291 {strides = array<i32>} : memref<56x224xf32, #tpu.memory_space<vmem>>, vector<16xf32>,
        %bitcast3A_297 = vector.bitcast %unpack3A_282 : vector<16xi32> to vector<16xi32>
        %and3A_298 = arith.constant 255 : i32
        %and3A_299 = vector.broadcast %and3A_298 : i32 to vector<16xi32>
        %and3A_300 = arith.andi %bitcast3A_297, %and3A_299 : vector<16xi32>
        %add3A_301 = vector.broadcast %mul3A_183 : i32 to vector<16xi32>
        %add3A_302 = arith.addi %and3A_300, %add3A_301 : vector<16xi32>
        %gather3A_303 = tpu.vector_load_idx %arg14[%add3A_302] : memref<768xf32, #tpu.memory_space<vmem>>[vector<16xi32>], vector<16xf32>,
        %add3A_304 = arith.constant 0 : i32
        %add3A_305 = arith.addi %mul3A_215, %add3A_304 : i32
        %swap3A_306 = arith.index_cast %add3A_305 : i32 to index
        %swap3A_307 = arith.constant 80 : index
        %swap3A_308 = tpu.vector_load %arg10[%swap3A_306, %swap3A_307] {strides = array<i32>} : memref<56x224xf32, #tpu.memory_space<vmem>>, vector<16xf32>,
        tpu.vector_store %arg10[%swap3A_306, %swap3A_307], %gather3A_303 {strides = array<i32>} : memref<56x224xf32, #tpu.memory_space<vmem>>, vector<16xf32>,
        %bitcast3A_309 = vector.bitcast %unpack3A_283 : vector<16xi32> to vector<16xi32>
        %and3A_310 = arith.constant 255 : i32
        %and3A_311 = vector.broadcast %and3A_310 : i32 to vector<16xi32>
        %and3A_312 = arith.andi %bitcast3A_309, %and3A_311 : vector<16xi32>
        %add3A_313 = vector.broadcast %mul3A_183 : i32 to vector<16xi32>
        %add3A_314 = arith.addi %and3A_312, %add3A_313 : vector<16xi32>
        %gather3A_315 = tpu.vector_load_idx %arg14[%add3A_314] : memref<768xf32, #tpu.memory_space<vmem>>[vector<16xi32>], vector<16xf32>,
        %add3A_316 = arith.constant 0 : i32
        %add3A_317 = arith.addi %mul3A_215, %add3A_316 : i32
        %swap3A_318 = arith.index_cast %add3A_317 : i32 to index
        %swap3A_319 = arith.constant 96 : index
        %swap3A_320 = tpu.vector_load %arg10[%swap3A_318, %swap3A_319] {strides = array<i32>} : memref<56x224xf32, #tpu.memory_space<vmem>>, vector<16xf32>,
        tpu.vector_store %arg10[%swap3A_318, %swap3A_319], %gather3A_315 {strides = array<i32>} : memref<56x224xf32, #tpu.memory_space<vmem>>, vector<16xf32>,
        %bitcast3A_321 = vector.bitcast %unpack3A_284 : vector<16xi32> to vector<16xi32>
        %and3A_322 = arith.constant 255 : i32
        %and3A_323 = vector.broadcast %and3A_322 : i32 to vector<16xi32>
        %and3A_324 = arith.andi %bitcast3A_321, %and3A_323 : vector<16xi32>
        %add3A_325 = vector.broadcast %mul3A_183 : i32 to vector<16xi32>
        %add3A_326 = arith.addi %and3A_324, %add3A_325 : vector<16xi32>
        %gather3A_327 = tpu.vector_load_idx %arg14[%add3A_326] : memref<768xf32, #tpu.memory_space<vmem>>[vector<16xi32>], vector<16xf32>,
        %add3A_328 = arith.constant 0 : i32
        %add3A_329 = arith.addi %mul3A_215, %add3A_328 : i32
        %swap3A_330 = arith.index_cast %add3A_329 : i32 to index
        %swap3A_331 = arith.constant 112 : index
        %swap3A_332 = tpu.vector_load %arg10[%swap3A_330, %swap3A_331] {strides = array<i32>} : memref<56x224xf32, #tpu.memory_space<vmem>>, vector<16xf32>,
        tpu.vector_store %arg10[%swap3A_330, %swap3A_331], %gather3A_327 {strides = array<i32>} : memref<56x224xf32, #tpu.memory_space<vmem>>, vector<16xf32>,
        %mul3A_333 = arith.constant 112 : i32
        %mul3A_334 = arith.muli %scan3A_213, %mul3A_333 : i32
        %add3A_335 = arith.constant 32 : i32
        %add3A_336 = arith.addi %mul3A_334, %add3A_335 : i32
        %get3A_337 = arith.index_cast %add3A_336 : i32 to index
        %get3A_338 = tpu.vector_load %arg12[%get3A_337] {strides = array<i32>} : memref<3136xi32, #tpu.memory_space<vmem>>, vector<16xi32>,
        %bitcast3A_339 = vector.bitcast %get3A_338 : vector<16xi32> to vector<64xi8>
        %unpack3A_340 = tpu.unpack_subelements %bitcast3A_339, 0 {pack_format = #tpu.pack_format<interleaved>} : vector<64xi8> -> vector<32xi16>
        %unpack3A_341 = tpu.unpack_subelements %bitcast3A_339, 1 {pack_format = #tpu.pack_format<interleaved>} : vector<64xi8> -> vector<32xi16>
        %unpack3A_342 = tpu.unpack_subelements %unpack3A_340, 0 {pack_format = #tpu.pack_format<interleaved>} : vector<32xi16> -> vector<16xi32>
        %unpack3A_343 = tpu.unpack_subelements %unpack3A_340, 1 {pack_format = #tpu.pack_format<interleaved>} : vector<32xi16> -> vector<16xi32>
        %unpack3A_344 = tpu.unpack_subelements %unpack3A_341, 0 {pack_format = #tpu.pack_format<interleaved>} : vector<32xi16> -> vector<16xi32>
        %unpack3A_345 = tpu.unpack_subelements %unpack3A_341, 1 {pack_format = #tpu.pack_format<interleaved>} : vector<32xi16> -> vector<16xi32>
        %bitcast3A_346 = vector.bitcast %unpack3A_342 : vector<16xi32> to vector<16xi32>
        %and3A_347 = arith.constant 255 : i32
        %and3A_348 = vector.broadcast %and3A_347 : i32 to vector<16xi32>
        %and3A_349 = arith.andi %bitcast3A_346, %and3A_348 : vector<16xi32>
        %add3A_350 = vector.broadcast %mul3A_183 : i32 to vector<16xi32>
        %add3A_351 = arith.addi %and3A_349, %add3A_350 : vector<16xi32>
        %gather3A_352 = tpu.vector_load_idx %arg14[%add3A_351] : memref<768xf32, #tpu.memory_space<vmem>>[vector<16xi32>], vector<16xf32>,
        %add3A_353 = arith.constant 0 : i32
        %add3A_354 = arith.addi %mul3A_215, %add3A_353 : i32
        %swap3A_355 = arith.index_cast %add3A_354 : i32 to index
        %swap3A_356 = arith.constant 128 : index
        %swap3A_357 = tpu.vector_load %arg10[%swap3A_355, %swap3A_356] {strides = array<i32>} : memref<56x224xf32, #tpu.memory_space<vmem>>, vector<16xf32>,
        tpu.vector_store %arg10[%swap3A_355, %swap3A_356], %gather3A_352 {strides = array<i32>} : memref<56x224xf32, #tpu.memory_space<vmem>>, vector<16xf32>,
        %bitcast3A_358 = vector.bitcast %unpack3A_343 : vector<16xi32> to vector<16xi32>
        %and3A_359 = arith.constant 255 : i32
        %and3A_360 = vector.broadcast %and3A_359 : i32 to vector<16xi32>
        %and3A_361 = arith.andi %bitcast3A_358, %and3A_360 : vector<16xi32>
        %add3A_362 = vector.broadcast %mul3A_183 : i32 to vector<16xi32>
        %add3A_363 = arith.addi %and3A_361, %add3A_362 : vector<16xi32>
        %gather3A_364 = tpu.vector_load_idx %arg14[%add3A_363] : memref<768xf32, #tpu.memory_space<vmem>>[vector<16xi32>], vector<16xf32>,
        %add3A_365 = arith.constant 0 : i32
        %add3A_366 = arith.addi %mul3A_215, %add3A_365 : i32
        %swap3A_367 = arith.index_cast %add3A_366 : i32 to index
        %swap3A_368 = arith.constant 144 : index
        %swap3A_369 = tpu.vector_load %arg10[%swap3A_367, %swap3A_368] {strides = array<i32>} : memref<56x224xf32, #tpu.memory_space<vmem>>, vector<16xf32>,
        tpu.vector_store %arg10[%swap3A_367, %swap3A_368], %gather3A_364 {strides = array<i32>} : memref<56x224xf32, #tpu.memory_space<vmem>>, vector<16xf32>,
        %bitcast3A_370 = vector.bitcast %unpack3A_344 : vector<16xi32> to vector<16xi32>
        %and3A_371 = arith.constant 255 : i32
        %and3A_372 = vector.broadcast %and3A_371 : i32 to vector<16xi32>
        %and3A_373 = arith.andi %bitcast3A_370, %and3A_372 : vector<16xi32>
        %add3A_374 = vector.broadcast %mul3A_183 : i32 to vector<16xi32>
        %add3A_375 = arith.addi %and3A_373, %add3A_374 : vector<16xi32>
        %gather3A_376 = tpu.vector_load_idx %arg14[%add3A_375] : memref<768xf32, #tpu.memory_space<vmem>>[vector<16xi32>], vector<16xf32>,
        %add3A_377 = arith.constant 0 : i32
        %add3A_378 = arith.addi %mul3A_215, %add3A_377 : i32
        %swap3A_379 = arith.index_cast %add3A_378 : i32 to index
        %swap3A_380 = arith.constant 160 : index
        %swap3A_381 = tpu.vector_load %arg10[%swap3A_379, %swap3A_380] {strides = array<i32>} : memref<56x224xf32, #tpu.memory_space<vmem>>, vector<16xf32>,
        tpu.vector_store %arg10[%swap3A_379, %swap3A_380], %gather3A_376 {strides = array<i32>} : memref<56x224xf32, #tpu.memory_space<vmem>>, vector<16xf32>,
        %bitcast3A_382 = vector.bitcast %unpack3A_345 : vector<16xi32> to vector<16xi32>
        %and3A_383 = arith.constant 255 : i32
        %and3A_384 = vector.broadcast %and3A_383 : i32 to vector<16xi32>
        %and3A_385 = arith.andi %bitcast3A_382, %and3A_384 : vector<16xi32>
        %add3A_386 = vector.broadcast %mul3A_183 : i32 to vector<16xi32>
        %add3A_387 = arith.addi %and3A_385, %add3A_386 : vector<16xi32>
        %gather3A_388 = tpu.vector_load_idx %arg14[%add3A_387] : memref<768xf32, #tpu.memory_space<vmem>>[vector<16xi32>], vector<16xf32>,
        %add3A_389 = arith.constant 0 : i32
        %add3A_390 = arith.addi %mul3A_215, %add3A_389 : i32
        %swap3A_391 = arith.index_cast %add3A_390 : i32 to index
        %swap3A_392 = arith.constant 176 : index
        %swap3A_393 = tpu.vector_load %arg10[%swap3A_391, %swap3A_392] {strides = array<i32>} : memref<56x224xf32, #tpu.memory_space<vmem>>, vector<16xf32>,
        tpu.vector_store %arg10[%swap3A_391, %swap3A_392], %gather3A_388 {strides = array<i32>} : memref<56x224xf32, #tpu.memory_space<vmem>>, vector<16xf32>,
        %mul3A_394 = arith.constant 112 : i32
        %mul3A_395 = arith.muli %scan3A_213, %mul3A_394 : i32
        %add3A_396 = arith.constant 48 : i32
        %add3A_397 = arith.addi %mul3A_395, %add3A_396 : i32
        %get3A_398 = arith.index_cast %add3A_397 : i32 to index
        %get3A_399 = tpu.vector_load %arg12[%get3A_398] {strides = array<i32>} : memref<3136xi32, #tpu.memory_space<vmem>>, vector<16xi32>,
        %bitcast3A_400 = vector.bitcast %get3A_399 : vector<16xi32> to vector<64xi8>
        %unpack3A_401 = tpu.unpack_subelements %bitcast3A_400, 0 {pack_format = #tpu.pack_format<interleaved>} : vector<64xi8> -> vector<32xi16>
        %unpack3A_402 = tpu.unpack_subelements %bitcast3A_400, 1 {pack_format = #tpu.pack_format<interleaved>} : vector<64xi8> -> vector<32xi16>
        %unpack3A_403 = tpu.unpack_subelements %unpack3A_401, 0 {pack_format = #tpu.pack_format<interleaved>} : vector<32xi16> -> vector<16xi32>
        %unpack3A_404 = tpu.unpack_subelements %unpack3A_401, 1 {pack_format = #tpu.pack_format<interleaved>} : vector<32xi16> -> vector<16xi32>
        %unpack3A_405 = tpu.unpack_subelements %unpack3A_402, 0 {pack_format = #tpu.pack_format<interleaved>} : vector<32xi16> -> vector<16xi32>
        %unpack3A_406 = tpu.unpack_subelements %unpack3A_402, 1 {pack_format = #tpu.pack_format<interleaved>} : vector<32xi16> -> vector<16xi32>
        %bitcast3A_407 = vector.bitcast %unpack3A_403 : vector<16xi32> to vector<16xi32>
        %and3A_408 = arith.constant 255 : i32
        %and3A_409 = vector.broadcast %and3A_408 : i32 to vector<16xi32>
        %and3A_410 = arith.andi %bitcast3A_407, %and3A_409 : vector<16xi32>
        %add3A_411 = vector.broadcast %mul3A_183 : i32 to vector<16xi32>
        %add3A_412 = arith.addi %and3A_410, %add3A_411 : vector<16xi32>
        %gather3A_413 = tpu.vector_load_idx %arg14[%add3A_412] : memref<768xf32, #tpu.memory_space<vmem>>[vector<16xi32>], vector<16xf32>,
        %add3A_414 = arith.constant 0 : i32
        %add3A_415 = arith.addi %mul3A_215, %add3A_414 : i32
        %swap3A_416 = arith.index_cast %add3A_415 : i32 to index
        %swap3A_417 = arith.constant 192 : index
        %swap3A_418 = tpu.vector_load %arg10[%swap3A_416, %swap3A_417] {strides = array<i32>} : memref<56x224xf32, #tpu.memory_space<vmem>>, vector<16xf32>,
        tpu.vector_store %arg10[%swap3A_416, %swap3A_417], %gather3A_413 {strides = array<i32>} : memref<56x224xf32, #tpu.memory_space<vmem>>, vector<16xf32>,
        %bitcast3A_419 = vector.bitcast %unpack3A_404 : vector<16xi32> to vector<16xi32>
        %and3A_420 = arith.constant 255 : i32
        %and3A_421 = vector.broadcast %and3A_420 : i32 to vector<16xi32>
        %and3A_422 = arith.andi %bitcast3A_419, %and3A_421 : vector<16xi32>
        %add3A_423 = vector.broadcast %mul3A_183 : i32 to vector<16xi32>
        %add3A_424 = arith.addi %and3A_422, %add3A_423 : vector<16xi32>
        %gather3A_425 = tpu.vector_load_idx %arg14[%add3A_424] : memref<768xf32, #tpu.memory_space<vmem>>[vector<16xi32>], vector<16xf32>,
        %add3A_426 = arith.constant 0 : i32
        %add3A_427 = arith.addi %mul3A_215, %add3A_426 : i32
        %swap3A_428 = arith.index_cast %add3A_427 : i32 to index
        %swap3A_429 = arith.constant 208 : index
        %swap3A_430 = tpu.vector_load %arg10[%swap3A_428, %swap3A_429] {strides = array<i32>} : memref<56x224xf32, #tpu.memory_space<vmem>>, vector<16xf32>,
        tpu.vector_store %arg10[%swap3A_428, %swap3A_429], %gather3A_425 {strides = array<i32>} : memref<56x224xf32, #tpu.memory_space<vmem>>, vector<16xf32>,
        %bitcast3A_431 = vector.bitcast %unpack3A_405 : vector<16xi32> to vector<16xi32>
        %and3A_432 = arith.constant 255 : i32
        %and3A_433 = vector.broadcast %and3A_432 : i32 to vector<16xi32>
        %and3A_434 = arith.andi %bitcast3A_431, %and3A_433 : vector<16xi32>
        %add3A_435 = vector.broadcast %mul3A_183 : i32 to vector<16xi32>
        %add3A_436 = arith.addi %and3A_434, %add3A_435 : vector<16xi32>
        %gather3A_437 = tpu.vector_load_idx %arg14[%add3A_436] : memref<768xf32, #tpu.memory_space<vmem>>[vector<16xi32>], vector<16xf32>,
        %add3A_438 = arith.constant 1 : i32
        %add3A_439 = arith.addi %mul3A_215, %add3A_438 : i32
        %swap3A_440 = arith.index_cast %add3A_439 : i32 to index
        %swap3A_441 = arith.constant 0 : index
        %swap3A_442 = tpu.vector_load %arg10[%swap3A_440, %swap3A_441] {strides = array<i32>} : memref<56x224xf32, #tpu.memory_space<vmem>>, vector<16xf32>,
        tpu.vector_store %arg10[%swap3A_440, %swap3A_441], %gather3A_437 {strides = array<i32>} : memref<56x224xf32, #tpu.memory_space<vmem>>, vector<16xf32>,
        %bitcast3A_443 = vector.bitcast %unpack3A_406 : vector<16xi32> to vector<16xi32>
        %and3A_444 = arith.constant 255 : i32
        %and3A_445 = vector.broadcast %and3A_444 : i32 to vector<16xi32>
        %and3A_446 = arith.andi %bitcast3A_443, %and3A_445 : vector<16xi32>
        %add3A_447 = vector.broadcast %mul3A_183 : i32 to vector<16xi32>
        %add3A_448 = arith.addi %and3A_446, %add3A_447 : vector<16xi32>
        %gather3A_449 = tpu.vector_load_idx %arg14[%add3A_448] : memref<768xf32, #tpu.memory_space<vmem>>[vector<16xi32>], vector<16xf32>,
        %add3A_450 = arith.constant 1 : i32
        %add3A_451 = arith.addi %mul3A_215, %add3A_450 : i32
        %swap3A_452 = arith.index_cast %add3A_451 : i32 to index
        %swap3A_453 = arith.constant 16 : index
        %swap3A_454 = tpu.vector_load %arg10[%swap3A_452, %swap3A_453] {strides = array<i32>} : memref<56x224xf32, #tpu.memory_space<vmem>>, vector<16xf32>,
        tpu.vector_store %arg10[%swap3A_452, %swap3A_453], %gather3A_449 {strides = array<i32>} : memref<56x224xf32, #tpu.memory_space<vmem>>, vector<16xf32>,
        %mul3A_455 = arith.constant 112 : i32
        %mul3A_456 = arith.muli %scan3A_213, %mul3A_455 : i32
        %add3A_457 = arith.constant 64 : i32
        %add3A_458 = arith.addi %mul3A_456, %add3A_457 : i32
        %get3A_459 = arith.index_cast %add3A_458 : i32 to index
        %get3A_460 = tpu.vector_load %arg12[%get3A_459] {strides = array<i32>} : memref<3136xi32, #tpu.memory_space<vmem>>, vector<16xi32>,
        %bitcast3A_461 = vector.bitcast %get3A_460 : vector<16xi32> to vector<64xi8>
        %unpack3A_462 = tpu.unpack_subelements %bitcast3A_461, 0 {pack_format = #tpu.pack_format<interleaved>} : vector<64xi8> -> vector<32xi16>
        %unpack3A_463 = tpu.unpack_subelements %bitcast3A_461, 1 {pack_format = #tpu.pack_format<interleaved>} : vector<64xi8> -> vector<32xi16>
        %unpack3A_464 = tpu.unpack_subelements %unpack3A_462, 0 {pack_format = #tpu.pack_format<interleaved>} : vector<32xi16> -> vector<16xi32>
        %unpack3A_465 = tpu.unpack_subelements %unpack3A_462, 1 {pack_format = #tpu.pack_format<interleaved>} : vector<32xi16> -> vector<16xi32>
        %unpack3A_466 = tpu.unpack_subelements %unpack3A_463, 0 {pack_format = #tpu.pack_format<interleaved>} : vector<32xi16> -> vector<16xi32>
        %unpack3A_467 = tpu.unpack_subelements %unpack3A_463, 1 {pack_format = #tpu.pack_format<interleaved>} : vector<32xi16> -> vector<16xi32>
        %bitcast3A_468 = vector.bitcast %unpack3A_464 : vector<16xi32> to vector<16xi32>
        %and3A_469 = arith.constant 255 : i32
        %and3A_470 = vector.broadcast %and3A_469 : i32 to vector<16xi32>
        %and3A_471 = arith.andi %bitcast3A_468, %and3A_470 : vector<16xi32>
        %add3A_472 = vector.broadcast %mul3A_183 : i32 to vector<16xi32>
        %add3A_473 = arith.addi %and3A_471, %add3A_472 : vector<16xi32>
        %gather3A_474 = tpu.vector_load_idx %arg14[%add3A_473] : memref<768xf32, #tpu.memory_space<vmem>>[vector<16xi32>], vector<16xf32>,
        %add3A_475 = arith.constant 1 : i32
        %add3A_476 = arith.addi %mul3A_215, %add3A_475 : i32
        %swap3A_477 = arith.index_cast %add3A_476 : i32 to index
        %swap3A_478 = arith.constant 32 : index
        %swap3A_479 = tpu.vector_load %arg10[%swap3A_477, %swap3A_478] {strides = array<i32>} : memref<56x224xf32, #tpu.memory_space<vmem>>, vector<16xf32>,
        tpu.vector_store %arg10[%swap3A_477, %swap3A_478], %gather3A_474 {strides = array<i32>} : memref<56x224xf32, #tpu.memory_space<vmem>>, vector<16xf32>,
        %bitcast3A_480 = vector.bitcast %unpack3A_465 : vector<16xi32> to vector<16xi32>
        %and3A_481 = arith.constant 255 : i32
        %and3A_482 = vector.broadcast %and3A_481 : i32 to vector<16xi32>
        %and3A_483 = arith.andi %bitcast3A_480, %and3A_482 : vector<16xi32>
        %add3A_484 = vector.broadcast %mul3A_183 : i32 to vector<16xi32>
        %add3A_485 = arith.addi %and3A_483, %add3A_484 : vector<16xi32>
        %gather3A_486 = tpu.vector_load_idx %arg14[%add3A_485] : memref<768xf32, #tpu.memory_space<vmem>>[vector<16xi32>], vector<16xf32>,
        %add3A_487 = arith.constant 1 : i32
        %add3A_488 = arith.addi %mul3A_215, %add3A_487 : i32
        %swap3A_489 = arith.index_cast %add3A_488 : i32 to index
        %swap3A_490 = arith.constant 48 : index
        %swap3A_491 = tpu.vector_load %arg10[%swap3A_489, %swap3A_490] {strides = array<i32>} : memref<56x224xf32, #tpu.memory_space<vmem>>, vector<16xf32>,
        tpu.vector_store %arg10[%swap3A_489, %swap3A_490], %gather3A_486 {strides = array<i32>} : memref<56x224xf32, #tpu.memory_space<vmem>>, vector<16xf32>,
        %bitcast3A_492 = vector.bitcast %unpack3A_466 : vector<16xi32> to vector<16xi32>
        %and3A_493 = arith.constant 255 : i32
        %and3A_494 = vector.broadcast %and3A_493 : i32 to vector<16xi32>
        %and3A_495 = arith.andi %bitcast3A_492, %and3A_494 : vector<16xi32>
        %add3A_496 = vector.broadcast %mul3A_183 : i32 to vector<16xi32>
        %add3A_497 = arith.addi %and3A_495, %add3A_496 : vector<16xi32>
        %gather3A_498 = tpu.vector_load_idx %arg14[%add3A_497] : memref<768xf32, #tpu.memory_space<vmem>>[vector<16xi32>], vector<16xf32>,
        %add3A_499 = arith.constant 1 : i32
        %add3A_500 = arith.addi %mul3A_215, %add3A_499 : i32
        %swap3A_501 = arith.index_cast %add3A_500 : i32 to index
        %swap3A_502 = arith.constant 64 : index
        %swap3A_503 = tpu.vector_load %arg10[%swap3A_501, %swap3A_502] {strides = array<i32>} : memref<56x224xf32, #tpu.memory_space<vmem>>, vector<16xf32>,
        tpu.vector_store %arg10[%swap3A_501, %swap3A_502], %gather3A_498 {strides = array<i32>} : memref<56x224xf32, #tpu.memory_space<vmem>>, vector<16xf32>,
        %bitcast3A_504 = vector.bitcast %unpack3A_467 : vector<16xi32> to vector<16xi32>
        %and3A_505 = arith.constant 255 : i32
        %and3A_506 = vector.broadcast %and3A_505 : i32 to vector<16xi32>
        %and3A_507 = arith.andi %bitcast3A_504, %and3A_506 : vector<16xi32>
        %add3A_508 = vector.broadcast %mul3A_183 : i32 to vector<16xi32>
        %add3A_509 = arith.addi %and3A_507, %add3A_508 : vector<16xi32>
        %gather3A_510 = tpu.vector_load_idx %arg14[%add3A_509] : memref<768xf32, #tpu.memory_space<vmem>>[vector<16xi32>], vector<16xf32>,
        %add3A_511 = arith.constant 1 : i32
        %add3A_512 = arith.addi %mul3A_215, %add3A_511 : i32
        %swap3A_513 = arith.index_cast %add3A_512 : i32 to index
        %swap3A_514 = arith.constant 80 : index
        %swap3A_515 = tpu.vector_load %arg10[%swap3A_513, %swap3A_514] {strides = array<i32>} : memref<56x224xf32, #tpu.memory_space<vmem>>, vector<16xf32>,
        tpu.vector_store %arg10[%swap3A_513, %swap3A_514], %gather3A_510 {strides = array<i32>} : memref<56x224xf32, #tpu.memory_space<vmem>>, vector<16xf32>,
        %mul3A_516 = arith.constant 112 : i32
        %mul3A_517 = arith.muli %scan3A_213, %mul3A_516 : i32
        %add3A_518 = arith.constant 80 : i32
        %add3A_519 = arith.addi %mul3A_517, %add3A_518 : i32
        %get3A_520 = arith.index_cast %add3A_519 : i32 to index
        %get3A_521 = tpu.vector_load %arg12[%get3A_520] {strides = array<i32>} : memref<3136xi32, #tpu.memory_space<vmem>>, vector<16xi32>,
        %bitcast3A_522 = vector.bitcast %get3A_521 : vector<16xi32> to vector<64xi8>
        %unpack3A_523 = tpu.unpack_subelements %bitcast3A_522, 0 {pack_format = #tpu.pack_format<interleaved>} : vector<64xi8> -> vector<32xi16>
        %unpack3A_524 = tpu.unpack_subelements %bitcast3A_522, 1 {pack_format = #tpu.pack_format<interleaved>} : vector<64xi8> -> vector<32xi16>
        %unpack3A_525 = tpu.unpack_subelements %unpack3A_523, 0 {pack_format = #tpu.pack_format<interleaved>} : vector<32xi16> -> vector<16xi32>
        %unpack3A_526 = tpu.unpack_subelements %unpack3A_523, 1 {pack_format = #tpu.pack_format<interleaved>} : vector<32xi16> -> vector<16xi32>
        %unpack3A_527 = tpu.unpack_subelements %unpack3A_524, 0 {pack_format = #tpu.pack_format<interleaved>} : vector<32xi16> -> vector<16xi32>
        %unpack3A_528 = tpu.unpack_subelements %unpack3A_524, 1 {pack_format = #tpu.pack_format<interleaved>} : vector<32xi16> -> vector<16xi32>
        %bitcast3A_529 = vector.bitcast %unpack3A_525 : vector<16xi32> to vector<16xi32>
        %and3A_530 = arith.constant 255 : i32
        %and3A_531 = vector.broadcast %and3A_530 : i32 to vector<16xi32>
        %and3A_532 = arith.andi %bitcast3A_529, %and3A_531 : vector<16xi32>
        %add3A_533 = vector.broadcast %mul3A_183 : i32 to vector<16xi32>
        %add3A_534 = arith.addi %and3A_532, %add3A_533 : vector<16xi32>
        %gather3A_535 = tpu.vector_load_idx %arg14[%add3A_534] : memref<768xf32, #tpu.memory_space<vmem>>[vector<16xi32>], vector<16xf32>,
        %add3A_536 = arith.constant 1 : i32
        %add3A_537 = arith.addi %mul3A_215, %add3A_536 : i32
        %swap3A_538 = arith.index_cast %add3A_537 : i32 to index
        %swap3A_539 = arith.constant 96 : index
        %swap3A_540 = tpu.vector_load %arg10[%swap3A_538, %swap3A_539] {strides = array<i32>} : memref<56x224xf32, #tpu.memory_space<vmem>>, vector<16xf32>,
        tpu.vector_store %arg10[%swap3A_538, %swap3A_539], %gather3A_535 {strides = array<i32>} : memref<56x224xf32, #tpu.memory_space<vmem>>, vector<16xf32>,
        %bitcast3A_541 = vector.bitcast %unpack3A_526 : vector<16xi32> to vector<16xi32>
        %and3A_542 = arith.constant 255 : i32
        %and3A_543 = vector.broadcast %and3A_542 : i32 to vector<16xi32>
        %and3A_544 = arith.andi %bitcast3A_541, %and3A_543 : vector<16xi32>
        %add3A_545 = vector.broadcast %mul3A_183 : i32 to vector<16xi32>
        %add3A_546 = arith.addi %and3A_544, %add3A_545 : vector<16xi32>
        %gather3A_547 = tpu.vector_load_idx %arg14[%add3A_546] : memref<768xf32, #tpu.memory_space<vmem>>[vector<16xi32>], vector<16xf32>,
        %add3A_548 = arith.constant 1 : i32
        %add3A_549 = arith.addi %mul3A_215, %add3A_548 : i32
        %swap3A_550 = arith.index_cast %add3A_549 : i32 to index
        %swap3A_551 = arith.constant 112 : index
        %swap3A_552 = tpu.vector_load %arg10[%swap3A_550, %swap3A_551] {strides = array<i32>} : memref<56x224xf32, #tpu.memory_space<vmem>>, vector<16xf32>,
        tpu.vector_store %arg10[%swap3A_550, %swap3A_551], %gather3A_547 {strides = array<i32>} : memref<56x224xf32, #tpu.memory_space<vmem>>, vector<16xf32>,
        %bitcast3A_553 = vector.bitcast %unpack3A_527 : vector<16xi32> to vector<16xi32>
        %and3A_554 = arith.constant 255 : i32
        %and3A_555 = vector.broadcast %and3A_554 : i32 to vector<16xi32>
        %and3A_556 = arith.andi %bitcast3A_553, %and3A_555 : vector<16xi32>
        %add3A_557 = vector.broadcast %mul3A_183 : i32 to vector<16xi32>
        %add3A_558 = arith.addi %and3A_556, %add3A_557 : vector<16xi32>
        %gather3A_559 = tpu.vector_load_idx %arg14[%add3A_558] : memref<768xf32, #tpu.memory_space<vmem>>[vector<16xi32>], vector<16xf32>,
        %add3A_560 = arith.constant 1 : i32
        %add3A_561 = arith.addi %mul3A_215, %add3A_560 : i32
        %swap3A_562 = arith.index_cast %add3A_561 : i32 to index
        %swap3A_563 = arith.constant 128 : index
        %swap3A_564 = tpu.vector_load %arg10[%swap3A_562, %swap3A_563] {strides = array<i32>} : memref<56x224xf32, #tpu.memory_space<vmem>>, vector<16xf32>,
        tpu.vector_store %arg10[%swap3A_562, %swap3A_563], %gather3A_559 {strides = array<i32>} : memref<56x224xf32, #tpu.memory_space<vmem>>, vector<16xf32>,
        %bitcast3A_565 = vector.bitcast %unpack3A_528 : vector<16xi32> to vector<16xi32>
        %and3A_566 = arith.constant 255 : i32
        %and3A_567 = vector.broadcast %and3A_566 : i32 to vector<16xi32>
        %and3A_568 = arith.andi %bitcast3A_565, %and3A_567 : vector<16xi32>
        %add3A_569 = vector.broadcast %mul3A_183 : i32 to vector<16xi32>
        %add3A_570 = arith.addi %and3A_568, %add3A_569 : vector<16xi32>
        %gather3A_571 = tpu.vector_load_idx %arg14[%add3A_570] : memref<768xf32, #tpu.memory_space<vmem>>[vector<16xi32>], vector<16xf32>,
        %add3A_572 = arith.constant 1 : i32
        %add3A_573 = arith.addi %mul3A_215, %add3A_572 : i32
        %swap3A_574 = arith.index_cast %add3A_573 : i32 to index
        %swap3A_575 = arith.constant 144 : index
        %swap3A_576 = tpu.vector_load %arg10[%swap3A_574, %swap3A_575] {strides = array<i32>} : memref<56x224xf32, #tpu.memory_space<vmem>>, vector<16xf32>,
        tpu.vector_store %arg10[%swap3A_574, %swap3A_575], %gather3A_571 {strides = array<i32>} : memref<56x224xf32, #tpu.memory_space<vmem>>, vector<16xf32>,
        %mul3A_577 = arith.constant 112 : i32
        %mul3A_578 = arith.muli %scan3A_213, %mul3A_577 : i32
        %add3A_579 = arith.constant 96 : i32
        %add3A_580 = arith.addi %mul3A_578, %add3A_579 : i32
        %get3A_581 = arith.index_cast %add3A_580 : i32 to index
        %get3A_582 = tpu.vector_load %arg12[%get3A_581] {strides = array<i32>} : memref<3136xi32, #tpu.memory_space<vmem>>, vector<16xi32>,
        %bitcast3A_583 = vector.bitcast %get3A_582 : vector<16xi32> to vector<64xi8>
        %unpack3A_584 = tpu.unpack_subelements %bitcast3A_583, 0 {pack_format = #tpu.pack_format<interleaved>} : vector<64xi8> -> vector<32xi16>
        %unpack3A_585 = tpu.unpack_subelements %bitcast3A_583, 1 {pack_format = #tpu.pack_format<interleaved>} : vector<64xi8> -> vector<32xi16>
        %unpack3A_586 = tpu.unpack_subelements %unpack3A_584, 0 {pack_format = #tpu.pack_format<interleaved>} : vector<32xi16> -> vector<16xi32>
        %unpack3A_587 = tpu.unpack_subelements %unpack3A_584, 1 {pack_format = #tpu.pack_format<interleaved>} : vector<32xi16> -> vector<16xi32>
        %unpack3A_588 = tpu.unpack_subelements %unpack3A_585, 0 {pack_format = #tpu.pack_format<interleaved>} : vector<32xi16> -> vector<16xi32>
        %unpack3A_589 = tpu.unpack_subelements %unpack3A_585, 1 {pack_format = #tpu.pack_format<interleaved>} : vector<32xi16> -> vector<16xi32>
        %bitcast3A_590 = vector.bitcast %unpack3A_586 : vector<16xi32> to vector<16xi32>
        %and3A_591 = arith.constant 255 : i32
        %and3A_592 = vector.broadcast %and3A_591 : i32 to vector<16xi32>
        %and3A_593 = arith.andi %bitcast3A_590, %and3A_592 : vector<16xi32>
        %add3A_594 = vector.broadcast %mul3A_183 : i32 to vector<16xi32>
        %add3A_595 = arith.addi %and3A_593, %add3A_594 : vector<16xi32>
        %gather3A_596 = tpu.vector_load_idx %arg14[%add3A_595] : memref<768xf32, #tpu.memory_space<vmem>>[vector<16xi32>], vector<16xf32>,
        %add3A_597 = arith.constant 1 : i32
        %add3A_598 = arith.addi %mul3A_215, %add3A_597 : i32
        %swap3A_599 = arith.index_cast %add3A_598 : i32 to index
        %swap3A_600 = arith.constant 160 : index
        %swap3A_601 = tpu.vector_load %arg10[%swap3A_599, %swap3A_600] {strides = array<i32>} : memref<56x224xf32, #tpu.memory_space<vmem>>, vector<16xf32>,
        tpu.vector_store %arg10[%swap3A_599, %swap3A_600], %gather3A_596 {strides = array<i32>} : memref<56x224xf32, #tpu.memory_space<vmem>>, vector<16xf32>,
        %bitcast3A_602 = vector.bitcast %unpack3A_587 : vector<16xi32> to vector<16xi32>
        %and3A_603 = arith.constant 255 : i32
        %and3A_604 = vector.broadcast %and3A_603 : i32 to vector<16xi32>
        %and3A_605 = arith.andi %bitcast3A_602, %and3A_604 : vector<16xi32>
        %add3A_606 = vector.broadcast %mul3A_183 : i32 to vector<16xi32>
        %add3A_607 = arith.addi %and3A_605, %add3A_606 : vector<16xi32>
        %gather3A_608 = tpu.vector_load_idx %arg14[%add3A_607] : memref<768xf32, #tpu.memory_space<vmem>>[vector<16xi32>], vector<16xf32>,
        %add3A_609 = arith.constant 1 : i32
        %add3A_610 = arith.addi %mul3A_215, %add3A_609 : i32
        %swap3A_611 = arith.index_cast %add3A_610 : i32 to index
        %swap3A_612 = arith.constant 176 : index
        %swap3A_613 = tpu.vector_load %arg10[%swap3A_611, %swap3A_612] {strides = array<i32>} : memref<56x224xf32, #tpu.memory_space<vmem>>, vector<16xf32>,
        tpu.vector_store %arg10[%swap3A_611, %swap3A_612], %gather3A_608 {strides = array<i32>} : memref<56x224xf32, #tpu.memory_space<vmem>>, vector<16xf32>,
        %bitcast3A_614 = vector.bitcast %unpack3A_588 : vector<16xi32> to vector<16xi32>
        %and3A_615 = arith.constant 255 : i32
        %and3A_616 = vector.broadcast %and3A_615 : i32 to vector<16xi32>
        %and3A_617 = arith.andi %bitcast3A_614, %and3A_616 : vector<16xi32>
        %add3A_618 = vector.broadcast %mul3A_183 : i32 to vector<16xi32>
        %add3A_619 = arith.addi %and3A_617, %add3A_618 : vector<16xi32>
        %gather3A_620 = tpu.vector_load_idx %arg14[%add3A_619] : memref<768xf32, #tpu.memory_space<vmem>>[vector<16xi32>], vector<16xf32>,
        %add3A_621 = arith.constant 1 : i32
        %add3A_622 = arith.addi %mul3A_215, %add3A_621 : i32
        %swap3A_623 = arith.index_cast %add3A_622 : i32 to index
        %swap3A_624 = arith.constant 192 : index
        %swap3A_625 = tpu.vector_load %arg10[%swap3A_623, %swap3A_624] {strides = array<i32>} : memref<56x224xf32, #tpu.memory_space<vmem>>, vector<16xf32>,
        tpu.vector_store %arg10[%swap3A_623, %swap3A_624], %gather3A_620 {strides = array<i32>} : memref<56x224xf32, #tpu.memory_space<vmem>>, vector<16xf32>,
        %bitcast3A_626 = vector.bitcast %unpack3A_589 : vector<16xi32> to vector<16xi32>
        %and3A_627 = arith.constant 255 : i32
        %and3A_628 = vector.broadcast %and3A_627 : i32 to vector<16xi32>
        %and3A_629 = arith.andi %bitcast3A_626, %and3A_628 : vector<16xi32>
        %add3A_630 = vector.broadcast %mul3A_183 : i32 to vector<16xi32>
        %add3A_631 = arith.addi %and3A_629, %add3A_630 : vector<16xi32>
        %gather3A_632 = tpu.vector_load_idx %arg14[%add3A_631] : memref<768xf32, #tpu.memory_space<vmem>>[vector<16xi32>], vector<16xf32>,
        %add3A_633 = arith.constant 1 : i32
        %add3A_634 = arith.addi %mul3A_215, %add3A_633 : i32
        %swap3A_635 = arith.index_cast %add3A_634 : i32 to index
        %swap3A_636 = arith.constant 208 : index
        %swap3A_637 = tpu.vector_load %arg10[%swap3A_635, %swap3A_636] {strides = array<i32>} : memref<56x224xf32, #tpu.memory_space<vmem>>, vector<16xf32>,
        tpu.vector_store %arg10[%swap3A_635, %swap3A_636], %gather3A_632 {strides = array<i32>} : memref<56x224xf32, #tpu.memory_space<vmem>>, vector<16xf32>,
      }
      %scan3A_188 = arith.constant 28 : i32
      %add3A_189 = arith.constant 2 : i32
      %add3A_190 = arith.addi %add3A_120, %add3A_189 : i32
      %lt3A_191 = arith.constant 48 : i32
      %lt3A_192 = arith.cmpi slt, %add3A_190, %lt3A_191 : i32
      %convert_element_type3A_193 = arith.extui %lt3A_192 : i1 to i32
      %cond3A_194 = arith.constant 0 : i32
      %cond3A_195 = arith.cmpi ne, %convert_element_type3A_193, %cond3A_194 : i32
      scf.if %cond3A_195 {
        %add3A_213 = arith.constant 2 : i32
        %add3A_214 = arith.addi %add3A_120, %add3A_213 : i32
        %shift_right_arithmetic3A_215 = arith.constant 4 : i32
        %shift_right_arithmetic3A_216 = arith.shrsi %add3A_214, %shift_right_arithmetic3A_215 : i32
        %and3A_217 = arith.constant 15 : i32
        %and3A_218 = arith.andi %add3A_214, %and3A_217 : i32
        %shift_right_arithmetic3A_219 = arith.constant 2 : i32
        %shift_right_arithmetic3A_220 = arith.shrsi %and3A_218, %shift_right_arithmetic3A_219 : i32
        %and3A_221 = arith.constant 3 : i32
        %and3A_222 = arith.andi %and3A_218, %and3A_221 : i32
        %add3A_223 = arith.addi %mul3A_2, %shift_right_arithmetic3A_216 : i32
        %mul3A_224 = arith.constant 96 : i32
        %mul3A_225 = arith.muli %shift_right_arithmetic3A_220, %mul3A_224 : i32
        %add3A_226 = arith.addi %mul3A_225, %add3A_223 : i32
        %mul3A_227 = arith.constant 12544 : i32
        %mul3A_228 = arith.muli %add3A_226, %mul3A_227 : i32
        %mul3A_229 = arith.constant 3136 : i32
        %mul3A_230 = arith.muli %and3A_222, %mul3A_229 : i32
        %add3A_231 = arith.addi %mul3A_228, %mul3A_230 : i32
        %dma_start3A_232 = tpu.memref_slice %arg6[%add3A_231] : memref<4816896xi32, #tpu.memory_space<hbm>> -> memref<3136xi32, #tpu.memory_space<hbm>>
        %dma_start3A_233 = tpu.memref_slice %arg6[%add3A_231] : memref<4816896xi32, #tpu.memory_space<hbm>> -> memref<3136xi32, #tpu.memory_space<hbm>>
        tpu.enqueue_dma source(%dma_start3A_233 : memref<3136xi32, #tpu.memory_space<hbm>>) target(%arg12 : memref<3136xi32, #tpu.memory_space<vmem>>) target_semaphore(%arg17 : memref<!tpu.dma_semaphore, #tpu.memory_space<semaphore_mem>>)
      } else {
      }
      %shift_right_arithmetic3A_196 = arith.constant 4 : i32
      %shift_right_arithmetic3A_197 = arith.shrsi %add3A_120, %shift_right_arithmetic3A_196 : i32
      %and3A_198 = arith.constant 15 : i32
      %and3A_199 = arith.andi %add3A_120, %and3A_198 : i32
      %shift_right_arithmetic3A_200 = arith.constant 2 : i32
      %shift_right_arithmetic3A_201 = arith.shrsi %and3A_199, %shift_right_arithmetic3A_200 : i32
      %and3A_202 = arith.constant 3 : i32
      %and3A_203 = arith.andi %and3A_199, %and3A_202 : i32
      %add3A_204 = arith.addi %mul3A_2, %shift_right_arithmetic3A_197 : i32
      %mul3A_205 = arith.constant 56 : i32
      %mul3A_206 = arith.muli %and3A_203, %mul3A_205 : i32
      %dma_start3A_207 = arith.constant 0 : i32
      %dma_start3A_208 = tpu.memref_slice %arg5[%shift_right_arithmetic3A_201, %add3A_204, %mul3A_206, %dma_start3A_207] : memref<4x96x224x224xf32, #tpu.memory_space<hbm>> -> memref<1x1x56x224xf32, #tpu.memory_space<hbm>>
      %dma_start3A_209 = tpu.memref_squeeze %dma_start3A_208 : memref<1x1x56x224xf32, #tpu.memory_space<hbm>> -> memref<56x224xf32, #tpu.memory_space<hbm>>
      %dma_start3A_210 = arith.constant 0 : i32
      %dma_start3A_211 = tpu.memref_slice %arg5[%shift_right_arithmetic3A_201, %add3A_204, %mul3A_206, %dma_start3A_210] : memref<4x96x224x224xf32, #tpu.memory_space<hbm>> -> memref<1x1x56x224xf32, #tpu.memory_space<hbm>>
      %dma_start3A_212 = tpu.memref_squeeze %dma_start3A_211 : memref<1x1x56x224xf32, #tpu.memory_space<hbm>> -> memref<56x224xf32, #tpu.memory_space<hbm>>
      tpu.enqueue_dma source(%arg10 : memref<56x224xf32, #tpu.memory_space<vmem>>) target(%dma_start3A_212 : memref<56x224xf32, #tpu.memory_space<hbm>>) target_semaphore(%arg19 : memref<!tpu.dma_semaphore, #tpu.memory_space<semaphore_mem>>)
    }
    %scan3A_95 = arith.constant 24 : i32
    %dma_wait3A_96 = arith.constant 0 : i32
    %dma_wait3A_97 = arith.constant 0 : i32
    %dma_wait3A_98 = arith.constant 0 : i32
    %dma_wait3A_99 = arith.constant 0 : i32
    %dma_wait3A_100 = tpu.memref_slice %arg5[%dma_wait3A_96, %dma_wait3A_97, %dma_wait3A_98, %dma_wait3A_99] : memref<4x96x224x224xf32, #tpu.memory_space<hbm>> -> memref<1x1x56x224xf32, #tpu.memory_space<hbm>>
    %dma_wait3A_101 = tpu.memref_squeeze %dma_wait3A_100 : memref<1x1x56x224xf32, #tpu.memory_space<hbm>> -> memref<56x224xf32, #tpu.memory_space<hbm>>
    %dma_wait3A_102 = arith.constant 0 : i32
    %dma_wait3A_103 = arith.constant 0 : i32
    %dma_wait3A_104 = tpu.memref_slice %arg5[%dma_wait3A_96, %dma_wait3A_97, %dma_wait3A_102, %dma_wait3A_103] : memref<4x96x224x224xf32, #tpu.memory_space<hbm>> -> memref<1x1x56x224xf32, #tpu.memory_space<hbm>>
    %dma_wait3A_105 = tpu.memref_squeeze %dma_wait3A_104 : memref<1x1x56x224xf32, #tpu.memory_space<hbm>> -> memref<56x224xf32, #tpu.memory_space<hbm>>
    tpu.wait_dma2 semaphore(%arg18 : memref<!tpu.dma_semaphore, #tpu.memory_space<semaphore_mem>>) src(%dma_wait3A_105 : memref<56x224xf32, #tpu.memory_space<hbm>>) dst(%arg9 : memref<56x224xf32, #tpu.memory_space<vmem>>)
    %dma_wait3A_106 = arith.constant 0 : i32
    %dma_wait3A_107 = arith.constant 0 : i32
    %dma_wait3A_108 = arith.constant 0 : i32
    %dma_wait3A_109 = arith.constant 0 : i32
    %dma_wait3A_110 = tpu.memref_slice %arg5[%dma_wait3A_106, %dma_wait3A_107, %dma_wait3A_108, %dma_wait3A_109] : memref<4x96x224x224xf32, #tpu.memory_space<hbm>> -> memref<1x1x56x224xf32, #tpu.memory_space<hbm>>
    %dma_wait3A_111 = tpu.memref_squeeze %dma_wait3A_110 : memref<1x1x56x224xf32, #tpu.memory_space<hbm>> -> memref<56x224xf32, #tpu.memory_space<hbm>>
    %dma_wait3A_112 = arith.constant 0 : i32
    %dma_wait3A_113 = arith.constant 0 : i32
    %dma_wait3A_114 = tpu.memref_slice %arg5[%dma_wait3A_106, %dma_wait3A_107, %dma_wait3A_112, %dma_wait3A_113] : memref<4x96x224x224xf32, #tpu.memory_space<hbm>> -> memref<1x1x56x224xf32, #tpu.memory_space<hbm>>
    %dma_wait3A_115 = tpu.memref_squeeze %dma_wait3A_114 : memref<1x1x56x224xf32, #tpu.memory_space<hbm>> -> memref<56x224xf32, #tpu.memory_space<hbm>>
    tpu.wait_dma2 semaphore(%arg19 : memref<!tpu.dma_semaphore, #tpu.memory_space<semaphore_mem>>) src(%dma_wait3A_115 : memref<56x224xf32, #tpu.memory_space<hbm>>) dst(%arg10 : memref<56x224xf32, #tpu.memory_space<vmem>>)
    return
  }
}

</mosaic_0001>

<sc_bundles>
// kernel: kernel.3.cloned.1.call-start
scs
__scs_entry_jumppad:
0x0: {  	(pc) =	sbr.rel $0x88, $3  }
0x1: {  	(tag) =	ssettag $0x0;
	lr =	simm.s32 $0x1  }
0x2: {  	[smem:$0x3F9F] =	sst lr;
	_ =	strace $0xD0000000  }
0x3: {  	_ = 	snop  }
0x4: {  	_ = 	snop  }
0x5: {  	_ = 	snop  }
0x6: {  	_ = 	snop  }
0x7: {  	_ = 	snop  }
__scs_overlays_trampoline_lowered:
0x8: {  	[smem:$0x3FAE] =	sst s0  }
0x9: {  	[smem:$0x3FAF] =	sst s1  }
0xa: {  	[smem:$0x3FB0] =	sst s2  }
0xb: {  	[smem:$0x3FB1] =	sst s3  }
0xc: {  	[smem:$0x3FB2] =	sst s4  }
0xd: {  	[smem:$0x3FB3] =	sst s5  }
0xe: {  	[smem:$0x3FB4] =	sst s6  }
0xf: {  	[smem:$0x3FB5] =	sst s7  }
0x10: {  	[smem:$0x3FB6] =	sst s8  }
0x11: {  	[smem:$0x3FB7] =	sst s9;
	s0 =	simm.s32 @!p0 $0x0  }
0x12: {  	s1 =	sld [smem:$0x3F9D];
	s0 =	simm.s32 @p0 $0x1  }
0x13: {  	[smem:$0x3FB8] =	sst s0;
	s0 =	simm.s32 @!p1 $0x0  }
0x14: {  	s2 =	sld [smem:$0x3F9C];
	s0 =	simm.s32 @p1 $0x1  }
0x15: {  	[smem:$0x3FB9] =	sst s0;
	s0 =	simm.s32 @!p2 $0x0  }
0x16: {  	s3 =	sld [smem:$0x3FDB];
	s0 =	simm.s32 @p2 $0x1  }
0x17: {  	s4 =	simm.s32 $0x1BF5;
	[smem:$0x3FBB] =	sst s0  }
0x18: {  	s0 =	sld [smem:$0x3F9E];
	_ =	swait.ge [sflag:s4], $0x0  }
0x19: {  	s7 =	sld [smem:$0x3F9F]  }
0x1a: {  	s8 =	sadd.s32 $0xFFFFE003, lr  }
0x1b: {  	s9 =	sadd.s32 $0xFFFFFEF7, lr;
	s5 =	simm.s32 $0xFFFFFFFF;
	p2 =	slt.u32 s8, $0xFFFFF086  }
0x1c: {  	p1 =	slt.u32 s9, $0xF7A;
	s5 =	simm.s32 @!p2 $0x0  }
0x1d: {  	s5 =	simm.s32 @p1 $0x1;
	p0 =	seq.s32 s7, s2  }
0x1e: {  	s7 =	smul.u32 @!p0 $0xF7A, s2;
	p2 =	seq.s32 @!p0 s5, $0x0  }
0x1f: {  	s9 =	smul.u32 $0xF7A, s1;
	s8 =	simm.s32 @!p0 $0x1BF5;
	p2 =	por !p2, p0  }
0x20: {  	[sflag:s8] =	ssyncset.s32 @!p0 $0xFFFFF086;
	s6 =	sadd.s32 @!p0 s3, s7;
	s7 =	simm.s32 @!p0 $0x108  }
0x21: {  	s3 =	sadd.s32 s3, s9;
	s6 =	sadd.s32 @!p0 $0x88, s6;
	s7 =	simm.s32 @p2 $0x1082  }
0x22: {  	[simem:s7], [sflag:s8] =	dma.local @!p0 [hbm:s6], $0xF7A  }
0x23: {  	s9 =	sor.u32 $0xD0000000, s2;
	s6 =	simm.s32 $0x108;
	_ =	swait.ge @!p0 [sflag:s8], $0x0  }
0x24: {  	s3 =	sadd.s32 $0x88, s3;
	s6 =	simm.s32 @!p1 $0x1082;
	[sflag:s4] =	ssyncset.s32 $0xFFFFF086  }
0x25: {  	[simem:s6], [sflag:s4] =	dma.local [hbm:s3], $0xF7A  }
0x26: {  	[smem:$0x3F9F] =	sst s1;
	(tag) =	ssettag s2;
	_ =	strace s9  }
0x27: {  	s1 =	sld [smem:$0x3FAF]  }
0x28: {  	s2 =	sld [smem:$0x3FB0]  }
0x29: {  	s4 =	sld [smem:$0x3FB2]  }
0x2a: {  	p0 =	seq.s32 s5, $0x0;
	s5 =	sld [smem:$0x3FB3]  }
0x2b: {  	s6 =	sld [smem:$0x3FB4]  }
0x2c: {  	s7 =	sld [smem:$0x3FB5]  }
0x2d: {  	s3 =	simm.s32 $0x108;
	s8 =	sld [smem:$0x3FB6]  }
0x2e: {  	s3 =	simm.s32 @!p0 $0x1082;
	s9 =	sld [smem:$0x3FB7]  }
0x2f: {  	lr =	sadd.s32 s0, s3;
	s0 =	sld [smem:$0x3FAE]  }
0x30: {  	s3 =	sld [smem:$0x3FB1]  }
0x31: {  	[smem:$0x3FBA] =	sst s10  }
0x32: {  	s10 =	sld [smem:$0x3FB8];
	_ =	sdelay $0x3  }
0x33: {  	p0 =	seq.s32 s10, $0x1;
	s10 =	sld [smem:$0x3FBA];
	_ =	sdelay $0x3  }
0x34: {  	[smem:$0x3FBA] =	sst s10  }
0x35: {  	s10 =	sld [smem:$0x3FB9];
	_ =	sdelay $0x3  }
0x36: {  	p1 =	seq.s32 s10, $0x1;
	s10 =	sld [smem:$0x3FBA];
	_ =	sdelay $0x3  }
0x37: {  	[smem:$0x3FBA] =	sst s10  }
0x38: {  	s10 =	sld [smem:$0x3FBB]  }
0x39: {  	_ = 	snop;
	(pc) =	sbr.ind lr, $3  }
0x3a: {  	_ = 	snop  }
0x3b: {  	_ = 	snop  }
0x3c: {  	p2 =	seq.s32 s10, $0x1;
	s10 =	sld [smem:$0x3FBA]  }
0x3d: {  	_ =	shalt  }
0x3e: {  	_ =	shalt  }
0x3f: {  	_ =	shalt  }
0x40: {  	_ =	shalt  }
0x41: {  	_ =	shalt  }
0x42: {  	_ =	shalt  }
0x43: {  	_ =	shalt  }
0x44: {  	_ =	shalt  }
0x45: {  	_ =	shalt  }
0x46: {  	_ =	shalt  }
0x47: {  	_ =	shalt  }
0x48: {  	_ =	shalt  }
0x49: {  	_ =	shalt  }
0x4a: {  	_ =	shalt  }
0x4b: {  	_ =	shalt  }
0x4c: {  	_ =	shalt  }
0x4d: {  	_ =	shalt  }
0x4e: {  	_ =	shalt  }
0x4f: {  	_ =	shalt  }
0x50: {  	_ =	shalt  }
0x51: {  	_ =	shalt  }
0x52: {  	_ =	shalt  }
0x53: {  	_ =	shalt  }
0x54: {  	_ =	shalt  }
0x55: {  	_ =	shalt  }
0x56: {  	_ =	shalt  }
0x57: {  	_ =	shalt  }
0x58: {  	_ =	shalt  }
0x59: {  	_ =	shalt  }
0x5a: {  	_ =	shalt  }
0x5b: {  	_ =	shalt  }
0x5c: {  	_ =	shalt  }
0x5d: {  	_ =	shalt  }
0x5e: {  	_ =	shalt  }
0x5f: {  	_ =	shalt  }
0x60: {  	_ =	shalt  }
0x61: {  	_ =	shalt  }
0x62: {  	_ =	shalt  }
0x63: {  	_ =	shalt  }
0x64: {  	_ =	shalt  }
0x65: {  	_ =	shalt  }
0x66: {  	_ =	shalt  }
0x67: {  	_ =	shalt  }
0x68: {  	_ =	shalt  }
0x69: {  	_ =	shalt  }
0x6a: {  	_ =	shalt  }
0x6b: {  	_ =	shalt  }
0x6c: {  	_ =	shalt  }
0x6d: {  	_ =	shalt  }
0x6e: {  	_ =	shalt  }
0x6f: {  	_ =	shalt  }
0x70: {  	_ =	shalt  }
0x71: {  	_ =	shalt  }
0x72: {  	_ =	shalt  }
0x73: {  	_ =	shalt  }
0x74: {  	_ =	shalt  }
0x75: {  	_ =	shalt  }
0x76: {  	_ =	shalt  }
0x77: {  	_ =	shalt  }
0x78: {  	_ =	shalt  }
0x79: {  	_ =	shalt  }
0x7a: {  	_ =	shalt  }
0x7b: {  	_ =	shalt  }
0x7c: {  	_ =	shalt  }
0x7d: {  	_ =	shalt  }
0x7e: {  	_ =	shalt  }
0x7f: {  	_ =	shalt  }
0x80: {  	_ =	shalt  }
0x81: {  	_ =	shalt  }
0x82: {  	_ =	shalt  }
0x83: {  	_ =	shalt  }
0x84: {  	_ =	shalt  }
0x85: {  	_ =	shalt  }
0x86: {  	_ =	shalt  }
0x87: {  	_ =	shalt  }
.Lfunc_end0:
.L_simem_size_0:
called_computation_lowered:
.L_overlay_start_0:
0x88: {  	s2 =	sld [smem:$0x3FD9]  }
0x89: {  	s3 =	sld [smem:$0x3FFE];
	_ =	sdelay $0x1  }
0x8a: {  	s1 =	srdreg.scid  }
0x8b: {  	s0 =	sand.u32 $0x1, s1  }
0x8c: {  	s14 =	sshll.u32 s0, $0xA;
	s2 =	sadd.s32 s3, s2  }
0x8d: {  	s2 =	sadd.s32 s2, s14  }
0x8e: {  	[smem:$0x3FC6] =	sst s2  }
0x8f: {  	_ = 	snop  }
0x90: {  	s2 =	sld [smem:$0x3FD0];
	_ =	sdelay $0x1  }
0x91: {  	s15 =	sld [smem:$0x3FC9]  }
0x92: {  	s5 =	simm.s32 $0xA;
	s6 =	simm.s32 $0x10;
	s4 =	sld [smem:$0x3FC8]  }
0x93: {  	[smem:s6], [sflag:s5] =	dma.local [hbm:s2], $0x1  }
0x94: {  	_ =	swait.eq [sflag:s5], $0x1  }
0x95: {  	[sflag:s5] =	ssyncset.done $0x0  }
0x96: {  	s16 =	sld [smem:$0x10];
	[sflag:s5] =	ssyncadd.s32 $0xFFFFFFFF  }
0x97: {  	s17 =	sld [smem:$0x11];
	(tm) =	ssettm $0x1  }
0x98: {  	s18 =	sld [smem:$0x3FFB];
	_ =	sdelay $0x3  }
0x99: {  	_ =	strace s18  }
0x9a: {  	s6 =	sld [smem:$0x3FFC];
	_ =	sdelay $0x3  }
0x9b: {  	_ =	strace s6  }
0x9c: {  	s6 =	sld [smem:$0x3FFD];
	_ =	sdelay $0x3  }
0x9d: {  	_ =	strace s6  }
0x9e: {  	_ =	strace $0x8FFFFFFF  }
0x9f: {  	s19 =	sld [smem:$0x3FDB];
	_ =	sdelay $0x1  }
0xa0: {  	s7 =	simm.s32 $_scs_section_size  }
0xa1: {  	s8 =	simm.s32 $_size__tile_overlayer_lowered;
	s9 =	simm.s32 $_tile_overlayer_lowered  }
0xa2: {  	s22 =	simm.s32 $0x1BFF;
	s21 =	sshll.u32 s9, $0x1;
	s6 =	sadd.s32 s7, s19  }
0xa3: {  	s10 =	simm.s32 $0x0;
	s20 =	sshll.u32 s8, $0x1;
	s8 =	sadd.s32 s21, s6  }
0xa4: {  	[timem:s10], [sflag:s22] =	dma.local [hbm:s8], s20  }
0xa5: {  	_ =	swait.ge [sflag:s22], s20  }
0xa6: {  	s7 =	ssub.s32 $0x0, s20;
	[sflag:s22] =	ssyncset.done $0x0  }
0xa7: {  	[sflag:s22] =	ssyncadd.s32 s7;
	_ =	sdelay $0x1  }
0xa8: {  	s23 =	simm.s32 $0x1B8B  }
0xa9: {  	_ =	swait.ge [sflag:s23], $0x1  }
0xaa: {  	[sflag:s23] =	ssyncset.done $0x0  }
0xab: {  	s25 =	simm.s32 $0x1B8E;
	s24 =	sld [smem:$0x3FFE];
	[sflag:s23] =	ssyncadd.s32 $0xFFFFFFFF  }
0xac: {  	s26 =	simm.s32 $execute0_lowered;
	[smem:$0x3FD2] =	sst s25  }
0xad: {  	s8 =	sshll.u32 s26, $0x1;
	_ =	strace $0x80000046;
	[dreg:$0x1] =	wrdreg $0xFFFFFFFF  }
0xae: {  	s28 =	simm.s32 $_size_execute0_lowered;
	s6 =	sadd.s32 s6, s8;
	[dreg:$0x0] =	wrdreg $0x0  }
0xaf: {  	s8 =	sshll.u32 s28, $0x1;
	[dreg:$0x2] =	wrdreg s6  }
0xb0: {  	[dreg:$0x3] =	wrdreg s8  }
0xb1: {  	[dreg:$0x4] =	wrdreg $0xC0  }
0xb2: {  	_ =	task [dreg:s10], $0x5FFFF  }
0xb3: {  	[dreg:$0x1] =	wrdreg $0xFFFFFFFF  }
0xb4: {  	[dreg:$0x0] =	wrdreg $0x60  }
0xb5: {  	[dreg:$0x2] =	wrdreg s15  }
0xb6: {  	[dreg:$0x3] =	wrdreg s4  }
0xb7: {  	[dreg:$0x4] =	wrdreg s16  }
0xb8: {  	[dreg:$0x5] =	wrdreg s17  }
0xb9: {  	[dreg:$0x6] =	wrdreg s24  }
0xba: {  	[dreg:$0x7] =	wrdreg $0x9  }
0xbb: {  	_ =	task.clear_ibuf [dreg:s10], $0x8FFFF;
	_ =	strace $0x90000046  }
0xbc: {  	s29 =	simm.s32 $0x9;
	_ =	strace $0x80000048  }
0xbd: {  	_ =	swait.ge [sflag:s29], $0x1  }
0xbe: {  	[sflag:s29] =	ssyncadd.s32 $0xFFFFFFFF  }
0xbf: {  	_ =	strace $0x90000048  }
0xc0: {  	_ =	sfence  }
0xc1: {  	s30 =	sld [smem:$0x0];
	_ =	sdelay $0x2  }
0xc2: {  	s31 =	sshll.u32 s1, $0xD;
	s1 =	sshrl.u32 s1, $0x2  }
0xc3: {  	s3 =	sand.u32 $0x4000, s31;
	s1 =	sadd.s32 s1, s30  }
0xc4: {  	s0 =	sor.u32 s3, s0;
	s1 =	sshll.u32 s1, $0x11  }
0xc5: {  	s0 =	sor.u32 s1, s0  }
0xc6: {  	s0 =	sadd.s32 $0x8F2B, s0  }
0xc7: {  	[sflag:s0] =	ssyncadd.remote.s32 $0x1  }
0xc8: {  	_ =	sfence.sel $0xFFFF  }
0xc9: {  	[dreg:$0x0] =	wrdreg $0xFFFFFFFF;
	(pc) =	sbr.abs _section_cstart, $3  }
0xca: {  	[dreg:$0x1] =	wrdreg $0xFFFFFFFF  }
0xcb: {  	_ =	task.clear_ibuf [dreg:s10], $0x2FFFF;
	_ =	strace $0x9FFFFFFF  }
0xcc: {  	(tm) =	ssettm $0x7FFFFFFF  }
0xcd: {  	_ =	shalt  }
tec
execute0_lowered:
.L_overlay_start_1:
0x0: {  	(tag) =	ssettag $0x1  }
0x1: {  	s0 =	rddreg [dreg:$0x0]  }
0x2: {  	s3 =	rddreg [dreg:$0x2]  }
0x3: {  	s5 =	rddreg [dreg:$0x3]  }
0x4: {  	s1 =	srdreg.scid;
	s4 =	stileid.u32  }
0x5: {  	s2 =	rddreg [dreg:$0x4];
	s6 =	simm.s32 $0x0;
	s15 =	simm.s32 $0x1  }
0x6: {  	s16 =	simm.s32 $0xF900;
	s17 =	simm.s32 $0x7000;
	s18 =	simm.s32 $0xE000  }
0x7: {  	s19 =	simm.s32 $0x2;
	s20 =	simm.s32 $0xA800;
	s21 =	simm.s32 $0xEC80  }
0x8: {  	s22 =	simm.s32 $0x3;
	s23 =	simm.s32 $0x4;
	s24 =	simm.s32 $0x5  }
0x9: {  	s28 =	simm.s32 $0x7;
	s1 =	sand.u32 $0x1, s1;
	s4 =	sshll.u32 s4, $0x1  }
0xa: {  	s29 =	simm.s32 $0x12900;
	s4 =	sor.u32 s1, s4;
	s1 =	ssub.s32 $0x2, s1  }
0xb: {  	[smem:$0x7FF] =	sst s6;
	s8 =	smul.u32 $0x2A000, s4;
	s25 =	sshrl.u32 s1, $0x1  }
0xc: {  	s7 =	sadd.s32 $0x800, s2;
	s9 =	smul.u32 $0x9300, s4;
	s1 =	ssub.s32 s1, s25  }
0xd: {  	_ =	strace $0x80000047;
	s8 =	sshrl.u32 s8, $0x3;
	s1 =	smax.u32 s1, $0x1  }
0xe: {  	s26 =	sshrl.u32 s9, $0x3;
	s8 =	sadd.s32 s0, s8;
	[dreg:$0x9] =	wrdreg s1  }
0xf: {  	s11 =	sadd.s32 s7, s26;
	[dreg:$0x6] =	wrdreg s8;
	s31 =	sadd.s32 $0x700, s8  }
0x10: {  	v1 =	vlaneseq.u32;
	s30 =	simm.s32 $0x0;
	s2 =	sadd.s32 $0x188, s11;
	[dreg:$0x7] =	wrdreg s31  }
0x11: {  	v0 =	vimm.f32 $0.0e+00;
	v2 =	vimm.f32 $1.000000000e+00;
	v1 =	vmul.u32 $0x300, v1;
	s25 =	simm.s32 $0x6;
	s9 =	smul.u32 $0x3, s4;
	[dreg:$0x8] =	wrdreg s2  }
.LBB2_1:
0x12: {  	s1 =	simm.s32 $0x40;
	s2 =	simm.s32 $0x0  }
.LBB2_2:
0x13: {  	p0 =	sne.s32 s1, $0xBFC0;
	[tilespmem:s2+$0xF900] =	vst v0;
	s2 =	smov.u32 s1;
	s1 =	sadd.s32 $0x40, s1  }
.Ltmp0:
0x14: {  	(pc) =	sbr.rel @p0 .LBB2_2-.Ltmp0, $2  }
0x15: {  	_ =	sdelay $0x2  }
0x16: {  	s2 =	sshra.s32 s2, $0x2  }
0x17: {  	[tilespmem:s2+$0xF900] =	vst v0;
	s31 =	simm.s32 $0x0;
	s1 =	rddreg [dreg:$0x6]  }
0x18: {  	[tilespmem:s31], [sflag:$0x1] =	stream.linear.gather [hbm4b:s1+s31], $0x3800, $0x38;
	[tilespmem:$0x18C00] =	vst v63  }
0x19: {  	s14 =	rddreg [dreg:$0x7];
	s26 =	simm.s32 $0x3800  }
0x1a: {  	[tilespmem:s26], [sflag:$0x2] =	stream.linear.gather [hbm4b:s14+s31], $0x3800, $0x38;
	[tilespmem:$0x18C00] =	vst v63  }
.LBB2_4:
0x1b: {  	_ =	swait.ge [sflag:s15], $0x3800  }
0x1c: {  	p1 =	seq.s32 s31, $0x0;
	[sflag:s15] =	ssyncset.done $0x0  }
0x1d: {  	s1 =	simm.s32 @!p1 $0x3;
	[sflag:s15] =	ssyncadd.s32 $0xFFFFC800  }
0x1e: {  	_ =	swait.ge @!p1 [sflag:s1], $0x3800  }
0x1f: {  	[sflag:s1] =	ssyncset.done @!p1 $0x0  }
0x20: {  	s2 =	simm.s32 @!p1 $0x5;
	[sflag:s1] =	ssyncadd.s32 @!p1 $0xFFFFC800  }
0x21: {  	s4 =	sshll.u32 s31, $0x1;
	s1 =	sshrl.u32 s31, $0x3;
	_ =	swait.ge @!p1 [sflag:s2], $0xC40  }
0x22: {  	s14 =	simm.s32 $0x0;
	s26 =	sshll.u32 s1, $0x8;
	[sflag:s2] =	ssyncset.done @!p1 $0x0  }
0x23: {  	s10 =	simm.s32 $0x0;
	v3 =	vadd.s32 s26, v1;
	[sflag:s2] =	ssyncadd.s32 @!p1 $0xFFFFF3C0;
	s2 =	simm.s32 $0xE030  }
.LBB2_5:
0x24: {  	s12 =	sand.u32 $0x3800, s14;
	s13 =	sand.u32 $0x300, s10  }
0x25: {  	s12 =	sor.u32 s13, s12  }
0x26: {  	v4 =	vld [tilespmem:s12+$0x0];
	_ =	sdelay $0x4  }
0x27: {  	v4 =	vmin.f32 v4, $2.550000000e+02  }
0x28: {  	v4 =	vadd.f32 $8.388608000e+06, v4;
	_ =	sdelay $0x1  }
0x29: {  	v4 =	vadd.f32 $-8.388608000e+06, v4;
	_ =	sdelay $0x1  }
0x2a: {  	v5 =	vtrunc.f32 v4  }
0x2b: {  	v5 =	vcvt.f32.s32 v5;
	_ =	sdelay $0x1  }
0x2c: {  	v6 =	vadd.s32 v5, v3;
	_ =	sdelay $0x3  }
0x2d: {  	[tilespmem:s12+$0x7000] =	vst v4  }
0x2e: {  	[tilespmem:v6+s16+$0x0] =	vst.idx.add.f32.msk $0xffff, v2  }
0x2f: {  	v4 =	vld [tilespmem:s12+$0x10];
	_ =	sdelay $0x4  }
0x30: {  	v4 =	vmin.f32 v4, $2.550000000e+02  }
0x31: {  	v4 =	vadd.f32 $8.388608000e+06, v4;
	_ =	sdelay $0x1  }
0x32: {  	v4 =	vadd.f32 $-8.388608000e+06, v4;
	_ =	sdelay $0x1  }
0x33: {  	v19 =	vtrunc.f32 v4  }
0x34: {  	v6 =	vcvt.f32.s32 v19;
	_ =	sdelay $0x1  }
0x35: {  	v7 =	vadd.s32 v6, v3;
	_ =	sdelay $0x3  }
0x36: {  	[tilespmem:s12+$0x7010] =	vst v4  }
0x37: {  	[tilespmem:v7+s16+$0x0] =	vst.idx.add.f32.msk $0xffff, v2  }
0x38: {  	v4 =	vld [tilespmem:s12+$0x20];
	_ =	sdelay $0x4  }
0x39: {  	v4 =	vmin.f32 v4, $2.550000000e+02  }
0x3a: {  	v4 =	vadd.f32 $8.388608000e+06, v4;
	_ =	sdelay $0x1  }
0x3b: {  	v4 =	vadd.f32 $-8.388608000e+06, v4;
	_ =	sdelay $0x1  }
0x3c: {  	v20 =	vtrunc.f32 v4  }
0x3d: {  	v7 =	vcvt.f32.s32 v20;
	_ =	sdelay $0x1  }
0x3e: {  	v8 =	vadd.s32 v7, v3;
	_ =	sdelay $0x3  }
0x3f: {  	[tilespmem:s12+$0x7020] =	vst v4  }
0x40: {  	[tilespmem:v8+s16+$0x0] =	vst.idx.add.f32.msk $0xffff, v2  }
0x41: {  	v4 =	vld [tilespmem:s12+$0x30];
	_ =	sdelay $0x4  }
0x42: {  	v4 =	vmin.f32 v4, $2.550000000e+02  }
0x43: {  	v4 =	vadd.f32 $8.388608000e+06, v4;
	_ =	sdelay $0x1  }
0x44: {  	v4 =	vadd.f32 $-8.388608000e+06, v4;
	_ =	sdelay $0x1  }
0x45: {  	v21 =	vtrunc.f32 v4  }
0x46: {  	v8 =	vcvt.f32.s32 v21;
	_ =	sdelay $0x1  }
0x47: {  	v9 =	vadd.s32 v8, v3;
	_ =	sdelay $0x3  }
0x48: {  	[tilespmem:s12+$0x7030] =	vst v4;
	v4 =	vpack.i.b32.b16 v6, v5;
	v5 =	vpack.i.b32.b16 v8, v7  }
0x49: {  	v4 =	vpack.i.b16.b8 v5, v4;
	[tilespmem:v9+s16+$0x0] =	vst.idx.add.f32.msk $0xffff, v2  }
0x4a: {  	[tilespmem:s2+$0xFFFFFFD0] =	vst v4  }
0x4b: {  	v4 =	vld [tilespmem:s12+$0x40];
	_ =	sdelay $0x4  }
0x4c: {  	v4 =	vmin.f32 v4, $2.550000000e+02  }
0x4d: {  	v4 =	vadd.f32 $8.388608000e+06, v4;
	_ =	sdelay $0x1  }
0x4e: {  	v4 =	vadd.f32 $-8.388608000e+06, v4;
	_ =	sdelay $0x1  }
0x4f: {  	v5 =	vtrunc.f32 v4  }
0x50: {  	v5 =	vcvt.f32.s32 v5;
	_ =	sdelay $0x1  }
0x51: {  	v22 =	vadd.s32 v5, v3;
	_ =	sdelay $0x3  }
0x52: {  	[tilespmem:s12+$0x7040] =	vst v4  }
0x53: {  	[tilespmem:v22+s16+$0x0] =	vst.idx.add.f32.msk $0xffff, v2  }
0x54: {  	v4 =	vld [tilespmem:s12+$0x50];
	_ =	sdelay $0x4  }
0x55: {  	v4 =	vmin.f32 v4, $2.550000000e+02  }
0x56: {  	v4 =	vadd.f32 $8.388608000e+06, v4;
	_ =	sdelay $0x1  }
0x57: {  	v4 =	vadd.f32 $-8.388608000e+06, v4;
	_ =	sdelay $0x1  }
0x58: {  	v23 =	vtrunc.f32 v4  }
0x59: {  	v6 =	vcvt.f32.s32 v23;
	_ =	sdelay $0x1  }
0x5a: {  	v24 =	vadd.s32 v6, v3;
	_ =	sdelay $0x3  }
0x5b: {  	[tilespmem:s12+$0x7050] =	vst v4  }
0x5c: {  	[tilespmem:v24+s16+$0x0] =	vst.idx.add.f32.msk $0xffff, v2  }
0x5d: {  	v4 =	vld [tilespmem:s12+$0x60];
	_ =	sdelay $0x4  }
0x5e: {  	v4 =	vmin.f32 v4, $2.550000000e+02  }
0x5f: {  	v4 =	vadd.f32 $8.388608000e+06, v4;
	_ =	sdelay $0x1  }
0x60: {  	v4 =	vadd.f32 $-8.388608000e+06, v4;
	_ =	sdelay $0x1  }
0x61: {  	v25 =	vtrunc.f32 v4  }
0x62: {  	v7 =	vcvt.f32.s32 v25;
	_ =	sdelay $0x1  }
0x63: {  	v26 =	vadd.s32 v7, v3;
	_ =	sdelay $0x3  }
0x64: {  	[tilespmem:s12+$0x7060] =	vst v4  }
0x65: {  	[tilespmem:v26+s16+$0x0] =	vst.idx.add.f32.msk $0xffff, v2  }
0x66: {  	v4 =	vld [tilespmem:s12+$0x70];
	_ =	sdelay $0x4  }
0x67: {  	v4 =	vmin.f32 v4, $2.550000000e+02  }
0x68: {  	v4 =	vadd.f32 $8.388608000e+06, v4;
	_ =	sdelay $0x1  }
0x69: {  	v4 =	vadd.f32 $-8.388608000e+06, v4;
	_ =	sdelay $0x1  }
0x6a: {  	v27 =	vtrunc.f32 v4  }
0x6b: {  	v8 =	vcvt.f32.s32 v27;
	_ =	sdelay $0x1  }
0x6c: {  	v28 =	vadd.s32 v8, v3;
	_ =	sdelay $0x3  }
0x6d: {  	[tilespmem:s12+$0x7070] =	vst v4;
	v4 =	vpack.i.b32.b16 v6, v5;
	v5 =	vpack.i.b32.b16 v8, v7  }
0x6e: {  	v4 =	vpack.i.b16.b8 v5, v4;
	[tilespmem:v28+s16+$0x0] =	vst.idx.add.f32.msk $0xffff, v2  }
0x6f: {  	[tilespmem:s2+$0xFFFFFFE0] =	vst v4  }
0x70: {  	v4 =	vld [tilespmem:s12+$0x400];
	_ =	sdelay $0x4  }
0x71: {  	v4 =	vmin.f32 v4, $2.550000000e+02  }
0x72: {  	v4 =	vadd.f32 $8.388608000e+06, v4;
	_ =	sdelay $0x1  }
0x73: {  	v4 =	vadd.f32 $-8.388608000e+06, v4;
	_ =	sdelay $0x1  }
0x74: {  	v5 =	vtrunc.f32 v4  }
0x75: {  	v5 =	vcvt.f32.s32 v5;
	_ =	sdelay $0x1  }
0x76: {  	v29 =	vadd.s32 v5, v3;
	_ =	sdelay $0x3  }
0x77: {  	[tilespmem:s12+$0x7400] =	vst v4  }
0x78: {  	[tilespmem:v29+s16+$0x0] =	vst.idx.add.f32.msk $0xffff, v2  }
0x79: {  	v4 =	vld [tilespmem:s12+$0x410];
	_ =	sdelay $0x4  }
0x7a: {  	v4 =	vmin.f32 v4, $2.550000000e+02  }
0x7b: {  	v4 =	vadd.f32 $8.388608000e+06, v4;
	_ =	sdelay $0x1  }
0x7c: {  	v4 =	vadd.f32 $-8.388608000e+06, v4;
	_ =	sdelay $0x1  }
0x7d: {  	v30 =	vtrunc.f32 v4  }
0x7e: {  	v6 =	vcvt.f32.s32 v30;
	_ =	sdelay $0x1  }
0x7f: {  	v31 =	vadd.s32 v6, v3;
	_ =	sdelay $0x3  }
0x80: {  	[tilespmem:s12+$0x7410] =	vst v4  }
0x81: {  	[tilespmem:v31+s16+$0x0] =	vst.idx.add.f32.msk $0xffff, v2  }
0x82: {  	v4 =	vld [tilespmem:s12+$0x420];
	_ =	sdelay $0x4  }
0x83: {  	v4 =	vmin.f32 v4, $2.550000000e+02  }
0x84: {  	v4 =	vadd.f32 $8.388608000e+06, v4;
	_ =	sdelay $0x1  }
0x85: {  	v4 =	vadd.f32 $-8.388608000e+06, v4;
	_ =	sdelay $0x1  }
0x86: {  	v32 =	vtrunc.f32 v4  }
0x87: {  	v7 =	vcvt.f32.s32 v32;
	_ =	sdelay $0x1  }
0x88: {  	v33 =	vadd.s32 v7, v3;
	_ =	sdelay $0x3  }
0x89: {  	[tilespmem:s12+$0x7420] =	vst v4  }
0x8a: {  	[tilespmem:v33+s16+$0x0] =	vst.idx.add.f32.msk $0xffff, v2  }
0x8b: {  	v4 =	vld [tilespmem:s12+$0x430];
	_ =	sdelay $0x4  }
0x8c: {  	v4 =	vmin.f32 v4, $2.550000000e+02  }
0x8d: {  	v4 =	vadd.f32 $8.388608000e+06, v4;
	_ =	sdelay $0x1  }
0x8e: {  	v4 =	vadd.f32 $-8.388608000e+06, v4;
	_ =	sdelay $0x1  }
0x8f: {  	v34 =	vtrunc.f32 v4  }
0x90: {  	v8 =	vcvt.f32.s32 v34;
	_ =	sdelay $0x1  }
0x91: {  	v35 =	vadd.s32 v8, v3;
	_ =	sdelay $0x3  }
0x92: {  	[tilespmem:s12+$0x7430] =	vst v4;
	v4 =	vpack.i.b32.b16 v6, v5;
	v5 =	vpack.i.b32.b16 v8, v7  }
0x93: {  	v4 =	vpack.i.b16.b8 v5, v4;
	[tilespmem:v35+s16+$0x0] =	vst.idx.add.f32.msk $0xffff, v2  }
0x94: {  	[tilespmem:s2+$0xFFFFFFF0] =	vst v4  }
0x95: {  	v4 =	vld [tilespmem:s12+$0x440];
	_ =	sdelay $0x4  }
0x96: {  	v4 =	vmin.f32 v4, $2.550000000e+02  }
0x97: {  	v4 =	vadd.f32 $8.388608000e+06, v4;
	_ =	sdelay $0x1  }
0x98: {  	v4 =	vadd.f32 $-8.388608000e+06, v4;
	_ =	sdelay $0x1  }
0x99: {  	v5 =	vtrunc.f32 v4  }
0x9a: {  	v5 =	vcvt.f32.s32 v5;
	_ =	sdelay $0x1  }
0x9b: {  	v36 =	vadd.s32 v5, v3;
	_ =	sdelay $0x3  }
0x9c: {  	[tilespmem:s12+$0x7440] =	vst v4  }
0x9d: {  	[tilespmem:v36+s16+$0x0] =	vst.idx.add.f32.msk $0xffff, v2  }
0x9e: {  	v4 =	vld [tilespmem:s12+$0x450];
	_ =	sdelay $0x4  }
0x9f: {  	v4 =	vmin.f32 v4, $2.550000000e+02  }
0xa0: {  	v4 =	vadd.f32 $8.388608000e+06, v4;
	_ =	sdelay $0x1  }
0xa1: {  	v4 =	vadd.f32 $-8.388608000e+06, v4;
	_ =	sdelay $0x1  }
0xa2: {  	v37 =	vtrunc.f32 v4  }
0xa3: {  	v6 =	vcvt.f32.s32 v37;
	_ =	sdelay $0x1  }
0xa4: {  	v38 =	vadd.s32 v6, v3;
	_ =	sdelay $0x3  }
0xa5: {  	[tilespmem:s12+$0x7450] =	vst v4  }
0xa6: {  	[tilespmem:v38+s16+$0x0] =	vst.idx.add.f32.msk $0xffff, v2  }
0xa7: {  	v4 =	vld [tilespmem:s12+$0x80];
	_ =	sdelay $0x4  }
0xa8: {  	v4 =	vmin.f32 v4, $2.550000000e+02  }
0xa9: {  	v4 =	vadd.f32 $8.388608000e+06, v4;
	_ =	sdelay $0x1  }
0xaa: {  	v4 =	vadd.f32 $-8.388608000e+06, v4;
	_ =	sdelay $0x1  }
0xab: {  	v39 =	vtrunc.f32 v4  }
0xac: {  	v7 =	vcvt.f32.s32 v39;
	_ =	sdelay $0x1  }
0xad: {  	v40 =	vadd.s32 v7, v3;
	_ =	sdelay $0x3  }
0xae: {  	[tilespmem:s12+$0x7080] =	vst v4  }
0xaf: {  	[tilespmem:v40+s16+$0x0] =	vst.idx.add.f32.msk $0xffff, v2  }
0xb0: {  	v4 =	vld [tilespmem:s12+$0x90];
	_ =	sdelay $0x4  }
0xb1: {  	v4 =	vmin.f32 v4, $2.550000000e+02  }
0xb2: {  	v4 =	vadd.f32 $8.388608000e+06, v4;
	_ =	sdelay $0x1  }
0xb3: {  	v4 =	vadd.f32 $-8.388608000e+06, v4;
	_ =	sdelay $0x1  }
0xb4: {  	v41 =	vtrunc.f32 v4  }
0xb5: {  	v8 =	vcvt.f32.s32 v41;
	_ =	sdelay $0x1  }
0xb6: {  	v42 =	vadd.s32 v8, v3;
	_ =	sdelay $0x3  }
0xb7: {  	[tilespmem:s12+$0x7090] =	vst v4;
	v4 =	vpack.i.b32.b16 v6, v5;
	v5 =	vpack.i.b32.b16 v8, v7  }
0xb8: {  	v4 =	vpack.i.b16.b8 v5, v4;
	[tilespmem:v42+s16+$0x0] =	vst.idx.add.f32.msk $0xffff, v2  }
0xb9: {  	[tilespmem:s2+$0x0] =	vst v4  }
0xba: {  	v4 =	vld [tilespmem:s12+$0xA0];
	_ =	sdelay $0x4  }
0xbb: {  	v4 =	vmin.f32 v4, $2.550000000e+02  }
0xbc: {  	v4 =	vadd.f32 $8.388608000e+06, v4;
	_ =	sdelay $0x1  }
0xbd: {  	v4 =	vadd.f32 $-8.388608000e+06, v4;
	_ =	sdelay $0x1  }
0xbe: {  	v5 =	vtrunc.f32 v4  }
0xbf: {  	v5 =	vcvt.f32.s32 v5;
	_ =	sdelay $0x1  }
0xc0: {  	v43 =	vadd.s32 v5, v3;
	_ =	sdelay $0x3  }
0xc1: {  	[tilespmem:s12+$0x70A0] =	vst v4  }
0xc2: {  	[tilespmem:v43+s16+$0x0] =	vst.idx.add.f32.msk $0xffff, v2  }
0xc3: {  	v4 =	vld [tilespmem:s12+$0xB0];
	_ =	sdelay $0x4  }
0xc4: {  	v4 =	vmin.f32 v4, $2.550000000e+02  }
0xc5: {  	v4 =	vadd.f32 $8.388608000e+06, v4;
	_ =	sdelay $0x1  }
0xc6: {  	v4 =	vadd.f32 $-8.388608000e+06, v4;
	_ =	sdelay $0x1  }
0xc7: {  	v44 =	vtrunc.f32 v4  }
0xc8: {  	v6 =	vcvt.f32.s32 v44;
	_ =	sdelay $0x1  }
0xc9: {  	v45 =	vadd.s32 v6, v3;
	_ =	sdelay $0x3  }
0xca: {  	[tilespmem:s12+$0x70B0] =	vst v4  }
0xcb: {  	[tilespmem:v45+s16+$0x0] =	vst.idx.add.f32.msk $0xffff, v2  }
0xcc: {  	v4 =	vld [tilespmem:s12+$0xC0];
	_ =	sdelay $0x4  }
0xcd: {  	v4 =	vmin.f32 v4, $2.550000000e+02  }
0xce: {  	v4 =	vadd.f32 $8.388608000e+06, v4;
	_ =	sdelay $0x1  }
0xcf: {  	v4 =	vadd.f32 $-8.388608000e+06, v4;
	_ =	sdelay $0x1  }
0xd0: {  	v46 =	vtrunc.f32 v4  }
0xd1: {  	v7 =	vcvt.f32.s32 v46;
	_ =	sdelay $0x1  }
0xd2: {  	v47 =	vadd.s32 v7, v3;
	_ =	sdelay $0x3  }
0xd3: {  	[tilespmem:s12+$0x70C0] =	vst v4  }
0xd4: {  	[tilespmem:v47+s16+$0x0] =	vst.idx.add.f32.msk $0xffff, v2  }
0xd5: {  	v4 =	vld [tilespmem:s12+$0xD0];
	_ =	sdelay $0x4  }
0xd6: {  	v4 =	vmin.f32 v4, $2.550000000e+02  }
0xd7: {  	v4 =	vadd.f32 $8.388608000e+06, v4;
	_ =	sdelay $0x1  }
0xd8: {  	v4 =	vadd.f32 $-8.388608000e+06, v4;
	_ =	sdelay $0x1  }
0xd9: {  	v48 =	vtrunc.f32 v4  }
0xda: {  	v8 =	vcvt.f32.s32 v48;
	_ =	sdelay $0x1  }
0xdb: {  	v49 =	vadd.s32 v8, v3;
	_ =	sdelay $0x3  }
0xdc: {  	[tilespmem:s12+$0x70D0] =	vst v4;
	v4 =	vpack.i.b32.b16 v6, v5;
	v5 =	vpack.i.b32.b16 v8, v7  }
0xdd: {  	v4 =	vpack.i.b16.b8 v5, v4;
	[tilespmem:v49+s16+$0x0] =	vst.idx.add.f32.msk $0xffff, v2  }
0xde: {  	[tilespmem:s2+$0x10] =	vst v4  }
0xdf: {  	v4 =	vld [tilespmem:s12+$0xE0];
	_ =	sdelay $0x4  }
0xe0: {  	v4 =	vmin.f32 v4, $2.550000000e+02  }
0xe1: {  	v4 =	vadd.f32 $8.388608000e+06, v4;
	_ =	sdelay $0x1  }
0xe2: {  	v4 =	vadd.f32 $-8.388608000e+06, v4;
	_ =	sdelay $0x1  }
0xe3: {  	v5 =	vtrunc.f32 v4  }
0xe4: {  	v5 =	vcvt.f32.s32 v5;
	_ =	sdelay $0x1  }
0xe5: {  	v50 =	vadd.s32 v5, v3;
	_ =	sdelay $0x3  }
0xe6: {  	[tilespmem:s12+$0x70E0] =	vst v4  }
0xe7: {  	[tilespmem:v50+s16+$0x0] =	vst.idx.add.f32.msk $0xffff, v2  }
0xe8: {  	v4 =	vld [tilespmem:s12+$0xF0];
	_ =	sdelay $0x4  }
0xe9: {  	v4 =	vmin.f32 v4, $2.550000000e+02  }
0xea: {  	v4 =	vadd.f32 $8.388608000e+06, v4;
	_ =	sdelay $0x1  }
0xeb: {  	v4 =	vadd.f32 $-8.388608000e+06, v4;
	_ =	sdelay $0x1  }
0xec: {  	v51 =	vtrunc.f32 v4  }
0xed: {  	v6 =	vcvt.f32.s32 v51;
	_ =	sdelay $0x1  }
0xee: {  	v52 =	vadd.s32 v6, v3;
	_ =	sdelay $0x3  }
0xef: {  	[tilespmem:s12+$0x70F0] =	vst v4  }
0xf0: {  	[tilespmem:v52+s16+$0x0] =	vst.idx.add.f32.msk $0xffff, v2  }
0xf1: {  	v4 =	vld [tilespmem:s12+$0x480];
	_ =	sdelay $0x4  }
0xf2: {  	v4 =	vmin.f32 v4, $2.550000000e+02  }
0xf3: {  	v4 =	vadd.f32 $8.388608000e+06, v4;
	_ =	sdelay $0x1  }
0xf4: {  	v4 =	vadd.f32 $-8.388608000e+06, v4;
	_ =	sdelay $0x1  }
0xf5: {  	v53 =	vtrunc.f32 v4  }
0xf6: {  	v7 =	vcvt.f32.s32 v53;
	_ =	sdelay $0x1  }
0xf7: {  	v54 =	vadd.s32 v7, v3;
	_ =	sdelay $0x3  }
0xf8: {  	[tilespmem:s12+$0x7480] =	vst v4  }
0xf9: {  	[tilespmem:v54+s16+$0x0] =	vst.idx.add.f32.msk $0xffff, v2  }
0xfa: {  	v4 =	vld [tilespmem:s12+$0x490];
	_ =	sdelay $0x4  }
0xfb: {  	v4 =	vmin.f32 v4, $2.550000000e+02  }
0xfc: {  	v4 =	vadd.f32 $8.388608000e+06, v4;
	_ =	sdelay $0x1  }
0xfd: {  	v4 =	vadd.f32 $-8.388608000e+06, v4;
	_ =	sdelay $0x1  }
0xfe: {  	v55 =	vtrunc.f32 v4  }
0xff: {  	v8 =	vcvt.f32.s32 v55;
	_ =	sdelay $0x1  }
0x100: {  	v56 =	vadd.s32 v8, v3;
	_ =	sdelay $0x3  }
0x101: {  	[tilespmem:s12+$0x7490] =	vst v4;
	v4 =	vpack.i.b32.b16 v6, v5;
	v5 =	vpack.i.b32.b16 v8, v7  }
0x102: {  	v4 =	vpack.i.b16.b8 v5, v4;
	[tilespmem:v56+s16+$0x0] =	vst.idx.add.f32.msk $0xffff, v2  }
0x103: {  	[tilespmem:s2+$0x20] =	vst v4  }
0x104: {  	v4 =	vld [tilespmem:s12+$0x4A0];
	_ =	sdelay $0x4  }
0x105: {  	v4 =	vmin.f32 v4, $2.550000000e+02  }
0x106: {  	v4 =	vadd.f32 $8.388608000e+06, v4;
	_ =	sdelay $0x1  }
0x107: {  	v4 =	vadd.f32 $-8.388608000e+06, v4;
	_ =	sdelay $0x1  }
0x108: {  	v5 =	vtrunc.f32 v4  }
0x109: {  	v5 =	vcvt.f32.s32 v5;
	_ =	sdelay $0x1  }
0x10a: {  	v57 =	vadd.s32 v5, v3;
	_ =	sdelay $0x3  }
0x10b: {  	[tilespmem:s12+$0x74A0] =	vst v4  }
0x10c: {  	[tilespmem:v57+s16+$0x0] =	vst.idx.add.f32.msk $0xffff, v2  }
0x10d: {  	v4 =	vld [tilespmem:s12+$0x4B0];
	_ =	sdelay $0x4  }
0x10e: {  	v4 =	vmin.f32 v4, $2.550000000e+02  }
0x10f: {  	v4 =	vadd.f32 $8.388608000e+06, v4;
	_ =	sdelay $0x1  }
0x110: {  	v4 =	vadd.f32 $-8.388608000e+06, v4;
	_ =	sdelay $0x1  }
0x111: {  	v58 =	vtrunc.f32 v4  }
0x112: {  	v6 =	vcvt.f32.s32 v58;
	_ =	sdelay $0x1  }
0x113: {  	v59 =	vadd.s32 v6, v3;
	_ =	sdelay $0x3  }
0x114: {  	[tilespmem:s12+$0x74B0] =	vst v4  }
0x115: {  	[tilespmem:v59+s16+$0x0] =	vst.idx.add.f32.msk $0xffff, v2  }
0x116: {  	v4 =	vld [tilespmem:s12+$0x4C0];
	_ =	sdelay $0x4  }
0x117: {  	v4 =	vmin.f32 v4, $2.550000000e+02  }
0x118: {  	v4 =	vadd.f32 $8.388608000e+06, v4;
	_ =	sdelay $0x1  }
0x119: {  	v4 =	vadd.f32 $-8.388608000e+06, v4;
	_ =	sdelay $0x1  }
0x11a: {  	v60 =	vtrunc.f32 v4  }
0x11b: {  	v7 =	vcvt.f32.s32 v60;
	_ =	sdelay $0x1  }
0x11c: {  	v61 =	vadd.s32 v7, v3;
	_ =	sdelay $0x3  }
0x11d: {  	[tilespmem:s12+$0x74C0] =	vst v4  }
0x11e: {  	[tilespmem:v61+s16+$0x0] =	vst.idx.add.f32.msk $0xffff, v2  }
0x11f: {  	v4 =	vld [tilespmem:s12+$0x4D0];
	_ =	sdelay $0x4  }
0x120: {  	v4 =	vmin.f32 v4, $2.550000000e+02  }
0x121: {  	v4 =	vadd.f32 $8.388608000e+06, v4;
	_ =	sdelay $0x1  }
0x122: {  	v4 =	vadd.f32 $-8.388608000e+06, v4;
	_ =	sdelay $0x1  }
0x123: {  	v62 =	vtrunc.f32 v4  }
0x124: {  	v8 =	vcvt.f32.s32 v62;
	_ =	sdelay $0x1  }
0x125: {  	v63 =	vadd.s32 v8, v3  }
0x126: {  	p0 =	sne.s32 s10, $0x1B00  }
.Ltmp1:
0x127: {  	_ = 	snop;
	(pc) =	sbr.rel @p0 .LBB2_5-.Ltmp1, $4  }
0x128: {  	_ = 	snop  }
0x129: {  	[tilespmem:s12+$0x74D0] =	vst v4;
	v4 =	vpack.i.b32.b16 v6, v5;
	v5 =	vpack.i.b32.b16 v8, v7  }
0x12a: {  	v4 =	vpack.i.b16.b8 v5, v4;
	[tilespmem:v63+s16+$0x0] =	vst.idx.add.f32.msk $0xffff, v2  }
0x12b: {  	s14 =	sadd.s32 $0x200, s14;
	s10 =	sadd.s32 $0x100, s10;
	[tilespmem:s2+$0x30] =	vst v4;
	s2 =	sadd.s32 $0x70, s2  }
0x12c: {  	p0 =	seq.s32 s31, $0x17  }
0x12d: {  	s2 =	sadd.s32 @!p0 $0x2, s4  }
0x12e: {  	s10 =	sshrl.u32 @!p0 s2, $0x4;
	s12 =	sshrl.u32 @!p0 s2, $0x2;
	s2 =	sand.u32 @!p0 $0x2, s2  }
0x12f: {  	s10 =	sadd.s32 @!p0 s9, s10;
	s2 =	smul.u32 @!p0 $0x3800, s2  }
0x130: {  	s12 =	sand.u32 @!p0 $0x3, s12;
	s10 =	smul.u32 @!p0 $0xE000, s10  }
0x131: {  	s12 =	smul.u32 @!p0 $0x540000, s12  }
0x132: {  	s2 =	sadd.s32 @!p0 s2, s10  }
0x133: {  	s2 =	sadd.s32 @!p0 s12, s2  }
0x134: {  	s2 =	sshrl.u32 @!p0 s2, $0x3  }
0x135: {  	s10 =	simm.s32 @!p0 $0x0;
	s2 =	sadd.s32 @!p0 s0, s2  }
0x136: {  	[tilespmem:s10], [sflag:$0x1] =	stream.linear.gather @!p0 [hbm4b:s2+s10], $0x3800, $0x38;
	[tilespmem:$0x18C00] =	vst v63  }
0x137: {  	s1 =	sadd.s32 s9, s1;
	s10 =	sshrl.u32 s31, $0x1  }
0x138: {  	s8 =	smul.u32 $0xE000, s1;
	s2 =	sand.u32 $0x3, s10  }
0x139: {  	s26 =	smul.u32 $0x60, s2  }
0x13a: {  	s14 =	sand.u32 $0x2, s4;
	s12 =	smul.u32 $0x540000, s2  }
0x13b: {  	s13 =	smul.u32 $0x3800, s14;
	s1 =	sadd.s32 s1, s26  }
0x13c: {  	s2 =	sadd.s32 s8, s12;
	s1 =	smul.u32 $0x3100, s1  }
0x13d: {  	s10 =	sadd.s32 s13, s2;
	s13 =	smul.u32 $0xC40, s14  }
0x13e: {  	s10 =	sshrl.u32 s10, $0x3  }
0x13f: {  	s10 =	sadd.s32 s3, s10;
	s26 =	sadd.s32 s13, s1  }
0x140: {  	[hbm4b:s10+s6] =	stream.linear.scatter [tilespmem:s17], [sflag:$0x3], $0x3800, $0x38;
	[tilespmem:$0x18C00] =	vst v63  }
0x141: {  	s10 =	sshrl.u32 s26, $0x3  }
0x142: {  	s10 =	sadd.s32 s7, s10  }
0x143: {  	[hbm4b:s10+s6] =	stream.linear.scatter [tilespmem:s18], [sflag:$0x5], $0xC40, $0x38;
	[tilespmem:$0x18C00] =	vst v63  }
0x144: {  	_ =	swait.ge [sflag:s19], $0x3800  }
0x145: {  	[sflag:s19] =	ssyncset.done $0x0  }
0x146: {  	s10 =	simm.s32 @!p1 $0x4;
	[sflag:s19] =	ssyncadd.s32 $0xFFFFC800  }
0x147: {  	_ =	swait.ge @!p1 [sflag:s10], $0x3800  }
0x148: {  	[sflag:s10] =	ssyncset.done @!p1 $0x0  }
0x149: {  	[sflag:s10] =	ssyncadd.s32 @!p1 $0xFFFFC800;
	s10 =	simm.s32 @!p1 $0x6  }
0x14a: {  	_ =	swait.ge @!p1 [sflag:s10], $0xC40  }
0x14b: {  	s12 =	simm.s32 $0x0;
	[sflag:s10] =	ssyncset.done @!p1 $0x0  }
0x14c: {  	s26 =	simm.s32 $0x0;
	[sflag:s10] =	ssyncadd.s32 @!p1 $0xFFFFF3C0;
	s10 =	simm.s32 $0xECB0  }
.LBB2_7:
0x14d: {  	s13 =	sand.u32 $0x3800, s26;
	s8 =	sand.u32 $0x300, s12  }
0x14e: {  	s13 =	sor.u32 s8, s13  }
0x14f: {  	v4 =	vld [tilespmem:s13+$0x3800];
	_ =	sdelay $0x4  }
0x150: {  	v4 =	vmin.f32 v4, $2.550000000e+02  }
0x151: {  	v4 =	vadd.f32 $8.388608000e+06, v4;
	_ =	sdelay $0x1  }
0x152: {  	v4 =	vadd.f32 $-8.388608000e+06, v4;
	_ =	sdelay $0x1  }
0x153: {  	v5 =	vtrunc.f32 v4  }
0x154: {  	v5 =	vcvt.f32.s32 v5;
	_ =	sdelay $0x1  }
0x155: {  	v6 =	vadd.s32 v5, v3;
	_ =	sdelay $0x3  }
0x156: {  	[tilespmem:s13+$0xA800] =	vst v4  }
0x157: {  	[tilespmem:v6+s16+$0x0] =	vst.idx.add.f32.msk $0xffff, v2  }
0x158: {  	v4 =	vld [tilespmem:s13+$0x3810];
	_ =	sdelay $0x4  }
0x159: {  	v4 =	vmin.f32 v4, $2.550000000e+02  }
0x15a: {  	v4 =	vadd.f32 $8.388608000e+06, v4;
	_ =	sdelay $0x1  }
0x15b: {  	v4 =	vadd.f32 $-8.388608000e+06, v4;
	_ =	sdelay $0x1  }
0x15c: {  	v19 =	vtrunc.f32 v4  }
0x15d: {  	v6 =	vcvt.f32.s32 v19;
	_ =	sdelay $0x1  }
0x15e: {  	v7 =	vadd.s32 v6, v3;
	_ =	sdelay $0x3  }
0x15f: {  	[tilespmem:s13+$0xA810] =	vst v4  }
0x160: {  	[tilespmem:v7+s16+$0x0] =	vst.idx.add.f32.msk $0xffff, v2  }
0x161: {  	v4 =	vld [tilespmem:s13+$0x3820];
	_ =	sdelay $0x4  }
0x162: {  	v4 =	vmin.f32 v4, $2.550000000e+02  }
0x163: {  	v4 =	vadd.f32 $8.388608000e+06, v4;
	_ =	sdelay $0x1  }
0x164: {  	v4 =	vadd.f32 $-8.388608000e+06, v4;
	_ =	sdelay $0x1  }
0x165: {  	v20 =	vtrunc.f32 v4  }
0x166: {  	v7 =	vcvt.f32.s32 v20;
	_ =	sdelay $0x1  }
0x167: {  	v8 =	vadd.s32 v7, v3;
	_ =	sdelay $0x3  }
0x168: {  	[tilespmem:s13+$0xA820] =	vst v4  }
0x169: {  	[tilespmem:v8+s16+$0x0] =	vst.idx.add.f32.msk $0xffff, v2  }
0x16a: {  	v4 =	vld [tilespmem:s13+$0x3830];
	_ =	sdelay $0x4  }
0x16b: {  	v4 =	vmin.f32 v4, $2.550000000e+02  }
0x16c: {  	v4 =	vadd.f32 $8.388608000e+06, v4;
	_ =	sdelay $0x1  }
0x16d: {  	v4 =	vadd.f32 $-8.388608000e+06, v4;
	_ =	sdelay $0x1  }
0x16e: {  	v21 =	vtrunc.f32 v4  }
0x16f: {  	v8 =	vcvt.f32.s32 v21;
	_ =	sdelay $0x1  }
0x170: {  	v9 =	vadd.s32 v8, v3;
	_ =	sdelay $0x3  }
0x171: {  	[tilespmem:s13+$0xA830] =	vst v4;
	v4 =	vpack.i.b32.b16 v6, v5;
	v5 =	vpack.i.b32.b16 v8, v7  }
0x172: {  	v4 =	vpack.i.b16.b8 v5, v4;
	[tilespmem:v9+s16+$0x0] =	vst.idx.add.f32.msk $0xffff, v2  }
0x173: {  	[tilespmem:s10+$0xFFFFFFD0] =	vst v4  }
0x174: {  	v4 =	vld [tilespmem:s13+$0x3840];
	_ =	sdelay $0x4  }
0x175: {  	v4 =	vmin.f32 v4, $2.550000000e+02  }
0x176: {  	v4 =	vadd.f32 $8.388608000e+06, v4;
	_ =	sdelay $0x1  }
0x177: {  	v4 =	vadd.f32 $-8.388608000e+06, v4;
	_ =	sdelay $0x1  }
0x178: {  	v5 =	vtrunc.f32 v4  }
0x179: {  	v5 =	vcvt.f32.s32 v5;
	_ =	sdelay $0x1  }
0x17a: {  	v22 =	vadd.s32 v5, v3;
	_ =	sdelay $0x3  }
0x17b: {  	[tilespmem:s13+$0xA840] =	vst v4  }
0x17c: {  	[tilespmem:v22+s16+$0x0] =	vst.idx.add.f32.msk $0xffff, v2  }
0x17d: {  	v4 =	vld [tilespmem:s13+$0x3850];
	_ =	sdelay $0x4  }
0x17e: {  	v4 =	vmin.f32 v4, $2.550000000e+02  }
0x17f: {  	v4 =	vadd.f32 $8.388608000e+06, v4;
	_ =	sdelay $0x1  }
0x180: {  	v4 =	vadd.f32 $-8.388608000e+06, v4;
	_ =	sdelay $0x1  }
0x181: {  	v23 =	vtrunc.f32 v4  }
0x182: {  	v6 =	vcvt.f32.s32 v23;
	_ =	sdelay $0x1  }
0x183: {  	v24 =	vadd.s32 v6, v3;
	_ =	sdelay $0x3  }
0x184: {  	[tilespmem:s13+$0xA850] =	vst v4  }
0x185: {  	[tilespmem:v24+s16+$0x0] =	vst.idx.add.f32.msk $0xffff, v2  }
0x186: {  	v4 =	vld [tilespmem:s13+$0x3860];
	_ =	sdelay $0x4  }
0x187: {  	v4 =	vmin.f32 v4, $2.550000000e+02  }
0x188: {  	v4 =	vadd.f32 $8.388608000e+06, v4;
	_ =	sdelay $0x1  }
0x189: {  	v4 =	vadd.f32 $-8.388608000e+06, v4;
	_ =	sdelay $0x1  }
0x18a: {  	v25 =	vtrunc.f32 v4  }
0x18b: {  	v7 =	vcvt.f32.s32 v25;
	_ =	sdelay $0x1  }
0x18c: {  	v26 =	vadd.s32 v7, v3;
	_ =	sdelay $0x3  }
0x18d: {  	[tilespmem:s13+$0xA860] =	vst v4  }
0x18e: {  	[tilespmem:v26+s16+$0x0] =	vst.idx.add.f32.msk $0xffff, v2  }
0x18f: {  	v4 =	vld [tilespmem:s13+$0x3870];
	_ =	sdelay $0x4  }
0x190: {  	v4 =	vmin.f32 v4, $2.550000000e+02  }
0x191: {  	v4 =	vadd.f32 $8.388608000e+06, v4;
	_ =	sdelay $0x1  }
0x192: {  	v4 =	vadd.f32 $-8.388608000e+06, v4;
	_ =	sdelay $0x1  }
0x193: {  	v27 =	vtrunc.f32 v4  }
0x194: {  	v8 =	vcvt.f32.s32 v27;
	_ =	sdelay $0x1  }
0x195: {  	v28 =	vadd.s32 v8, v3;
	_ =	sdelay $0x3  }
0x196: {  	[tilespmem:s13+$0xA870] =	vst v4;
	v4 =	vpack.i.b32.b16 v6, v5;
	v5 =	vpack.i.b32.b16 v8, v7  }
0x197: {  	v4 =	vpack.i.b16.b8 v5, v4;
	[tilespmem:v28+s16+$0x0] =	vst.idx.add.f32.msk $0xffff, v2  }
0x198: {  	[tilespmem:s10+$0xFFFFFFE0] =	vst v4  }
0x199: {  	v4 =	vld [tilespmem:s13+$0x3C00];
	_ =	sdelay $0x4  }
0x19a: {  	v4 =	vmin.f32 v4, $2.550000000e+02  }
0x19b: {  	v4 =	vadd.f32 $8.388608000e+06, v4;
	_ =	sdelay $0x1  }
0x19c: {  	v4 =	vadd.f32 $-8.388608000e+06, v4;
	_ =	sdelay $0x1  }
0x19d: {  	v5 =	vtrunc.f32 v4  }
0x19e: {  	v5 =	vcvt.f32.s32 v5;
	_ =	sdelay $0x1  }
0x19f: {  	v29 =	vadd.s32 v5, v3;
	_ =	sdelay $0x3  }
0x1a0: {  	[tilespmem:s13+$0xAC00] =	vst v4  }
0x1a1: {  	[tilespmem:v29+s16+$0x0] =	vst.idx.add.f32.msk $0xffff, v2  }
0x1a2: {  	v4 =	vld [tilespmem:s13+$0x3C10];
	_ =	sdelay $0x4  }
0x1a3: {  	v4 =	vmin.f32 v4, $2.550000000e+02  }
0x1a4: {  	v4 =	vadd.f32 $8.388608000e+06, v4;
	_ =	sdelay $0x1  }
0x1a5: {  	v4 =	vadd.f32 $-8.388608000e+06, v4;
	_ =	sdelay $0x1  }
0x1a6: {  	v30 =	vtrunc.f32 v4  }
0x1a7: {  	v6 =	vcvt.f32.s32 v30;
	_ =	sdelay $0x1  }
0x1a8: {  	v31 =	vadd.s32 v6, v3;
	_ =	sdelay $0x3  }
0x1a9: {  	[tilespmem:s13+$0xAC10] =	vst v4  }
0x1aa: {  	[tilespmem:v31+s16+$0x0] =	vst.idx.add.f32.msk $0xffff, v2  }
0x1ab: {  	v4 =	vld [tilespmem:s13+$0x3C20];
	_ =	sdelay $0x4  }
0x1ac: {  	v4 =	vmin.f32 v4, $2.550000000e+02  }
0x1ad: {  	v4 =	vadd.f32 $8.388608000e+06, v4;
	_ =	sdelay $0x1  }
0x1ae: {  	v4 =	vadd.f32 $-8.388608000e+06, v4;
	_ =	sdelay $0x1  }
0x1af: {  	v32 =	vtrunc.f32 v4  }
0x1b0: {  	v7 =	vcvt.f32.s32 v32;
	_ =	sdelay $0x1  }
0x1b1: {  	v33 =	vadd.s32 v7, v3;
	_ =	sdelay $0x3  }
0x1b2: {  	[tilespmem:s13+$0xAC20] =	vst v4  }
0x1b3: {  	[tilespmem:v33+s16+$0x0] =	vst.idx.add.f32.msk $0xffff, v2  }
0x1b4: {  	v4 =	vld [tilespmem:s13+$0x3C30];
	_ =	sdelay $0x4  }
0x1b5: {  	v4 =	vmin.f32 v4, $2.550000000e+02  }
0x1b6: {  	v4 =	vadd.f32 $8.388608000e+06, v4;
	_ =	sdelay $0x1  }
0x1b7: {  	v4 =	vadd.f32 $-8.388608000e+06, v4;
	_ =	sdelay $0x1  }
0x1b8: {  	v34 =	vtrunc.f32 v4  }
0x1b9: {  	v8 =	vcvt.f32.s32 v34;
	_ =	sdelay $0x1  }
0x1ba: {  	v35 =	vadd.s32 v8, v3;
	_ =	sdelay $0x3  }
0x1bb: {  	[tilespmem:s13+$0xAC30] =	vst v4;
	v4 =	vpack.i.b32.b16 v6, v5;
	v5 =	vpack.i.b32.b16 v8, v7  }
0x1bc: {  	v4 =	vpack.i.b16.b8 v5, v4;
	[tilespmem:v35+s16+$0x0] =	vst.idx.add.f32.msk $0xffff, v2  }
0x1bd: {  	[tilespmem:s10+$0xFFFFFFF0] =	vst v4  }
0x1be: {  	v4 =	vld [tilespmem:s13+$0x3C40];
	_ =	sdelay $0x4  }
0x1bf: {  	v4 =	vmin.f32 v4, $2.550000000e+02  }
0x1c0: {  	v4 =	vadd.f32 $8.388608000e+06, v4;
	_ =	sdelay $0x1  }
0x1c1: {  	v4 =	vadd.f32 $-8.388608000e+06, v4;
	_ =	sdelay $0x1  }
0x1c2: {  	v5 =	vtrunc.f32 v4  }
0x1c3: {  	v5 =	vcvt.f32.s32 v5;
	_ =	sdelay $0x1  }
0x1c4: {  	v36 =	vadd.s32 v5, v3;
	_ =	sdelay $0x3  }
0x1c5: {  	[tilespmem:s13+$0xAC40] =	vst v4  }
0x1c6: {  	[tilespmem:v36+s16+$0x0] =	vst.idx.add.f32.msk $0xffff, v2  }
0x1c7: {  	v4 =	vld [tilespmem:s13+$0x3C50];
	_ =	sdelay $0x4  }
0x1c8: {  	v4 =	vmin.f32 v4, $2.550000000e+02  }
0x1c9: {  	v4 =	vadd.f32 $8.388608000e+06, v4;
	_ =	sdelay $0x1  }
0x1ca: {  	v4 =	vadd.f32 $-8.388608000e+06, v4;
	_ =	sdelay $0x1  }
0x1cb: {  	v37 =	vtrunc.f32 v4  }
0x1cc: {  	v6 =	vcvt.f32.s32 v37;
	_ =	sdelay $0x1  }
0x1cd: {  	v38 =	vadd.s32 v6, v3;
	_ =	sdelay $0x3  }
0x1ce: {  	[tilespmem:s13+$0xAC50] =	vst v4  }
0x1cf: {  	[tilespmem:v38+s16+$0x0] =	vst.idx.add.f32.msk $0xffff, v2  }
0x1d0: {  	v4 =	vld [tilespmem:s13+$0x3880];
	_ =	sdelay $0x4  }
0x1d1: {  	v4 =	vmin.f32 v4, $2.550000000e+02  }
0x1d2: {  	v4 =	vadd.f32 $8.388608000e+06, v4;
	_ =	sdelay $0x1  }
0x1d3: {  	v4 =	vadd.f32 $-8.388608000e+06, v4;
	_ =	sdelay $0x1  }
0x1d4: {  	v39 =	vtrunc.f32 v4  }
0x1d5: {  	v7 =	vcvt.f32.s32 v39;
	_ =	sdelay $0x1  }
0x1d6: {  	v40 =	vadd.s32 v7, v3;
	_ =	sdelay $0x3  }
0x1d7: {  	[tilespmem:s13+$0xA880] =	vst v4  }
0x1d8: {  	[tilespmem:v40+s16+$0x0] =	vst.idx.add.f32.msk $0xffff, v2  }
0x1d9: {  	v4 =	vld [tilespmem:s13+$0x3890];
	_ =	sdelay $0x4  }
0x1da: {  	v4 =	vmin.f32 v4, $2.550000000e+02  }
0x1db: {  	v4 =	vadd.f32 $8.388608000e+06, v4;
	_ =	sdelay $0x1  }
0x1dc: {  	v4 =	vadd.f32 $-8.388608000e+06, v4;
	_ =	sdelay $0x1  }
0x1dd: {  	v41 =	vtrunc.f32 v4  }
0x1de: {  	v8 =	vcvt.f32.s32 v41;
	_ =	sdelay $0x1  }
0x1df: {  	v42 =	vadd.s32 v8, v3;
	_ =	sdelay $0x3  }
0x1e0: {  	[tilespmem:s13+$0xA890] =	vst v4;
	v4 =	vpack.i.b32.b16 v6, v5;
	v5 =	vpack.i.b32.b16 v8, v7  }
0x1e1: {  	v4 =	vpack.i.b16.b8 v5, v4;
	[tilespmem:v42+s16+$0x0] =	vst.idx.add.f32.msk $0xffff, v2  }
0x1e2: {  	[tilespmem:s10+$0x0] =	vst v4  }
0x1e3: {  	v4 =	vld [tilespmem:s13+$0x38A0];
	_ =	sdelay $0x4  }
0x1e4: {  	v4 =	vmin.f32 v4, $2.550000000e+02  }
0x1e5: {  	v4 =	vadd.f32 $8.388608000e+06, v4;
	_ =	sdelay $0x1  }
0x1e6: {  	v4 =	vadd.f32 $-8.388608000e+06, v4;
	_ =	sdelay $0x1  }
0x1e7: {  	v5 =	vtrunc.f32 v4  }
0x1e8: {  	v5 =	vcvt.f32.s32 v5;
	_ =	sdelay $0x1  }
0x1e9: {  	v43 =	vadd.s32 v5, v3;
	_ =	sdelay $0x3  }
0x1ea: {  	[tilespmem:s13+$0xA8A0] =	vst v4  }
0x1eb: {  	[tilespmem:v43+s16+$0x0] =	vst.idx.add.f32.msk $0xffff, v2  }
0x1ec: {  	v4 =	vld [tilespmem:s13+$0x38B0];
	_ =	sdelay $0x4  }
0x1ed: {  	v4 =	vmin.f32 v4, $2.550000000e+02  }
0x1ee: {  	v4 =	vadd.f32 $8.388608000e+06, v4;
	_ =	sdelay $0x1  }
0x1ef: {  	v4 =	vadd.f32 $-8.388608000e+06, v4;
	_ =	sdelay $0x1  }
0x1f0: {  	v44 =	vtrunc.f32 v4  }
0x1f1: {  	v6 =	vcvt.f32.s32 v44;
	_ =	sdelay $0x1  }
0x1f2: {  	v45 =	vadd.s32 v6, v3;
	_ =	sdelay $0x3  }
0x1f3: {  	[tilespmem:s13+$0xA8B0] =	vst v4  }
0x1f4: {  	[tilespmem:v45+s16+$0x0] =	vst.idx.add.f32.msk $0xffff, v2  }
0x1f5: {  	v4 =	vld [tilespmem:s13+$0x38C0];
	_ =	sdelay $0x4  }
0x1f6: {  	v4 =	vmin.f32 v4, $2.550000000e+02  }
0x1f7: {  	v4 =	vadd.f32 $8.388608000e+06, v4;
	_ =	sdelay $0x1  }
0x1f8: {  	v4 =	vadd.f32 $-8.388608000e+06, v4;
	_ =	sdelay $0x1  }
0x1f9: {  	v46 =	vtrunc.f32 v4  }
0x1fa: {  	v7 =	vcvt.f32.s32 v46;
	_ =	sdelay $0x1  }
0x1fb: {  	v47 =	vadd.s32 v7, v3;
	_ =	sdelay $0x3  }
0x1fc: {  	[tilespmem:s13+$0xA8C0] =	vst v4  }
0x1fd: {  	[tilespmem:v47+s16+$0x0] =	vst.idx.add.f32.msk $0xffff, v2  }
0x1fe: {  	v4 =	vld [tilespmem:s13+$0x38D0];
	_ =	sdelay $0x4  }
0x1ff: {  	v4 =	vmin.f32 v4, $2.550000000e+02  }
0x200: {  	v4 =	vadd.f32 $8.388608000e+06, v4;
	_ =	sdelay $0x1  }
0x201: {  	v4 =	vadd.f32 $-8.388608000e+06, v4;
	_ =	sdelay $0x1  }
0x202: {  	v48 =	vtrunc.f32 v4  }
0x203: {  	v8 =	vcvt.f32.s32 v48;
	_ =	sdelay $0x1  }
0x204: {  	v49 =	vadd.s32 v8, v3;
	_ =	sdelay $0x3  }
0x205: {  	[tilespmem:s13+$0xA8D0] =	vst v4;
	v4 =	vpack.i.b32.b16 v6, v5;
	v5 =	vpack.i.b32.b16 v8, v7  }
0x206: {  	v4 =	vpack.i.b16.b8 v5, v4;
	[tilespmem:v49+s16+$0x0] =	vst.idx.add.f32.msk $0xffff, v2  }
0x207: {  	[tilespmem:s10+$0x10] =	vst v4  }
0x208: {  	v4 =	vld [tilespmem:s13+$0x38E0];
	_ =	sdelay $0x4  }
0x209: {  	v4 =	vmin.f32 v4, $2.550000000e+02  }
0x20a: {  	v4 =	vadd.f32 $8.388608000e+06, v4;
	_ =	sdelay $0x1  }
0x20b: {  	v4 =	vadd.f32 $-8.388608000e+06, v4;
	_ =	sdelay $0x1  }
0x20c: {  	v5 =	vtrunc.f32 v4  }
0x20d: {  	v5 =	vcvt.f32.s32 v5;
	_ =	sdelay $0x1  }
0x20e: {  	v50 =	vadd.s32 v5, v3;
	_ =	sdelay $0x3  }
0x20f: {  	[tilespmem:s13+$0xA8E0] =	vst v4  }
0x210: {  	[tilespmem:v50+s16+$0x0] =	vst.idx.add.f32.msk $0xffff, v2  }
0x211: {  	v4 =	vld [tilespmem:s13+$0x38F0];
	_ =	sdelay $0x4  }
0x212: {  	v4 =	vmin.f32 v4, $2.550000000e+02  }
0x213: {  	v4 =	vadd.f32 $8.388608000e+06, v4;
	_ =	sdelay $0x1  }
0x214: {  	v4 =	vadd.f32 $-8.388608000e+06, v4;
	_ =	sdelay $0x1  }
0x215: {  	v51 =	vtrunc.f32 v4  }
0x216: {  	v6 =	vcvt.f32.s32 v51;
	_ =	sdelay $0x1  }
0x217: {  	v52 =	vadd.s32 v6, v3;
	_ =	sdelay $0x3  }
0x218: {  	[tilespmem:s13+$0xA8F0] =	vst v4  }
0x219: {  	[tilespmem:v52+s16+$0x0] =	vst.idx.add.f32.msk $0xffff, v2  }
0x21a: {  	v4 =	vld [tilespmem:s13+$0x3C80];
	_ =	sdelay $0x4  }
0x21b: {  	v4 =	vmin.f32 v4, $2.550000000e+02  }
0x21c: {  	v4 =	vadd.f32 $8.388608000e+06, v4;
	_ =	sdelay $0x1  }
0x21d: {  	v4 =	vadd.f32 $-8.388608000e+06, v4;
	_ =	sdelay $0x1  }
0x21e: {  	v53 =	vtrunc.f32 v4  }
0x21f: {  	v7 =	vcvt.f32.s32 v53;
	_ =	sdelay $0x1  }
0x220: {  	v54 =	vadd.s32 v7, v3;
	_ =	sdelay $0x3  }
0x221: {  	[tilespmem:s13+$0xAC80] =	vst v4  }
0x222: {  	[tilespmem:v54+s16+$0x0] =	vst.idx.add.f32.msk $0xffff, v2  }
0x223: {  	v4 =	vld [tilespmem:s13+$0x3C90];
	_ =	sdelay $0x4  }
0x224: {  	v4 =	vmin.f32 v4, $2.550000000e+02  }
0x225: {  	v4 =	vadd.f32 $8.388608000e+06, v4;
	_ =	sdelay $0x1  }
0x226: {  	v4 =	vadd.f32 $-8.388608000e+06, v4;
	_ =	sdelay $0x1  }
0x227: {  	v55 =	vtrunc.f32 v4  }
0x228: {  	v8 =	vcvt.f32.s32 v55;
	_ =	sdelay $0x1  }
0x229: {  	v56 =	vadd.s32 v8, v3;
	_ =	sdelay $0x3  }
0x22a: {  	[tilespmem:s13+$0xAC90] =	vst v4;
	v4 =	vpack.i.b32.b16 v6, v5;
	v5 =	vpack.i.b32.b16 v8, v7  }
0x22b: {  	v4 =	vpack.i.b16.b8 v5, v4;
	[tilespmem:v56+s16+$0x0] =	vst.idx.add.f32.msk $0xffff, v2  }
0x22c: {  	[tilespmem:s10+$0x20] =	vst v4  }
0x22d: {  	v4 =	vld [tilespmem:s13+$0x3CA0];
	_ =	sdelay $0x4  }
0x22e: {  	v4 =	vmin.f32 v4, $2.550000000e+02  }
0x22f: {  	v4 =	vadd.f32 $8.388608000e+06, v4;
	_ =	sdelay $0x1  }
0x230: {  	v4 =	vadd.f32 $-8.388608000e+06, v4;
	_ =	sdelay $0x1  }
0x231: {  	v5 =	vtrunc.f32 v4  }
0x232: {  	v5 =	vcvt.f32.s32 v5;
	_ =	sdelay $0x1  }
0x233: {  	v57 =	vadd.s32 v5, v3;
	_ =	sdelay $0x3  }
0x234: {  	[tilespmem:s13+$0xACA0] =	vst v4  }
0x235: {  	[tilespmem:v57+s16+$0x0] =	vst.idx.add.f32.msk $0xffff, v2  }
0x236: {  	v4 =	vld [tilespmem:s13+$0x3CB0];
	_ =	sdelay $0x4  }
0x237: {  	v4 =	vmin.f32 v4, $2.550000000e+02  }
0x238: {  	v4 =	vadd.f32 $8.388608000e+06, v4;
	_ =	sdelay $0x1  }
0x239: {  	v4 =	vadd.f32 $-8.388608000e+06, v4;
	_ =	sdelay $0x1  }
0x23a: {  	v58 =	vtrunc.f32 v4  }
0x23b: {  	v6 =	vcvt.f32.s32 v58;
	_ =	sdelay $0x1  }
0x23c: {  	v59 =	vadd.s32 v6, v3;
	_ =	sdelay $0x3  }
0x23d: {  	[tilespmem:s13+$0xACB0] =	vst v4  }
0x23e: {  	[tilespmem:v59+s16+$0x0] =	vst.idx.add.f32.msk $0xffff, v2  }
0x23f: {  	v4 =	vld [tilespmem:s13+$0x3CC0];
	_ =	sdelay $0x4  }
0x240: {  	v4 =	vmin.f32 v4, $2.550000000e+02  }
0x241: {  	v4 =	vadd.f32 $8.388608000e+06, v4;
	_ =	sdelay $0x1  }
0x242: {  	v4 =	vadd.f32 $-8.388608000e+06, v4;
	_ =	sdelay $0x1  }
0x243: {  	v60 =	vtrunc.f32 v4  }
0x244: {  	v7 =	vcvt.f32.s32 v60;
	_ =	sdelay $0x1  }
0x245: {  	v61 =	vadd.s32 v7, v3;
	_ =	sdelay $0x3  }
0x246: {  	[tilespmem:s13+$0xACC0] =	vst v4  }
0x247: {  	[tilespmem:v61+s16+$0x0] =	vst.idx.add.f32.msk $0xffff, v2  }
0x248: {  	v4 =	vld [tilespmem:s13+$0x3CD0];
	_ =	sdelay $0x4  }
0x249: {  	v4 =	vmin.f32 v4, $2.550000000e+02  }
0x24a: {  	v4 =	vadd.f32 $8.388608000e+06, v4;
	_ =	sdelay $0x1  }
0x24b: {  	v4 =	vadd.f32 $-8.388608000e+06, v4;
	_ =	sdelay $0x1  }
0x24c: {  	v62 =	vtrunc.f32 v4  }
0x24d: {  	v8 =	vcvt.f32.s32 v62;
	_ =	sdelay $0x1  }
0x24e: {  	v63 =	vadd.s32 v8, v3  }
0x24f: {  	p1 =	sne.s32 s12, $0x1B00  }
.Ltmp2:
0x250: {  	_ = 	snop;
	(pc) =	sbr.rel @p1 .LBB2_7-.Ltmp2, $4  }
0x251: {  	_ = 	snop  }
0x252: {  	[tilespmem:s13+$0xACD0] =	vst v4;
	v4 =	vpack.i.b32.b16 v6, v5;
	v5 =	vpack.i.b32.b16 v8, v7  }
0x253: {  	v4 =	vpack.i.b16.b8 v5, v4;
	[tilespmem:v63+s16+$0x0] =	vst.idx.add.f32.msk $0xffff, v2  }
0x254: {  	s26 =	sadd.s32 $0x200, s26;
	s12 =	sadd.s32 $0x100, s12;
	[tilespmem:s10+$0x30] =	vst v4;
	s10 =	sadd.s32 $0x70, s10  }
0x255: {  	s4 =	sadd.s32 @!p0 $0x3, s4  }
0x256: {  	s8 =	sshrl.u32 @!p0 s4, $0x4;
	s10 =	sshrl.u32 @!p0 s4, $0x2;
	s4 =	sand.u32 @!p0 $0x3, s4  }
0x257: {  	s8 =	sadd.s32 @!p0 s9, s8;
	s4 =	smul.u32 @!p0 $0x3800, s4  }
0x258: {  	s10 =	sand.u32 @!p0 $0x3, s10;
	s8 =	smul.u32 @!p0 $0xE000, s8  }
0x259: {  	s10 =	smul.u32 @!p0 $0x540000, s10  }
0x25a: {  	s4 =	sadd.s32 @!p0 s4, s8  }
0x25b: {  	s14 =	sor.u32 $0x1, s14;
	s12 =	simm.s32 @!p0 $0x3800;
	s4 =	sadd.s32 @!p0 s10, s4  }
0x25c: {  	s31 =	sadd.s32 $0x1, s31;
	s13 =	smul.u32 $0x3800, s14;
	s4 =	sshrl.u32 @!p0 s4, $0x3  }
0x25d: {  	s26 =	smul.u32 $0xC40, s14;
	s10 =	simm.s32 @!p0 $0x0;
	s4 =	sadd.s32 @!p0 s0, s4  }
0x25e: {  	[tilespmem:s12], [sflag:$0x2] =	stream.linear.gather @!p0 [hbm4b:s4+s10], $0x3800, $0x38;
	[tilespmem:$0x18C00] =	vst v63  }
0x25f: {  	s2 =	sadd.s32 s13, s2;
	p0 =	sne.s32 s31, $0x18  }
.Ltmp3:
0x260: {  	s1 =	sadd.s32 s26, s1;
	s2 =	sshrl.u32 s2, $0x3;
	(pc) =	sbr.rel @p0 .LBB2_4-.Ltmp3, $4  }
0x261: {  	s1 =	sshrl.u32 s1, $0x3;
	s2 =	sadd.s32 s3, s2  }
0x262: {  	[hbm4b:s2+s6] =	stream.linear.scatter [tilespmem:s20], [sflag:$0x4], $0x3800, $0x38;
	[tilespmem:$0x18C00] =	vst v63  }
0x263: {  	s1 =	sadd.s32 s7, s1  }
0x264: {  	[hbm4b:s1+s6] =	stream.linear.scatter [tilespmem:s21], [sflag:$0x6], $0xC40, $0x38;
	[tilespmem:$0x18C00] =	vst v63  }
0x265: {  	_ =	swait.ge [sflag:s22], $0x3800  }
0x266: {  	[sflag:s22] =	ssyncset.done $0x0  }
0x267: {  	[sflag:s22] =	ssyncadd.s32 $0xFFFFC800  }
0x268: {  	_ =	swait.ge [sflag:s23], $0x3800  }
0x269: {  	[sflag:s23] =	ssyncset.done $0x0  }
0x26a: {  	[sflag:s23] =	ssyncadd.s32 $0xFFFFC800  }
0x26b: {  	_ =	swait.ge [sflag:s24], $0xC40  }
0x26c: {  	[sflag:s24] =	ssyncset.done $0x0  }
0x26d: {  	[sflag:s24] =	ssyncadd.s32 $0xFFFFF3C0  }
0x26e: {  	_ =	swait.ge [sflag:s25], $0xC40  }
0x26f: {  	[sflag:s25] =	ssyncset.done $0x0  }
0x270: {  	[sflag:s25] =	ssyncadd.s32 $0xFFFFF3C0  }
0x271: {  	s1 =	simm.s32 $0x0;
	s4 =	simm.s32 $0x12C00;
	s2 =	rddreg [dreg:$0x1]  }
0x272: {  	[tilespmem:s4], [sflag:$0x7] =	stream.linear.gather [hbm4b:s2+s1], $0x6000, $0x38;
	[tilespmem:$0x18C00] =	vst v63  }
0x273: {  	_ =	swait.ge [sflag:s28], $0x6000  }
0x274: {  	[sflag:s28] =	ssyncset.done $0x0  }
0x275: {  	s12 =	simm.s32 $0xF900;
	[sflag:s28] =	ssyncadd.s32 $0xFFFFA000  }
0x276: {  	v3 =	vld [tilespmem:s12+$0x0]  }
0x277: {  	s13 =	sand.u32 $0x3F0, s1  }
0x278: {  	v4 =	vld [tilespmem:s13+$0xFC00];
	_ =	sdelay $0x1  }
0x279: {  	v5 =	vld [tilespmem:s13+$0xFF00]  }
0x27a: {  	v3 =	vadd.f32 $0.0e+00, v3  }
0x27b: {  	v6 =	vld [tilespmem:s13+$0x10200]  }
0x27c: {  	v3 =	vadd.f32 v4, v3  }
0x27d: {  	v4 =	vld [tilespmem:s13+$0x10500]  }
0x27e: {  	v3 =	vadd.f32 v5, v3  }
0x27f: {  	v5 =	vld [tilespmem:s13+$0x10800]  }
0x280: {  	v3 =	vadd.f32 v6, v3  }
0x281: {  	v60 =	vld [tilespmem:s13+$0x10B00]  }
0x282: {  	v3 =	vadd.f32 v4, v3  }
0x283: {  	v4 =	vld [tilespmem:s13+$0x10E00]  }
0x284: {  	v3 =	vadd.f32 v5, v3  }
0x285: {  	v5 =	vld [tilespmem:s13+$0x11100]  }
0x286: {  	v3 =	vadd.f32 v60, v3  }
0x287: {  	v61 =	vld [tilespmem:s13+$0x11400]  }
0x288: {  	v3 =	vadd.f32 v4, v3  }
0x289: {  	v4 =	vld [tilespmem:s13+$0x11700]  }
0x28a: {  	v3 =	vadd.f32 v5, v3  }
0x28b: {  	v5 =	vld [tilespmem:s13+$0x11A00]  }
0x28c: {  	v3 =	vadd.f32 v61, v3  }
0x28d: {  	v62 =	vld [tilespmem:s13+$0x11D00]  }
0x28e: {  	v3 =	vadd.f32 v4, v3  }
0x28f: {  	s14 =	sadd.s32 $0x0, s9;
	v4 =	vld [tilespmem:s13+$0x12000]  }
0x290: {  	s8 =	sshll.u32 s14, $0x8;
	v3 =	vadd.f32 v5, v3  }
0x291: {  	s10 =	sand.u32 $0x400, s1;
	s8 =	sand.u32 $0x7FFFF800, s8;
	s4 =	sshll.u32 s14, $0x7;
	v5 =	vld [tilespmem:s13+$0x12300]  }
0x292: {  	s8 =	sor.u32 s10, s8;
	s4 =	sand.u32 $0x380, s4;
	v3 =	vadd.f32 v62, v3  }
0x293: {  	s26 =	sand.u32 $0x70, s1;
	s31 =	sor.u32 s4, s8;
	v63 =	vld [tilespmem:s13+$0x12600]  }
0x294: {  	s2 =	sor.u32 s26, s31;
	v3 =	vadd.f32 v4, v3  }
0x295: {  	v4 =	vld [tilespmem:s2+$0x12C00]  }
0x296: {  	v3 =	vadd.f32 v5, v3;
	_ =	sdelay $0x1  }
0x297: {  	v3 =	vadd.f32 v63, v3;
	_ =	sdelay $0x1  }
0x298: {  	v4 =	vmul.f32 $9.900000090e-01, v4;
	v3 =	vmul.f32 $4.982461730e-08, v3;
	_ =	sdelay $0x1  }
0x299: {  	v3 =	vadd.f32 v3, v4  }
0x29a: {  	s2 =	simm.s32 $0x12900  }
0x29b: {  	s12 =	simm.s32 $0xF910;
	[tilespmem:s2+$0x0] =	vst v3  }
0x29c: {  	s10 =	simm.s32 $0x1;
	s4 =	simm.s32 $0x10;
	s13 =	simm.s32 $0x2;
	v3 =	vld [tilespmem:s12+$0x0]  }
.LBB2_10:
0x29d: {  	p0 =	sne.s32 s13, $0x2F;
	s14 =	sand.u32 $0x3F0, s4  }
0x29e: {  	v4 =	vld [tilespmem:s14+$0xFC00];
	_ =	sdelay $0x1  }
0x29f: {  	v5 =	vld [tilespmem:s14+$0xFF00]  }
0x2a0: {  	v3 =	vadd.f32 $0.0e+00, v3  }
0x2a1: {  	v6 =	vld [tilespmem:s14+$0x10200]  }
0x2a2: {  	v3 =	vadd.f32 v4, v3  }
0x2a3: {  	v4 =	vld [tilespmem:s14+$0x10500]  }
0x2a4: {  	v3 =	vadd.f32 v5, v3  }
0x2a5: {  	v5 =	vld [tilespmem:s14+$0x10800]  }
0x2a6: {  	v3 =	vadd.f32 v6, v3  }
0x2a7: {  	v6 =	vld [tilespmem:s14+$0x10B00]  }
0x2a8: {  	v3 =	vadd.f32 v4, v3  }
0x2a9: {  	v4 =	vld [tilespmem:s14+$0x10E00]  }
0x2aa: {  	v3 =	vadd.f32 v5, v3  }
0x2ab: {  	v5 =	vld [tilespmem:s14+$0x11100]  }
0x2ac: {  	v3 =	vadd.f32 v6, v3  }
0x2ad: {  	v6 =	vld [tilespmem:s14+$0x11400]  }
0x2ae: {  	v3 =	vadd.f32 v4, v3  }
0x2af: {  	v4 =	vld [tilespmem:s14+$0x11700]  }
0x2b0: {  	v3 =	vadd.f32 v5, v3  }
0x2b1: {  	v5 =	vld [tilespmem:s14+$0x11A00]  }
0x2b2: {  	v3 =	vadd.f32 v6, v3  }
0x2b3: {  	v6 =	vld [tilespmem:s14+$0x11D00]  }
0x2b4: {  	s8 =	sshrl.u32 s10, $0x4;
	s10 =	smov.u32 s13;
	v3 =	vadd.f32 v4, v3  }
0x2b5: {  	s8 =	sadd.s32 s9, s8;
	v4 =	vld [tilespmem:s14+$0x12000]  }
0x2b6: {  	s1 =	sadd.s32 $0x80, s1;
	s26 =	sshll.u32 s8, $0x8;
	v3 =	vadd.f32 v5, v3  }
0x2b7: {  	s31 =	sand.u32 $0x400, s1;
	s8 =	sshll.u32 s8, $0x7;
	s26 =	sand.u32 $0x7FFFF800, s26;
	v5 =	vld [tilespmem:s14+$0x12300]  }
0x2b8: {  	s8 =	sand.u32 $0x380, s8;
	s26 =	sor.u32 s31, s26;
	v3 =	vadd.f32 v6, v3  }
0x2b9: {  	s31 =	sand.u32 $0x70, s4;
	s8 =	sor.u32 s8, s26;
	v6 =	vld [tilespmem:s14+$0x12600]  }
0x2ba: {  	s8 =	sor.u32 s31, s8;
	v3 =	vadd.f32 v4, v3  }
0x2bb: {  	v4 =	vld [tilespmem:s8+$0x12C00]  }
0x2bc: {  	v3 =	vadd.f32 v5, v3;
	_ =	sdelay $0x1  }
0x2bd: {  	v3 =	vadd.f32 v6, v3;
	_ =	sdelay $0x1  }
0x2be: {  	v4 =	vmul.f32 $9.900000090e-01, v4;
	v3 =	vmul.f32 $4.982461730e-08, v3  }
.Ltmp4:
0x2bf: {  	(pc) =	sbr.rel @p0 .LBB2_10-.Ltmp4, $4  }
0x2c0: {  	v3 =	vadd.f32 v3, v4  }
0x2c1: {  	s2 =	sadd.s32 $0x10, s2  }
0x2c2: {  	s12 =	sadd.s32 $0x10, s12;
	[tilespmem:s2+$0x0] =	vst v3  }
0x2c3: {  	s13 =	sadd.s32 $0x1, s13;
	s4 =	sadd.s32 $0x10, s4;
	v3 =	vld [tilespmem:s12+$0x0]  }
0x2c4: {  	s8 =	sand.u32 $0x3F0, s4  }
0x2c5: {  	v4 =	vld [tilespmem:s8+$0xFC00];
	_ =	sdelay $0x1  }
0x2c6: {  	v5 =	vld [tilespmem:s8+$0xFF00]  }
0x2c7: {  	v3 =	vadd.f32 $0.0e+00, v3  }
0x2c8: {  	v6 =	vld [tilespmem:s8+$0x10200]  }
0x2c9: {  	v3 =	vadd.f32 v4, v3  }
0x2ca: {  	v51 =	vld [tilespmem:s8+$0x10500]  }
0x2cb: {  	v3 =	vadd.f32 v5, v3  }
0x2cc: {  	v52 =	vld [tilespmem:s8+$0x10800]  }
0x2cd: {  	v3 =	vadd.f32 v6, v3  }
0x2ce: {  	v53 =	vld [tilespmem:s8+$0x10B00]  }
0x2cf: {  	v3 =	vadd.f32 v51, v3  }
0x2d0: {  	v54 =	vld [tilespmem:s8+$0x10E00]  }
0x2d1: {  	v3 =	vadd.f32 v52, v3  }
0x2d2: {  	v55 =	vld [tilespmem:s8+$0x11100]  }
0x2d3: {  	v3 =	vadd.f32 v53, v3  }
0x2d4: {  	v56 =	vld [tilespmem:s8+$0x11400]  }
0x2d5: {  	v3 =	vadd.f32 v54, v3  }
0x2d6: {  	v57 =	vld [tilespmem:s8+$0x11700]  }
0x2d7: {  	v3 =	vadd.f32 v55, v3  }
0x2d8: {  	v58 =	vld [tilespmem:s8+$0x11A00]  }
0x2d9: {  	v3 =	vadd.f32 v56, v3  }
0x2da: {  	v59 =	vld [tilespmem:s8+$0x11D00]  }
0x2db: {  	s10 =	sshrl.u32 s10, $0x4;
	v3 =	vadd.f32 v57, v3  }
0x2dc: {  	v60 =	vld [tilespmem:s8+$0x12000];
	s10 =	sadd.s32 s9, s10  }
0x2dd: {  	s1 =	sadd.s32 $0x80, s1;
	s12 =	sshll.u32 s10, $0x8;
	v3 =	vadd.f32 v58, v3  }
0x2de: {  	v61 =	vld [tilespmem:s8+$0x12300];
	s1 =	sand.u32 $0x400, s1;
	s10 =	sshll.u32 s10, $0x7;
	s12 =	sand.u32 $0x7FFFF800, s12  }
0x2df: {  	s10 =	sand.u32 $0x380, s10;
	s1 =	sor.u32 s1, s12;
	v3 =	vadd.f32 v59, v3  }
0x2e0: {  	s14 =	sand.u32 $0x70, s4;
	v62 =	vld [tilespmem:s8+$0x12600];
	s1 =	sor.u32 s10, s1  }
0x2e1: {  	s1 =	sor.u32 s14, s1;
	v3 =	vadd.f32 v60, v3  }
0x2e2: {  	v63 =	vld [tilespmem:s1+$0x12C00]  }
0x2e3: {  	v3 =	vadd.f32 v61, v3;
	_ =	sdelay $0x1  }
0x2e4: {  	v3 =	vadd.f32 v62, v3;
	_ =	sdelay $0x1  }
0x2e5: {  	v4 =	vmul.f32 $9.900000090e-01, v63;
	v3 =	vmul.f32 $4.982461730e-08, v3;
	_ =	sdelay $0x1  }
0x2e6: {  	v3 =	vadd.f32 v3, v4  }
0x2e7: {  	s26 =	sadd.s32 $0x10, s2  }
0x2e8: {  	s4 =	simm.s32 $0x0;
	[tilespmem:s26+$0x0] =	vst v3  }
0x2e9: {  	[tilespmem:s18], [sflag:$0x1] =	stream.linear.gather [hbm4b:s11+s4], $0xC40, $0x38;
	[tilespmem:$0x18C00] =	vst v63  }
0x2ea: {  	s31 =	rddreg [dreg:$0x8]  }
0x2eb: {  	[tilespmem:s21], [sflag:$0x2] =	stream.linear.gather [hbm4b:s31+s4], $0xC40, $0x38;
	[tilespmem:$0x18C00] =	vst v63  }
.LBB2_12:
0x2ec: {  	_ =	swait.ge [sflag:s15], $0xC40  }
0x2ed: {  	p1 =	seq.s32 s4, $0x0;
	[sflag:s15] =	ssyncset.done $0x0  }
0x2ee: {  	s2 =	simm.s32 @!p1 $0x3;
	[sflag:s15] =	ssyncadd.s32 $0xFFFFF3C0  }
0x2ef: {  	s1 =	sshrl.u32 s4, $0x3;
	s31 =	sshll.u32 s4, $0x1;
	_ =	swait.ge @!p1 [sflag:s2], $0x3800  }
0x2f0: {  	s10 =	simm.s32 $0x0;
	s26 =	sshll.u32 s1, $0x8;
	[sflag:s2] =	ssyncset.done @!p1 $0x0  }
0x2f1: {  	s12 =	simm.s32 $0x0;
	v3 =	vmov s26;
	[sflag:s2] =	ssyncadd.s32 @!p1 $0xFFFFC800;
	s2 =	simm.s32 $0xE030  }
.LBB2_13:
0x2f2: {  	v4 =	vld [tilespmem:s2+$0xFFFFFFD0];
	_ =	sdelay $0x4  }
0x2f3: {  	v5 =	vunpack.i.l.s8.s16 v4  }
0x2f4: {  	v6 =	vunpack.i.l.s16.s32 v5  }
0x2f5: {  	v6 =	vand.u32 $0xFF, v6  }
0x2f6: {  	v6 =	vor.u32 v3, v6;
	_ =	sdelay $0x3  }
0x2f7: {  	v5 =	vunpack.i.u.s16.s32 v5  }
0x2f8: {  	v5 =	vand.u32 $0xFF, v5;
	v6 =	vld.idx.msk [tilespmem:v6+s29+$0x0], $0xffff  }
0x2f9: {  	v5 =	vor.u32 v3, v5;
	_ =	sdelay $0x1  }
0x2fa: {  	s8 =	sand.u32 $0x3800, s10;
	s13 =	sand.u32 $0x300, s12  }
0x2fb: {  	s13 =	sor.u32 s13, s8;
	v4 =	vunpack.i.u.s8.s16 v4  }
0x2fc: {  	v7 =	vunpack.i.l.s16.s32 v4;
	[tilespmem:s13+$0x7000] =	vst v6  }
0x2fd: {  	v45 =	vand.u32 $0xFF, v7;
	v5 =	vld.idx.msk [tilespmem:v5+s29+$0x0], $0xffff  }
0x2fe: {  	v6 =	vor.u32 v3, v45;
	_ =	sdelay $0x3  }
0x2ff: {  	v4 =	vunpack.i.u.s16.s32 v4;
	[tilespmem:s13+$0x7010] =	vst v5  }
0x300: {  	v4 =	vand.u32 $0xFF, v4;
	v5 =	vld.idx.msk [tilespmem:v6+s29+$0x0], $0xffff  }
0x301: {  	v4 =	vor.u32 v3, v4;
	_ =	sdelay $0x3  }
0x302: {  	[tilespmem:s13+$0x7020] =	vst v5  }
0x303: {  	v4 =	vld.idx.msk [tilespmem:v4+s29+$0x0], $0xffff;
	_ =	sdelay $0x4  }
0x304: {  	[tilespmem:s13+$0x7030] =	vst v4  }
0x305: {  	v4 =	vld [tilespmem:s2+$0xFFFFFFE0];
	_ =	sdelay $0x4  }
0x306: {  	v5 =	vunpack.i.l.s8.s16 v4  }
0x307: {  	v46 =	vunpack.i.l.s16.s32 v5  }
0x308: {  	v6 =	vand.u32 $0xFF, v46  }
0x309: {  	v6 =	vor.u32 v3, v6;
	_ =	sdelay $0x3  }
0x30a: {  	v5 =	vunpack.i.u.s16.s32 v5  }
0x30b: {  	v5 =	vand.u32 $0xFF, v5;
	v6 =	vld.idx.msk [tilespmem:v6+s29+$0x0], $0xffff  }
0x30c: {  	v5 =	vor.u32 v3, v5;
	_ =	sdelay $0x2  }
0x30d: {  	v4 =	vunpack.i.u.s8.s16 v4  }
0x30e: {  	v47 =	vunpack.i.l.s16.s32 v4;
	[tilespmem:s13+$0x7040] =	vst v6  }
0x30f: {  	v48 =	vand.u32 $0xFF, v47;
	v5 =	vld.idx.msk [tilespmem:v5+s29+$0x0], $0xffff  }
0x310: {  	v6 =	vor.u32 v3, v48;
	_ =	sdelay $0x3  }
0x311: {  	v4 =	vunpack.i.u.s16.s32 v4;
	[tilespmem:s13+$0x7050] =	vst v5  }
0x312: {  	v4 =	vand.u32 $0xFF, v4;
	v5 =	vld.idx.msk [tilespmem:v6+s29+$0x0], $0xffff  }
0x313: {  	v4 =	vor.u32 v3, v4;
	_ =	sdelay $0x3  }
0x314: {  	[tilespmem:s13+$0x7060] =	vst v5  }
0x315: {  	v4 =	vld.idx.msk [tilespmem:v4+s29+$0x0], $0xffff;
	_ =	sdelay $0x4  }
0x316: {  	[tilespmem:s13+$0x7070] =	vst v4  }
0x317: {  	v4 =	vld [tilespmem:s2+$0xFFFFFFF0];
	_ =	sdelay $0x4  }
0x318: {  	v5 =	vunpack.i.l.s8.s16 v4  }
0x319: {  	v49 =	vunpack.i.l.s16.s32 v5  }
0x31a: {  	v6 =	vand.u32 $0xFF, v49  }
0x31b: {  	v6 =	vor.u32 v3, v6;
	_ =	sdelay $0x3  }
0x31c: {  	v5 =	vunpack.i.u.s16.s32 v5  }
0x31d: {  	v5 =	vand.u32 $0xFF, v5;
	v6 =	vld.idx.msk [tilespmem:v6+s29+$0x0], $0xffff  }
0x31e: {  	v5 =	vor.u32 v3, v5;
	_ =	sdelay $0x2  }
0x31f: {  	v4 =	vunpack.i.u.s8.s16 v4  }
0x320: {  	v50 =	vunpack.i.l.s16.s32 v4;
	[tilespmem:s13+$0x7400] =	vst v6  }
0x321: {  	v51 =	vand.u32 $0xFF, v50;
	v5 =	vld.idx.msk [tilespmem:v5+s29+$0x0], $0xffff  }
0x322: {  	v6 =	vor.u32 v3, v51;
	_ =	sdelay $0x3  }
0x323: {  	v4 =	vunpack.i.u.s16.s32 v4;
	[tilespmem:s13+$0x7410] =	vst v5  }
0x324: {  	v4 =	vand.u32 $0xFF, v4;
	v5 =	vld.idx.msk [tilespmem:v6+s29+$0x0], $0xffff  }
0x325: {  	v4 =	vor.u32 v3, v4;
	_ =	sdelay $0x3  }
0x326: {  	[tilespmem:s13+$0x7420] =	vst v5  }
0x327: {  	v4 =	vld.idx.msk [tilespmem:v4+s29+$0x0], $0xffff;
	_ =	sdelay $0x4  }
0x328: {  	[tilespmem:s13+$0x7430] =	vst v4  }
0x329: {  	v4 =	vld [tilespmem:s2+$0x0];
	_ =	sdelay $0x4  }
0x32a: {  	v5 =	vunpack.i.l.s8.s16 v4  }
0x32b: {  	v52 =	vunpack.i.l.s16.s32 v5  }
0x32c: {  	v6 =	vand.u32 $0xFF, v52  }
0x32d: {  	v6 =	vor.u32 v3, v6;
	_ =	sdelay $0x3  }
0x32e: {  	v5 =	vunpack.i.u.s16.s32 v5  }
0x32f: {  	v5 =	vand.u32 $0xFF, v5;
	v6 =	vld.idx.msk [tilespmem:v6+s29+$0x0], $0xffff  }
0x330: {  	v5 =	vor.u32 v3, v5;
	_ =	sdelay $0x2  }
0x331: {  	v4 =	vunpack.i.u.s8.s16 v4  }
0x332: {  	v53 =	vunpack.i.l.s16.s32 v4;
	[tilespmem:s13+$0x7440] =	vst v6  }
0x333: {  	v54 =	vand.u32 $0xFF, v53;
	v5 =	vld.idx.msk [tilespmem:v5+s29+$0x0], $0xffff  }
0x334: {  	v6 =	vor.u32 v3, v54;
	_ =	sdelay $0x3  }
0x335: {  	v4 =	vunpack.i.u.s16.s32 v4;
	[tilespmem:s13+$0x7450] =	vst v5  }
0x336: {  	v4 =	vand.u32 $0xFF, v4;
	v5 =	vld.idx.msk [tilespmem:v6+s29+$0x0], $0xffff  }
0x337: {  	v4 =	vor.u32 v3, v4;
	_ =	sdelay $0x3  }
0x338: {  	[tilespmem:s13+$0x7080] =	vst v5  }
0x339: {  	v4 =	vld.idx.msk [tilespmem:v4+s29+$0x0], $0xffff;
	_ =	sdelay $0x4  }
0x33a: {  	[tilespmem:s13+$0x7090] =	vst v4  }
0x33b: {  	v4 =	vld [tilespmem:s2+$0x10];
	_ =	sdelay $0x4  }
0x33c: {  	v5 =	vunpack.i.l.s8.s16 v4  }
0x33d: {  	v55 =	vunpack.i.l.s16.s32 v5  }
0x33e: {  	v6 =	vand.u32 $0xFF, v55  }
0x33f: {  	v6 =	vor.u32 v3, v6;
	_ =	sdelay $0x3  }
0x340: {  	v5 =	vunpack.i.u.s16.s32 v5  }
0x341: {  	v5 =	vand.u32 $0xFF, v5;
	v6 =	vld.idx.msk [tilespmem:v6+s29+$0x0], $0xffff  }
0x342: {  	v5 =	vor.u32 v3, v5;
	_ =	sdelay $0x2  }
0x343: {  	v4 =	vunpack.i.u.s8.s16 v4  }
0x344: {  	v56 =	vunpack.i.l.s16.s32 v4;
	[tilespmem:s13+$0x70A0] =	vst v6  }
0x345: {  	v57 =	vand.u32 $0xFF, v56;
	v5 =	vld.idx.msk [tilespmem:v5+s29+$0x0], $0xffff  }
0x346: {  	v6 =	vor.u32 v3, v57;
	_ =	sdelay $0x3  }
0x347: {  	v4 =	vunpack.i.u.s16.s32 v4;
	[tilespmem:s13+$0x70B0] =	vst v5  }
0x348: {  	v4 =	vand.u32 $0xFF, v4;
	v5 =	vld.idx.msk [tilespmem:v6+s29+$0x0], $0xffff  }
0x349: {  	v4 =	vor.u32 v3, v4;
	_ =	sdelay $0x3  }
0x34a: {  	[tilespmem:s13+$0x70C0] =	vst v5  }
0x34b: {  	v4 =	vld.idx.msk [tilespmem:v4+s29+$0x0], $0xffff;
	_ =	sdelay $0x4  }
0x34c: {  	[tilespmem:s13+$0x70D0] =	vst v4  }
0x34d: {  	v4 =	vld [tilespmem:s2+$0x20];
	_ =	sdelay $0x4  }
0x34e: {  	v5 =	vunpack.i.l.s8.s16 v4  }
0x34f: {  	v58 =	vunpack.i.l.s16.s32 v5  }
0x350: {  	v6 =	vand.u32 $0xFF, v58  }
0x351: {  	v6 =	vor.u32 v3, v6;
	_ =	sdelay $0x3  }
0x352: {  	v5 =	vunpack.i.u.s16.s32 v5  }
0x353: {  	v5 =	vand.u32 $0xFF, v5;
	v6 =	vld.idx.msk [tilespmem:v6+s29+$0x0], $0xffff  }
0x354: {  	v5 =	vor.u32 v3, v5;
	_ =	sdelay $0x2  }
0x355: {  	v4 =	vunpack.i.u.s8.s16 v4  }
0x356: {  	v59 =	vunpack.i.l.s16.s32 v4;
	[tilespmem:s13+$0x70E0] =	vst v6  }
0x357: {  	v60 =	vand.u32 $0xFF, v59;
	v5 =	vld.idx.msk [tilespmem:v5+s29+$0x0], $0xffff  }
0x358: {  	v6 =	vor.u32 v3, v60;
	_ =	sdelay $0x3  }
0x359: {  	v4 =	vunpack.i.u.s16.s32 v4;
	[tilespmem:s13+$0x70F0] =	vst v5  }
0x35a: {  	v4 =	vand.u32 $0xFF, v4;
	v5 =	vld.idx.msk [tilespmem:v6+s29+$0x0], $0xffff  }
0x35b: {  	v4 =	vor.u32 v3, v4;
	_ =	sdelay $0x3  }
0x35c: {  	[tilespmem:s13+$0x7480] =	vst v5  }
0x35d: {  	v4 =	vld.idx.msk [tilespmem:v4+s29+$0x0], $0xffff;
	_ =	sdelay $0x4  }
0x35e: {  	[tilespmem:s13+$0x7490] =	vst v4  }
0x35f: {  	v4 =	vld [tilespmem:s2+$0x30];
	_ =	sdelay $0x4  }
0x360: {  	v5 =	vunpack.i.l.s8.s16 v4  }
0x361: {  	v61 =	vunpack.i.l.s16.s32 v5  }
0x362: {  	v6 =	vand.u32 $0xFF, v61  }
0x363: {  	v6 =	vor.u32 v3, v6;
	_ =	sdelay $0x3  }
0x364: {  	v5 =	vunpack.i.u.s16.s32 v5  }
0x365: {  	v5 =	vand.u32 $0xFF, v5;
	v6 =	vld.idx.msk [tilespmem:v6+s29+$0x0], $0xffff  }
0x366: {  	v5 =	vor.u32 v3, v5;
	_ =	sdelay $0x2  }
0x367: {  	v4 =	vunpack.i.u.s8.s16 v4  }
0x368: {  	v62 =	vunpack.i.l.s16.s32 v4;
	[tilespmem:s13+$0x74A0] =	vst v6  }
0x369: {  	v63 =	vand.u32 $0xFF, v62;
	v5 =	vld.idx.msk [tilespmem:v5+s29+$0x0], $0xffff  }
0x36a: {  	v6 =	vor.u32 v3, v63;
	_ =	sdelay $0x3  }
0x36b: {  	v4 =	vunpack.i.u.s16.s32 v4;
	[tilespmem:s13+$0x74B0] =	vst v5  }
0x36c: {  	v4 =	vand.u32 $0xFF, v4;
	v5 =	vld.idx.msk [tilespmem:v6+s29+$0x0], $0xffff  }
0x36d: {  	v4 =	vor.u32 v3, v4;
	_ =	sdelay $0x3  }
0x36e: {  	[tilespmem:s13+$0x74C0] =	vst v5  }
0x36f: {  	p0 =	sne.s32 s12, $0x1B00;
	v4 =	vld.idx.msk [tilespmem:v4+s29+$0x0], $0xffff  }
.Ltmp5:
0x370: {  	_ = 	snop;
	(pc) =	sbr.rel @p0 .LBB2_13-.Ltmp5, $2  }
0x371: {  	_ =	sdelay $0x2  }
0x372: {  	s10 =	sadd.s32 $0x200, s10;
	s12 =	sadd.s32 $0x100, s12;
	s2 =	sadd.s32 $0x70, s2;
	[tilespmem:s13+$0x74D0] =	vst v4  }
0x373: {  	p0 =	seq.s32 s4, $0x17  }
0x374: {  	s2 =	sadd.s32 @!p0 $0x2, s31  }
0x375: {  	s8 =	sshrl.u32 @!p0 s2, $0x2  }
0x376: {  	s8 =	sand.u32 @!p0 $0x3, s8  }
0x377: {  	s10 =	sshrl.u32 @!p0 s2, $0x4;
	s8 =	smul.u32 @!p0 $0x60, s8  }
0x378: {  	s2 =	sand.u32 @!p0 $0x2, s2;
	s10 =	sadd.s32 @!p0 s9, s10  }
0x379: {  	s2 =	smul.u32 @!p0 $0xC40, s2;
	s8 =	sadd.s32 @!p0 s8, s10  }
0x37a: {  	s8 =	smul.u32 @!p0 $0x3100, s8;
	_ =	sdelay $0x1  }
0x37b: {  	s2 =	sadd.s32 @!p0 s2, s8  }
0x37c: {  	s14 =	sshrl.u32 s4, $0x1;
	s1 =	sadd.s32 s9, s1;
	s2 =	sshrl.u32 @!p0 s2, $0x3  }
0x37d: {  	s10 =	simm.s32 @!p0 $0xE000;
	s8 =	simm.s32 @!p0 $0x0;
	s2 =	sadd.s32 @!p0 s7, s2  }
0x37e: {  	[tilespmem:s10], [sflag:$0x1] =	stream.linear.gather @!p0 [hbm4b:s2+s8], $0xC40, $0x38;
	[tilespmem:$0x18C00] =	vst v63  }
0x37f: {  	s1 =	smul.u32 $0xE000, s1;
	s2 =	sand.u32 $0x3, s14  }
0x380: {  	s26 =	sand.u32 $0x2, s31;
	s2 =	smul.u32 $0x540000, s2  }
0x381: {  	s8 =	smul.u32 $0x3800, s26  }
0x382: {  	s1 =	sadd.s32 s1, s2  }
0x383: {  	s1 =	sadd.s32 s8, s1  }
0x384: {  	s1 =	sshrl.u32 s1, $0x3  }
0x385: {  	s1 =	sadd.s32 s5, s1  }
0x386: {  	[hbm4b:s1+s6] =	stream.linear.scatter [tilespmem:s17], [sflag:$0x3], $0x3800, $0x38;
	[tilespmem:$0x18C00] =	vst v63  }
0x387: {  	_ =	swait.ge [sflag:s19], $0xC40  }
0x388: {  	[sflag:s19] =	ssyncset.done $0x0  }
0x389: {  	s2 =	simm.s32 @!p1 $0x4;
	[sflag:s19] =	ssyncadd.s32 $0xFFFFF3C0  }
0x38a: {  	_ =	swait.ge @!p1 [sflag:s2], $0x3800  }
0x38b: {  	s12 =	simm.s32 $0x0;
	[sflag:s2] =	ssyncset.done @!p1 $0x0  }
0x38c: {  	s10 =	simm.s32 $0xECB0;
	[sflag:s2] =	ssyncadd.s32 @!p1 $0xFFFFC800;
	s2 =	simm.s32 $0x0  }
.LBB2_15:
0x38d: {  	v4 =	vld [tilespmem:s10+$0xFFFFFFD0];
	_ =	sdelay $0x4  }
0x38e: {  	v5 =	vunpack.i.l.s8.s16 v4  }
0x38f: {  	v6 =	vunpack.i.l.s16.s32 v5  }
0x390: {  	v6 =	vand.u32 $0xFF, v6  }
0x391: {  	v6 =	vor.u32 v3, v6;
	_ =	sdelay $0x3  }
0x392: {  	v5 =	vunpack.i.u.s16.s32 v5  }
0x393: {  	v5 =	vand.u32 $0xFF, v5;
	v6 =	vld.idx.msk [tilespmem:v6+s29+$0x0], $0xffff  }
0x394: {  	v5 =	vor.u32 v3, v5;
	_ =	sdelay $0x1  }
0x395: {  	s8 =	sand.u32 $0x3800, s2;
	s13 =	sand.u32 $0x300, s12  }
0x396: {  	s13 =	sor.u32 s13, s8;
	v4 =	vunpack.i.u.s8.s16 v4  }
0x397: {  	v7 =	vunpack.i.l.s16.s32 v4;
	[tilespmem:s13+$0xA800] =	vst v6  }
0x398: {  	v45 =	vand.u32 $0xFF, v7;
	v5 =	vld.idx.msk [tilespmem:v5+s29+$0x0], $0xffff  }
0x399: {  	v6 =	vor.u32 v3, v45;
	_ =	sdelay $0x3  }
0x39a: {  	v4 =	vunpack.i.u.s16.s32 v4;
	[tilespmem:s13+$0xA810] =	vst v5  }
0x39b: {  	v4 =	vand.u32 $0xFF, v4;
	v5 =	vld.idx.msk [tilespmem:v6+s29+$0x0], $0xffff  }
0x39c: {  	v4 =	vor.u32 v3, v4;
	_ =	sdelay $0x3  }
0x39d: {  	[tilespmem:s13+$0xA820] =	vst v5  }
0x39e: {  	v4 =	vld.idx.msk [tilespmem:v4+s29+$0x0], $0xffff;
	_ =	sdelay $0x4  }
0x39f: {  	[tilespmem:s13+$0xA830] =	vst v4  }
0x3a0: {  	v4 =	vld [tilespmem:s10+$0xFFFFFFE0];
	_ =	sdelay $0x4  }
0x3a1: {  	v5 =	vunpack.i.l.s8.s16 v4  }
0x3a2: {  	v46 =	vunpack.i.l.s16.s32 v5  }
0x3a3: {  	v6 =	vand.u32 $0xFF, v46  }
0x3a4: {  	v6 =	vor.u32 v3, v6;
	_ =	sdelay $0x3  }
0x3a5: {  	v5 =	vunpack.i.u.s16.s32 v5  }
0x3a6: {  	v5 =	vand.u32 $0xFF, v5;
	v6 =	vld.idx.msk [tilespmem:v6+s29+$0x0], $0xffff  }
0x3a7: {  	v5 =	vor.u32 v3, v5;
	_ =	sdelay $0x2  }
0x3a8: {  	v4 =	vunpack.i.u.s8.s16 v4  }
0x3a9: {  	v47 =	vunpack.i.l.s16.s32 v4;
	[tilespmem:s13+$0xA840] =	vst v6  }
0x3aa: {  	v48 =	vand.u32 $0xFF, v47;
	v5 =	vld.idx.msk [tilespmem:v5+s29+$0x0], $0xffff  }
0x3ab: {  	v6 =	vor.u32 v3, v48;
	_ =	sdelay $0x3  }
0x3ac: {  	v4 =	vunpack.i.u.s16.s32 v4;
	[tilespmem:s13+$0xA850] =	vst v5  }
0x3ad: {  	v4 =	vand.u32 $0xFF, v4;
	v5 =	vld.idx.msk [tilespmem:v6+s29+$0x0], $0xffff  }
0x3ae: {  	v4 =	vor.u32 v3, v4;
	_ =	sdelay $0x3  }
0x3af: {  	[tilespmem:s13+$0xA860] =	vst v5  }
0x3b0: {  	v4 =	vld.idx.msk [tilespmem:v4+s29+$0x0], $0xffff;
	_ =	sdelay $0x4  }
0x3b1: {  	[tilespmem:s13+$0xA870] =	vst v4  }
0x3b2: {  	v4 =	vld [tilespmem:s10+$0xFFFFFFF0];
	_ =	sdelay $0x4  }
0x3b3: {  	v5 =	vunpack.i.l.s8.s16 v4  }
0x3b4: {  	v49 =	vunpack.i.l.s16.s32 v5  }
0x3b5: {  	v6 =	vand.u32 $0xFF, v49  }
0x3b6: {  	v6 =	vor.u32 v3, v6;
	_ =	sdelay $0x3  }
0x3b7: {  	v5 =	vunpack.i.u.s16.s32 v5  }
0x3b8: {  	v5 =	vand.u32 $0xFF, v5;
	v6 =	vld.idx.msk [tilespmem:v6+s29+$0x0], $0xffff  }
0x3b9: {  	v5 =	vor.u32 v3, v5;
	_ =	sdelay $0x2  }
0x3ba: {  	v4 =	vunpack.i.u.s8.s16 v4  }
0x3bb: {  	v50 =	vunpack.i.l.s16.s32 v4;
	[tilespmem:s13+$0xAC00] =	vst v6  }
0x3bc: {  	v51 =	vand.u32 $0xFF, v50;
	v5 =	vld.idx.msk [tilespmem:v5+s29+$0x0], $0xffff  }
0x3bd: {  	v6 =	vor.u32 v3, v51;
	_ =	sdelay $0x3  }
0x3be: {  	v4 =	vunpack.i.u.s16.s32 v4;
	[tilespmem:s13+$0xAC10] =	vst v5  }
0x3bf: {  	v4 =	vand.u32 $0xFF, v4;
	v5 =	vld.idx.msk [tilespmem:v6+s29+$0x0], $0xffff  }
0x3c0: {  	v4 =	vor.u32 v3, v4;
	_ =	sdelay $0x3  }
0x3c1: {  	[tilespmem:s13+$0xAC20] =	vst v5  }
0x3c2: {  	v4 =	vld.idx.msk [tilespmem:v4+s29+$0x0], $0xffff;
	_ =	sdelay $0x4  }
0x3c3: {  	[tilespmem:s13+$0xAC30] =	vst v4  }
0x3c4: {  	v4 =	vld [tilespmem:s10+$0x0];
	_ =	sdelay $0x4  }
0x3c5: {  	v5 =	vunpack.i.l.s8.s16 v4  }
0x3c6: {  	v52 =	vunpack.i.l.s16.s32 v5  }
0x3c7: {  	v6 =	vand.u32 $0xFF, v52  }
0x3c8: {  	v6 =	vor.u32 v3, v6;
	_ =	sdelay $0x3  }
0x3c9: {  	v5 =	vunpack.i.u.s16.s32 v5  }
0x3ca: {  	v5 =	vand.u32 $0xFF, v5;
	v6 =	vld.idx.msk [tilespmem:v6+s29+$0x0], $0xffff  }
0x3cb: {  	v5 =	vor.u32 v3, v5;
	_ =	sdelay $0x2  }
0x3cc: {  	v4 =	vunpack.i.u.s8.s16 v4  }
0x3cd: {  	v53 =	vunpack.i.l.s16.s32 v4;
	[tilespmem:s13+$0xAC40] =	vst v6  }
0x3ce: {  	v54 =	vand.u32 $0xFF, v53;
	v5 =	vld.idx.msk [tilespmem:v5+s29+$0x0], $0xffff  }
0x3cf: {  	v6 =	vor.u32 v3, v54;
	_ =	sdelay $0x3  }
0x3d0: {  	v4 =	vunpack.i.u.s16.s32 v4;
	[tilespmem:s13+$0xAC50] =	vst v5  }
0x3d1: {  	v4 =	vand.u32 $0xFF, v4;
	v5 =	vld.idx.msk [tilespmem:v6+s29+$0x0], $0xffff  }
0x3d2: {  	v4 =	vor.u32 v3, v4;
	_ =	sdelay $0x3  }
0x3d3: {  	[tilespmem:s13+$0xA880] =	vst v5  }
0x3d4: {  	v4 =	vld.idx.msk [tilespmem:v4+s29+$0x0], $0xffff;
	_ =	sdelay $0x4  }
0x3d5: {  	[tilespmem:s13+$0xA890] =	vst v4  }
0x3d6: {  	v4 =	vld [tilespmem:s10+$0x10];
	_ =	sdelay $0x4  }
0x3d7: {  	v5 =	vunpack.i.l.s8.s16 v4  }
0x3d8: {  	v55 =	vunpack.i.l.s16.s32 v5  }
0x3d9: {  	v6 =	vand.u32 $0xFF, v55  }
0x3da: {  	v6 =	vor.u32 v3, v6;
	_ =	sdelay $0x3  }
0x3db: {  	v5 =	vunpack.i.u.s16.s32 v5  }
0x3dc: {  	v5 =	vand.u32 $0xFF, v5;
	v6 =	vld.idx.msk [tilespmem:v6+s29+$0x0], $0xffff  }
0x3dd: {  	v5 =	vor.u32 v3, v5;
	_ =	sdelay $0x2  }
0x3de: {  	v4 =	vunpack.i.u.s8.s16 v4  }
0x3df: {  	v56 =	vunpack.i.l.s16.s32 v4;
	[tilespmem:s13+$0xA8A0] =	vst v6  }
0x3e0: {  	v57 =	vand.u32 $0xFF, v56;
	v5 =	vld.idx.msk [tilespmem:v5+s29+$0x0], $0xffff  }
0x3e1: {  	v6 =	vor.u32 v3, v57;
	_ =	sdelay $0x3  }
0x3e2: {  	v4 =	vunpack.i.u.s16.s32 v4;
	[tilespmem:s13+$0xA8B0] =	vst v5  }
0x3e3: {  	v4 =	vand.u32 $0xFF, v4;
	v5 =	vld.idx.msk [tilespmem:v6+s29+$0x0], $0xffff  }
0x3e4: {  	v4 =	vor.u32 v3, v4;
	_ =	sdelay $0x3  }
0x3e5: {  	[tilespmem:s13+$0xA8C0] =	vst v5  }
0x3e6: {  	v4 =	vld.idx.msk [tilespmem:v4+s29+$0x0], $0xffff;
	_ =	sdelay $0x4  }
0x3e7: {  	[tilespmem:s13+$0xA8D0] =	vst v4  }
0x3e8: {  	v4 =	vld [tilespmem:s10+$0x20];
	_ =	sdelay $0x4  }
0x3e9: {  	v5 =	vunpack.i.l.s8.s16 v4  }
0x3ea: {  	v58 =	vunpack.i.l.s16.s32 v5  }
0x3eb: {  	v6 =	vand.u32 $0xFF, v58  }
0x3ec: {  	v6 =	vor.u32 v3, v6;
	_ =	sdelay $0x3  }
0x3ed: {  	v5 =	vunpack.i.u.s16.s32 v5  }
0x3ee: {  	v5 =	vand.u32 $0xFF, v5;
	v6 =	vld.idx.msk [tilespmem:v6+s29+$0x0], $0xffff  }
0x3ef: {  	v5 =	vor.u32 v3, v5;
	_ =	sdelay $0x2  }
0x3f0: {  	v4 =	vunpack.i.u.s8.s16 v4  }
0x3f1: {  	v59 =	vunpack.i.l.s16.s32 v4;
	[tilespmem:s13+$0xA8E0] =	vst v6  }
0x3f2: {  	v60 =	vand.u32 $0xFF, v59;
	v5 =	vld.idx.msk [tilespmem:v5+s29+$0x0], $0xffff  }
0x3f3: {  	v6 =	vor.u32 v3, v60;
	_ =	sdelay $0x3  }
0x3f4: {  	v4 =	vunpack.i.u.s16.s32 v4;
	[tilespmem:s13+$0xA8F0] =	vst v5  }
0x3f5: {  	v4 =	vand.u32 $0xFF, v4;
	v5 =	vld.idx.msk [tilespmem:v6+s29+$0x0], $0xffff  }
0x3f6: {  	v4 =	vor.u32 v3, v4;
	_ =	sdelay $0x3  }
0x3f7: {  	[tilespmem:s13+$0xAC80] =	vst v5  }
0x3f8: {  	v4 =	vld.idx.msk [tilespmem:v4+s29+$0x0], $0xffff;
	_ =	sdelay $0x4  }
0x3f9: {  	[tilespmem:s13+$0xAC90] =	vst v4  }
0x3fa: {  	v4 =	vld [tilespmem:s10+$0x30];
	_ =	sdelay $0x4  }
0x3fb: {  	v5 =	vunpack.i.l.s8.s16 v4  }
0x3fc: {  	v61 =	vunpack.i.l.s16.s32 v5  }
0x3fd: {  	v6 =	vand.u32 $0xFF, v61  }
0x3fe: {  	v6 =	vor.u32 v3, v6;
	_ =	sdelay $0x3  }
0x3ff: {  	v5 =	vunpack.i.u.s16.s32 v5  }
0x400: {  	v5 =	vand.u32 $0xFF, v5;
	v6 =	vld.idx.msk [tilespmem:v6+s29+$0x0], $0xffff  }
0x401: {  	v5 =	vor.u32 v3, v5;
	_ =	sdelay $0x2  }
0x402: {  	v4 =	vunpack.i.u.s8.s16 v4  }
0x403: {  	v62 =	vunpack.i.l.s16.s32 v4;
	[tilespmem:s13+$0xACA0] =	vst v6  }
0x404: {  	v63 =	vand.u32 $0xFF, v62;
	v5 =	vld.idx.msk [tilespmem:v5+s29+$0x0], $0xffff  }
0x405: {  	v6 =	vor.u32 v3, v63;
	_ =	sdelay $0x3  }
0x406: {  	v4 =	vunpack.i.u.s16.s32 v4;
	[tilespmem:s13+$0xACB0] =	vst v5  }
0x407: {  	v4 =	vand.u32 $0xFF, v4;
	v5 =	vld.idx.msk [tilespmem:v6+s29+$0x0], $0xffff  }
0x408: {  	v4 =	vor.u32 v3, v4;
	_ =	sdelay $0x3  }
0x409: {  	[tilespmem:s13+$0xACC0] =	vst v5  }
0x40a: {  	p1 =	sne.s32 s12, $0x1B00;
	v4 =	vld.idx.msk [tilespmem:v4+s29+$0x0], $0xffff  }
.Ltmp6:
0x40b: {  	_ = 	snop;
	(pc) =	sbr.rel @p1 .LBB2_15-.Ltmp6, $2  }
0x40c: {  	_ =	sdelay $0x2  }
0x40d: {  	s2 =	sadd.s32 $0x200, s2;
	s12 =	sadd.s32 $0x100, s12;
	s10 =	sadd.s32 $0x70, s10;
	[tilespmem:s13+$0xACD0] =	vst v4  }
0x40e: {  	s2 =	sadd.s32 @!p0 $0x3, s31  }
0x40f: {  	s8 =	sshrl.u32 @!p0 s2, $0x2  }
0x410: {  	s8 =	sand.u32 @!p0 $0x3, s8  }
0x411: {  	s10 =	sshrl.u32 @!p0 s2, $0x4;
	s8 =	smul.u32 @!p0 $0x60, s8  }
0x412: {  	s2 =	sand.u32 @!p0 $0x3, s2;
	s10 =	sadd.s32 @!p0 s9, s10  }
0x413: {  	s2 =	smul.u32 @!p0 $0xC40, s2;
	s8 =	sadd.s32 @!p0 s8, s10  }
0x414: {  	s8 =	smul.u32 @!p0 $0x3100, s8;
	_ =	sdelay $0x1  }
0x415: {  	s2 =	sadd.s32 @!p0 s2, s8  }
0x416: {  	s4 =	sadd.s32 $0x1, s4;
	s2 =	sshrl.u32 @!p0 s2, $0x3  }
0x417: {  	s10 =	simm.s32 @!p0 $0xEC80;
	s8 =	simm.s32 @!p0 $0x0;
	s2 =	sadd.s32 @!p0 s7, s2  }
0x418: {  	[tilespmem:s10], [sflag:$0x2] =	stream.linear.gather @!p0 [hbm4b:s2+s8], $0xC40, $0x38;
	[tilespmem:$0x18C00] =	vst v63  }
0x419: {  	p0 =	sne.s32 s4, $0x18  }
.Ltmp7:
0x41a: {  	_ = 	snop;
	(pc) =	sbr.rel @p0 .LBB2_12-.Ltmp7, $3  }
0x41b: {  	_ =	sdelay $0x1  }
0x41c: {  	s1 =	sadd.s32 $0x700, s1  }
0x41d: {  	[hbm4b:s1+s6] =	stream.linear.scatter [tilespmem:s20], [sflag:$0x4], $0x3800, $0x38;
	[tilespmem:$0x18C00] =	vst v63  }
0x41e: {  	_ =	swait.ge [sflag:s22], $0x3800  }
0x41f: {  	[sflag:s22] =	ssyncset.done $0x0  }
0x420: {  	[sflag:s22] =	ssyncadd.s32 $0xFFFFC800  }
0x421: {  	_ =	swait.ge [sflag:s23], $0x3800  }
0x422: {  	s30 =	sadd.s32 $0x1, s30;
	s1 =	rddreg [dreg:$0x9]  }
0x423: {  	p0 =	sne.s32 s30, s1  }
.Ltmp8:
0x424: {  	_ = 	snop;
	(pc) =	sbr.rel @p0 .LBB2_1-.Ltmp8, $3  }
0x425: {  	_ =	sdelay $0x1  }
0x426: {  	[sflag:s23] =	ssyncset.done $0x0  }
0x427: {  	[sflag:s23] =	ssyncadd.s32 $0xFFFFC800  }
0x428: {  	_ =	sfence.sel $0x180000  }
0x429: {  	[bflag:$0x0] =	sbarrier.arrive $0xFFFF  }
0x42a: {  	_ =	strace $0x90000047  }
0x42b: {  	s0 =	stileid.u32;
	[bflag:$0x2] =	sbarrier.arrive $0xFFFF  }
0x42c: {  	p0 =	sne.s32 s0, $0x0;
	s0 =	rddreg [dreg:$0x5]  }
0x42d: {  	s0 =	sadd.s32 @!p0 $0x100000, s0  }
0x42e: {  	[sflag:s0] =	ssyncadd.tile.s32 @!p0 $0x1;
	_ =	shalt  }
.Lfunc_end2:
_tile_overlayer_lowered:
.L_overlay_start_2:
0x42f: {  	(tag) =	ssettag $0x2  }
0x430: {  	s0 =	rddreg [dreg:$0x0];
	s2 =	stileid.u32  }
0x431: {  	s1 =	rddreg [dreg:$0x1];
	p0 =	sne.s32 s2, $0x0  }
0x432: {  	s3 =	rddreg [dreg:$0x2];
	[bflag:$0x3] =	sbarrier.arrive $0xFFFF;
	s2 =	simm.s32 @!p0 $0x1C07  }
0x433: {  	[timem:s3], [sflag:s2] =	dma.local @!p0 [hbm:s0], s1  }
0x434: {  	s0 =	simm.s32 @!p0 $0x7  }
0x435: {  	_ =	swait.ge @!p0 [sflag:s0], s1  }
0x436: {  	s1 =	ssub.s32 @!p0 $0x0, s1;
	[sflag:s0] =	ssyncset.done @!p0 $0x0  }
0x437: {  	[sflag:s0] =	ssyncadd.s32 @!p0 s1  }
0x438: {  	[bflag:$0x3] =	sbarrier.arrive $0xFFFF  }
0x439: {  	_ =	shalt  }

</sc_bundles>
